<compile_context>
chip_gen: v7x
topology: tpu7x:2x2x1
jax: 0.10.2.dev20260603
libtpu: 0.0.44.dev20260713+nightly
codegen_flags: <defaults>
</compile_context>

<pallas_src>
import functools

import jax
import jax.numpy as jnp
from jax import lax
from jax.experimental import pallas as pl
from jax.experimental.pallas import tpu as pltpu
from jax.experimental.pallas import tpu_sc as plsc

N = 10000
E = 320000
D = 128
NC = 2
NS = 16
NW = NC * NS
CHUNK = 128
NB = 2
CH = 80
CH0 = 124
CH1 = 36
EPAD = NW * CH * CHUNK
NPAD = 10240
RPT = NPAD // NS
BLK = 1024
GRID = NPAD // BLK

_mesh = plsc.VectorSubcoreMesh(core_axis_name="c", subcore_axis_name="s")



@functools.partial(
    pl.kernel,
    out_type=jax.ShapeDtypeStruct((NC, NPAD, D), jnp.float32),
    mesh=_mesh,
    scratch_types=(
        [pltpu.VMEM((CHUNK,), jnp.int32) for _ in range(NB)]
        + [pltpu.VMEM((CHUNK,), jnp.int32) for _ in range(NB)]
        + [pltpu.VMEM((CHUNK, D), jnp.float32) for _ in range(NB)]
        + [pltpu.SemaphoreType.DMA for _ in range(2 * NB)]
        + [pltpu.VMEM_SHARED((NPAD, D), jnp.float32)]
    ),
)
def _sc_spmm(g_hbm, src_hbm, dst_hbm, zeros_hbm, out, *scr):
    srcb = scr[0:NB]
    dstb = scr[NB:2 * NB]
    rows = scr[2 * NB:3 * NB]
    gsem = scr[3 * NB:4 * NB]
    ssem = scr[4 * NB:5 * NB]
    acc_sh = scr[5 * NB]
    c = lax.axis_index("c")
    s = lax.axis_index("s")
    wid = c * NS + s
    nch = jnp.where(c == 0, CH0, CH1)
    pltpu.sync_copy(zeros_hbm.at[pl.ds(s * RPT, RPT)],
                    acc_sh.at[pl.ds(s * RPT, RPT)])
    plsc.subcore_barrier()

    @pl.loop(0, nch, step=NB)
    def _outer(j):
        handles = []
        for b in range(NB):
            @pl.when(j > 0)
            def _():
                pltpu.make_async_copy(rows[b], acc_sh.at[dstb[b]],
                                      ssem[b]).wait()
            pltpu.sync_copy(src_hbm.at[wid, j + b], srcb[b])
            pltpu.sync_copy(dst_hbm.at[wid, j + b], dstb[b])
            handles.append(pltpu.async_copy(g_hbm.at[srcb[b]], rows[b],
                                            gsem[b]))
        for b in range(NB):
            handles[b].wait()
            pltpu.async_copy(rows[b], acc_sh.at[dstb[b]], ssem[b], add=True)

    for b in range(NB):
        pltpu.make_async_copy(rows[b], acc_sh.at[dstb[b]], ssem[b]).wait()
    plsc.subcore_barrier()
    pltpu.sync_copy(acc_sh.at[pl.ds(s * RPT, RPT)],
                    out.at[c, pl.ds(s * RPT, RPT)])


@functools.partial(
    pl.kernel,
    out_type=jax.ShapeDtypeStruct((NC, NPAD, D), jnp.float32),
    mesh=_mesh,
    scratch_types=(
        [pltpu.VMEM((CHUNK,), jnp.int32) for _ in range(NB)]
        + [pltpu.VMEM((CHUNK, D), jnp.float32)]
        + [pltpu.SemaphoreType.DMA for _ in range(NB)]
        + [pltpu.VMEM_SHARED((NPAD, D), jnp.float32)]
    ),
)
def _sc_degree(dst_hbm, ones_hbm, zeros_hbm, out, *scr):
    dstb = scr[0:NB]
    ones_v = scr[NB]
    ssem = scr[NB + 1:2 * NB + 1]
    acc_sh = scr[2 * NB + 1]
    c = lax.axis_index("c")
    s = lax.axis_index("s")
    wid = c * NS + s
    pltpu.sync_copy(zeros_hbm.at[pl.ds(s * RPT, RPT)],
                    acc_sh.at[pl.ds(s * RPT, RPT)])
    pltpu.sync_copy(ones_hbm, ones_v)
    plsc.subcore_barrier()

    @pl.loop(0, CH, step=NB)
    def _outer(j):
        for b in range(NB):
            @pl.when(j > 0)
            def _():
                pltpu.make_async_copy(ones_v, acc_sh.at[dstb[b]],
                                      ssem[b]).wait()
            pltpu.sync_copy(dst_hbm.at[wid, j + b], dstb[b])
            pltpu.async_copy(ones_v, acc_sh.at[dstb[b]], ssem[b], add=True)

    for b in range(NB):
        pltpu.make_async_copy(ones_v, acc_sh.at[dstb[b]], ssem[b]).wait()
    plsc.subcore_barrier()
    pltpu.sync_copy(acc_sh.at[pl.ds(s * RPT, RPT)],
                    out.at[c, pl.ds(s * RPT, RPT)])



def _prep_body(dp0, dp1, x, normb_o, g0_o):
    deg = dp0[0][:, :1] + dp1[0][:, :1]
    norm = lax.rsqrt(jnp.maximum(deg, 1.0))
    normb = jnp.broadcast_to(norm, (BLK, D))
    normb_o[...] = normb
    g0_o[...] = x[...] * normb


def _mid_body(normb, p0, p1, x1_o, g1_o):
    nb = normb[...]
    x1 = -(nb * (p0[0] + p1[0]))
    x1_o[...] = x1
    g1_o[...] = nb * x1


def _layer_body(normb, x, x1, q0, q1, W, b, h_o, g0n_o):
    nb = normb[...]
    x2 = -2.0 * nb * (q0[0] + q1[0]) - x[...]
    acc = (jnp.dot(x[...], W[0], preferred_element_type=jnp.float32)
           + jnp.dot(x1[...], W[1], preferred_element_type=jnp.float32)
           + jnp.dot(x2, W[2], preferred_element_type=jnp.float32)
           + b[...])
    h = jnp.maximum(acc, 0.0)
    h_o[...] = h
    g0n_o[...] = nb * h


def _final_body(normb, x, x1, q0, q1, W, b, Wm1, bm1, Wm2, bm2, out_o):
    nb = normb[...]
    x2 = -2.0 * nb * (q0[0] + q1[0]) - x[...]
    acc = (jnp.dot(x[...], W[0], preferred_element_type=jnp.float32)
           + jnp.dot(x1[...], W[1], preferred_element_type=jnp.float32)
           + jnp.dot(x2, W[2], preferred_element_type=jnp.float32)
           + b[...])
    h2 = jnp.maximum(acc, 0.0)
    h3 = jnp.maximum(jnp.dot(h2, Wm1[...], preferred_element_type=jnp.float32)
                     + bm1[...], 0.0)
    out_o[...] = (jnp.dot(h3, Wm2[...], preferred_element_type=jnp.float32)
                  + bm2[...])


def _row_spec():
    return pl.BlockSpec((BLK, D), lambda i: (i, 0))


def _plane_spec(plane):
    return pl.BlockSpec((1, BLK, D), lambda i, p=plane: (p, i, 0))


def _full_spec(shape):
    nd = len(shape)
    return pl.BlockSpec(shape, lambda i: (0,) * nd)


def _tc_call(body, in_specs, out_specs, out_shape):
    return pl.pallas_call(
        body,
        grid=(GRID,),
        in_specs=in_specs,
        out_specs=out_specs,
        out_shape=out_shape,
    )



def kernel(edge_index, features, W1, b1, W2, b2, Wm1, bm1, Wm2, bm2):
    src = edge_index[0]
    dst = edge_index[1]
    pad = EPAD - E
    srcp = jnp.concatenate([src, jnp.zeros((pad,), jnp.int32)])
    dstp = jnp.concatenate([dst, jnp.full((pad,), N, jnp.int32)])
    n0 = NS * CH0 * CHUNK
    if CH1 > 0:
        src3 = jnp.concatenate([
            srcp[:n0].reshape(NS, CH0, CHUNK),
            jnp.pad(srcp[n0:].reshape(NS, CH1, CHUNK),
                    ((0, 0), (0, CH0 - CH1), (0, 0))),
        ], axis=0)
        dst3 = jnp.concatenate([
            dstp[:n0].reshape(NS, CH0, CHUNK),
            jnp.pad(dstp[n0:].reshape(NS, CH1, CHUNK),
                    ((0, 0), (0, CH0 - CH1), (0, 0)), constant_values=N),
        ], axis=0)
    else:
        src3 = jnp.concatenate(
            [srcp.reshape(NS, CH0, CHUNK)] * 2, axis=0)
        dst3 = jnp.concatenate(
            [dstp.reshape(NS, CH0, CHUNK)] * 2, axis=0)
    dstd = dstp.reshape(NW, CH, CHUNK)
    zeros_big = jnp.zeros((NPAD, D), jnp.float32)
    ones_big = jnp.ones((CHUNK, D), jnp.float32)
    b1r = b1.reshape(1, D)
    b2r = b2.reshape(1, D)
    bm1r = bm1.reshape(1, D)
    bm2r = bm2.reshape(1, D)

    dp = _sc_degree(dstd, ones_big, zeros_big)

    rowD = jax.ShapeDtypeStruct((NPAD, D), jnp.float32)

    normb, g0 = _tc_call(
        _prep_body,
        [_plane_spec(0), _plane_spec(1), _row_spec()],
        (_row_spec(), _row_spec()), (rowD, rowD))(dp, dp, features)

    def cheb_mid(g):
        p = _sc_spmm(g, src3, dst3, zeros_big)
        x1, g1 = _tc_call(
            _mid_body,
            [_row_spec(), _plane_spec(0), _plane_spec(1)],
            (_row_spec(), _row_spec()), (rowD, rowD))(normb, p, p)
        q = _sc_spmm(g1, src3, dst3, zeros_big)
        return x1, q

    x1, q = cheb_mid(g0)
    h1, g0b = _tc_call(
        _layer_body,
        [_row_spec(), _row_spec(), _row_spec(), _plane_spec(0),
         _plane_spec(1), _full_spec((3, D, D)), _full_spec((1, D))],
        (_row_spec(), _row_spec()), (rowD, rowD))(
            normb, features, x1, q, q, W1, b1r)

    x1b, qb = cheb_mid(g0b)
    out = _tc_call(
        _final_body,
        [_row_spec(), _row_spec(), _row_spec(), _plane_spec(0),
         _plane_spec(1), _full_spec((3, D, D)), _full_spec((1, D)),
         _full_spec((D, D)), _full_spec((1, D)), _full_spec((D, D)),
         _full_spec((1, D))],
        _row_spec(), jax.ShapeDtypeStruct((N, D), jnp.float32))(
            normb, h1, x1b, qb, qb, W2, b2r, Wm1, bm1r, Wm2, bm2r)
    return out

# --- scband reference (transcript-rebuilt; emitter-appended) ---
"""Pipeline reference for scband-cheb-net-9294309229065 (READ-ONLY COPY).

The authoritative reference and input builder live on the scoring server;
editing this copy changes nothing except your own understanding.
"""

import jax, jax.numpy as jnp
import numpy as np

N = 10000
E = 320000
D = 128
K = 3


def setup_inputs(seed: int = 0) -> dict:
    key = jax.random.key(seed)
    ks = jax.random.split(key, 12)
    features = jax.random.normal(ks[0], (N, D), dtype=jnp.float32)
    edge_index = jax.random.randint(ks[1], (2, E), 0, N, dtype=jnp.int32)
    s = 0.05
    W1 = s * jax.random.normal(ks[2], (K, D, D), dtype=jnp.float32)
    b1 = s * jax.random.normal(ks[3], (D,), dtype=jnp.float32)
    W2 = s * jax.random.normal(ks[4], (K, D, D), dtype=jnp.float32)
    b2 = s * jax.random.normal(ks[5], (D,), dtype=jnp.float32)
    Wm1 = s * jax.random.normal(ks[6], (D, D), dtype=jnp.float32)
    bm1 = s * jax.random.normal(ks[7], (D,), dtype=jnp.float32)
    Wm2 = s * jax.random.normal(ks[8], (D, D), dtype=jnp.float32)
    bm2 = s * jax.random.normal(ks[9], (D,), dtype=jnp.float32)
    return {"edge_index": edge_index, "features": features, "W1": W1, "b1": b1,
            "W2": W2, "b2": b2, "Wm1": Wm1, "bm1": bm1, "Wm2": Wm2, "bm2": bm2}


def reference(edge_index, features, W1, b1, W2, b2, Wm1, bm1, Wm2, bm2):
    src = edge_index[0]
    dst = edge_index[1]
    # symmetric normalization of adjacency; lambda_max = 2 => L_hat = L - I = -D^{-1/2} A D^{-1/2}
    deg = jax.ops.segment_sum(jnp.ones((E,), dtype=jnp.float32), dst, num_segments=N)
    deg = jnp.maximum(deg, 1.0)
    norm = deg ** -0.5
    coef = norm[src] * norm[dst]

    def lhat(h):
        msg = coef[:, None] * h[src]
        return -jax.ops.segment_sum(msg, dst, num_segments=N)

    def cheb(h, W, b):
        x0 = h
        out = x0 @ W[0]
        x1 = lhat(h)
        out = out + x1 @ W[1]
        for t in range(2, K):
            x2 = 2.0 * lhat(x1) - x0
            out = out + x2 @ W[t]
            x0, x1 = x1, x2
        return out + b

    h = jax.nn.relu(cheb(features, W1, b1))
    h = jax.nn.relu(cheb(h, W2, b2))
    h = jax.nn.relu(h @ Wm1 + bm1)
    return h @ Wm2 + bm2

if __name__ == "__main__":
    import jax
    _d = setup_inputs()
    print(jax.jit(kernel)(*tuple(_d.values())))

</pallas_src>

<mosaic_0001>
#map = affine_map<(d0, d1) -> (0, 0)>
#map1 = affine_map<(d0, d1) -> (0, 0, 0)>
module attributes {stable_mosaic.version = 14 : i64} {
  func.func @_sc_spmm(%arg0: i32, %arg1: i32, %arg2: memref<10240x128xf32, #tpu.memory_space<hbm>>, %arg3: memref<32x124x128xi32, #tpu.memory_space<hbm>>, %arg4: memref<32x124x128xi32, #tpu.memory_space<hbm>>, %arg5: memref<10240x128xf32, #tpu.memory_space<hbm>>, %arg6: memref<2x10240x128xf32, #tpu.memory_space<hbm>>, %arg7: memref<128xi32, #tpu.memory_space<vmem>>, %arg8: memref<128xi32, #tpu.memory_space<vmem>>, %arg9: memref<128xi32, #tpu.memory_space<vmem>>, %arg10: memref<128xi32, #tpu.memory_space<vmem>>, %arg11: memref<128x128xf32, #tpu.memory_space<vmem>>, %arg12: memref<128x128xf32, #tpu.memory_space<vmem>>, %arg13: memref<!tpu.dma_semaphore, #tpu.memory_space<semaphore_mem>>, %arg14: memref<!tpu.dma_semaphore, #tpu.memory_space<semaphore_mem>>, %arg15: memref<!tpu.dma_semaphore, #tpu.memory_space<semaphore_mem>>, %arg16: memref<!tpu.dma_semaphore, #tpu.memory_space<semaphore_mem>>, %arg17: memref<10240x128xf32, #tpu.memory_space<vmem_shared>>) attributes {dimension_semantics = [#tpu.dimension_semantics<core_parallel>, #tpu.dimension_semantics<subcore_parallel>], iteration_bounds = array<i64: 2, 16>, scalar_prefetch = 0 : i64, scratch_operands = 11 : i64, tpu.core_type = #tpu.core_type<sc_vector_subcore>, window_params = [{transform_indices = #map}, {transform_indices = #map1}, {transform_indices = #map1}, {transform_indices = #map}, {transform_indices = #map1}]} {
    %mul3A = arith.constant 16 : i32
    %mul3A_0 = arith.muli %arg0, %mul3A : i32
    %add3A = arith.addi %mul3A_0, %arg1 : i32
    %eq3A = arith.constant 0 : i32
    %eq3A_1 = arith.cmpi eq, %arg0, %eq3A : i32
    %jit3A = arith.constant 124 : i32
    %jit3A_2 = arith.constant 36 : i32
    %select_n3A = arith.select %eq3A_1, %jit3A, %jit3A_2 : i32
    %mul3A_3 = arith.constant 640 : i32
    %mul3A_4 = arith.muli %arg1, %mul3A_3 : i32
    %mul3A_5 = arith.constant 640 : i32
    %mul3A_6 = arith.muli %arg1, %mul3A_5 : i32
    "tpu.region"() ({
      %run_scoped3A = tpu.sem_alloc : memref<!tpu.dma_semaphore, #tpu.memory_space<semaphore_mem>>
      %dma_start3A = arith.constant 0 : i32
      %dma_start3A_33 = tpu.memref_slice %arg17[%mul3A_6, %dma_start3A] : memref<10240x128xf32, #tpu.memory_space<vmem_shared>> -> memref<640x128xf32, #tpu.memory_space<vmem_shared>>
      %dma_start3A_34 = arith.constant 0 : i32
      %dma_start3A_35 = tpu.memref_slice %arg5[%mul3A_4, %dma_start3A_34] : memref<10240x128xf32, #tpu.memory_space<hbm>> -> memref<640x128xf32, #tpu.memory_space<hbm>>
      tpu.enqueue_dma source(%dma_start3A_35 : memref<640x128xf32, #tpu.memory_space<hbm>>) target(%dma_start3A_33 : memref<640x128xf32, #tpu.memory_space<vmem_shared>>) target_semaphore(%run_scoped3A : memref<!tpu.dma_semaphore, #tpu.memory_space<semaphore_mem>>)
      %dma_wait3A_36 = arith.constant 0 : i32
      %dma_wait3A_37 = tpu.memref_slice %arg17[%mul3A_6, %dma_wait3A_36] : memref<10240x128xf32, #tpu.memory_space<vmem_shared>> -> memref<640x128xf32, #tpu.memory_space<vmem_shared>>
      %dma_wait3A_38 = arith.constant 0 : i32
      %dma_wait3A_39 = tpu.memref_slice %arg5[%mul3A_4, %dma_wait3A_38] : memref<10240x128xf32, #tpu.memory_space<hbm>> -> memref<640x128xf32, #tpu.memory_space<hbm>>
      tpu.wait_dma2 semaphore(%run_scoped3A : memref<!tpu.dma_semaphore, #tpu.memory_space<semaphore_mem>>) src(%dma_wait3A_39 : memref<640x128xf32, #tpu.memory_space<hbm>>) dst(%dma_wait3A_37 : memref<640x128xf32, #tpu.memory_space<vmem_shared>>)
      tpu.yield
    }) : () -> ()
    %barrier3A = arith.constant 0 : index
    tpu.barrier barrier_id(%barrier3A)
    %sub3A = arith.constant 0 : i32
    %sub3A_7 = arith.subi %select_n3A, %sub3A : i32
    %sub3A_8 = arith.constant 2 : i32
    %sub3A_9 = arith.constant 1 : i32
    %sub3A_10 = arith.subi %sub3A_8, %sub3A_9 : i32
    %add3A_11 = arith.addi %sub3A_7, %sub3A_10 : i32
    %div3A = arith.constant 2 : i32
    %div3A_12 = arith.divsi %add3A_11, %div3A : i32
    %while3A = arith.constant 2 : i32
    %while3A_13 = arith.constant 0 : i32
    %while3A_14 = arith.constant 0 : i32
    %while3A_15 = arith.subi %div3A_12, %while3A_14 : i32
    %while3A_16 = arith.addi %while3A_14, %while3A_15 : i32
    %while3A_17 = arith.constant 1 : i32
    %while3A_18 = arith.divsi %while3A_15, %while3A_17 : i32
    %while3A_19 = arith.muli %while3A_18, %while3A_17 : i32
    %while3A_20 = arith.addi %while3A_14, %while3A_19 : i32
    %while3A_21 = arith.constant 1 : i32
    scf.for %while3A_33 = %while3A_14 to %while3A_20 step %while3A_21  : i32 {
      %mul3A_34 = arith.muli %while3A_33, %while3A : i32
      %add3A_35 = arith.addi %while3A_13, %mul3A_34 : i32
      %gt3A = arith.constant 0 : i32
      %gt3A_36 = arith.cmpi sgt, %add3A_35, %gt3A : i32
      %convert_element_type3A = arith.extui %gt3A_36 : i1 to i32
      %cond3A = arith.constant 0 : i32
      %cond3A_37 = arith.cmpi ne, %convert_element_type3A, %cond3A : i32
      scf.if %cond3A_37 {
        %dma_wait3A_68 = arith.constant 0 : i32
        %dma_wait3A_69 = arith.constant 0 : i32
        %dma_wait3A_70 = tpu.memref_slice %arg17[%dma_wait3A_68, %dma_wait3A_69] : memref<10240x128xf32, #tpu.memory_space<vmem_shared>> -> memref<10240x128xf32, #tpu.memory_space<vmem_shared>>
        tpu.wait_indirect_dma semaphore(%arg15 : memref<!tpu.dma_semaphore, #tpu.memory_space<semaphore_mem>>) src(%arg11 : memref<128x128xf32, #tpu.memory_space<vmem>>) dst(%dma_wait3A_70 : memref<10240x128xf32, #tpu.memory_space<vmem_shared>>)
      } else {
      }
      %add3A_38 = arith.constant 0 : i32
      %add3A_39 = arith.addi %add3A_35, %add3A_38 : i32
      "tpu.region"() ({
        %run_scoped3A = tpu.sem_alloc : memref<!tpu.dma_semaphore, #tpu.memory_space<semaphore_mem>>
        %dma_start3A_68 = arith.constant 0 : i32
        %dma_start3A_69 = tpu.memref_slice %arg3[%add3A, %add3A_39, %dma_start3A_68] : memref<32x124x128xi32, #tpu.memory_space<hbm>> -> memref<1x1x128xi32, #tpu.memory_space<hbm>>
        %dma_start3A_70 = tpu.memref_squeeze %dma_start3A_69 : memref<1x1x128xi32, #tpu.memory_space<hbm>> -> memref<128xi32, #tpu.memory_space<hbm>>
        %dma_start3A_71 = arith.constant 0 : i32
        %dma_start3A_72 = tpu.memref_slice %arg3[%add3A, %add3A_39, %dma_start3A_71] : memref<32x124x128xi32, #tpu.memory_space<hbm>> -> memref<1x1x128xi32, #tpu.memory_space<hbm>>
        %dma_start3A_73 = tpu.memref_squeeze %dma_start3A_72 : memref<1x1x128xi32, #tpu.memory_space<hbm>> -> memref<128xi32, #tpu.memory_space<hbm>>
        tpu.enqueue_dma source(%dma_start3A_73 : memref<128xi32, #tpu.memory_space<hbm>>) target(%arg7 : memref<128xi32, #tpu.memory_space<vmem>>) target_semaphore(%run_scoped3A : memref<!tpu.dma_semaphore, #tpu.memory_space<semaphore_mem>>)
        %dma_wait3A_74 = arith.constant 0 : i32
        %dma_wait3A_75 = tpu.memref_slice %arg3[%add3A, %add3A_39, %dma_wait3A_74] : memref<32x124x128xi32, #tpu.memory_space<hbm>> -> memref<1x1x128xi32, #tpu.memory_space<hbm>>
        %dma_wait3A_76 = tpu.memref_squeeze %dma_wait3A_75 : memref<1x1x128xi32, #tpu.memory_space<hbm>> -> memref<128xi32, #tpu.memory_space<hbm>>
        %dma_wait3A_77 = arith.constant 0 : i32
        %dma_wait3A_78 = tpu.memref_slice %arg3[%add3A, %add3A_39, %dma_wait3A_77] : memref<32x124x128xi32, #tpu.memory_space<hbm>> -> memref<1x1x128xi32, #tpu.memory_space<hbm>>
        %dma_wait3A_79 = tpu.memref_squeeze %dma_wait3A_78 : memref<1x1x128xi32, #tpu.memory_space<hbm>> -> memref<128xi32, #tpu.memory_space<hbm>>
        tpu.wait_dma2 semaphore(%run_scoped3A : memref<!tpu.dma_semaphore, #tpu.memory_space<semaphore_mem>>) src(%dma_wait3A_79 : memref<128xi32, #tpu.memory_space<hbm>>) dst(%arg7 : memref<128xi32, #tpu.memory_space<vmem>>)
        tpu.yield
      }) : () -> ()
      %add3A_40 = arith.constant 0 : i32
      %add3A_41 = arith.addi %add3A_35, %add3A_40 : i32
      "tpu.region"() ({
        %run_scoped3A = tpu.sem_alloc : memref<!tpu.dma_semaphore, #tpu.memory_space<semaphore_mem>>
        %dma_start3A_68 = arith.constant 0 : i32
        %dma_start3A_69 = tpu.memref_slice %arg4[%add3A, %add3A_41, %dma_start3A_68] : memref<32x124x128xi32, #tpu.memory_space<hbm>> -> memref<1x1x128xi32, #tpu.memory_space<hbm>>
        %dma_start3A_70 = tpu.memref_squeeze %dma_start3A_69 : memref<1x1x128xi32, #tpu.memory_space<hbm>> -> memref<128xi32, #tpu.memory_space<hbm>>
        %dma_start3A_71 = arith.constant 0 : i32
        %dma_start3A_72 = tpu.memref_slice %arg4[%add3A, %add3A_41, %dma_start3A_71] : memref<32x124x128xi32, #tpu.memory_space<hbm>> -> memref<1x1x128xi32, #tpu.memory_space<hbm>>
        %dma_start3A_73 = tpu.memref_squeeze %dma_start3A_72 : memref<1x1x128xi32, #tpu.memory_space<hbm>> -> memref<128xi32, #tpu.memory_space<hbm>>
        tpu.enqueue_dma source(%dma_start3A_73 : memref<128xi32, #tpu.memory_space<hbm>>) target(%arg9 : memref<128xi32, #tpu.memory_space<vmem>>) target_semaphore(%run_scoped3A : memref<!tpu.dma_semaphore, #tpu.memory_space<semaphore_mem>>)
        %dma_wait3A_74 = arith.constant 0 : i32
        %dma_wait3A_75 = tpu.memref_slice %arg4[%add3A, %add3A_41, %dma_wait3A_74] : memref<32x124x128xi32, #tpu.memory_space<hbm>> -> memref<1x1x128xi32, #tpu.memory_space<hbm>>
        %dma_wait3A_76 = tpu.memref_squeeze %dma_wait3A_75 : memref<1x1x128xi32, #tpu.memory_space<hbm>> -> memref<128xi32, #tpu.memory_space<hbm>>
        %dma_wait3A_77 = arith.constant 0 : i32
        %dma_wait3A_78 = tpu.memref_slice %arg4[%add3A, %add3A_41, %dma_wait3A_77] : memref<32x124x128xi32, #tpu.memory_space<hbm>> -> memref<1x1x128xi32, #tpu.memory_space<hbm>>
        %dma_wait3A_79 = tpu.memref_squeeze %dma_wait3A_78 : memref<1x1x128xi32, #tpu.memory_space<hbm>> -> memref<128xi32, #tpu.memory_space<hbm>>
        tpu.wait_dma2 semaphore(%run_scoped3A : memref<!tpu.dma_semaphore, #tpu.memory_space<semaphore_mem>>) src(%dma_wait3A_79 : memref<128xi32, #tpu.memory_space<hbm>>) dst(%arg9 : memref<128xi32, #tpu.memory_space<vmem>>)
        tpu.yield
      }) : () -> ()
      %dma_start3A = arith.constant 0 : i32
      %dma_start3A_42 = arith.constant 0 : i32
      %dma_start3A_43 = tpu.memref_slice %arg2[%dma_start3A, %dma_start3A_42] : memref<10240x128xf32, #tpu.memory_space<hbm>> -> memref<10240x128xf32, #tpu.memory_space<hbm>>
      tpu.enqueue_indirect_dma source(%dma_start3A_43 : memref<10240x128xf32, #tpu.memory_space<hbm>>) target(%arg11 : memref<128x128xf32, #tpu.memory_space<vmem>>) offsets(%arg7 : memref<128xi32, #tpu.memory_space<vmem>>) semaphore(%arg13 : memref<!tpu.dma_semaphore, #tpu.memory_space<semaphore_mem>>)
      %gt3A_44 = arith.constant 0 : i32
      %gt3A_45 = arith.cmpi sgt, %add3A_35, %gt3A_44 : i32
      %convert_element_type3A_46 = arith.extui %gt3A_45 : i1 to i32
      %cond3A_47 = arith.constant 0 : i32
      %cond3A_48 = arith.cmpi ne, %convert_element_type3A_46, %cond3A_47 : i32
      scf.if %cond3A_48 {
        %dma_wait3A_68 = arith.constant 0 : i32
        %dma_wait3A_69 = arith.constant 0 : i32
        %dma_wait3A_70 = tpu.memref_slice %arg17[%dma_wait3A_68, %dma_wait3A_69] : memref<10240x128xf32, #tpu.memory_space<vmem_shared>> -> memref<10240x128xf32, #tpu.memory_space<vmem_shared>>
        tpu.wait_indirect_dma semaphore(%arg16 : memref<!tpu.dma_semaphore, #tpu.memory_space<semaphore_mem>>) src(%arg12 : memref<128x128xf32, #tpu.memory_space<vmem>>) dst(%dma_wait3A_70 : memref<10240x128xf32, #tpu.memory_space<vmem_shared>>)
      } else {
      }
      %add3A_49 = arith.constant 1 : i32
      %add3A_50 = arith.addi %add3A_35, %add3A_49 : i32
      "tpu.region"() ({
        %run_scoped3A = tpu.sem_alloc : memref<!tpu.dma_semaphore, #tpu.memory_space<semaphore_mem>>
        %dma_start3A_68 = arith.constant 0 : i32
        %dma_start3A_69 = tpu.memref_slice %arg3[%add3A, %add3A_50, %dma_start3A_68] : memref<32x124x128xi32, #tpu.memory_space<hbm>> -> memref<1x1x128xi32, #tpu.memory_space<hbm>>
        %dma_start3A_70 = tpu.memref_squeeze %dma_start3A_69 : memref<1x1x128xi32, #tpu.memory_space<hbm>> -> memref<128xi32, #tpu.memory_space<hbm>>
        %dma_start3A_71 = arith.constant 0 : i32
        %dma_start3A_72 = tpu.memref_slice %arg3[%add3A, %add3A_50, %dma_start3A_71] : memref<32x124x128xi32, #tpu.memory_space<hbm>> -> memref<1x1x128xi32, #tpu.memory_space<hbm>>
        %dma_start3A_73 = tpu.memref_squeeze %dma_start3A_72 : memref<1x1x128xi32, #tpu.memory_space<hbm>> -> memref<128xi32, #tpu.memory_space<hbm>>
        tpu.enqueue_dma source(%dma_start3A_73 : memref<128xi32, #tpu.memory_space<hbm>>) target(%arg8 : memref<128xi32, #tpu.memory_space<vmem>>) target_semaphore(%run_scoped3A : memref<!tpu.dma_semaphore, #tpu.memory_space<semaphore_mem>>)
        %dma_wait3A_74 = arith.constant 0 : i32
        %dma_wait3A_75 = tpu.memref_slice %arg3[%add3A, %add3A_50, %dma_wait3A_74] : memref<32x124x128xi32, #tpu.memory_space<hbm>> -> memref<1x1x128xi32, #tpu.memory_space<hbm>>
        %dma_wait3A_76 = tpu.memref_squeeze %dma_wait3A_75 : memref<1x1x128xi32, #tpu.memory_space<hbm>> -> memref<128xi32, #tpu.memory_space<hbm>>
        %dma_wait3A_77 = arith.constant 0 : i32
        %dma_wait3A_78 = tpu.memref_slice %arg3[%add3A, %add3A_50, %dma_wait3A_77] : memref<32x124x128xi32, #tpu.memory_space<hbm>> -> memref<1x1x128xi32, #tpu.memory_space<hbm>>
        %dma_wait3A_79 = tpu.memref_squeeze %dma_wait3A_78 : memref<1x1x128xi32, #tpu.memory_space<hbm>> -> memref<128xi32, #tpu.memory_space<hbm>>
        tpu.wait_dma2 semaphore(%run_scoped3A : memref<!tpu.dma_semaphore, #tpu.memory_space<semaphore_mem>>) src(%dma_wait3A_79 : memref<128xi32, #tpu.memory_space<hbm>>) dst(%arg8 : memref<128xi32, #tpu.memory_space<vmem>>)
        tpu.yield
      }) : () -> ()
      %add3A_51 = arith.constant 1 : i32
      %add3A_52 = arith.addi %add3A_35, %add3A_51 : i32
      "tpu.region"() ({
        %run_scoped3A = tpu.sem_alloc : memref<!tpu.dma_semaphore, #tpu.memory_space<semaphore_mem>>
        %dma_start3A_68 = arith.constant 0 : i32
        %dma_start3A_69 = tpu.memref_slice %arg4[%add3A, %add3A_52, %dma_start3A_68] : memref<32x124x128xi32, #tpu.memory_space<hbm>> -> memref<1x1x128xi32, #tpu.memory_space<hbm>>
        %dma_start3A_70 = tpu.memref_squeeze %dma_start3A_69 : memref<1x1x128xi32, #tpu.memory_space<hbm>> -> memref<128xi32, #tpu.memory_space<hbm>>
        %dma_start3A_71 = arith.constant 0 : i32
        %dma_start3A_72 = tpu.memref_slice %arg4[%add3A, %add3A_52, %dma_start3A_71] : memref<32x124x128xi32, #tpu.memory_space<hbm>> -> memref<1x1x128xi32, #tpu.memory_space<hbm>>
        %dma_start3A_73 = tpu.memref_squeeze %dma_start3A_72 : memref<1x1x128xi32, #tpu.memory_space<hbm>> -> memref<128xi32, #tpu.memory_space<hbm>>
        tpu.enqueue_dma source(%dma_start3A_73 : memref<128xi32, #tpu.memory_space<hbm>>) target(%arg10 : memref<128xi32, #tpu.memory_space<vmem>>) target_semaphore(%run_scoped3A : memref<!tpu.dma_semaphore, #tpu.memory_space<semaphore_mem>>)
        %dma_wait3A_74 = arith.constant 0 : i32
        %dma_wait3A_75 = tpu.memref_slice %arg4[%add3A, %add3A_52, %dma_wait3A_74] : memref<32x124x128xi32, #tpu.memory_space<hbm>> -> memref<1x1x128xi32, #tpu.memory_space<hbm>>
        %dma_wait3A_76 = tpu.memref_squeeze %dma_wait3A_75 : memref<1x1x128xi32, #tpu.memory_space<hbm>> -> memref<128xi32, #tpu.memory_space<hbm>>
        %dma_wait3A_77 = arith.constant 0 : i32
        %dma_wait3A_78 = tpu.memref_slice %arg4[%add3A, %add3A_52, %dma_wait3A_77] : memref<32x124x128xi32, #tpu.memory_space<hbm>> -> memref<1x1x128xi32, #tpu.memory_space<hbm>>
        %dma_wait3A_79 = tpu.memref_squeeze %dma_wait3A_78 : memref<1x1x128xi32, #tpu.memory_space<hbm>> -> memref<128xi32, #tpu.memory_space<hbm>>
        tpu.wait_dma2 semaphore(%run_scoped3A : memref<!tpu.dma_semaphore, #tpu.memory_space<semaphore_mem>>) src(%dma_wait3A_79 : memref<128xi32, #tpu.memory_space<hbm>>) dst(%arg10 : memref<128xi32, #tpu.memory_space<vmem>>)
        tpu.yield
      }) : () -> ()
      %dma_start3A_53 = arith.constant 0 : i32
      %dma_start3A_54 = arith.constant 0 : i32
      %dma_start3A_55 = tpu.memref_slice %arg2[%dma_start3A_53, %dma_start3A_54] : memref<10240x128xf32, #tpu.memory_space<hbm>> -> memref<10240x128xf32, #tpu.memory_space<hbm>>
      tpu.enqueue_indirect_dma source(%dma_start3A_55 : memref<10240x128xf32, #tpu.memory_space<hbm>>) target(%arg12 : memref<128x128xf32, #tpu.memory_space<vmem>>) offsets(%arg8 : memref<128xi32, #tpu.memory_space<vmem>>) semaphore(%arg14 : memref<!tpu.dma_semaphore, #tpu.memory_space<semaphore_mem>>)
      %dma_wait3A_56 = arith.constant 0 : i32
      %dma_wait3A_57 = arith.constant 0 : i32
      %dma_wait3A_58 = tpu.memref_slice %arg2[%dma_wait3A_56, %dma_wait3A_57] : memref<10240x128xf32, #tpu.memory_space<hbm>> -> memref<10240x128xf32, #tpu.memory_space<hbm>>
      tpu.wait_indirect_dma semaphore(%arg13 : memref<!tpu.dma_semaphore, #tpu.memory_space<semaphore_mem>>) src(%dma_wait3A_58 : memref<10240x128xf32, #tpu.memory_space<hbm>>) dst(%arg11 : memref<128x128xf32, #tpu.memory_space<vmem>>)
      %dma_start3A_59 = arith.constant 0 : i32
      %dma_start3A_60 = arith.constant 0 : i32
      %dma_start3A_61 = tpu.memref_slice %arg17[%dma_start3A_59, %dma_start3A_60] : memref<10240x128xf32, #tpu.memory_space<vmem_shared>> -> memref<10240x128xf32, #tpu.memory_space<vmem_shared>>
      tpu.enqueue_indirect_dma source(%arg11 : memref<128x128xf32, #tpu.memory_space<vmem>>) target(%dma_start3A_61 : memref<10240x128xf32, #tpu.memory_space<vmem_shared>>) offsets(%arg9 : memref<128xi32, #tpu.memory_space<vmem>>) semaphore(%arg15 : memref<!tpu.dma_semaphore, #tpu.memory_space<semaphore_mem>>) {add = true}
      %dma_wait3A_62 = arith.constant 0 : i32
      %dma_wait3A_63 = arith.constant 0 : i32
      %dma_wait3A_64 = tpu.memref_slice %arg2[%dma_wait3A_62, %dma_wait3A_63] : memref<10240x128xf32, #tpu.memory_space<hbm>> -> memref<10240x128xf32, #tpu.memory_space<hbm>>
      tpu.wait_indirect_dma semaphore(%arg14 : memref<!tpu.dma_semaphore, #tpu.memory_space<semaphore_mem>>) src(%dma_wait3A_64 : memref<10240x128xf32, #tpu.memory_space<hbm>>) dst(%arg12 : memref<128x128xf32, #tpu.memory_space<vmem>>)
      %dma_start3A_65 = arith.constant 0 : i32
      %dma_start3A_66 = arith.constant 0 : i32
      %dma_start3A_67 = tpu.memref_slice %arg17[%dma_start3A_65, %dma_start3A_66] : memref<10240x128xf32, #tpu.memory_space<vmem_shared>> -> memref<10240x128xf32, #tpu.memory_space<vmem_shared>>
      tpu.enqueue_indirect_dma source(%arg12 : memref<128x128xf32, #tpu.memory_space<vmem>>) target(%dma_start3A_67 : memref<10240x128xf32, #tpu.memory_space<vmem_shared>>) offsets(%arg10 : memref<128xi32, #tpu.memory_space<vmem>>) semaphore(%arg16 : memref<!tpu.dma_semaphore, #tpu.memory_space<semaphore_mem>>) {add = true}
    }
    %while3A_22 = arith.constant 1 : i32
    scf.for %while3A_33 = %while3A_20 to %while3A_16 step %while3A_22  : i32 {
      %mul3A_34 = arith.muli %while3A_33, %while3A : i32
      %add3A_35 = arith.addi %while3A_13, %mul3A_34 : i32
      %gt3A = arith.constant 0 : i32
      %gt3A_36 = arith.cmpi sgt, %add3A_35, %gt3A : i32
      %convert_element_type3A = arith.extui %gt3A_36 : i1 to i32
      %cond3A = arith.constant 0 : i32
      %cond3A_37 = arith.cmpi ne, %convert_element_type3A, %cond3A : i32
      scf.if %cond3A_37 {
        %dma_wait3A_68 = arith.constant 0 : i32
        %dma_wait3A_69 = arith.constant 0 : i32
        %dma_wait3A_70 = tpu.memref_slice %arg17[%dma_wait3A_68, %dma_wait3A_69] : memref<10240x128xf32, #tpu.memory_space<vmem_shared>> -> memref<10240x128xf32, #tpu.memory_space<vmem_shared>>
        tpu.wait_indirect_dma semaphore(%arg15 : memref<!tpu.dma_semaphore, #tpu.memory_space<semaphore_mem>>) src(%arg11 : memref<128x128xf32, #tpu.memory_space<vmem>>) dst(%dma_wait3A_70 : memref<10240x128xf32, #tpu.memory_space<vmem_shared>>)
      } else {
      }
      %add3A_38 = arith.constant 0 : i32
      %add3A_39 = arith.addi %add3A_35, %add3A_38 : i32
      "tpu.region"() ({
        %run_scoped3A = tpu.sem_alloc : memref<!tpu.dma_semaphore, #tpu.memory_space<semaphore_mem>>
        %dma_start3A_68 = arith.constant 0 : i32
        %dma_start3A_69 = tpu.memref_slice %arg3[%add3A, %add3A_39, %dma_start3A_68] : memref<32x124x128xi32, #tpu.memory_space<hbm>> -> memref<1x1x128xi32, #tpu.memory_space<hbm>>
        %dma_start3A_70 = tpu.memref_squeeze %dma_start3A_69 : memref<1x1x128xi32, #tpu.memory_space<hbm>> -> memref<128xi32, #tpu.memory_space<hbm>>
        %dma_start3A_71 = arith.constant 0 : i32
        %dma_start3A_72 = tpu.memref_slice %arg3[%add3A, %add3A_39, %dma_start3A_71] : memref<32x124x128xi32, #tpu.memory_space<hbm>> -> memref<1x1x128xi32, #tpu.memory_space<hbm>>
        %dma_start3A_73 = tpu.memref_squeeze %dma_start3A_72 : memref<1x1x128xi32, #tpu.memory_space<hbm>> -> memref<128xi32, #tpu.memory_space<hbm>>
        tpu.enqueue_dma source(%dma_start3A_73 : memref<128xi32, #tpu.memory_space<hbm>>) target(%arg7 : memref<128xi32, #tpu.memory_space<vmem>>) target_semaphore(%run_scoped3A : memref<!tpu.dma_semaphore, #tpu.memory_space<semaphore_mem>>)
        %dma_wait3A_74 = arith.constant 0 : i32
        %dma_wait3A_75 = tpu.memref_slice %arg3[%add3A, %add3A_39, %dma_wait3A_74] : memref<32x124x128xi32, #tpu.memory_space<hbm>> -> memref<1x1x128xi32, #tpu.memory_space<hbm>>
        %dma_wait3A_76 = tpu.memref_squeeze %dma_wait3A_75 : memref<1x1x128xi32, #tpu.memory_space<hbm>> -> memref<128xi32, #tpu.memory_space<hbm>>
        %dma_wait3A_77 = arith.constant 0 : i32
        %dma_wait3A_78 = tpu.memref_slice %arg3[%add3A, %add3A_39, %dma_wait3A_77] : memref<32x124x128xi32, #tpu.memory_space<hbm>> -> memref<1x1x128xi32, #tpu.memory_space<hbm>>
        %dma_wait3A_79 = tpu.memref_squeeze %dma_wait3A_78 : memref<1x1x128xi32, #tpu.memory_space<hbm>> -> memref<128xi32, #tpu.memory_space<hbm>>
        tpu.wait_dma2 semaphore(%run_scoped3A : memref<!tpu.dma_semaphore, #tpu.memory_space<semaphore_mem>>) src(%dma_wait3A_79 : memref<128xi32, #tpu.memory_space<hbm>>) dst(%arg7 : memref<128xi32, #tpu.memory_space<vmem>>)
        tpu.yield
      }) : () -> ()
      %add3A_40 = arith.constant 0 : i32
      %add3A_41 = arith.addi %add3A_35, %add3A_40 : i32
      "tpu.region"() ({
        %run_scoped3A = tpu.sem_alloc : memref<!tpu.dma_semaphore, #tpu.memory_space<semaphore_mem>>
        %dma_start3A_68 = arith.constant 0 : i32
        %dma_start3A_69 = tpu.memref_slice %arg4[%add3A, %add3A_41, %dma_start3A_68] : memref<32x124x128xi32, #tpu.memory_space<hbm>> -> memref<1x1x128xi32, #tpu.memory_space<hbm>>
        %dma_start3A_70 = tpu.memref_squeeze %dma_start3A_69 : memref<1x1x128xi32, #tpu.memory_space<hbm>> -> memref<128xi32, #tpu.memory_space<hbm>>
        %dma_start3A_71 = arith.constant 0 : i32
        %dma_start3A_72 = tpu.memref_slice %arg4[%add3A, %add3A_41, %dma_start3A_71] : memref<32x124x128xi32, #tpu.memory_space<hbm>> -> memref<1x1x128xi32, #tpu.memory_space<hbm>>
        %dma_start3A_73 = tpu.memref_squeeze %dma_start3A_72 : memref<1x1x128xi32, #tpu.memory_space<hbm>> -> memref<128xi32, #tpu.memory_space<hbm>>
        tpu.enqueue_dma source(%dma_start3A_73 : memref<128xi32, #tpu.memory_space<hbm>>) target(%arg9 : memref<128xi32, #tpu.memory_space<vmem>>) target_semaphore(%run_scoped3A : memref<!tpu.dma_semaphore, #tpu.memory_space<semaphore_mem>>)
        %dma_wait3A_74 = arith.constant 0 : i32
        %dma_wait3A_75 = tpu.memref_slice %arg4[%add3A, %add3A_41, %dma_wait3A_74] : memref<32x124x128xi32, #tpu.memory_space<hbm>> -> memref<1x1x128xi32, #tpu.memory_space<hbm>>
        %dma_wait3A_76 = tpu.memref_squeeze %dma_wait3A_75 : memref<1x1x128xi32, #tpu.memory_space<hbm>> -> memref<128xi32, #tpu.memory_space<hbm>>
        %dma_wait3A_77 = arith.constant 0 : i32
        %dma_wait3A_78 = tpu.memref_slice %arg4[%add3A, %add3A_41, %dma_wait3A_77] : memref<32x124x128xi32, #tpu.memory_space<hbm>> -> memref<1x1x128xi32, #tpu.memory_space<hbm>>
        %dma_wait3A_79 = tpu.memref_squeeze %dma_wait3A_78 : memref<1x1x128xi32, #tpu.memory_space<hbm>> -> memref<128xi32, #tpu.memory_space<hbm>>
        tpu.wait_dma2 semaphore(%run_scoped3A : memref<!tpu.dma_semaphore, #tpu.memory_space<semaphore_mem>>) src(%dma_wait3A_79 : memref<128xi32, #tpu.memory_space<hbm>>) dst(%arg9 : memref<128xi32, #tpu.memory_space<vmem>>)
        tpu.yield
      }) : () -> ()
      %dma_start3A = arith.constant 0 : i32
      %dma_start3A_42 = arith.constant 0 : i32
      %dma_start3A_43 = tpu.memref_slice %arg2[%dma_start3A, %dma_start3A_42] : memref<10240x128xf32, #tpu.memory_space<hbm>> -> memref<10240x128xf32, #tpu.memory_space<hbm>>
      tpu.enqueue_indirect_dma source(%dma_start3A_43 : memref<10240x128xf32, #tpu.memory_space<hbm>>) target(%arg11 : memref<128x128xf32, #tpu.memory_space<vmem>>) offsets(%arg7 : memref<128xi32, #tpu.memory_space<vmem>>) semaphore(%arg13 : memref<!tpu.dma_semaphore, #tpu.memory_space<semaphore_mem>>)
      %gt3A_44 = arith.constant 0 : i32
      %gt3A_45 = arith.cmpi sgt, %add3A_35, %gt3A_44 : i32
      %convert_element_type3A_46 = arith.extui %gt3A_45 : i1 to i32
      %cond3A_47 = arith.constant 0 : i32
      %cond3A_48 = arith.cmpi ne, %convert_element_type3A_46, %cond3A_47 : i32
      scf.if %cond3A_48 {
        %dma_wait3A_68 = arith.constant 0 : i32
        %dma_wait3A_69 = arith.constant 0 : i32
        %dma_wait3A_70 = tpu.memref_slice %arg17[%dma_wait3A_68, %dma_wait3A_69] : memref<10240x128xf32, #tpu.memory_space<vmem_shared>> -> memref<10240x128xf32, #tpu.memory_space<vmem_shared>>
        tpu.wait_indirect_dma semaphore(%arg16 : memref<!tpu.dma_semaphore, #tpu.memory_space<semaphore_mem>>) src(%arg12 : memref<128x128xf32, #tpu.memory_space<vmem>>) dst(%dma_wait3A_70 : memref<10240x128xf32, #tpu.memory_space<vmem_shared>>)
      } else {
      }
      %add3A_49 = arith.constant 1 : i32
      %add3A_50 = arith.addi %add3A_35, %add3A_49 : i32
      "tpu.region"() ({
        %run_scoped3A = tpu.sem_alloc : memref<!tpu.dma_semaphore, #tpu.memory_space<semaphore_mem>>
        %dma_start3A_68 = arith.constant 0 : i32
        %dma_start3A_69 = tpu.memref_slice %arg3[%add3A, %add3A_50, %dma_start3A_68] : memref<32x124x128xi32, #tpu.memory_space<hbm>> -> memref<1x1x128xi32, #tpu.memory_space<hbm>>
        %dma_start3A_70 = tpu.memref_squeeze %dma_start3A_69 : memref<1x1x128xi32, #tpu.memory_space<hbm>> -> memref<128xi32, #tpu.memory_space<hbm>>
        %dma_start3A_71 = arith.constant 0 : i32
        %dma_start3A_72 = tpu.memref_slice %arg3[%add3A, %add3A_50, %dma_start3A_71] : memref<32x124x128xi32, #tpu.memory_space<hbm>> -> memref<1x1x128xi32, #tpu.memory_space<hbm>>
        %dma_start3A_73 = tpu.memref_squeeze %dma_start3A_72 : memref<1x1x128xi32, #tpu.memory_space<hbm>> -> memref<128xi32, #tpu.memory_space<hbm>>
        tpu.enqueue_dma source(%dma_start3A_73 : memref<128xi32, #tpu.memory_space<hbm>>) target(%arg8 : memref<128xi32, #tpu.memory_space<vmem>>) target_semaphore(%run_scoped3A : memref<!tpu.dma_semaphore, #tpu.memory_space<semaphore_mem>>)
        %dma_wait3A_74 = arith.constant 0 : i32
        %dma_wait3A_75 = tpu.memref_slice %arg3[%add3A, %add3A_50, %dma_wait3A_74] : memref<32x124x128xi32, #tpu.memory_space<hbm>> -> memref<1x1x128xi32, #tpu.memory_space<hbm>>
        %dma_wait3A_76 = tpu.memref_squeeze %dma_wait3A_75 : memref<1x1x128xi32, #tpu.memory_space<hbm>> -> memref<128xi32, #tpu.memory_space<hbm>>
        %dma_wait3A_77 = arith.constant 0 : i32
        %dma_wait3A_78 = tpu.memref_slice %arg3[%add3A, %add3A_50, %dma_wait3A_77] : memref<32x124x128xi32, #tpu.memory_space<hbm>> -> memref<1x1x128xi32, #tpu.memory_space<hbm>>
        %dma_wait3A_79 = tpu.memref_squeeze %dma_wait3A_78 : memref<1x1x128xi32, #tpu.memory_space<hbm>> -> memref<128xi32, #tpu.memory_space<hbm>>
        tpu.wait_dma2 semaphore(%run_scoped3A : memref<!tpu.dma_semaphore, #tpu.memory_space<semaphore_mem>>) src(%dma_wait3A_79 : memref<128xi32, #tpu.memory_space<hbm>>) dst(%arg8 : memref<128xi32, #tpu.memory_space<vmem>>)
        tpu.yield
      }) : () -> ()
      %add3A_51 = arith.constant 1 : i32
      %add3A_52 = arith.addi %add3A_35, %add3A_51 : i32
      "tpu.region"() ({
        %run_scoped3A = tpu.sem_alloc : memref<!tpu.dma_semaphore, #tpu.memory_space<semaphore_mem>>
        %dma_start3A_68 = arith.constant 0 : i32
        %dma_start3A_69 = tpu.memref_slice %arg4[%add3A, %add3A_52, %dma_start3A_68] : memref<32x124x128xi32, #tpu.memory_space<hbm>> -> memref<1x1x128xi32, #tpu.memory_space<hbm>>
        %dma_start3A_70 = tpu.memref_squeeze %dma_start3A_69 : memref<1x1x128xi32, #tpu.memory_space<hbm>> -> memref<128xi32, #tpu.memory_space<hbm>>
        %dma_start3A_71 = arith.constant 0 : i32
        %dma_start3A_72 = tpu.memref_slice %arg4[%add3A, %add3A_52, %dma_start3A_71] : memref<32x124x128xi32, #tpu.memory_space<hbm>> -> memref<1x1x128xi32, #tpu.memory_space<hbm>>
        %dma_start3A_73 = tpu.memref_squeeze %dma_start3A_72 : memref<1x1x128xi32, #tpu.memory_space<hbm>> -> memref<128xi32, #tpu.memory_space<hbm>>
        tpu.enqueue_dma source(%dma_start3A_73 : memref<128xi32, #tpu.memory_space<hbm>>) target(%arg10 : memref<128xi32, #tpu.memory_space<vmem>>) target_semaphore(%run_scoped3A : memref<!tpu.dma_semaphore, #tpu.memory_space<semaphore_mem>>)
        %dma_wait3A_74 = arith.constant 0 : i32
        %dma_wait3A_75 = tpu.memref_slice %arg4[%add3A, %add3A_52, %dma_wait3A_74] : memref<32x124x128xi32, #tpu.memory_space<hbm>> -> memref<1x1x128xi32, #tpu.memory_space<hbm>>
        %dma_wait3A_76 = tpu.memref_squeeze %dma_wait3A_75 : memref<1x1x128xi32, #tpu.memory_space<hbm>> -> memref<128xi32, #tpu.memory_space<hbm>>
        %dma_wait3A_77 = arith.constant 0 : i32
        %dma_wait3A_78 = tpu.memref_slice %arg4[%add3A, %add3A_52, %dma_wait3A_77] : memref<32x124x128xi32, #tpu.memory_space<hbm>> -> memref<1x1x128xi32, #tpu.memory_space<hbm>>
        %dma_wait3A_79 = tpu.memref_squeeze %dma_wait3A_78 : memref<1x1x128xi32, #tpu.memory_space<hbm>> -> memref<128xi32, #tpu.memory_space<hbm>>
        tpu.wait_dma2 semaphore(%run_scoped3A : memref<!tpu.dma_semaphore, #tpu.memory_space<semaphore_mem>>) src(%dma_wait3A_79 : memref<128xi32, #tpu.memory_space<hbm>>) dst(%arg10 : memref<128xi32, #tpu.memory_space<vmem>>)
        tpu.yield
      }) : () -> ()
      %dma_start3A_53 = arith.constant 0 : i32
      %dma_start3A_54 = arith.constant 0 : i32
      %dma_start3A_55 = tpu.memref_slice %arg2[%dma_start3A_53, %dma_start3A_54] : memref<10240x128xf32, #tpu.memory_space<hbm>> -> memref<10240x128xf32, #tpu.memory_space<hbm>>
      tpu.enqueue_indirect_dma source(%dma_start3A_55 : memref<10240x128xf32, #tpu.memory_space<hbm>>) target(%arg12 : memref<128x128xf32, #tpu.memory_space<vmem>>) offsets(%arg8 : memref<128xi32, #tpu.memory_space<vmem>>) semaphore(%arg14 : memref<!tpu.dma_semaphore, #tpu.memory_space<semaphore_mem>>)
      %dma_wait3A_56 = arith.constant 0 : i32
      %dma_wait3A_57 = arith.constant 0 : i32
      %dma_wait3A_58 = tpu.memref_slice %arg2[%dma_wait3A_56, %dma_wait3A_57] : memref<10240x128xf32, #tpu.memory_space<hbm>> -> memref<10240x128xf32, #tpu.memory_space<hbm>>
      tpu.wait_indirect_dma semaphore(%arg13 : memref<!tpu.dma_semaphore, #tpu.memory_space<semaphore_mem>>) src(%dma_wait3A_58 : memref<10240x128xf32, #tpu.memory_space<hbm>>) dst(%arg11 : memref<128x128xf32, #tpu.memory_space<vmem>>)
      %dma_start3A_59 = arith.constant 0 : i32
      %dma_start3A_60 = arith.constant 0 : i32
      %dma_start3A_61 = tpu.memref_slice %arg17[%dma_start3A_59, %dma_start3A_60] : memref<10240x128xf32, #tpu.memory_space<vmem_shared>> -> memref<10240x128xf32, #tpu.memory_space<vmem_shared>>
      tpu.enqueue_indirect_dma source(%arg11 : memref<128x128xf32, #tpu.memory_space<vmem>>) target(%dma_start3A_61 : memref<10240x128xf32, #tpu.memory_space<vmem_shared>>) offsets(%arg9 : memref<128xi32, #tpu.memory_space<vmem>>) semaphore(%arg15 : memref<!tpu.dma_semaphore, #tpu.memory_space<semaphore_mem>>) {add = true}
      %dma_wait3A_62 = arith.constant 0 : i32
      %dma_wait3A_63 = arith.constant 0 : i32
      %dma_wait3A_64 = tpu.memref_slice %arg2[%dma_wait3A_62, %dma_wait3A_63] : memref<10240x128xf32, #tpu.memory_space<hbm>> -> memref<10240x128xf32, #tpu.memory_space<hbm>>
      tpu.wait_indirect_dma semaphore(%arg14 : memref<!tpu.dma_semaphore, #tpu.memory_space<semaphore_mem>>) src(%dma_wait3A_64 : memref<10240x128xf32, #tpu.memory_space<hbm>>) dst(%arg12 : memref<128x128xf32, #tpu.memory_space<vmem>>)
      %dma_start3A_65 = arith.constant 0 : i32
      %dma_start3A_66 = arith.constant 0 : i32
      %dma_start3A_67 = tpu.memref_slice %arg17[%dma_start3A_65, %dma_start3A_66] : memref<10240x128xf32, #tpu.memory_space<vmem_shared>> -> memref<10240x128xf32, #tpu.memory_space<vmem_shared>>
      tpu.enqueue_indirect_dma source(%arg12 : memref<128x128xf32, #tpu.memory_space<vmem>>) target(%dma_start3A_67 : memref<10240x128xf32, #tpu.memory_space<vmem_shared>>) offsets(%arg10 : memref<128xi32, #tpu.memory_space<vmem>>) semaphore(%arg16 : memref<!tpu.dma_semaphore, #tpu.memory_space<semaphore_mem>>) {add = true}
    }
    %dma_wait3A = arith.constant 0 : i32
    %dma_wait3A_23 = arith.constant 0 : i32
    %dma_wait3A_24 = tpu.memref_slice %arg17[%dma_wait3A, %dma_wait3A_23] : memref<10240x128xf32, #tpu.memory_space<vmem_shared>> -> memref<10240x128xf32, #tpu.memory_space<vmem_shared>>
    tpu.wait_indirect_dma semaphore(%arg15 : memref<!tpu.dma_semaphore, #tpu.memory_space<semaphore_mem>>) src(%arg11 : memref<128x128xf32, #tpu.memory_space<vmem>>) dst(%dma_wait3A_24 : memref<10240x128xf32, #tpu.memory_space<vmem_shared>>)
    %dma_wait3A_25 = arith.constant 0 : i32
    %dma_wait3A_26 = arith.constant 0 : i32
    %dma_wait3A_27 = tpu.memref_slice %arg17[%dma_wait3A_25, %dma_wait3A_26] : memref<10240x128xf32, #tpu.memory_space<vmem_shared>> -> memref<10240x128xf32, #tpu.memory_space<vmem_shared>>
    tpu.wait_indirect_dma semaphore(%arg16 : memref<!tpu.dma_semaphore, #tpu.memory_space<semaphore_mem>>) src(%arg12 : memref<128x128xf32, #tpu.memory_space<vmem>>) dst(%dma_wait3A_27 : memref<10240x128xf32, #tpu.memory_space<vmem_shared>>)
    %barrier3A_28 = arith.constant 0 : index
    tpu.barrier barrier_id(%barrier3A_28)
    %mul3A_29 = arith.constant 640 : i32
    %mul3A_30 = arith.muli %arg1, %mul3A_29 : i32
    %mul3A_31 = arith.constant 640 : i32
    %mul3A_32 = arith.muli %arg1, %mul3A_31 : i32
    "tpu.region"() ({
      %run_scoped3A = tpu.sem_alloc : memref<!tpu.dma_semaphore, #tpu.memory_space<semaphore_mem>>
      %dma_start3A = arith.constant 0 : i32
      %dma_start3A_33 = tpu.memref_slice %arg6[%arg0, %mul3A_32, %dma_start3A] : memref<2x10240x128xf32, #tpu.memory_space<hbm>> -> memref<1x640x128xf32, #tpu.memory_space<hbm>>
      %dma_start3A_34 = tpu.memref_squeeze %dma_start3A_33 : memref<1x640x128xf32, #tpu.memory_space<hbm>> -> memref<640x128xf32, #tpu.memory_space<hbm>>
      %dma_start3A_35 = arith.constant 0 : i32
      %dma_start3A_36 = tpu.memref_slice %arg17[%mul3A_30, %dma_start3A_35] : memref<10240x128xf32, #tpu.memory_space<vmem_shared>> -> memref<640x128xf32, #tpu.memory_space<vmem_shared>>
      tpu.enqueue_dma source(%dma_start3A_36 : memref<640x128xf32, #tpu.memory_space<vmem_shared>>) target(%dma_start3A_34 : memref<640x128xf32, #tpu.memory_space<hbm>>) target_semaphore(%run_scoped3A : memref<!tpu.dma_semaphore, #tpu.memory_space<semaphore_mem>>)
      %dma_wait3A_37 = arith.constant 0 : i32
      %dma_wait3A_38 = tpu.memref_slice %arg6[%arg0, %mul3A_32, %dma_wait3A_37] : memref<2x10240x128xf32, #tpu.memory_space<hbm>> -> memref<1x640x128xf32, #tpu.memory_space<hbm>>
      %dma_wait3A_39 = tpu.memref_squeeze %dma_wait3A_38 : memref<1x640x128xf32, #tpu.memory_space<hbm>> -> memref<640x128xf32, #tpu.memory_space<hbm>>
      %dma_wait3A_40 = arith.constant 0 : i32
      %dma_wait3A_41 = tpu.memref_slice %arg17[%mul3A_30, %dma_wait3A_40] : memref<10240x128xf32, #tpu.memory_space<vmem_shared>> -> memref<640x128xf32, #tpu.memory_space<vmem_shared>>
      tpu.wait_dma2 semaphore(%run_scoped3A : memref<!tpu.dma_semaphore, #tpu.memory_space<semaphore_mem>>) src(%dma_wait3A_41 : memref<640x128xf32, #tpu.memory_space<vmem_shared>>) dst(%dma_wait3A_39 : memref<640x128xf32, #tpu.memory_space<hbm>>)
      tpu.yield
    }) : () -> ()
    return
  }
}

#map = affine_map<(d0, d1) -> (0, 0, 0)>
#map1 = affine_map<(d0, d1) -> (0, 0)>
module attributes {stable_mosaic.version = 14 : i64} {
  func.func @_sc_degree(%arg0: i32, %arg1: i32, %arg2: memref<32x80x128xi32, #tpu.memory_space<hbm>>, %arg3: memref<128x128xf32, #tpu.memory_space<hbm>>, %arg4: memref<10240x128xf32, #tpu.memory_space<hbm>>, %arg5: memref<2x10240x128xf32, #tpu.memory_space<hbm>>, %arg6: memref<128xi32, #tpu.memory_space<vmem>>, %arg7: memref<128xi32, #tpu.memory_space<vmem>>, %arg8: memref<128x128xf32, #tpu.memory_space<vmem>>, %arg9: memref<!tpu.dma_semaphore, #tpu.memory_space<semaphore_mem>>, %arg10: memref<!tpu.dma_semaphore, #tpu.memory_space<semaphore_mem>>, %arg11: memref<10240x128xf32, #tpu.memory_space<vmem_shared>>) attributes {dimension_semantics = [#tpu.dimension_semantics<core_parallel>, #tpu.dimension_semantics<subcore_parallel>], iteration_bounds = array<i64: 2, 16>, scalar_prefetch = 0 : i64, scratch_operands = 6 : i64, tpu.core_type = #tpu.core_type<sc_vector_subcore>, window_params = [{transform_indices = #map}, {transform_indices = #map1}, {transform_indices = #map1}, {transform_indices = #map}]} {
    %mul3A = arith.constant 16 : i32
    %mul3A_0 = arith.muli %arg0, %mul3A : i32
    %add3A = arith.addi %mul3A_0, %arg1 : i32
    %mul3A_1 = arith.constant 640 : i32
    %mul3A_2 = arith.muli %arg1, %mul3A_1 : i32
    %mul3A_3 = arith.constant 640 : i32
    %mul3A_4 = arith.muli %arg1, %mul3A_3 : i32
    "tpu.region"() ({
      %run_scoped3A = tpu.sem_alloc : memref<!tpu.dma_semaphore, #tpu.memory_space<semaphore_mem>>
      %dma_start3A = arith.constant 0 : i32
      %dma_start3A_19 = tpu.memref_slice %arg11[%mul3A_4, %dma_start3A] : memref<10240x128xf32, #tpu.memory_space<vmem_shared>> -> memref<640x128xf32, #tpu.memory_space<vmem_shared>>
      %dma_start3A_20 = arith.constant 0 : i32
      %dma_start3A_21 = tpu.memref_slice %arg4[%mul3A_2, %dma_start3A_20] : memref<10240x128xf32, #tpu.memory_space<hbm>> -> memref<640x128xf32, #tpu.memory_space<hbm>>
      tpu.enqueue_dma source(%dma_start3A_21 : memref<640x128xf32, #tpu.memory_space<hbm>>) target(%dma_start3A_19 : memref<640x128xf32, #tpu.memory_space<vmem_shared>>) target_semaphore(%run_scoped3A : memref<!tpu.dma_semaphore, #tpu.memory_space<semaphore_mem>>)
      %dma_wait3A_22 = arith.constant 0 : i32
      %dma_wait3A_23 = tpu.memref_slice %arg11[%mul3A_4, %dma_wait3A_22] : memref<10240x128xf32, #tpu.memory_space<vmem_shared>> -> memref<640x128xf32, #tpu.memory_space<vmem_shared>>
      %dma_wait3A_24 = arith.constant 0 : i32
      %dma_wait3A_25 = tpu.memref_slice %arg4[%mul3A_2, %dma_wait3A_24] : memref<10240x128xf32, #tpu.memory_space<hbm>> -> memref<640x128xf32, #tpu.memory_space<hbm>>
      tpu.wait_dma2 semaphore(%run_scoped3A : memref<!tpu.dma_semaphore, #tpu.memory_space<semaphore_mem>>) src(%dma_wait3A_25 : memref<640x128xf32, #tpu.memory_space<hbm>>) dst(%dma_wait3A_23 : memref<640x128xf32, #tpu.memory_space<vmem_shared>>)
      tpu.yield
    }) : () -> ()
    "tpu.region"() ({
      %run_scoped3A = tpu.sem_alloc : memref<!tpu.dma_semaphore, #tpu.memory_space<semaphore_mem>>
      tpu.enqueue_dma source(%arg3 : memref<128x128xf32, #tpu.memory_space<hbm>>) target(%arg8 : memref<128x128xf32, #tpu.memory_space<vmem>>) target_semaphore(%run_scoped3A : memref<!tpu.dma_semaphore, #tpu.memory_space<semaphore_mem>>)
      tpu.wait_dma2 semaphore(%run_scoped3A : memref<!tpu.dma_semaphore, #tpu.memory_space<semaphore_mem>>) src(%arg3 : memref<128x128xf32, #tpu.memory_space<hbm>>) dst(%arg8 : memref<128x128xf32, #tpu.memory_space<vmem>>)
      tpu.yield
    }) : () -> ()
    %barrier3A = arith.constant 0 : index
    tpu.barrier barrier_id(%barrier3A)
    %scan3A = arith.constant 0 : i32
    %scan3A_5 = arith.constant 40 : i32
    %scan3A_6 = arith.addi %scan3A, %scan3A_5 : i32
    %scan3A_7 = arith.constant 1 : i32
    scf.for %scan3A_19 = %scan3A to %scan3A_6 step %scan3A_7  : i32 {
      %mul3A_20 = arith.constant 2 : i32
      %mul3A_21 = arith.muli %scan3A_19, %mul3A_20 : i32
      %add3A_22 = arith.constant 0 : i32
      %add3A_23 = arith.addi %add3A_22, %mul3A_21 : i32
      %gt3A = arith.constant 0 : i32
      %gt3A_24 = arith.cmpi sgt, %add3A_23, %gt3A : i32
      %convert_element_type3A = arith.extui %gt3A_24 : i1 to i32
      %cond3A = arith.constant 0 : i32
      %cond3A_25 = arith.cmpi ne, %convert_element_type3A, %cond3A : i32
      scf.if %cond3A_25 {
        %dma_wait3A_40 = arith.constant 0 : i32
        %dma_wait3A_41 = arith.constant 0 : i32
        %dma_wait3A_42 = tpu.memref_slice %arg11[%dma_wait3A_40, %dma_wait3A_41] : memref<10240x128xf32, #tpu.memory_space<vmem_shared>> -> memref<10240x128xf32, #tpu.memory_space<vmem_shared>>
        tpu.wait_indirect_dma semaphore(%arg9 : memref<!tpu.dma_semaphore, #tpu.memory_space<semaphore_mem>>) src(%arg8 : memref<128x128xf32, #tpu.memory_space<vmem>>) dst(%dma_wait3A_42 : memref<10240x128xf32, #tpu.memory_space<vmem_shared>>)
      } else {
      }
      %add3A_26 = arith.constant 0 : i32
      %add3A_27 = arith.addi %add3A_23, %add3A_26 : i32
      "tpu.region"() ({
        %run_scoped3A = tpu.sem_alloc : memref<!tpu.dma_semaphore, #tpu.memory_space<semaphore_mem>>
        %dma_start3A_40 = arith.constant 0 : i32
        %dma_start3A_41 = tpu.memref_slice %arg2[%add3A, %add3A_27, %dma_start3A_40] : memref<32x80x128xi32, #tpu.memory_space<hbm>> -> memref<1x1x128xi32, #tpu.memory_space<hbm>>
        %dma_start3A_42 = tpu.memref_squeeze %dma_start3A_41 : memref<1x1x128xi32, #tpu.memory_space<hbm>> -> memref<128xi32, #tpu.memory_space<hbm>>
        %dma_start3A_43 = arith.constant 0 : i32
        %dma_start3A_44 = tpu.memref_slice %arg2[%add3A, %add3A_27, %dma_start3A_43] : memref<32x80x128xi32, #tpu.memory_space<hbm>> -> memref<1x1x128xi32, #tpu.memory_space<hbm>>
        %dma_start3A_45 = tpu.memref_squeeze %dma_start3A_44 : memref<1x1x128xi32, #tpu.memory_space<hbm>> -> memref<128xi32, #tpu.memory_space<hbm>>
        tpu.enqueue_dma source(%dma_start3A_45 : memref<128xi32, #tpu.memory_space<hbm>>) target(%arg6 : memref<128xi32, #tpu.memory_space<vmem>>) target_semaphore(%run_scoped3A : memref<!tpu.dma_semaphore, #tpu.memory_space<semaphore_mem>>)
        %dma_wait3A_46 = arith.constant 0 : i32
        %dma_wait3A_47 = tpu.memref_slice %arg2[%add3A, %add3A_27, %dma_wait3A_46] : memref<32x80x128xi32, #tpu.memory_space<hbm>> -> memref<1x1x128xi32, #tpu.memory_space<hbm>>
        %dma_wait3A_48 = tpu.memref_squeeze %dma_wait3A_47 : memref<1x1x128xi32, #tpu.memory_space<hbm>> -> memref<128xi32, #tpu.memory_space<hbm>>
        %dma_wait3A_49 = arith.constant 0 : i32
        %dma_wait3A_50 = tpu.memref_slice %arg2[%add3A, %add3A_27, %dma_wait3A_49] : memref<32x80x128xi32, #tpu.memory_space<hbm>> -> memref<1x1x128xi32, #tpu.memory_space<hbm>>
        %dma_wait3A_51 = tpu.memref_squeeze %dma_wait3A_50 : memref<1x1x128xi32, #tpu.memory_space<hbm>> -> memref<128xi32, #tpu.memory_space<hbm>>
        tpu.wait_dma2 semaphore(%run_scoped3A : memref<!tpu.dma_semaphore, #tpu.memory_space<semaphore_mem>>) src(%dma_wait3A_51 : memref<128xi32, #tpu.memory_space<hbm>>) dst(%arg6 : memref<128xi32, #tpu.memory_space<vmem>>)
        tpu.yield
      }) : () -> ()
      %dma_start3A = arith.constant 0 : i32
      %dma_start3A_28 = arith.constant 0 : i32
      %dma_start3A_29 = tpu.memref_slice %arg11[%dma_start3A, %dma_start3A_28] : memref<10240x128xf32, #tpu.memory_space<vmem_shared>> -> memref<10240x128xf32, #tpu.memory_space<vmem_shared>>
      tpu.enqueue_indirect_dma source(%arg8 : memref<128x128xf32, #tpu.memory_space<vmem>>) target(%dma_start3A_29 : memref<10240x128xf32, #tpu.memory_space<vmem_shared>>) offsets(%arg6 : memref<128xi32, #tpu.memory_space<vmem>>) semaphore(%arg9 : memref<!tpu.dma_semaphore, #tpu.memory_space<semaphore_mem>>) {add = true}
      %gt3A_30 = arith.constant 0 : i32
      %gt3A_31 = arith.cmpi sgt, %add3A_23, %gt3A_30 : i32
      %convert_element_type3A_32 = arith.extui %gt3A_31 : i1 to i32
      %cond3A_33 = arith.constant 0 : i32
      %cond3A_34 = arith.cmpi ne, %convert_element_type3A_32, %cond3A_33 : i32
      scf.if %cond3A_34 {
        %dma_wait3A_40 = arith.constant 0 : i32
        %dma_wait3A_41 = arith.constant 0 : i32
        %dma_wait3A_42 = tpu.memref_slice %arg11[%dma_wait3A_40, %dma_wait3A_41] : memref<10240x128xf32, #tpu.memory_space<vmem_shared>> -> memref<10240x128xf32, #tpu.memory_space<vmem_shared>>
        tpu.wait_indirect_dma semaphore(%arg10 : memref<!tpu.dma_semaphore, #tpu.memory_space<semaphore_mem>>) src(%arg8 : memref<128x128xf32, #tpu.memory_space<vmem>>) dst(%dma_wait3A_42 : memref<10240x128xf32, #tpu.memory_space<vmem_shared>>)
      } else {
      }
      %add3A_35 = arith.constant 1 : i32
      %add3A_36 = arith.addi %add3A_23, %add3A_35 : i32
      "tpu.region"() ({
        %run_scoped3A = tpu.sem_alloc : memref<!tpu.dma_semaphore, #tpu.memory_space<semaphore_mem>>
        %dma_start3A_40 = arith.constant 0 : i32
        %dma_start3A_41 = tpu.memref_slice %arg2[%add3A, %add3A_36, %dma_start3A_40] : memref<32x80x128xi32, #tpu.memory_space<hbm>> -> memref<1x1x128xi32, #tpu.memory_space<hbm>>
        %dma_start3A_42 = tpu.memref_squeeze %dma_start3A_41 : memref<1x1x128xi32, #tpu.memory_space<hbm>> -> memref<128xi32, #tpu.memory_space<hbm>>
        %dma_start3A_43 = arith.constant 0 : i32
        %dma_start3A_44 = tpu.memref_slice %arg2[%add3A, %add3A_36, %dma_start3A_43] : memref<32x80x128xi32, #tpu.memory_space<hbm>> -> memref<1x1x128xi32, #tpu.memory_space<hbm>>
        %dma_start3A_45 = tpu.memref_squeeze %dma_start3A_44 : memref<1x1x128xi32, #tpu.memory_space<hbm>> -> memref<128xi32, #tpu.memory_space<hbm>>
        tpu.enqueue_dma source(%dma_start3A_45 : memref<128xi32, #tpu.memory_space<hbm>>) target(%arg7 : memref<128xi32, #tpu.memory_space<vmem>>) target_semaphore(%run_scoped3A : memref<!tpu.dma_semaphore, #tpu.memory_space<semaphore_mem>>)
        %dma_wait3A_46 = arith.constant 0 : i32
        %dma_wait3A_47 = tpu.memref_slice %arg2[%add3A, %add3A_36, %dma_wait3A_46] : memref<32x80x128xi32, #tpu.memory_space<hbm>> -> memref<1x1x128xi32, #tpu.memory_space<hbm>>
        %dma_wait3A_48 = tpu.memref_squeeze %dma_wait3A_47 : memref<1x1x128xi32, #tpu.memory_space<hbm>> -> memref<128xi32, #tpu.memory_space<hbm>>
        %dma_wait3A_49 = arith.constant 0 : i32
        %dma_wait3A_50 = tpu.memref_slice %arg2[%add3A, %add3A_36, %dma_wait3A_49] : memref<32x80x128xi32, #tpu.memory_space<hbm>> -> memref<1x1x128xi32, #tpu.memory_space<hbm>>
        %dma_wait3A_51 = tpu.memref_squeeze %dma_wait3A_50 : memref<1x1x128xi32, #tpu.memory_space<hbm>> -> memref<128xi32, #tpu.memory_space<hbm>>
        tpu.wait_dma2 semaphore(%run_scoped3A : memref<!tpu.dma_semaphore, #tpu.memory_space<semaphore_mem>>) src(%dma_wait3A_51 : memref<128xi32, #tpu.memory_space<hbm>>) dst(%arg7 : memref<128xi32, #tpu.memory_space<vmem>>)
        tpu.yield
      }) : () -> ()
      %dma_start3A_37 = arith.constant 0 : i32
      %dma_start3A_38 = arith.constant 0 : i32
      %dma_start3A_39 = tpu.memref_slice %arg11[%dma_start3A_37, %dma_start3A_38] : memref<10240x128xf32, #tpu.memory_space<vmem_shared>> -> memref<10240x128xf32, #tpu.memory_space<vmem_shared>>
      tpu.enqueue_indirect_dma source(%arg8 : memref<128x128xf32, #tpu.memory_space<vmem>>) target(%dma_start3A_39 : memref<10240x128xf32, #tpu.memory_space<vmem_shared>>) offsets(%arg7 : memref<128xi32, #tpu.memory_space<vmem>>) semaphore(%arg10 : memref<!tpu.dma_semaphore, #tpu.memory_space<semaphore_mem>>) {add = true}
    }
    %scan3A_8 = arith.constant 40 : i32
    %dma_wait3A = arith.constant 0 : i32
    %dma_wait3A_9 = arith.constant 0 : i32
    %dma_wait3A_10 = tpu.memref_slice %arg11[%dma_wait3A, %dma_wait3A_9] : memref<10240x128xf32, #tpu.memory_space<vmem_shared>> -> memref<10240x128xf32, #tpu.memory_space<vmem_shared>>
    tpu.wait_indirect_dma semaphore(%arg9 : memref<!tpu.dma_semaphore, #tpu.memory_space<semaphore_mem>>) src(%arg8 : memref<128x128xf32, #tpu.memory_space<vmem>>) dst(%dma_wait3A_10 : memref<10240x128xf32, #tpu.memory_space<vmem_shared>>)
    %dma_wait3A_11 = arith.constant 0 : i32
    %dma_wait3A_12 = arith.constant 0 : i32
    %dma_wait3A_13 = tpu.memref_slice %arg11[%dma_wait3A_11, %dma_wait3A_12] : memref<10240x128xf32, #tpu.memory_space<vmem_shared>> -> memref<10240x128xf32, #tpu.memory_space<vmem_shared>>
    tpu.wait_indirect_dma semaphore(%arg10 : memref<!tpu.dma_semaphore, #tpu.memory_space<semaphore_mem>>) src(%arg8 : memref<128x128xf32, #tpu.memory_space<vmem>>) dst(%dma_wait3A_13 : memref<10240x128xf32, #tpu.memory_space<vmem_shared>>)
    %barrier3A_14 = arith.constant 0 : index
    tpu.barrier barrier_id(%barrier3A_14)
    %mul3A_15 = arith.constant 640 : i32
    %mul3A_16 = arith.muli %arg1, %mul3A_15 : i32
    %mul3A_17 = arith.constant 640 : i32
    %mul3A_18 = arith.muli %arg1, %mul3A_17 : i32
    "tpu.region"() ({
      %run_scoped3A = tpu.sem_alloc : memref<!tpu.dma_semaphore, #tpu.memory_space<semaphore_mem>>
      %dma_start3A = arith.constant 0 : i32
      %dma_start3A_19 = tpu.memref_slice %arg5[%arg0, %mul3A_18, %dma_start3A] : memref<2x10240x128xf32, #tpu.memory_space<hbm>> -> memref<1x640x128xf32, #tpu.memory_space<hbm>>
      %dma_start3A_20 = tpu.memref_squeeze %dma_start3A_19 : memref<1x640x128xf32, #tpu.memory_space<hbm>> -> memref<640x128xf32, #tpu.memory_space<hbm>>
      %dma_start3A_21 = arith.constant 0 : i32
      %dma_start3A_22 = tpu.memref_slice %arg11[%mul3A_16, %dma_start3A_21] : memref<10240x128xf32, #tpu.memory_space<vmem_shared>> -> memref<640x128xf32, #tpu.memory_space<vmem_shared>>
      tpu.enqueue_dma source(%dma_start3A_22 : memref<640x128xf32, #tpu.memory_space<vmem_shared>>) target(%dma_start3A_20 : memref<640x128xf32, #tpu.memory_space<hbm>>) target_semaphore(%run_scoped3A : memref<!tpu.dma_semaphore, #tpu.memory_space<semaphore_mem>>)
      %dma_wait3A_23 = arith.constant 0 : i32
      %dma_wait3A_24 = tpu.memref_slice %arg5[%arg0, %mul3A_18, %dma_wait3A_23] : memref<2x10240x128xf32, #tpu.memory_space<hbm>> -> memref<1x640x128xf32, #tpu.memory_space<hbm>>
      %dma_wait3A_25 = tpu.memref_squeeze %dma_wait3A_24 : memref<1x640x128xf32, #tpu.memory_space<hbm>> -> memref<640x128xf32, #tpu.memory_space<hbm>>
      %dma_wait3A_26 = arith.constant 0 : i32
      %dma_wait3A_27 = tpu.memref_slice %arg11[%mul3A_16, %dma_wait3A_26] : memref<10240x128xf32, #tpu.memory_space<vmem_shared>> -> memref<640x128xf32, #tpu.memory_space<vmem_shared>>
      tpu.wait_dma2 semaphore(%run_scoped3A : memref<!tpu.dma_semaphore, #tpu.memory_space<semaphore_mem>>) src(%dma_wait3A_27 : memref<640x128xf32, #tpu.memory_space<vmem_shared>>) dst(%dma_wait3A_25 : memref<640x128xf32, #tpu.memory_space<hbm>>)
      tpu.yield
    }) : () -> ()
    return
  }
}

#map = affine_map<(d0, d1) -> (0, 0)>
#map1 = affine_map<(d0, d1) -> (0, 0, 0)>
module attributes {stable_mosaic.version = 14 : i64} {
  func.func @_sc_spmm(%arg0: i32, %arg1: i32, %arg2: memref<10240x128xf32, #tpu.memory_space<hbm>>, %arg3: memref<32x124x128xi32, #tpu.memory_space<hbm>>, %arg4: memref<32x124x128xi32, #tpu.memory_space<hbm>>, %arg5: memref<10240x128xf32, #tpu.memory_space<hbm>>, %arg6: memref<2x10240x128xf32, #tpu.memory_space<hbm>>, %arg7: memref<128xi32, #tpu.memory_space<vmem>>, %arg8: memref<128xi32, #tpu.memory_space<vmem>>, %arg9: memref<128xi32, #tpu.memory_space<vmem>>, %arg10: memref<128xi32, #tpu.memory_space<vmem>>, %arg11: memref<128x128xf32, #tpu.memory_space<vmem>>, %arg12: memref<128x128xf32, #tpu.memory_space<vmem>>, %arg13: memref<!tpu.dma_semaphore, #tpu.memory_space<semaphore_mem>>, %arg14: memref<!tpu.dma_semaphore, #tpu.memory_space<semaphore_mem>>, %arg15: memref<!tpu.dma_semaphore, #tpu.memory_space<semaphore_mem>>, %arg16: memref<!tpu.dma_semaphore, #tpu.memory_space<semaphore_mem>>, %arg17: memref<10240x128xf32, #tpu.memory_space<vmem_shared>>) attributes {dimension_semantics = [#tpu.dimension_semantics<core_parallel>, #tpu.dimension_semantics<subcore_parallel>], iteration_bounds = array<i64: 2, 16>, scalar_prefetch = 0 : i64, scratch_operands = 11 : i64, tpu.core_type = #tpu.core_type<sc_vector_subcore>, window_params = [{transform_indices = #map}, {transform_indices = #map1}, {transform_indices = #map1}, {transform_indices = #map}, {transform_indices = #map1}]} {
    %mul3A = arith.constant 16 : i32
    %mul3A_0 = arith.muli %arg0, %mul3A : i32
    %add3A = arith.addi %mul3A_0, %arg1 : i32
    %eq3A = arith.constant 0 : i32
    %eq3A_1 = arith.cmpi eq, %arg0, %eq3A : i32
    %jit3A = arith.constant 124 : i32
    %jit3A_2 = arith.constant 36 : i32
    %select_n3A = arith.select %eq3A_1, %jit3A, %jit3A_2 : i32
    %mul3A_3 = arith.constant 640 : i32
    %mul3A_4 = arith.muli %arg1, %mul3A_3 : i32
    %mul3A_5 = arith.constant 640 : i32
    %mul3A_6 = arith.muli %arg1, %mul3A_5 : i32
    "tpu.region"() ({
      %run_scoped3A = tpu.sem_alloc : memref<!tpu.dma_semaphore, #tpu.memory_space<semaphore_mem>>
      %dma_start3A = arith.constant 0 : i32
      %dma_start3A_33 = tpu.memref_slice %arg17[%mul3A_6, %dma_start3A] : memref<10240x128xf32, #tpu.memory_space<vmem_shared>> -> memref<640x128xf32, #tpu.memory_space<vmem_shared>>
      %dma_start3A_34 = arith.constant 0 : i32
      %dma_start3A_35 = tpu.memref_slice %arg5[%mul3A_4, %dma_start3A_34] : memref<10240x128xf32, #tpu.memory_space<hbm>> -> memref<640x128xf32, #tpu.memory_space<hbm>>
      tpu.enqueue_dma source(%dma_start3A_35 : memref<640x128xf32, #tpu.memory_space<hbm>>) target(%dma_start3A_33 : memref<640x128xf32, #tpu.memory_space<vmem_shared>>) target_semaphore(%run_scoped3A : memref<!tpu.dma_semaphore, #tpu.memory_space<semaphore_mem>>)
      %dma_wait3A_36 = arith.constant 0 : i32
      %dma_wait3A_37 = tpu.memref_slice %arg17[%mul3A_6, %dma_wait3A_36] : memref<10240x128xf32, #tpu.memory_space<vmem_shared>> -> memref<640x128xf32, #tpu.memory_space<vmem_shared>>
      %dma_wait3A_38 = arith.constant 0 : i32
      %dma_wait3A_39 = tpu.memref_slice %arg5[%mul3A_4, %dma_wait3A_38] : memref<10240x128xf32, #tpu.memory_space<hbm>> -> memref<640x128xf32, #tpu.memory_space<hbm>>
      tpu.wait_dma2 semaphore(%run_scoped3A : memref<!tpu.dma_semaphore, #tpu.memory_space<semaphore_mem>>) src(%dma_wait3A_39 : memref<640x128xf32, #tpu.memory_space<hbm>>) dst(%dma_wait3A_37 : memref<640x128xf32, #tpu.memory_space<vmem_shared>>)
      tpu.yield
    }) : () -> ()
    %barrier3A = arith.constant 0 : index
    tpu.barrier barrier_id(%barrier3A)
    %sub3A = arith.constant 0 : i32
    %sub3A_7 = arith.subi %select_n3A, %sub3A : i32
    %sub3A_8 = arith.constant 2 : i32
    %sub3A_9 = arith.constant 1 : i32
    %sub3A_10 = arith.subi %sub3A_8, %sub3A_9 : i32
    %add3A_11 = arith.addi %sub3A_7, %sub3A_10 : i32
    %div3A = arith.constant 2 : i32
    %div3A_12 = arith.divsi %add3A_11, %div3A : i32
    %while3A = arith.constant 2 : i32
    %while3A_13 = arith.constant 0 : i32
    %while3A_14 = arith.constant 0 : i32
    %while3A_15 = arith.subi %div3A_12, %while3A_14 : i32
    %while3A_16 = arith.addi %while3A_14, %while3A_15 : i32
    %while3A_17 = arith.constant 1 : i32
    %while3A_18 = arith.divsi %while3A_15, %while3A_17 : i32
    %while3A_19 = arith.muli %while3A_18, %while3A_17 : i32
    %while3A_20 = arith.addi %while3A_14, %while3A_19 : i32
    %while3A_21 = arith.constant 1 : i32
    scf.for %while3A_33 = %while3A_14 to %while3A_20 step %while3A_21  : i32 {
      %mul3A_34 = arith.muli %while3A_33, %while3A : i32
      %add3A_35 = arith.addi %while3A_13, %mul3A_34 : i32
      %gt3A = arith.constant 0 : i32
      %gt3A_36 = arith.cmpi sgt, %add3A_35, %gt3A : i32
      %convert_element_type3A = arith.extui %gt3A_36 : i1 to i32
      %cond3A = arith.constant 0 : i32
      %cond3A_37 = arith.cmpi ne, %convert_element_type3A, %cond3A : i32
      scf.if %cond3A_37 {
        %dma_wait3A_68 = arith.constant 0 : i32
        %dma_wait3A_69 = arith.constant 0 : i32
        %dma_wait3A_70 = tpu.memref_slice %arg17[%dma_wait3A_68, %dma_wait3A_69] : memref<10240x128xf32, #tpu.memory_space<vmem_shared>> -> memref<10240x128xf32, #tpu.memory_space<vmem_shared>>
        tpu.wait_indirect_dma semaphore(%arg15 : memref<!tpu.dma_semaphore, #tpu.memory_space<semaphore_mem>>) src(%arg11 : memref<128x128xf32, #tpu.memory_space<vmem>>) dst(%dma_wait3A_70 : memref<10240x128xf32, #tpu.memory_space<vmem_shared>>)
      } else {
      }
      %add3A_38 = arith.constant 0 : i32
      %add3A_39 = arith.addi %add3A_35, %add3A_38 : i32
      "tpu.region"() ({
        %run_scoped3A = tpu.sem_alloc : memref<!tpu.dma_semaphore, #tpu.memory_space<semaphore_mem>>
        %dma_start3A_68 = arith.constant 0 : i32
        %dma_start3A_69 = tpu.memref_slice %arg3[%add3A, %add3A_39, %dma_start3A_68] : memref<32x124x128xi32, #tpu.memory_space<hbm>> -> memref<1x1x128xi32, #tpu.memory_space<hbm>>
        %dma_start3A_70 = tpu.memref_squeeze %dma_start3A_69 : memref<1x1x128xi32, #tpu.memory_space<hbm>> -> memref<128xi32, #tpu.memory_space<hbm>>
        %dma_start3A_71 = arith.constant 0 : i32
        %dma_start3A_72 = tpu.memref_slice %arg3[%add3A, %add3A_39, %dma_start3A_71] : memref<32x124x128xi32, #tpu.memory_space<hbm>> -> memref<1x1x128xi32, #tpu.memory_space<hbm>>
        %dma_start3A_73 = tpu.memref_squeeze %dma_start3A_72 : memref<1x1x128xi32, #tpu.memory_space<hbm>> -> memref<128xi32, #tpu.memory_space<hbm>>
        tpu.enqueue_dma source(%dma_start3A_73 : memref<128xi32, #tpu.memory_space<hbm>>) target(%arg7 : memref<128xi32, #tpu.memory_space<vmem>>) target_semaphore(%run_scoped3A : memref<!tpu.dma_semaphore, #tpu.memory_space<semaphore_mem>>)
        %dma_wait3A_74 = arith.constant 0 : i32
        %dma_wait3A_75 = tpu.memref_slice %arg3[%add3A, %add3A_39, %dma_wait3A_74] : memref<32x124x128xi32, #tpu.memory_space<hbm>> -> memref<1x1x128xi32, #tpu.memory_space<hbm>>
        %dma_wait3A_76 = tpu.memref_squeeze %dma_wait3A_75 : memref<1x1x128xi32, #tpu.memory_space<hbm>> -> memref<128xi32, #tpu.memory_space<hbm>>
        %dma_wait3A_77 = arith.constant 0 : i32
        %dma_wait3A_78 = tpu.memref_slice %arg3[%add3A, %add3A_39, %dma_wait3A_77] : memref<32x124x128xi32, #tpu.memory_space<hbm>> -> memref<1x1x128xi32, #tpu.memory_space<hbm>>
        %dma_wait3A_79 = tpu.memref_squeeze %dma_wait3A_78 : memref<1x1x128xi32, #tpu.memory_space<hbm>> -> memref<128xi32, #tpu.memory_space<hbm>>
        tpu.wait_dma2 semaphore(%run_scoped3A : memref<!tpu.dma_semaphore, #tpu.memory_space<semaphore_mem>>) src(%dma_wait3A_79 : memref<128xi32, #tpu.memory_space<hbm>>) dst(%arg7 : memref<128xi32, #tpu.memory_space<vmem>>)
        tpu.yield
      }) : () -> ()
      %add3A_40 = arith.constant 0 : i32
      %add3A_41 = arith.addi %add3A_35, %add3A_40 : i32
      "tpu.region"() ({
        %run_scoped3A = tpu.sem_alloc : memref<!tpu.dma_semaphore, #tpu.memory_space<semaphore_mem>>
        %dma_start3A_68 = arith.constant 0 : i32
        %dma_start3A_69 = tpu.memref_slice %arg4[%add3A, %add3A_41, %dma_start3A_68] : memref<32x124x128xi32, #tpu.memory_space<hbm>> -> memref<1x1x128xi32, #tpu.memory_space<hbm>>
        %dma_start3A_70 = tpu.memref_squeeze %dma_start3A_69 : memref<1x1x128xi32, #tpu.memory_space<hbm>> -> memref<128xi32, #tpu.memory_space<hbm>>
        %dma_start3A_71 = arith.constant 0 : i32
        %dma_start3A_72 = tpu.memref_slice %arg4[%add3A, %add3A_41, %dma_start3A_71] : memref<32x124x128xi32, #tpu.memory_space<hbm>> -> memref<1x1x128xi32, #tpu.memory_space<hbm>>
        %dma_start3A_73 = tpu.memref_squeeze %dma_start3A_72 : memref<1x1x128xi32, #tpu.memory_space<hbm>> -> memref<128xi32, #tpu.memory_space<hbm>>
        tpu.enqueue_dma source(%dma_start3A_73 : memref<128xi32, #tpu.memory_space<hbm>>) target(%arg9 : memref<128xi32, #tpu.memory_space<vmem>>) target_semaphore(%run_scoped3A : memref<!tpu.dma_semaphore, #tpu.memory_space<semaphore_mem>>)
        %dma_wait3A_74 = arith.constant 0 : i32
        %dma_wait3A_75 = tpu.memref_slice %arg4[%add3A, %add3A_41, %dma_wait3A_74] : memref<32x124x128xi32, #tpu.memory_space<hbm>> -> memref<1x1x128xi32, #tpu.memory_space<hbm>>
        %dma_wait3A_76 = tpu.memref_squeeze %dma_wait3A_75 : memref<1x1x128xi32, #tpu.memory_space<hbm>> -> memref<128xi32, #tpu.memory_space<hbm>>
        %dma_wait3A_77 = arith.constant 0 : i32
        %dma_wait3A_78 = tpu.memref_slice %arg4[%add3A, %add3A_41, %dma_wait3A_77] : memref<32x124x128xi32, #tpu.memory_space<hbm>> -> memref<1x1x128xi32, #tpu.memory_space<hbm>>
        %dma_wait3A_79 = tpu.memref_squeeze %dma_wait3A_78 : memref<1x1x128xi32, #tpu.memory_space<hbm>> -> memref<128xi32, #tpu.memory_space<hbm>>
        tpu.wait_dma2 semaphore(%run_scoped3A : memref<!tpu.dma_semaphore, #tpu.memory_space<semaphore_mem>>) src(%dma_wait3A_79 : memref<128xi32, #tpu.memory_space<hbm>>) dst(%arg9 : memref<128xi32, #tpu.memory_space<vmem>>)
        tpu.yield
      }) : () -> ()
      %dma_start3A = arith.constant 0 : i32
      %dma_start3A_42 = arith.constant 0 : i32
      %dma_start3A_43 = tpu.memref_slice %arg2[%dma_start3A, %dma_start3A_42] : memref<10240x128xf32, #tpu.memory_space<hbm>> -> memref<10240x128xf32, #tpu.memory_space<hbm>>
      tpu.enqueue_indirect_dma source(%dma_start3A_43 : memref<10240x128xf32, #tpu.memory_space<hbm>>) target(%arg11 : memref<128x128xf32, #tpu.memory_space<vmem>>) offsets(%arg7 : memref<128xi32, #tpu.memory_space<vmem>>) semaphore(%arg13 : memref<!tpu.dma_semaphore, #tpu.memory_space<semaphore_mem>>)
      %gt3A_44 = arith.constant 0 : i32
      %gt3A_45 = arith.cmpi sgt, %add3A_35, %gt3A_44 : i32
      %convert_element_type3A_46 = arith.extui %gt3A_45 : i1 to i32
      %cond3A_47 = arith.constant 0 : i32
      %cond3A_48 = arith.cmpi ne, %convert_element_type3A_46, %cond3A_47 : i32
      scf.if %cond3A_48 {
        %dma_wait3A_68 = arith.constant 0 : i32
        %dma_wait3A_69 = arith.constant 0 : i32
        %dma_wait3A_70 = tpu.memref_slice %arg17[%dma_wait3A_68, %dma_wait3A_69] : memref<10240x128xf32, #tpu.memory_space<vmem_shared>> -> memref<10240x128xf32, #tpu.memory_space<vmem_shared>>
        tpu.wait_indirect_dma semaphore(%arg16 : memref<!tpu.dma_semaphore, #tpu.memory_space<semaphore_mem>>) src(%arg12 : memref<128x128xf32, #tpu.memory_space<vmem>>) dst(%dma_wait3A_70 : memref<10240x128xf32, #tpu.memory_space<vmem_shared>>)
      } else {
      }
      %add3A_49 = arith.constant 1 : i32
      %add3A_50 = arith.addi %add3A_35, %add3A_49 : i32
      "tpu.region"() ({
        %run_scoped3A = tpu.sem_alloc : memref<!tpu.dma_semaphore, #tpu.memory_space<semaphore_mem>>
        %dma_start3A_68 = arith.constant 0 : i32
        %dma_start3A_69 = tpu.memref_slice %arg3[%add3A, %add3A_50, %dma_start3A_68] : memref<32x124x128xi32, #tpu.memory_space<hbm>> -> memref<1x1x128xi32, #tpu.memory_space<hbm>>
        %dma_start3A_70 = tpu.memref_squeeze %dma_start3A_69 : memref<1x1x128xi32, #tpu.memory_space<hbm>> -> memref<128xi32, #tpu.memory_space<hbm>>
        %dma_start3A_71 = arith.constant 0 : i32
        %dma_start3A_72 = tpu.memref_slice %arg3[%add3A, %add3A_50, %dma_start3A_71] : memref<32x124x128xi32, #tpu.memory_space<hbm>> -> memref<1x1x128xi32, #tpu.memory_space<hbm>>
        %dma_start3A_73 = tpu.memref_squeeze %dma_start3A_72 : memref<1x1x128xi32, #tpu.memory_space<hbm>> -> memref<128xi32, #tpu.memory_space<hbm>>
        tpu.enqueue_dma source(%dma_start3A_73 : memref<128xi32, #tpu.memory_space<hbm>>) target(%arg8 : memref<128xi32, #tpu.memory_space<vmem>>) target_semaphore(%run_scoped3A : memref<!tpu.dma_semaphore, #tpu.memory_space<semaphore_mem>>)
        %dma_wait3A_74 = arith.constant 0 : i32
        %dma_wait3A_75 = tpu.memref_slice %arg3[%add3A, %add3A_50, %dma_wait3A_74] : memref<32x124x128xi32, #tpu.memory_space<hbm>> -> memref<1x1x128xi32, #tpu.memory_space<hbm>>
        %dma_wait3A_76 = tpu.memref_squeeze %dma_wait3A_75 : memref<1x1x128xi32, #tpu.memory_space<hbm>> -> memref<128xi32, #tpu.memory_space<hbm>>
        %dma_wait3A_77 = arith.constant 0 : i32
        %dma_wait3A_78 = tpu.memref_slice %arg3[%add3A, %add3A_50, %dma_wait3A_77] : memref<32x124x128xi32, #tpu.memory_space<hbm>> -> memref<1x1x128xi32, #tpu.memory_space<hbm>>
        %dma_wait3A_79 = tpu.memref_squeeze %dma_wait3A_78 : memref<1x1x128xi32, #tpu.memory_space<hbm>> -> memref<128xi32, #tpu.memory_space<hbm>>
        tpu.wait_dma2 semaphore(%run_scoped3A : memref<!tpu.dma_semaphore, #tpu.memory_space<semaphore_mem>>) src(%dma_wait3A_79 : memref<128xi32, #tpu.memory_space<hbm>>) dst(%arg8 : memref<128xi32, #tpu.memory_space<vmem>>)
        tpu.yield
      }) : () -> ()
      %add3A_51 = arith.constant 1 : i32
      %add3A_52 = arith.addi %add3A_35, %add3A_51 : i32
      "tpu.region"() ({
        %run_scoped3A = tpu.sem_alloc : memref<!tpu.dma_semaphore, #tpu.memory_space<semaphore_mem>>
        %dma_start3A_68 = arith.constant 0 : i32
        %dma_start3A_69 = tpu.memref_slice %arg4[%add3A, %add3A_52, %dma_start3A_68] : memref<32x124x128xi32, #tpu.memory_space<hbm>> -> memref<1x1x128xi32, #tpu.memory_space<hbm>>
        %dma_start3A_70 = tpu.memref_squeeze %dma_start3A_69 : memref<1x1x128xi32, #tpu.memory_space<hbm>> -> memref<128xi32, #tpu.memory_space<hbm>>
        %dma_start3A_71 = arith.constant 0 : i32
        %dma_start3A_72 = tpu.memref_slice %arg4[%add3A, %add3A_52, %dma_start3A_71] : memref<32x124x128xi32, #tpu.memory_space<hbm>> -> memref<1x1x128xi32, #tpu.memory_space<hbm>>
        %dma_start3A_73 = tpu.memref_squeeze %dma_start3A_72 : memref<1x1x128xi32, #tpu.memory_space<hbm>> -> memref<128xi32, #tpu.memory_space<hbm>>
        tpu.enqueue_dma source(%dma_start3A_73 : memref<128xi32, #tpu.memory_space<hbm>>) target(%arg10 : memref<128xi32, #tpu.memory_space<vmem>>) target_semaphore(%run_scoped3A : memref<!tpu.dma_semaphore, #tpu.memory_space<semaphore_mem>>)
        %dma_wait3A_74 = arith.constant 0 : i32
        %dma_wait3A_75 = tpu.memref_slice %arg4[%add3A, %add3A_52, %dma_wait3A_74] : memref<32x124x128xi32, #tpu.memory_space<hbm>> -> memref<1x1x128xi32, #tpu.memory_space<hbm>>
        %dma_wait3A_76 = tpu.memref_squeeze %dma_wait3A_75 : memref<1x1x128xi32, #tpu.memory_space<hbm>> -> memref<128xi32, #tpu.memory_space<hbm>>
        %dma_wait3A_77 = arith.constant 0 : i32
        %dma_wait3A_78 = tpu.memref_slice %arg4[%add3A, %add3A_52, %dma_wait3A_77] : memref<32x124x128xi32, #tpu.memory_space<hbm>> -> memref<1x1x128xi32, #tpu.memory_space<hbm>>
        %dma_wait3A_79 = tpu.memref_squeeze %dma_wait3A_78 : memref<1x1x128xi32, #tpu.memory_space<hbm>> -> memref<128xi32, #tpu.memory_space<hbm>>
        tpu.wait_dma2 semaphore(%run_scoped3A : memref<!tpu.dma_semaphore, #tpu.memory_space<semaphore_mem>>) src(%dma_wait3A_79 : memref<128xi32, #tpu.memory_space<hbm>>) dst(%arg10 : memref<128xi32, #tpu.memory_space<vmem>>)
        tpu.yield
      }) : () -> ()
      %dma_start3A_53 = arith.constant 0 : i32
      %dma_start3A_54 = arith.constant 0 : i32
      %dma_start3A_55 = tpu.memref_slice %arg2[%dma_start3A_53, %dma_start3A_54] : memref<10240x128xf32, #tpu.memory_space<hbm>> -> memref<10240x128xf32, #tpu.memory_space<hbm>>
      tpu.enqueue_indirect_dma source(%dma_start3A_55 : memref<10240x128xf32, #tpu.memory_space<hbm>>) target(%arg12 : memref<128x128xf32, #tpu.memory_space<vmem>>) offsets(%arg8 : memref<128xi32, #tpu.memory_space<vmem>>) semaphore(%arg14 : memref<!tpu.dma_semaphore, #tpu.memory_space<semaphore_mem>>)
      %dma_wait3A_56 = arith.constant 0 : i32
      %dma_wait3A_57 = arith.constant 0 : i32
      %dma_wait3A_58 = tpu.memref_slice %arg2[%dma_wait3A_56, %dma_wait3A_57] : memref<10240x128xf32, #tpu.memory_space<hbm>> -> memref<10240x128xf32, #tpu.memory_space<hbm>>
      tpu.wait_indirect_dma semaphore(%arg13 : memref<!tpu.dma_semaphore, #tpu.memory_space<semaphore_mem>>) src(%dma_wait3A_58 : memref<10240x128xf32, #tpu.memory_space<hbm>>) dst(%arg11 : memref<128x128xf32, #tpu.memory_space<vmem>>)
      %dma_start3A_59 = arith.constant 0 : i32
      %dma_start3A_60 = arith.constant 0 : i32
      %dma_start3A_61 = tpu.memref_slice %arg17[%dma_start3A_59, %dma_start3A_60] : memref<10240x128xf32, #tpu.memory_space<vmem_shared>> -> memref<10240x128xf32, #tpu.memory_space<vmem_shared>>
      tpu.enqueue_indirect_dma source(%arg11 : memref<128x128xf32, #tpu.memory_space<vmem>>) target(%dma_start3A_61 : memref<10240x128xf32, #tpu.memory_space<vmem_shared>>) offsets(%arg9 : memref<128xi32, #tpu.memory_space<vmem>>) semaphore(%arg15 : memref<!tpu.dma_semaphore, #tpu.memory_space<semaphore_mem>>) {add = true}
      %dma_wait3A_62 = arith.constant 0 : i32
      %dma_wait3A_63 = arith.constant 0 : i32
      %dma_wait3A_64 = tpu.memref_slice %arg2[%dma_wait3A_62, %dma_wait3A_63] : memref<10240x128xf32, #tpu.memory_space<hbm>> -> memref<10240x128xf32, #tpu.memory_space<hbm>>
      tpu.wait_indirect_dma semaphore(%arg14 : memref<!tpu.dma_semaphore, #tpu.memory_space<semaphore_mem>>) src(%dma_wait3A_64 : memref<10240x128xf32, #tpu.memory_space<hbm>>) dst(%arg12 : memref<128x128xf32, #tpu.memory_space<vmem>>)
      %dma_start3A_65 = arith.constant 0 : i32
      %dma_start3A_66 = arith.constant 0 : i32
      %dma_start3A_67 = tpu.memref_slice %arg17[%dma_start3A_65, %dma_start3A_66] : memref<10240x128xf32, #tpu.memory_space<vmem_shared>> -> memref<10240x128xf32, #tpu.memory_space<vmem_shared>>
      tpu.enqueue_indirect_dma source(%arg12 : memref<128x128xf32, #tpu.memory_space<vmem>>) target(%dma_start3A_67 : memref<10240x128xf32, #tpu.memory_space<vmem_shared>>) offsets(%arg10 : memref<128xi32, #tpu.memory_space<vmem>>) semaphore(%arg16 : memref<!tpu.dma_semaphore, #tpu.memory_space<semaphore_mem>>) {add = true}
    }
    %while3A_22 = arith.constant 1 : i32
    scf.for %while3A_33 = %while3A_20 to %while3A_16 step %while3A_22  : i32 {
      %mul3A_34 = arith.muli %while3A_33, %while3A : i32
      %add3A_35 = arith.addi %while3A_13, %mul3A_34 : i32
      %gt3A = arith.constant 0 : i32
      %gt3A_36 = arith.cmpi sgt, %add3A_35, %gt3A : i32
      %convert_element_type3A = arith.extui %gt3A_36 : i1 to i32
      %cond3A = arith.constant 0 : i32
      %cond3A_37 = arith.cmpi ne, %convert_element_type3A, %cond3A : i32
      scf.if %cond3A_37 {
        %dma_wait3A_68 = arith.constant 0 : i32
        %dma_wait3A_69 = arith.constant 0 : i32
        %dma_wait3A_70 = tpu.memref_slice %arg17[%dma_wait3A_68, %dma_wait3A_69] : memref<10240x128xf32, #tpu.memory_space<vmem_shared>> -> memref<10240x128xf32, #tpu.memory_space<vmem_shared>>
        tpu.wait_indirect_dma semaphore(%arg15 : memref<!tpu.dma_semaphore, #tpu.memory_space<semaphore_mem>>) src(%arg11 : memref<128x128xf32, #tpu.memory_space<vmem>>) dst(%dma_wait3A_70 : memref<10240x128xf32, #tpu.memory_space<vmem_shared>>)
      } else {
      }
      %add3A_38 = arith.constant 0 : i32
      %add3A_39 = arith.addi %add3A_35, %add3A_38 : i32
      "tpu.region"() ({
        %run_scoped3A = tpu.sem_alloc : memref<!tpu.dma_semaphore, #tpu.memory_space<semaphore_mem>>
        %dma_start3A_68 = arith.constant 0 : i32
        %dma_start3A_69 = tpu.memref_slice %arg3[%add3A, %add3A_39, %dma_start3A_68] : memref<32x124x128xi32, #tpu.memory_space<hbm>> -> memref<1x1x128xi32, #tpu.memory_space<hbm>>
        %dma_start3A_70 = tpu.memref_squeeze %dma_start3A_69 : memref<1x1x128xi32, #tpu.memory_space<hbm>> -> memref<128xi32, #tpu.memory_space<hbm>>
        %dma_start3A_71 = arith.constant 0 : i32
        %dma_start3A_72 = tpu.memref_slice %arg3[%add3A, %add3A_39, %dma_start3A_71] : memref<32x124x128xi32, #tpu.memory_space<hbm>> -> memref<1x1x128xi32, #tpu.memory_space<hbm>>
        %dma_start3A_73 = tpu.memref_squeeze %dma_start3A_72 : memref<1x1x128xi32, #tpu.memory_space<hbm>> -> memref<128xi32, #tpu.memory_space<hbm>>
        tpu.enqueue_dma source(%dma_start3A_73 : memref<128xi32, #tpu.memory_space<hbm>>) target(%arg7 : memref<128xi32, #tpu.memory_space<vmem>>) target_semaphore(%run_scoped3A : memref<!tpu.dma_semaphore, #tpu.memory_space<semaphore_mem>>)
        %dma_wait3A_74 = arith.constant 0 : i32
        %dma_wait3A_75 = tpu.memref_slice %arg3[%add3A, %add3A_39, %dma_wait3A_74] : memref<32x124x128xi32, #tpu.memory_space<hbm>> -> memref<1x1x128xi32, #tpu.memory_space<hbm>>
        %dma_wait3A_76 = tpu.memref_squeeze %dma_wait3A_75 : memref<1x1x128xi32, #tpu.memory_space<hbm>> -> memref<128xi32, #tpu.memory_space<hbm>>
        %dma_wait3A_77 = arith.constant 0 : i32
        %dma_wait3A_78 = tpu.memref_slice %arg3[%add3A, %add3A_39, %dma_wait3A_77] : memref<32x124x128xi32, #tpu.memory_space<hbm>> -> memref<1x1x128xi32, #tpu.memory_space<hbm>>
        %dma_wait3A_79 = tpu.memref_squeeze %dma_wait3A_78 : memref<1x1x128xi32, #tpu.memory_space<hbm>> -> memref<128xi32, #tpu.memory_space<hbm>>
        tpu.wait_dma2 semaphore(%run_scoped3A : memref<!tpu.dma_semaphore, #tpu.memory_space<semaphore_mem>>) src(%dma_wait3A_79 : memref<128xi32, #tpu.memory_space<hbm>>) dst(%arg7 : memref<128xi32, #tpu.memory_space<vmem>>)
        tpu.yield
      }) : () -> ()
      %add3A_40 = arith.constant 0 : i32
      %add3A_41 = arith.addi %add3A_35, %add3A_40 : i32
      "tpu.region"() ({
        %run_scoped3A = tpu.sem_alloc : memref<!tpu.dma_semaphore, #tpu.memory_space<semaphore_mem>>
        %dma_start3A_68 = arith.constant 0 : i32
        %dma_start3A_69 = tpu.memref_slice %arg4[%add3A, %add3A_41, %dma_start3A_68] : memref<32x124x128xi32, #tpu.memory_space<hbm>> -> memref<1x1x128xi32, #tpu.memory_space<hbm>>
        %dma_start3A_70 = tpu.memref_squeeze %dma_start3A_69 : memref<1x1x128xi32, #tpu.memory_space<hbm>> -> memref<128xi32, #tpu.memory_space<hbm>>
        %dma_start3A_71 = arith.constant 0 : i32
        %dma_start3A_72 = tpu.memref_slice %arg4[%add3A, %add3A_41, %dma_start3A_71] : memref<32x124x128xi32, #tpu.memory_space<hbm>> -> memref<1x1x128xi32, #tpu.memory_space<hbm>>
        %dma_start3A_73 = tpu.memref_squeeze %dma_start3A_72 : memref<1x1x128xi32, #tpu.memory_space<hbm>> -> memref<128xi32, #tpu.memory_space<hbm>>
        tpu.enqueue_dma source(%dma_start3A_73 : memref<128xi32, #tpu.memory_space<hbm>>) target(%arg9 : memref<128xi32, #tpu.memory_space<vmem>>) target_semaphore(%run_scoped3A : memref<!tpu.dma_semaphore, #tpu.memory_space<semaphore_mem>>)
        %dma_wait3A_74 = arith.constant 0 : i32
        %dma_wait3A_75 = tpu.memref_slice %arg4[%add3A, %add3A_41, %dma_wait3A_74] : memref<32x124x128xi32, #tpu.memory_space<hbm>> -> memref<1x1x128xi32, #tpu.memory_space<hbm>>
        %dma_wait3A_76 = tpu.memref_squeeze %dma_wait3A_75 : memref<1x1x128xi32, #tpu.memory_space<hbm>> -> memref<128xi32, #tpu.memory_space<hbm>>
        %dma_wait3A_77 = arith.constant 0 : i32
        %dma_wait3A_78 = tpu.memref_slice %arg4[%add3A, %add3A_41, %dma_wait3A_77] : memref<32x124x128xi32, #tpu.memory_space<hbm>> -> memref<1x1x128xi32, #tpu.memory_space<hbm>>
        %dma_wait3A_79 = tpu.memref_squeeze %dma_wait3A_78 : memref<1x1x128xi32, #tpu.memory_space<hbm>> -> memref<128xi32, #tpu.memory_space<hbm>>
        tpu.wait_dma2 semaphore(%run_scoped3A : memref<!tpu.dma_semaphore, #tpu.memory_space<semaphore_mem>>) src(%dma_wait3A_79 : memref<128xi32, #tpu.memory_space<hbm>>) dst(%arg9 : memref<128xi32, #tpu.memory_space<vmem>>)
        tpu.yield
      }) : () -> ()
      %dma_start3A = arith.constant 0 : i32
      %dma_start3A_42 = arith.constant 0 : i32
      %dma_start3A_43 = tpu.memref_slice %arg2[%dma_start3A, %dma_start3A_42] : memref<10240x128xf32, #tpu.memory_space<hbm>> -> memref<10240x128xf32, #tpu.memory_space<hbm>>
      tpu.enqueue_indirect_dma source(%dma_start3A_43 : memref<10240x128xf32, #tpu.memory_space<hbm>>) target(%arg11 : memref<128x128xf32, #tpu.memory_space<vmem>>) offsets(%arg7 : memref<128xi32, #tpu.memory_space<vmem>>) semaphore(%arg13 : memref<!tpu.dma_semaphore, #tpu.memory_space<semaphore_mem>>)
      %gt3A_44 = arith.constant 0 : i32
      %gt3A_45 = arith.cmpi sgt, %add3A_35, %gt3A_44 : i32
      %convert_element_type3A_46 = arith.extui %gt3A_45 : i1 to i32
      %cond3A_47 = arith.constant 0 : i32
      %cond3A_48 = arith.cmpi ne, %convert_element_type3A_46, %cond3A_47 : i32
      scf.if %cond3A_48 {
        %dma_wait3A_68 = arith.constant 0 : i32
        %dma_wait3A_69 = arith.constant 0 : i32
        %dma_wait3A_70 = tpu.memref_slice %arg17[%dma_wait3A_68, %dma_wait3A_69] : memref<10240x128xf32, #tpu.memory_space<vmem_shared>> -> memref<10240x128xf32, #tpu.memory_space<vmem_shared>>
        tpu.wait_indirect_dma semaphore(%arg16 : memref<!tpu.dma_semaphore, #tpu.memory_space<semaphore_mem>>) src(%arg12 : memref<128x128xf32, #tpu.memory_space<vmem>>) dst(%dma_wait3A_70 : memref<10240x128xf32, #tpu.memory_space<vmem_shared>>)
      } else {
      }
      %add3A_49 = arith.constant 1 : i32
      %add3A_50 = arith.addi %add3A_35, %add3A_49 : i32
      "tpu.region"() ({
        %run_scoped3A = tpu.sem_alloc : memref<!tpu.dma_semaphore, #tpu.memory_space<semaphore_mem>>
        %dma_start3A_68 = arith.constant 0 : i32
        %dma_start3A_69 = tpu.memref_slice %arg3[%add3A, %add3A_50, %dma_start3A_68] : memref<32x124x128xi32, #tpu.memory_space<hbm>> -> memref<1x1x128xi32, #tpu.memory_space<hbm>>
        %dma_start3A_70 = tpu.memref_squeeze %dma_start3A_69 : memref<1x1x128xi32, #tpu.memory_space<hbm>> -> memref<128xi32, #tpu.memory_space<hbm>>
        %dma_start3A_71 = arith.constant 0 : i32
        %dma_start3A_72 = tpu.memref_slice %arg3[%add3A, %add3A_50, %dma_start3A_71] : memref<32x124x128xi32, #tpu.memory_space<hbm>> -> memref<1x1x128xi32, #tpu.memory_space<hbm>>
        %dma_start3A_73 = tpu.memref_squeeze %dma_start3A_72 : memref<1x1x128xi32, #tpu.memory_space<hbm>> -> memref<128xi32, #tpu.memory_space<hbm>>
        tpu.enqueue_dma source(%dma_start3A_73 : memref<128xi32, #tpu.memory_space<hbm>>) target(%arg8 : memref<128xi32, #tpu.memory_space<vmem>>) target_semaphore(%run_scoped3A : memref<!tpu.dma_semaphore, #tpu.memory_space<semaphore_mem>>)
        %dma_wait3A_74 = arith.constant 0 : i32
        %dma_wait3A_75 = tpu.memref_slice %arg3[%add3A, %add3A_50, %dma_wait3A_74] : memref<32x124x128xi32, #tpu.memory_space<hbm>> -> memref<1x1x128xi32, #tpu.memory_space<hbm>>
        %dma_wait3A_76 = tpu.memref_squeeze %dma_wait3A_75 : memref<1x1x128xi32, #tpu.memory_space<hbm>> -> memref<128xi32, #tpu.memory_space<hbm>>
        %dma_wait3A_77 = arith.constant 0 : i32
        %dma_wait3A_78 = tpu.memref_slice %arg3[%add3A, %add3A_50, %dma_wait3A_77] : memref<32x124x128xi32, #tpu.memory_space<hbm>> -> memref<1x1x128xi32, #tpu.memory_space<hbm>>
        %dma_wait3A_79 = tpu.memref_squeeze %dma_wait3A_78 : memref<1x1x128xi32, #tpu.memory_space<hbm>> -> memref<128xi32, #tpu.memory_space<hbm>>
        tpu.wait_dma2 semaphore(%run_scoped3A : memref<!tpu.dma_semaphore, #tpu.memory_space<semaphore_mem>>) src(%dma_wait3A_79 : memref<128xi32, #tpu.memory_space<hbm>>) dst(%arg8 : memref<128xi32, #tpu.memory_space<vmem>>)
        tpu.yield
      }) : () -> ()
      %add3A_51 = arith.constant 1 : i32
      %add3A_52 = arith.addi %add3A_35, %add3A_51 : i32
      "tpu.region"() ({
        %run_scoped3A = tpu.sem_alloc : memref<!tpu.dma_semaphore, #tpu.memory_space<semaphore_mem>>
        %dma_start3A_68 = arith.constant 0 : i32
        %dma_start3A_69 = tpu.memref_slice %arg4[%add3A, %add3A_52, %dma_start3A_68] : memref<32x124x128xi32, #tpu.memory_space<hbm>> -> memref<1x1x128xi32, #tpu.memory_space<hbm>>
        %dma_start3A_70 = tpu.memref_squeeze %dma_start3A_69 : memref<1x1x128xi32, #tpu.memory_space<hbm>> -> memref<128xi32, #tpu.memory_space<hbm>>
        %dma_start3A_71 = arith.constant 0 : i32
        %dma_start3A_72 = tpu.memref_slice %arg4[%add3A, %add3A_52, %dma_start3A_71] : memref<32x124x128xi32, #tpu.memory_space<hbm>> -> memref<1x1x128xi32, #tpu.memory_space<hbm>>
        %dma_start3A_73 = tpu.memref_squeeze %dma_start3A_72 : memref<1x1x128xi32, #tpu.memory_space<hbm>> -> memref<128xi32, #tpu.memory_space<hbm>>
        tpu.enqueue_dma source(%dma_start3A_73 : memref<128xi32, #tpu.memory_space<hbm>>) target(%arg10 : memref<128xi32, #tpu.memory_space<vmem>>) target_semaphore(%run_scoped3A : memref<!tpu.dma_semaphore, #tpu.memory_space<semaphore_mem>>)
        %dma_wait3A_74 = arith.constant 0 : i32
        %dma_wait3A_75 = tpu.memref_slice %arg4[%add3A, %add3A_52, %dma_wait3A_74] : memref<32x124x128xi32, #tpu.memory_space<hbm>> -> memref<1x1x128xi32, #tpu.memory_space<hbm>>
        %dma_wait3A_76 = tpu.memref_squeeze %dma_wait3A_75 : memref<1x1x128xi32, #tpu.memory_space<hbm>> -> memref<128xi32, #tpu.memory_space<hbm>>
        %dma_wait3A_77 = arith.constant 0 : i32
        %dma_wait3A_78 = tpu.memref_slice %arg4[%add3A, %add3A_52, %dma_wait3A_77] : memref<32x124x128xi32, #tpu.memory_space<hbm>> -> memref<1x1x128xi32, #tpu.memory_space<hbm>>
        %dma_wait3A_79 = tpu.memref_squeeze %dma_wait3A_78 : memref<1x1x128xi32, #tpu.memory_space<hbm>> -> memref<128xi32, #tpu.memory_space<hbm>>
        tpu.wait_dma2 semaphore(%run_scoped3A : memref<!tpu.dma_semaphore, #tpu.memory_space<semaphore_mem>>) src(%dma_wait3A_79 : memref<128xi32, #tpu.memory_space<hbm>>) dst(%arg10 : memref<128xi32, #tpu.memory_space<vmem>>)
        tpu.yield
      }) : () -> ()
      %dma_start3A_53 = arith.constant 0 : i32
      %dma_start3A_54 = arith.constant 0 : i32
      %dma_start3A_55 = tpu.memref_slice %arg2[%dma_start3A_53, %dma_start3A_54] : memref<10240x128xf32, #tpu.memory_space<hbm>> -> memref<10240x128xf32, #tpu.memory_space<hbm>>
      tpu.enqueue_indirect_dma source(%dma_start3A_55 : memref<10240x128xf32, #tpu.memory_space<hbm>>) target(%arg12 : memref<128x128xf32, #tpu.memory_space<vmem>>) offsets(%arg8 : memref<128xi32, #tpu.memory_space<vmem>>) semaphore(%arg14 : memref<!tpu.dma_semaphore, #tpu.memory_space<semaphore_mem>>)
      %dma_wait3A_56 = arith.constant 0 : i32
      %dma_wait3A_57 = arith.constant 0 : i32
      %dma_wait3A_58 = tpu.memref_slice %arg2[%dma_wait3A_56, %dma_wait3A_57] : memref<10240x128xf32, #tpu.memory_space<hbm>> -> memref<10240x128xf32, #tpu.memory_space<hbm>>
      tpu.wait_indirect_dma semaphore(%arg13 : memref<!tpu.dma_semaphore, #tpu.memory_space<semaphore_mem>>) src(%dma_wait3A_58 : memref<10240x128xf32, #tpu.memory_space<hbm>>) dst(%arg11 : memref<128x128xf32, #tpu.memory_space<vmem>>)
      %dma_start3A_59 = arith.constant 0 : i32
      %dma_start3A_60 = arith.constant 0 : i32
      %dma_start3A_61 = tpu.memref_slice %arg17[%dma_start3A_59, %dma_start3A_60] : memref<10240x128xf32, #tpu.memory_space<vmem_shared>> -> memref<10240x128xf32, #tpu.memory_space<vmem_shared>>
      tpu.enqueue_indirect_dma source(%arg11 : memref<128x128xf32, #tpu.memory_space<vmem>>) target(%dma_start3A_61 : memref<10240x128xf32, #tpu.memory_space<vmem_shared>>) offsets(%arg9 : memref<128xi32, #tpu.memory_space<vmem>>) semaphore(%arg15 : memref<!tpu.dma_semaphore, #tpu.memory_space<semaphore_mem>>) {add = true}
      %dma_wait3A_62 = arith.constant 0 : i32
      %dma_wait3A_63 = arith.constant 0 : i32
      %dma_wait3A_64 = tpu.memref_slice %arg2[%dma_wait3A_62, %dma_wait3A_63] : memref<10240x128xf32, #tpu.memory_space<hbm>> -> memref<10240x128xf32, #tpu.memory_space<hbm>>
      tpu.wait_indirect_dma semaphore(%arg14 : memref<!tpu.dma_semaphore, #tpu.memory_space<semaphore_mem>>) src(%dma_wait3A_64 : memref<10240x128xf32, #tpu.memory_space<hbm>>) dst(%arg12 : memref<128x128xf32, #tpu.memory_space<vmem>>)
      %dma_start3A_65 = arith.constant 0 : i32
      %dma_start3A_66 = arith.constant 0 : i32
      %dma_start3A_67 = tpu.memref_slice %arg17[%dma_start3A_65, %dma_start3A_66] : memref<10240x128xf32, #tpu.memory_space<vmem_shared>> -> memref<10240x128xf32, #tpu.memory_space<vmem_shared>>
      tpu.enqueue_indirect_dma source(%arg12 : memref<128x128xf32, #tpu.memory_space<vmem>>) target(%dma_start3A_67 : memref<10240x128xf32, #tpu.memory_space<vmem_shared>>) offsets(%arg10 : memref<128xi32, #tpu.memory_space<vmem>>) semaphore(%arg16 : memref<!tpu.dma_semaphore, #tpu.memory_space<semaphore_mem>>) {add = true}
    }
    %dma_wait3A = arith.constant 0 : i32
    %dma_wait3A_23 = arith.constant 0 : i32
    %dma_wait3A_24 = tpu.memref_slice %arg17[%dma_wait3A, %dma_wait3A_23] : memref<10240x128xf32, #tpu.memory_space<vmem_shared>> -> memref<10240x128xf32, #tpu.memory_space<vmem_shared>>
    tpu.wait_indirect_dma semaphore(%arg15 : memref<!tpu.dma_semaphore, #tpu.memory_space<semaphore_mem>>) src(%arg11 : memref<128x128xf32, #tpu.memory_space<vmem>>) dst(%dma_wait3A_24 : memref<10240x128xf32, #tpu.memory_space<vmem_shared>>)
    %dma_wait3A_25 = arith.constant 0 : i32
    %dma_wait3A_26 = arith.constant 0 : i32
    %dma_wait3A_27 = tpu.memref_slice %arg17[%dma_wait3A_25, %dma_wait3A_26] : memref<10240x128xf32, #tpu.memory_space<vmem_shared>> -> memref<10240x128xf32, #tpu.memory_space<vmem_shared>>
    tpu.wait_indirect_dma semaphore(%arg16 : memref<!tpu.dma_semaphore, #tpu.memory_space<semaphore_mem>>) src(%arg12 : memref<128x128xf32, #tpu.memory_space<vmem>>) dst(%dma_wait3A_27 : memref<10240x128xf32, #tpu.memory_space<vmem_shared>>)
    %barrier3A_28 = arith.constant 0 : index
    tpu.barrier barrier_id(%barrier3A_28)
    %mul3A_29 = arith.constant 640 : i32
    %mul3A_30 = arith.muli %arg1, %mul3A_29 : i32
    %mul3A_31 = arith.constant 640 : i32
    %mul3A_32 = arith.muli %arg1, %mul3A_31 : i32
    "tpu.region"() ({
      %run_scoped3A = tpu.sem_alloc : memref<!tpu.dma_semaphore, #tpu.memory_space<semaphore_mem>>
      %dma_start3A = arith.constant 0 : i32
      %dma_start3A_33 = tpu.memref_slice %arg6[%arg0, %mul3A_32, %dma_start3A] : memref<2x10240x128xf32, #tpu.memory_space<hbm>> -> memref<1x640x128xf32, #tpu.memory_space<hbm>>
      %dma_start3A_34 = tpu.memref_squeeze %dma_start3A_33 : memref<1x640x128xf32, #tpu.memory_space<hbm>> -> memref<640x128xf32, #tpu.memory_space<hbm>>
      %dma_start3A_35 = arith.constant 0 : i32
      %dma_start3A_36 = tpu.memref_slice %arg17[%mul3A_30, %dma_start3A_35] : memref<10240x128xf32, #tpu.memory_space<vmem_shared>> -> memref<640x128xf32, #tpu.memory_space<vmem_shared>>
      tpu.enqueue_dma source(%dma_start3A_36 : memref<640x128xf32, #tpu.memory_space<vmem_shared>>) target(%dma_start3A_34 : memref<640x128xf32, #tpu.memory_space<hbm>>) target_semaphore(%run_scoped3A : memref<!tpu.dma_semaphore, #tpu.memory_space<semaphore_mem>>)
      %dma_wait3A_37 = arith.constant 0 : i32
      %dma_wait3A_38 = tpu.memref_slice %arg6[%arg0, %mul3A_32, %dma_wait3A_37] : memref<2x10240x128xf32, #tpu.memory_space<hbm>> -> memref<1x640x128xf32, #tpu.memory_space<hbm>>
      %dma_wait3A_39 = tpu.memref_squeeze %dma_wait3A_38 : memref<1x640x128xf32, #tpu.memory_space<hbm>> -> memref<640x128xf32, #tpu.memory_space<hbm>>
      %dma_wait3A_40 = arith.constant 0 : i32
      %dma_wait3A_41 = tpu.memref_slice %arg17[%mul3A_30, %dma_wait3A_40] : memref<10240x128xf32, #tpu.memory_space<vmem_shared>> -> memref<640x128xf32, #tpu.memory_space<vmem_shared>>
      tpu.wait_dma2 semaphore(%run_scoped3A : memref<!tpu.dma_semaphore, #tpu.memory_space<semaphore_mem>>) src(%dma_wait3A_41 : memref<640x128xf32, #tpu.memory_space<vmem_shared>>) dst(%dma_wait3A_39 : memref<640x128xf32, #tpu.memory_space<hbm>>)
      tpu.yield
    }) : () -> ()
    return
  }
}

#map = affine_map<(d0, d1) -> (0, 0)>
#map1 = affine_map<(d0, d1) -> (0, 0, 0)>
module attributes {stable_mosaic.version = 14 : i64} {
  func.func @_sc_spmm(%arg0: i32, %arg1: i32, %arg2: memref<10240x128xf32, #tpu.memory_space<hbm>>, %arg3: memref<32x124x128xi32, #tpu.memory_space<hbm>>, %arg4: memref<32x124x128xi32, #tpu.memory_space<hbm>>, %arg5: memref<10240x128xf32, #tpu.memory_space<hbm>>, %arg6: memref<2x10240x128xf32, #tpu.memory_space<hbm>>, %arg7: memref<128xi32, #tpu.memory_space<vmem>>, %arg8: memref<128xi32, #tpu.memory_space<vmem>>, %arg9: memref<128xi32, #tpu.memory_space<vmem>>, %arg10: memref<128xi32, #tpu.memory_space<vmem>>, %arg11: memref<128x128xf32, #tpu.memory_space<vmem>>, %arg12: memref<128x128xf32, #tpu.memory_space<vmem>>, %arg13: memref<!tpu.dma_semaphore, #tpu.memory_space<semaphore_mem>>, %arg14: memref<!tpu.dma_semaphore, #tpu.memory_space<semaphore_mem>>, %arg15: memref<!tpu.dma_semaphore, #tpu.memory_space<semaphore_mem>>, %arg16: memref<!tpu.dma_semaphore, #tpu.memory_space<semaphore_mem>>, %arg17: memref<10240x128xf32, #tpu.memory_space<vmem_shared>>) attributes {dimension_semantics = [#tpu.dimension_semantics<core_parallel>, #tpu.dimension_semantics<subcore_parallel>], iteration_bounds = array<i64: 2, 16>, scalar_prefetch = 0 : i64, scratch_operands = 11 : i64, tpu.core_type = #tpu.core_type<sc_vector_subcore>, window_params = [{transform_indices = #map}, {transform_indices = #map1}, {transform_indices = #map1}, {transform_indices = #map}, {transform_indices = #map1}]} {
    %mul3A = arith.constant 16 : i32
    %mul3A_0 = arith.muli %arg0, %mul3A : i32
    %add3A = arith.addi %mul3A_0, %arg1 : i32
    %eq3A = arith.constant 0 : i32
    %eq3A_1 = arith.cmpi eq, %arg0, %eq3A : i32
    %jit3A = arith.constant 124 : i32
    %jit3A_2 = arith.constant 36 : i32
    %select_n3A = arith.select %eq3A_1, %jit3A, %jit3A_2 : i32
    %mul3A_3 = arith.constant 640 : i32
    %mul3A_4 = arith.muli %arg1, %mul3A_3 : i32
    %mul3A_5 = arith.constant 640 : i32
    %mul3A_6 = arith.muli %arg1, %mul3A_5 : i32
    "tpu.region"() ({
      %run_scoped3A = tpu.sem_alloc : memref<!tpu.dma_semaphore, #tpu.memory_space<semaphore_mem>>
      %dma_start3A = arith.constant 0 : i32
      %dma_start3A_33 = tpu.memref_slice %arg17[%mul3A_6, %dma_start3A] : memref<10240x128xf32, #tpu.memory_space<vmem_shared>> -> memref<640x128xf32, #tpu.memory_space<vmem_shared>>
      %dma_start3A_34 = arith.constant 0 : i32
      %dma_start3A_35 = tpu.memref_slice %arg5[%mul3A_4, %dma_start3A_34] : memref<10240x128xf32, #tpu.memory_space<hbm>> -> memref<640x128xf32, #tpu.memory_space<hbm>>
      tpu.enqueue_dma source(%dma_start3A_35 : memref<640x128xf32, #tpu.memory_space<hbm>>) target(%dma_start3A_33 : memref<640x128xf32, #tpu.memory_space<vmem_shared>>) target_semaphore(%run_scoped3A : memref<!tpu.dma_semaphore, #tpu.memory_space<semaphore_mem>>)
      %dma_wait3A_36 = arith.constant 0 : i32
      %dma_wait3A_37 = tpu.memref_slice %arg17[%mul3A_6, %dma_wait3A_36] : memref<10240x128xf32, #tpu.memory_space<vmem_shared>> -> memref<640x128xf32, #tpu.memory_space<vmem_shared>>
      %dma_wait3A_38 = arith.constant 0 : i32
      %dma_wait3A_39 = tpu.memref_slice %arg5[%mul3A_4, %dma_wait3A_38] : memref<10240x128xf32, #tpu.memory_space<hbm>> -> memref<640x128xf32, #tpu.memory_space<hbm>>
      tpu.wait_dma2 semaphore(%run_scoped3A : memref<!tpu.dma_semaphore, #tpu.memory_space<semaphore_mem>>) src(%dma_wait3A_39 : memref<640x128xf32, #tpu.memory_space<hbm>>) dst(%dma_wait3A_37 : memref<640x128xf32, #tpu.memory_space<vmem_shared>>)
      tpu.yield
    }) : () -> ()
    %barrier3A = arith.constant 0 : index
    tpu.barrier barrier_id(%barrier3A)
    %sub3A = arith.constant 0 : i32
    %sub3A_7 = arith.subi %select_n3A, %sub3A : i32
    %sub3A_8 = arith.constant 2 : i32
    %sub3A_9 = arith.constant 1 : i32
    %sub3A_10 = arith.subi %sub3A_8, %sub3A_9 : i32
    %add3A_11 = arith.addi %sub3A_7, %sub3A_10 : i32
    %div3A = arith.constant 2 : i32
    %div3A_12 = arith.divsi %add3A_11, %div3A : i32
    %while3A = arith.constant 2 : i32
    %while3A_13 = arith.constant 0 : i32
    %while3A_14 = arith.constant 0 : i32
    %while3A_15 = arith.subi %div3A_12, %while3A_14 : i32
    %while3A_16 = arith.addi %while3A_14, %while3A_15 : i32
    %while3A_17 = arith.constant 1 : i32
    %while3A_18 = arith.divsi %while3A_15, %while3A_17 : i32
    %while3A_19 = arith.muli %while3A_18, %while3A_17 : i32
    %while3A_20 = arith.addi %while3A_14, %while3A_19 : i32
    %while3A_21 = arith.constant 1 : i32
    scf.for %while3A_33 = %while3A_14 to %while3A_20 step %while3A_21  : i32 {
      %mul3A_34 = arith.muli %while3A_33, %while3A : i32
      %add3A_35 = arith.addi %while3A_13, %mul3A_34 : i32
      %gt3A = arith.constant 0 : i32
      %gt3A_36 = arith.cmpi sgt, %add3A_35, %gt3A : i32
      %convert_element_type3A = arith.extui %gt3A_36 : i1 to i32
      %cond3A = arith.constant 0 : i32
      %cond3A_37 = arith.cmpi ne, %convert_element_type3A, %cond3A : i32
      scf.if %cond3A_37 {
        %dma_wait3A_68 = arith.constant 0 : i32
        %dma_wait3A_69 = arith.constant 0 : i32
        %dma_wait3A_70 = tpu.memref_slice %arg17[%dma_wait3A_68, %dma_wait3A_69] : memref<10240x128xf32, #tpu.memory_space<vmem_shared>> -> memref<10240x128xf32, #tpu.memory_space<vmem_shared>>
        tpu.wait_indirect_dma semaphore(%arg15 : memref<!tpu.dma_semaphore, #tpu.memory_space<semaphore_mem>>) src(%arg11 : memref<128x128xf32, #tpu.memory_space<vmem>>) dst(%dma_wait3A_70 : memref<10240x128xf32, #tpu.memory_space<vmem_shared>>)
      } else {
      }
      %add3A_38 = arith.constant 0 : i32
      %add3A_39 = arith.addi %add3A_35, %add3A_38 : i32
      "tpu.region"() ({
        %run_scoped3A = tpu.sem_alloc : memref<!tpu.dma_semaphore, #tpu.memory_space<semaphore_mem>>
        %dma_start3A_68 = arith.constant 0 : i32
        %dma_start3A_69 = tpu.memref_slice %arg3[%add3A, %add3A_39, %dma_start3A_68] : memref<32x124x128xi32, #tpu.memory_space<hbm>> -> memref<1x1x128xi32, #tpu.memory_space<hbm>>
        %dma_start3A_70 = tpu.memref_squeeze %dma_start3A_69 : memref<1x1x128xi32, #tpu.memory_space<hbm>> -> memref<128xi32, #tpu.memory_space<hbm>>
        %dma_start3A_71 = arith.constant 0 : i32
        %dma_start3A_72 = tpu.memref_slice %arg3[%add3A, %add3A_39, %dma_start3A_71] : memref<32x124x128xi32, #tpu.memory_space<hbm>> -> memref<1x1x128xi32, #tpu.memory_space<hbm>>
        %dma_start3A_73 = tpu.memref_squeeze %dma_start3A_72 : memref<1x1x128xi32, #tpu.memory_space<hbm>> -> memref<128xi32, #tpu.memory_space<hbm>>
        tpu.enqueue_dma source(%dma_start3A_73 : memref<128xi32, #tpu.memory_space<hbm>>) target(%arg7 : memref<128xi32, #tpu.memory_space<vmem>>) target_semaphore(%run_scoped3A : memref<!tpu.dma_semaphore, #tpu.memory_space<semaphore_mem>>)
        %dma_wait3A_74 = arith.constant 0 : i32
        %dma_wait3A_75 = tpu.memref_slice %arg3[%add3A, %add3A_39, %dma_wait3A_74] : memref<32x124x128xi32, #tpu.memory_space<hbm>> -> memref<1x1x128xi32, #tpu.memory_space<hbm>>
        %dma_wait3A_76 = tpu.memref_squeeze %dma_wait3A_75 : memref<1x1x128xi32, #tpu.memory_space<hbm>> -> memref<128xi32, #tpu.memory_space<hbm>>
        %dma_wait3A_77 = arith.constant 0 : i32
        %dma_wait3A_78 = tpu.memref_slice %arg3[%add3A, %add3A_39, %dma_wait3A_77] : memref<32x124x128xi32, #tpu.memory_space<hbm>> -> memref<1x1x128xi32, #tpu.memory_space<hbm>>
        %dma_wait3A_79 = tpu.memref_squeeze %dma_wait3A_78 : memref<1x1x128xi32, #tpu.memory_space<hbm>> -> memref<128xi32, #tpu.memory_space<hbm>>
        tpu.wait_dma2 semaphore(%run_scoped3A : memref<!tpu.dma_semaphore, #tpu.memory_space<semaphore_mem>>) src(%dma_wait3A_79 : memref<128xi32, #tpu.memory_space<hbm>>) dst(%arg7 : memref<128xi32, #tpu.memory_space<vmem>>)
        tpu.yield
      }) : () -> ()
      %add3A_40 = arith.constant 0 : i32
      %add3A_41 = arith.addi %add3A_35, %add3A_40 : i32
      "tpu.region"() ({
        %run_scoped3A = tpu.sem_alloc : memref<!tpu.dma_semaphore, #tpu.memory_space<semaphore_mem>>
        %dma_start3A_68 = arith.constant 0 : i32
        %dma_start3A_69 = tpu.memref_slice %arg4[%add3A, %add3A_41, %dma_start3A_68] : memref<32x124x128xi32, #tpu.memory_space<hbm>> -> memref<1x1x128xi32, #tpu.memory_space<hbm>>
        %dma_start3A_70 = tpu.memref_squeeze %dma_start3A_69 : memref<1x1x128xi32, #tpu.memory_space<hbm>> -> memref<128xi32, #tpu.memory_space<hbm>>
        %dma_start3A_71 = arith.constant 0 : i32
        %dma_start3A_72 = tpu.memref_slice %arg4[%add3A, %add3A_41, %dma_start3A_71] : memref<32x124x128xi32, #tpu.memory_space<hbm>> -> memref<1x1x128xi32, #tpu.memory_space<hbm>>
        %dma_start3A_73 = tpu.memref_squeeze %dma_start3A_72 : memref<1x1x128xi32, #tpu.memory_space<hbm>> -> memref<128xi32, #tpu.memory_space<hbm>>
        tpu.enqueue_dma source(%dma_start3A_73 : memref<128xi32, #tpu.memory_space<hbm>>) target(%arg9 : memref<128xi32, #tpu.memory_space<vmem>>) target_semaphore(%run_scoped3A : memref<!tpu.dma_semaphore, #tpu.memory_space<semaphore_mem>>)
        %dma_wait3A_74 = arith.constant 0 : i32
        %dma_wait3A_75 = tpu.memref_slice %arg4[%add3A, %add3A_41, %dma_wait3A_74] : memref<32x124x128xi32, #tpu.memory_space<hbm>> -> memref<1x1x128xi32, #tpu.memory_space<hbm>>
        %dma_wait3A_76 = tpu.memref_squeeze %dma_wait3A_75 : memref<1x1x128xi32, #tpu.memory_space<hbm>> -> memref<128xi32, #tpu.memory_space<hbm>>
        %dma_wait3A_77 = arith.constant 0 : i32
        %dma_wait3A_78 = tpu.memref_slice %arg4[%add3A, %add3A_41, %dma_wait3A_77] : memref<32x124x128xi32, #tpu.memory_space<hbm>> -> memref<1x1x128xi32, #tpu.memory_space<hbm>>
        %dma_wait3A_79 = tpu.memref_squeeze %dma_wait3A_78 : memref<1x1x128xi32, #tpu.memory_space<hbm>> -> memref<128xi32, #tpu.memory_space<hbm>>
        tpu.wait_dma2 semaphore(%run_scoped3A : memref<!tpu.dma_semaphore, #tpu.memory_space<semaphore_mem>>) src(%dma_wait3A_79 : memref<128xi32, #tpu.memory_space<hbm>>) dst(%arg9 : memref<128xi32, #tpu.memory_space<vmem>>)
        tpu.yield
      }) : () -> ()
      %dma_start3A = arith.constant 0 : i32
      %dma_start3A_42 = arith.constant 0 : i32
      %dma_start3A_43 = tpu.memref_slice %arg2[%dma_start3A, %dma_start3A_42] : memref<10240x128xf32, #tpu.memory_space<hbm>> -> memref<10240x128xf32, #tpu.memory_space<hbm>>
      tpu.enqueue_indirect_dma source(%dma_start3A_43 : memref<10240x128xf32, #tpu.memory_space<hbm>>) target(%arg11 : memref<128x128xf32, #tpu.memory_space<vmem>>) offsets(%arg7 : memref<128xi32, #tpu.memory_space<vmem>>) semaphore(%arg13 : memref<!tpu.dma_semaphore, #tpu.memory_space<semaphore_mem>>)
      %gt3A_44 = arith.constant 0 : i32
      %gt3A_45 = arith.cmpi sgt, %add3A_35, %gt3A_44 : i32
      %convert_element_type3A_46 = arith.extui %gt3A_45 : i1 to i32
      %cond3A_47 = arith.constant 0 : i32
      %cond3A_48 = arith.cmpi ne, %convert_element_type3A_46, %cond3A_47 : i32
      scf.if %cond3A_48 {
        %dma_wait3A_68 = arith.constant 0 : i32
        %dma_wait3A_69 = arith.constant 0 : i32
        %dma_wait3A_70 = tpu.memref_slice %arg17[%dma_wait3A_68, %dma_wait3A_69] : memref<10240x128xf32, #tpu.memory_space<vmem_shared>> -> memref<10240x128xf32, #tpu.memory_space<vmem_shared>>
        tpu.wait_indirect_dma semaphore(%arg16 : memref<!tpu.dma_semaphore, #tpu.memory_space<semaphore_mem>>) src(%arg12 : memref<128x128xf32, #tpu.memory_space<vmem>>) dst(%dma_wait3A_70 : memref<10240x128xf32, #tpu.memory_space<vmem_shared>>)
      } else {
      }
      %add3A_49 = arith.constant 1 : i32
      %add3A_50 = arith.addi %add3A_35, %add3A_49 : i32
      "tpu.region"() ({
        %run_scoped3A = tpu.sem_alloc : memref<!tpu.dma_semaphore, #tpu.memory_space<semaphore_mem>>
        %dma_start3A_68 = arith.constant 0 : i32
        %dma_start3A_69 = tpu.memref_slice %arg3[%add3A, %add3A_50, %dma_start3A_68] : memref<32x124x128xi32, #tpu.memory_space<hbm>> -> memref<1x1x128xi32, #tpu.memory_space<hbm>>
        %dma_start3A_70 = tpu.memref_squeeze %dma_start3A_69 : memref<1x1x128xi32, #tpu.memory_space<hbm>> -> memref<128xi32, #tpu.memory_space<hbm>>
        %dma_start3A_71 = arith.constant 0 : i32
        %dma_start3A_72 = tpu.memref_slice %arg3[%add3A, %add3A_50, %dma_start3A_71] : memref<32x124x128xi32, #tpu.memory_space<hbm>> -> memref<1x1x128xi32, #tpu.memory_space<hbm>>
        %dma_start3A_73 = tpu.memref_squeeze %dma_start3A_72 : memref<1x1x128xi32, #tpu.memory_space<hbm>> -> memref<128xi32, #tpu.memory_space<hbm>>
        tpu.enqueue_dma source(%dma_start3A_73 : memref<128xi32, #tpu.memory_space<hbm>>) target(%arg8 : memref<128xi32, #tpu.memory_space<vmem>>) target_semaphore(%run_scoped3A : memref<!tpu.dma_semaphore, #tpu.memory_space<semaphore_mem>>)
        %dma_wait3A_74 = arith.constant 0 : i32
        %dma_wait3A_75 = tpu.memref_slice %arg3[%add3A, %add3A_50, %dma_wait3A_74] : memref<32x124x128xi32, #tpu.memory_space<hbm>> -> memref<1x1x128xi32, #tpu.memory_space<hbm>>
        %dma_wait3A_76 = tpu.memref_squeeze %dma_wait3A_75 : memref<1x1x128xi32, #tpu.memory_space<hbm>> -> memref<128xi32, #tpu.memory_space<hbm>>
        %dma_wait3A_77 = arith.constant 0 : i32
        %dma_wait3A_78 = tpu.memref_slice %arg3[%add3A, %add3A_50, %dma_wait3A_77] : memref<32x124x128xi32, #tpu.memory_space<hbm>> -> memref<1x1x128xi32, #tpu.memory_space<hbm>>
        %dma_wait3A_79 = tpu.memref_squeeze %dma_wait3A_78 : memref<1x1x128xi32, #tpu.memory_space<hbm>> -> memref<128xi32, #tpu.memory_space<hbm>>
        tpu.wait_dma2 semaphore(%run_scoped3A : memref<!tpu.dma_semaphore, #tpu.memory_space<semaphore_mem>>) src(%dma_wait3A_79 : memref<128xi32, #tpu.memory_space<hbm>>) dst(%arg8 : memref<128xi32, #tpu.memory_space<vmem>>)
        tpu.yield
      }) : () -> ()
      %add3A_51 = arith.constant 1 : i32
      %add3A_52 = arith.addi %add3A_35, %add3A_51 : i32
      "tpu.region"() ({
        %run_scoped3A = tpu.sem_alloc : memref<!tpu.dma_semaphore, #tpu.memory_space<semaphore_mem>>
        %dma_start3A_68 = arith.constant 0 : i32
        %dma_start3A_69 = tpu.memref_slice %arg4[%add3A, %add3A_52, %dma_start3A_68] : memref<32x124x128xi32, #tpu.memory_space<hbm>> -> memref<1x1x128xi32, #tpu.memory_space<hbm>>
        %dma_start3A_70 = tpu.memref_squeeze %dma_start3A_69 : memref<1x1x128xi32, #tpu.memory_space<hbm>> -> memref<128xi32, #tpu.memory_space<hbm>>
        %dma_start3A_71 = arith.constant 0 : i32
        %dma_start3A_72 = tpu.memref_slice %arg4[%add3A, %add3A_52, %dma_start3A_71] : memref<32x124x128xi32, #tpu.memory_space<hbm>> -> memref<1x1x128xi32, #tpu.memory_space<hbm>>
        %dma_start3A_73 = tpu.memref_squeeze %dma_start3A_72 : memref<1x1x128xi32, #tpu.memory_space<hbm>> -> memref<128xi32, #tpu.memory_space<hbm>>
        tpu.enqueue_dma source(%dma_start3A_73 : memref<128xi32, #tpu.memory_space<hbm>>) target(%arg10 : memref<128xi32, #tpu.memory_space<vmem>>) target_semaphore(%run_scoped3A : memref<!tpu.dma_semaphore, #tpu.memory_space<semaphore_mem>>)
        %dma_wait3A_74 = arith.constant 0 : i32
        %dma_wait3A_75 = tpu.memref_slice %arg4[%add3A, %add3A_52, %dma_wait3A_74] : memref<32x124x128xi32, #tpu.memory_space<hbm>> -> memref<1x1x128xi32, #tpu.memory_space<hbm>>
        %dma_wait3A_76 = tpu.memref_squeeze %dma_wait3A_75 : memref<1x1x128xi32, #tpu.memory_space<hbm>> -> memref<128xi32, #tpu.memory_space<hbm>>
        %dma_wait3A_77 = arith.constant 0 : i32
        %dma_wait3A_78 = tpu.memref_slice %arg4[%add3A, %add3A_52, %dma_wait3A_77] : memref<32x124x128xi32, #tpu.memory_space<hbm>> -> memref<1x1x128xi32, #tpu.memory_space<hbm>>
        %dma_wait3A_79 = tpu.memref_squeeze %dma_wait3A_78 : memref<1x1x128xi32, #tpu.memory_space<hbm>> -> memref<128xi32, #tpu.memory_space<hbm>>
        tpu.wait_dma2 semaphore(%run_scoped3A : memref<!tpu.dma_semaphore, #tpu.memory_space<semaphore_mem>>) src(%dma_wait3A_79 : memref<128xi32, #tpu.memory_space<hbm>>) dst(%arg10 : memref<128xi32, #tpu.memory_space<vmem>>)
        tpu.yield
      }) : () -> ()
      %dma_start3A_53 = arith.constant 0 : i32
      %dma_start3A_54 = arith.constant 0 : i32
      %dma_start3A_55 = tpu.memref_slice %arg2[%dma_start3A_53, %dma_start3A_54] : memref<10240x128xf32, #tpu.memory_space<hbm>> -> memref<10240x128xf32, #tpu.memory_space<hbm>>
      tpu.enqueue_indirect_dma source(%dma_start3A_55 : memref<10240x128xf32, #tpu.memory_space<hbm>>) target(%arg12 : memref<128x128xf32, #tpu.memory_space<vmem>>) offsets(%arg8 : memref<128xi32, #tpu.memory_space<vmem>>) semaphore(%arg14 : memref<!tpu.dma_semaphore, #tpu.memory_space<semaphore_mem>>)
      %dma_wait3A_56 = arith.constant 0 : i32
      %dma_wait3A_57 = arith.constant 0 : i32
      %dma_wait3A_58 = tpu.memref_slice %arg2[%dma_wait3A_56, %dma_wait3A_57] : memref<10240x128xf32, #tpu.memory_space<hbm>> -> memref<10240x128xf32, #tpu.memory_space<hbm>>
      tpu.wait_indirect_dma semaphore(%arg13 : memref<!tpu.dma_semaphore, #tpu.memory_space<semaphore_mem>>) src(%dma_wait3A_58 : memref<10240x128xf32, #tpu.memory_space<hbm>>) dst(%arg11 : memref<128x128xf32, #tpu.memory_space<vmem>>)
      %dma_start3A_59 = arith.constant 0 : i32
      %dma_start3A_60 = arith.constant 0 : i32
      %dma_start3A_61 = tpu.memref_slice %arg17[%dma_start3A_59, %dma_start3A_60] : memref<10240x128xf32, #tpu.memory_space<vmem_shared>> -> memref<10240x128xf32, #tpu.memory_space<vmem_shared>>
      tpu.enqueue_indirect_dma source(%arg11 : memref<128x128xf32, #tpu.memory_space<vmem>>) target(%dma_start3A_61 : memref<10240x128xf32, #tpu.memory_space<vmem_shared>>) offsets(%arg9 : memref<128xi32, #tpu.memory_space<vmem>>) semaphore(%arg15 : memref<!tpu.dma_semaphore, #tpu.memory_space<semaphore_mem>>) {add = true}
      %dma_wait3A_62 = arith.constant 0 : i32
      %dma_wait3A_63 = arith.constant 0 : i32
      %dma_wait3A_64 = tpu.memref_slice %arg2[%dma_wait3A_62, %dma_wait3A_63] : memref<10240x128xf32, #tpu.memory_space<hbm>> -> memref<10240x128xf32, #tpu.memory_space<hbm>>
      tpu.wait_indirect_dma semaphore(%arg14 : memref<!tpu.dma_semaphore, #tpu.memory_space<semaphore_mem>>) src(%dma_wait3A_64 : memref<10240x128xf32, #tpu.memory_space<hbm>>) dst(%arg12 : memref<128x128xf32, #tpu.memory_space<vmem>>)
      %dma_start3A_65 = arith.constant 0 : i32
      %dma_start3A_66 = arith.constant 0 : i32
      %dma_start3A_67 = tpu.memref_slice %arg17[%dma_start3A_65, %dma_start3A_66] : memref<10240x128xf32, #tpu.memory_space<vmem_shared>> -> memref<10240x128xf32, #tpu.memory_space<vmem_shared>>
      tpu.enqueue_indirect_dma source(%arg12 : memref<128x128xf32, #tpu.memory_space<vmem>>) target(%dma_start3A_67 : memref<10240x128xf32, #tpu.memory_space<vmem_shared>>) offsets(%arg10 : memref<128xi32, #tpu.memory_space<vmem>>) semaphore(%arg16 : memref<!tpu.dma_semaphore, #tpu.memory_space<semaphore_mem>>) {add = true}
    }
    %while3A_22 = arith.constant 1 : i32
    scf.for %while3A_33 = %while3A_20 to %while3A_16 step %while3A_22  : i32 {
      %mul3A_34 = arith.muli %while3A_33, %while3A : i32
      %add3A_35 = arith.addi %while3A_13, %mul3A_34 : i32
      %gt3A = arith.constant 0 : i32
      %gt3A_36 = arith.cmpi sgt, %add3A_35, %gt3A : i32
      %convert_element_type3A = arith.extui %gt3A_36 : i1 to i32
      %cond3A = arith.constant 0 : i32
      %cond3A_37 = arith.cmpi ne, %convert_element_type3A, %cond3A : i32
      scf.if %cond3A_37 {
        %dma_wait3A_68 = arith.constant 0 : i32
        %dma_wait3A_69 = arith.constant 0 : i32
        %dma_wait3A_70 = tpu.memref_slice %arg17[%dma_wait3A_68, %dma_wait3A_69] : memref<10240x128xf32, #tpu.memory_space<vmem_shared>> -> memref<10240x128xf32, #tpu.memory_space<vmem_shared>>
        tpu.wait_indirect_dma semaphore(%arg15 : memref<!tpu.dma_semaphore, #tpu.memory_space<semaphore_mem>>) src(%arg11 : memref<128x128xf32, #tpu.memory_space<vmem>>) dst(%dma_wait3A_70 : memref<10240x128xf32, #tpu.memory_space<vmem_shared>>)
      } else {
      }
      %add3A_38 = arith.constant 0 : i32
      %add3A_39 = arith.addi %add3A_35, %add3A_38 : i32
      "tpu.region"() ({
        %run_scoped3A = tpu.sem_alloc : memref<!tpu.dma_semaphore, #tpu.memory_space<semaphore_mem>>
        %dma_start3A_68 = arith.constant 0 : i32
        %dma_start3A_69 = tpu.memref_slice %arg3[%add3A, %add3A_39, %dma_start3A_68] : memref<32x124x128xi32, #tpu.memory_space<hbm>> -> memref<1x1x128xi32, #tpu.memory_space<hbm>>
        %dma_start3A_70 = tpu.memref_squeeze %dma_start3A_69 : memref<1x1x128xi32, #tpu.memory_space<hbm>> -> memref<128xi32, #tpu.memory_space<hbm>>
        %dma_start3A_71 = arith.constant 0 : i32
        %dma_start3A_72 = tpu.memref_slice %arg3[%add3A, %add3A_39, %dma_start3A_71] : memref<32x124x128xi32, #tpu.memory_space<hbm>> -> memref<1x1x128xi32, #tpu.memory_space<hbm>>
        %dma_start3A_73 = tpu.memref_squeeze %dma_start3A_72 : memref<1x1x128xi32, #tpu.memory_space<hbm>> -> memref<128xi32, #tpu.memory_space<hbm>>
        tpu.enqueue_dma source(%dma_start3A_73 : memref<128xi32, #tpu.memory_space<hbm>>) target(%arg7 : memref<128xi32, #tpu.memory_space<vmem>>) target_semaphore(%run_scoped3A : memref<!tpu.dma_semaphore, #tpu.memory_space<semaphore_mem>>)
        %dma_wait3A_74 = arith.constant 0 : i32
        %dma_wait3A_75 = tpu.memref_slice %arg3[%add3A, %add3A_39, %dma_wait3A_74] : memref<32x124x128xi32, #tpu.memory_space<hbm>> -> memref<1x1x128xi32, #tpu.memory_space<hbm>>
        %dma_wait3A_76 = tpu.memref_squeeze %dma_wait3A_75 : memref<1x1x128xi32, #tpu.memory_space<hbm>> -> memref<128xi32, #tpu.memory_space<hbm>>
        %dma_wait3A_77 = arith.constant 0 : i32
        %dma_wait3A_78 = tpu.memref_slice %arg3[%add3A, %add3A_39, %dma_wait3A_77] : memref<32x124x128xi32, #tpu.memory_space<hbm>> -> memref<1x1x128xi32, #tpu.memory_space<hbm>>
        %dma_wait3A_79 = tpu.memref_squeeze %dma_wait3A_78 : memref<1x1x128xi32, #tpu.memory_space<hbm>> -> memref<128xi32, #tpu.memory_space<hbm>>
        tpu.wait_dma2 semaphore(%run_scoped3A : memref<!tpu.dma_semaphore, #tpu.memory_space<semaphore_mem>>) src(%dma_wait3A_79 : memref<128xi32, #tpu.memory_space<hbm>>) dst(%arg7 : memref<128xi32, #tpu.memory_space<vmem>>)
        tpu.yield
      }) : () -> ()
      %add3A_40 = arith.constant 0 : i32
      %add3A_41 = arith.addi %add3A_35, %add3A_40 : i32
      "tpu.region"() ({
        %run_scoped3A = tpu.sem_alloc : memref<!tpu.dma_semaphore, #tpu.memory_space<semaphore_mem>>
        %dma_start3A_68 = arith.constant 0 : i32
        %dma_start3A_69 = tpu.memref_slice %arg4[%add3A, %add3A_41, %dma_start3A_68] : memref<32x124x128xi32, #tpu.memory_space<hbm>> -> memref<1x1x128xi32, #tpu.memory_space<hbm>>
        %dma_start3A_70 = tpu.memref_squeeze %dma_start3A_69 : memref<1x1x128xi32, #tpu.memory_space<hbm>> -> memref<128xi32, #tpu.memory_space<hbm>>
        %dma_start3A_71 = arith.constant 0 : i32
        %dma_start3A_72 = tpu.memref_slice %arg4[%add3A, %add3A_41, %dma_start3A_71] : memref<32x124x128xi32, #tpu.memory_space<hbm>> -> memref<1x1x128xi32, #tpu.memory_space<hbm>>
        %dma_start3A_73 = tpu.memref_squeeze %dma_start3A_72 : memref<1x1x128xi32, #tpu.memory_space<hbm>> -> memref<128xi32, #tpu.memory_space<hbm>>
        tpu.enqueue_dma source(%dma_start3A_73 : memref<128xi32, #tpu.memory_space<hbm>>) target(%arg9 : memref<128xi32, #tpu.memory_space<vmem>>) target_semaphore(%run_scoped3A : memref<!tpu.dma_semaphore, #tpu.memory_space<semaphore_mem>>)
        %dma_wait3A_74 = arith.constant 0 : i32
        %dma_wait3A_75 = tpu.memref_slice %arg4[%add3A, %add3A_41, %dma_wait3A_74] : memref<32x124x128xi32, #tpu.memory_space<hbm>> -> memref<1x1x128xi32, #tpu.memory_space<hbm>>
        %dma_wait3A_76 = tpu.memref_squeeze %dma_wait3A_75 : memref<1x1x128xi32, #tpu.memory_space<hbm>> -> memref<128xi32, #tpu.memory_space<hbm>>
        %dma_wait3A_77 = arith.constant 0 : i32
        %dma_wait3A_78 = tpu.memref_slice %arg4[%add3A, %add3A_41, %dma_wait3A_77] : memref<32x124x128xi32, #tpu.memory_space<hbm>> -> memref<1x1x128xi32, #tpu.memory_space<hbm>>
        %dma_wait3A_79 = tpu.memref_squeeze %dma_wait3A_78 : memref<1x1x128xi32, #tpu.memory_space<hbm>> -> memref<128xi32, #tpu.memory_space<hbm>>
        tpu.wait_dma2 semaphore(%run_scoped3A : memref<!tpu.dma_semaphore, #tpu.memory_space<semaphore_mem>>) src(%dma_wait3A_79 : memref<128xi32, #tpu.memory_space<hbm>>) dst(%arg9 : memref<128xi32, #tpu.memory_space<vmem>>)
        tpu.yield
      }) : () -> ()
      %dma_start3A = arith.constant 0 : i32
      %dma_start3A_42 = arith.constant 0 : i32
      %dma_start3A_43 = tpu.memref_slice %arg2[%dma_start3A, %dma_start3A_42] : memref<10240x128xf32, #tpu.memory_space<hbm>> -> memref<10240x128xf32, #tpu.memory_space<hbm>>
      tpu.enqueue_indirect_dma source(%dma_start3A_43 : memref<10240x128xf32, #tpu.memory_space<hbm>>) target(%arg11 : memref<128x128xf32, #tpu.memory_space<vmem>>) offsets(%arg7 : memref<128xi32, #tpu.memory_space<vmem>>) semaphore(%arg13 : memref<!tpu.dma_semaphore, #tpu.memory_space<semaphore_mem>>)
      %gt3A_44 = arith.constant 0 : i32
      %gt3A_45 = arith.cmpi sgt, %add3A_35, %gt3A_44 : i32
      %convert_element_type3A_46 = arith.extui %gt3A_45 : i1 to i32
      %cond3A_47 = arith.constant 0 : i32
      %cond3A_48 = arith.cmpi ne, %convert_element_type3A_46, %cond3A_47 : i32
      scf.if %cond3A_48 {
        %dma_wait3A_68 = arith.constant 0 : i32
        %dma_wait3A_69 = arith.constant 0 : i32
        %dma_wait3A_70 = tpu.memref_slice %arg17[%dma_wait3A_68, %dma_wait3A_69] : memref<10240x128xf32, #tpu.memory_space<vmem_shared>> -> memref<10240x128xf32, #tpu.memory_space<vmem_shared>>
        tpu.wait_indirect_dma semaphore(%arg16 : memref<!tpu.dma_semaphore, #tpu.memory_space<semaphore_mem>>) src(%arg12 : memref<128x128xf32, #tpu.memory_space<vmem>>) dst(%dma_wait3A_70 : memref<10240x128xf32, #tpu.memory_space<vmem_shared>>)
      } else {
      }
      %add3A_49 = arith.constant 1 : i32
      %add3A_50 = arith.addi %add3A_35, %add3A_49 : i32
      "tpu.region"() ({
        %run_scoped3A = tpu.sem_alloc : memref<!tpu.dma_semaphore, #tpu.memory_space<semaphore_mem>>
        %dma_start3A_68 = arith.constant 0 : i32
        %dma_start3A_69 = tpu.memref_slice %arg3[%add3A, %add3A_50, %dma_start3A_68] : memref<32x124x128xi32, #tpu.memory_space<hbm>> -> memref<1x1x128xi32, #tpu.memory_space<hbm>>
        %dma_start3A_70 = tpu.memref_squeeze %dma_start3A_69 : memref<1x1x128xi32, #tpu.memory_space<hbm>> -> memref<128xi32, #tpu.memory_space<hbm>>
        %dma_start3A_71 = arith.constant 0 : i32
        %dma_start3A_72 = tpu.memref_slice %arg3[%add3A, %add3A_50, %dma_start3A_71] : memref<32x124x128xi32, #tpu.memory_space<hbm>> -> memref<1x1x128xi32, #tpu.memory_space<hbm>>
        %dma_start3A_73 = tpu.memref_squeeze %dma_start3A_72 : memref<1x1x128xi32, #tpu.memory_space<hbm>> -> memref<128xi32, #tpu.memory_space<hbm>>
        tpu.enqueue_dma source(%dma_start3A_73 : memref<128xi32, #tpu.memory_space<hbm>>) target(%arg8 : memref<128xi32, #tpu.memory_space<vmem>>) target_semaphore(%run_scoped3A : memref<!tpu.dma_semaphore, #tpu.memory_space<semaphore_mem>>)
        %dma_wait3A_74 = arith.constant 0 : i32
        %dma_wait3A_75 = tpu.memref_slice %arg3[%add3A, %add3A_50, %dma_wait3A_74] : memref<32x124x128xi32, #tpu.memory_space<hbm>> -> memref<1x1x128xi32, #tpu.memory_space<hbm>>
        %dma_wait3A_76 = tpu.memref_squeeze %dma_wait3A_75 : memref<1x1x128xi32, #tpu.memory_space<hbm>> -> memref<128xi32, #tpu.memory_space<hbm>>
        %dma_wait3A_77 = arith.constant 0 : i32
        %dma_wait3A_78 = tpu.memref_slice %arg3[%add3A, %add3A_50, %dma_wait3A_77] : memref<32x124x128xi32, #tpu.memory_space<hbm>> -> memref<1x1x128xi32, #tpu.memory_space<hbm>>
        %dma_wait3A_79 = tpu.memref_squeeze %dma_wait3A_78 : memref<1x1x128xi32, #tpu.memory_space<hbm>> -> memref<128xi32, #tpu.memory_space<hbm>>
        tpu.wait_dma2 semaphore(%run_scoped3A : memref<!tpu.dma_semaphore, #tpu.memory_space<semaphore_mem>>) src(%dma_wait3A_79 : memref<128xi32, #tpu.memory_space<hbm>>) dst(%arg8 : memref<128xi32, #tpu.memory_space<vmem>>)
        tpu.yield
      }) : () -> ()
      %add3A_51 = arith.constant 1 : i32
      %add3A_52 = arith.addi %add3A_35, %add3A_51 : i32
      "tpu.region"() ({
        %run_scoped3A = tpu.sem_alloc : memref<!tpu.dma_semaphore, #tpu.memory_space<semaphore_mem>>
        %dma_start3A_68 = arith.constant 0 : i32
        %dma_start3A_69 = tpu.memref_slice %arg4[%add3A, %add3A_52, %dma_start3A_68] : memref<32x124x128xi32, #tpu.memory_space<hbm>> -> memref<1x1x128xi32, #tpu.memory_space<hbm>>
        %dma_start3A_70 = tpu.memref_squeeze %dma_start3A_69 : memref<1x1x128xi32, #tpu.memory_space<hbm>> -> memref<128xi32, #tpu.memory_space<hbm>>
        %dma_start3A_71 = arith.constant 0 : i32
        %dma_start3A_72 = tpu.memref_slice %arg4[%add3A, %add3A_52, %dma_start3A_71] : memref<32x124x128xi32, #tpu.memory_space<hbm>> -> memref<1x1x128xi32, #tpu.memory_space<hbm>>
        %dma_start3A_73 = tpu.memref_squeeze %dma_start3A_72 : memref<1x1x128xi32, #tpu.memory_space<hbm>> -> memref<128xi32, #tpu.memory_space<hbm>>
        tpu.enqueue_dma source(%dma_start3A_73 : memref<128xi32, #tpu.memory_space<hbm>>) target(%arg10 : memref<128xi32, #tpu.memory_space<vmem>>) target_semaphore(%run_scoped3A : memref<!tpu.dma_semaphore, #tpu.memory_space<semaphore_mem>>)
        %dma_wait3A_74 = arith.constant 0 : i32
        %dma_wait3A_75 = tpu.memref_slice %arg4[%add3A, %add3A_52, %dma_wait3A_74] : memref<32x124x128xi32, #tpu.memory_space<hbm>> -> memref<1x1x128xi32, #tpu.memory_space<hbm>>
        %dma_wait3A_76 = tpu.memref_squeeze %dma_wait3A_75 : memref<1x1x128xi32, #tpu.memory_space<hbm>> -> memref<128xi32, #tpu.memory_space<hbm>>
        %dma_wait3A_77 = arith.constant 0 : i32
        %dma_wait3A_78 = tpu.memref_slice %arg4[%add3A, %add3A_52, %dma_wait3A_77] : memref<32x124x128xi32, #tpu.memory_space<hbm>> -> memref<1x1x128xi32, #tpu.memory_space<hbm>>
        %dma_wait3A_79 = tpu.memref_squeeze %dma_wait3A_78 : memref<1x1x128xi32, #tpu.memory_space<hbm>> -> memref<128xi32, #tpu.memory_space<hbm>>
        tpu.wait_dma2 semaphore(%run_scoped3A : memref<!tpu.dma_semaphore, #tpu.memory_space<semaphore_mem>>) src(%dma_wait3A_79 : memref<128xi32, #tpu.memory_space<hbm>>) dst(%arg10 : memref<128xi32, #tpu.memory_space<vmem>>)
        tpu.yield
      }) : () -> ()
      %dma_start3A_53 = arith.constant 0 : i32
      %dma_start3A_54 = arith.constant 0 : i32
      %dma_start3A_55 = tpu.memref_slice %arg2[%dma_start3A_53, %dma_start3A_54] : memref<10240x128xf32, #tpu.memory_space<hbm>> -> memref<10240x128xf32, #tpu.memory_space<hbm>>
      tpu.enqueue_indirect_dma source(%dma_start3A_55 : memref<10240x128xf32, #tpu.memory_space<hbm>>) target(%arg12 : memref<128x128xf32, #tpu.memory_space<vmem>>) offsets(%arg8 : memref<128xi32, #tpu.memory_space<vmem>>) semaphore(%arg14 : memref<!tpu.dma_semaphore, #tpu.memory_space<semaphore_mem>>)
      %dma_wait3A_56 = arith.constant 0 : i32
      %dma_wait3A_57 = arith.constant 0 : i32
      %dma_wait3A_58 = tpu.memref_slice %arg2[%dma_wait3A_56, %dma_wait3A_57] : memref<10240x128xf32, #tpu.memory_space<hbm>> -> memref<10240x128xf32, #tpu.memory_space<hbm>>
      tpu.wait_indirect_dma semaphore(%arg13 : memref<!tpu.dma_semaphore, #tpu.memory_space<semaphore_mem>>) src(%dma_wait3A_58 : memref<10240x128xf32, #tpu.memory_space<hbm>>) dst(%arg11 : memref<128x128xf32, #tpu.memory_space<vmem>>)
      %dma_start3A_59 = arith.constant 0 : i32
      %dma_start3A_60 = arith.constant 0 : i32
      %dma_start3A_61 = tpu.memref_slice %arg17[%dma_start3A_59, %dma_start3A_60] : memref<10240x128xf32, #tpu.memory_space<vmem_shared>> -> memref<10240x128xf32, #tpu.memory_space<vmem_shared>>
      tpu.enqueue_indirect_dma source(%arg11 : memref<128x128xf32, #tpu.memory_space<vmem>>) target(%dma_start3A_61 : memref<10240x128xf32, #tpu.memory_space<vmem_shared>>) offsets(%arg9 : memref<128xi32, #tpu.memory_space<vmem>>) semaphore(%arg15 : memref<!tpu.dma_semaphore, #tpu.memory_space<semaphore_mem>>) {add = true}
      %dma_wait3A_62 = arith.constant 0 : i32
      %dma_wait3A_63 = arith.constant 0 : i32
      %dma_wait3A_64 = tpu.memref_slice %arg2[%dma_wait3A_62, %dma_wait3A_63] : memref<10240x128xf32, #tpu.memory_space<hbm>> -> memref<10240x128xf32, #tpu.memory_space<hbm>>
      tpu.wait_indirect_dma semaphore(%arg14 : memref<!tpu.dma_semaphore, #tpu.memory_space<semaphore_mem>>) src(%dma_wait3A_64 : memref<10240x128xf32, #tpu.memory_space<hbm>>) dst(%arg12 : memref<128x128xf32, #tpu.memory_space<vmem>>)
      %dma_start3A_65 = arith.constant 0 : i32
      %dma_start3A_66 = arith.constant 0 : i32
      %dma_start3A_67 = tpu.memref_slice %arg17[%dma_start3A_65, %dma_start3A_66] : memref<10240x128xf32, #tpu.memory_space<vmem_shared>> -> memref<10240x128xf32, #tpu.memory_space<vmem_shared>>
      tpu.enqueue_indirect_dma source(%arg12 : memref<128x128xf32, #tpu.memory_space<vmem>>) target(%dma_start3A_67 : memref<10240x128xf32, #tpu.memory_space<vmem_shared>>) offsets(%arg10 : memref<128xi32, #tpu.memory_space<vmem>>) semaphore(%arg16 : memref<!tpu.dma_semaphore, #tpu.memory_space<semaphore_mem>>) {add = true}
    }
    %dma_wait3A = arith.constant 0 : i32
    %dma_wait3A_23 = arith.constant 0 : i32
    %dma_wait3A_24 = tpu.memref_slice %arg17[%dma_wait3A, %dma_wait3A_23] : memref<10240x128xf32, #tpu.memory_space<vmem_shared>> -> memref<10240x128xf32, #tpu.memory_space<vmem_shared>>
    tpu.wait_indirect_dma semaphore(%arg15 : memref<!tpu.dma_semaphore, #tpu.memory_space<semaphore_mem>>) src(%arg11 : memref<128x128xf32, #tpu.memory_space<vmem>>) dst(%dma_wait3A_24 : memref<10240x128xf32, #tpu.memory_space<vmem_shared>>)
    %dma_wait3A_25 = arith.constant 0 : i32
    %dma_wait3A_26 = arith.constant 0 : i32
    %dma_wait3A_27 = tpu.memref_slice %arg17[%dma_wait3A_25, %dma_wait3A_26] : memref<10240x128xf32, #tpu.memory_space<vmem_shared>> -> memref<10240x128xf32, #tpu.memory_space<vmem_shared>>
    tpu.wait_indirect_dma semaphore(%arg16 : memref<!tpu.dma_semaphore, #tpu.memory_space<semaphore_mem>>) src(%arg12 : memref<128x128xf32, #tpu.memory_space<vmem>>) dst(%dma_wait3A_27 : memref<10240x128xf32, #tpu.memory_space<vmem_shared>>)
    %barrier3A_28 = arith.constant 0 : index
    tpu.barrier barrier_id(%barrier3A_28)
    %mul3A_29 = arith.constant 640 : i32
    %mul3A_30 = arith.muli %arg1, %mul3A_29 : i32
    %mul3A_31 = arith.constant 640 : i32
    %mul3A_32 = arith.muli %arg1, %mul3A_31 : i32
    "tpu.region"() ({
      %run_scoped3A = tpu.sem_alloc : memref<!tpu.dma_semaphore, #tpu.memory_space<semaphore_mem>>
      %dma_start3A = arith.constant 0 : i32
      %dma_start3A_33 = tpu.memref_slice %arg6[%arg0, %mul3A_32, %dma_start3A] : memref<2x10240x128xf32, #tpu.memory_space<hbm>> -> memref<1x640x128xf32, #tpu.memory_space<hbm>>
      %dma_start3A_34 = tpu.memref_squeeze %dma_start3A_33 : memref<1x640x128xf32, #tpu.memory_space<hbm>> -> memref<640x128xf32, #tpu.memory_space<hbm>>
      %dma_start3A_35 = arith.constant 0 : i32
      %dma_start3A_36 = tpu.memref_slice %arg17[%mul3A_30, %dma_start3A_35] : memref<10240x128xf32, #tpu.memory_space<vmem_shared>> -> memref<640x128xf32, #tpu.memory_space<vmem_shared>>
      tpu.enqueue_dma source(%dma_start3A_36 : memref<640x128xf32, #tpu.memory_space<vmem_shared>>) target(%dma_start3A_34 : memref<640x128xf32, #tpu.memory_space<hbm>>) target_semaphore(%run_scoped3A : memref<!tpu.dma_semaphore, #tpu.memory_space<semaphore_mem>>)
      %dma_wait3A_37 = arith.constant 0 : i32
      %dma_wait3A_38 = tpu.memref_slice %arg6[%arg0, %mul3A_32, %dma_wait3A_37] : memref<2x10240x128xf32, #tpu.memory_space<hbm>> -> memref<1x640x128xf32, #tpu.memory_space<hbm>>
      %dma_wait3A_39 = tpu.memref_squeeze %dma_wait3A_38 : memref<1x640x128xf32, #tpu.memory_space<hbm>> -> memref<640x128xf32, #tpu.memory_space<hbm>>
      %dma_wait3A_40 = arith.constant 0 : i32
      %dma_wait3A_41 = tpu.memref_slice %arg17[%mul3A_30, %dma_wait3A_40] : memref<10240x128xf32, #tpu.memory_space<vmem_shared>> -> memref<640x128xf32, #tpu.memory_space<vmem_shared>>
      tpu.wait_dma2 semaphore(%run_scoped3A : memref<!tpu.dma_semaphore, #tpu.memory_space<semaphore_mem>>) src(%dma_wait3A_41 : memref<640x128xf32, #tpu.memory_space<vmem_shared>>) dst(%dma_wait3A_39 : memref<640x128xf32, #tpu.memory_space<hbm>>)
      tpu.yield
    }) : () -> ()
    return
  }
}

#map = affine_map<(d0, d1) -> (0, 0)>
#map1 = affine_map<(d0, d1) -> (0, 0, 0)>
module attributes {stable_mosaic.version = 14 : i64} {
  func.func @_sc_spmm(%arg0: i32, %arg1: i32, %arg2: memref<10240x128xf32, #tpu.memory_space<hbm>>, %arg3: memref<32x124x128xi32, #tpu.memory_space<hbm>>, %arg4: memref<32x124x128xi32, #tpu.memory_space<hbm>>, %arg5: memref<10240x128xf32, #tpu.memory_space<hbm>>, %arg6: memref<2x10240x128xf32, #tpu.memory_space<hbm>>, %arg7: memref<128xi32, #tpu.memory_space<vmem>>, %arg8: memref<128xi32, #tpu.memory_space<vmem>>, %arg9: memref<128xi32, #tpu.memory_space<vmem>>, %arg10: memref<128xi32, #tpu.memory_space<vmem>>, %arg11: memref<128x128xf32, #tpu.memory_space<vmem>>, %arg12: memref<128x128xf32, #tpu.memory_space<vmem>>, %arg13: memref<!tpu.dma_semaphore, #tpu.memory_space<semaphore_mem>>, %arg14: memref<!tpu.dma_semaphore, #tpu.memory_space<semaphore_mem>>, %arg15: memref<!tpu.dma_semaphore, #tpu.memory_space<semaphore_mem>>, %arg16: memref<!tpu.dma_semaphore, #tpu.memory_space<semaphore_mem>>, %arg17: memref<10240x128xf32, #tpu.memory_space<vmem_shared>>) attributes {dimension_semantics = [#tpu.dimension_semantics<core_parallel>, #tpu.dimension_semantics<subcore_parallel>], iteration_bounds = array<i64: 2, 16>, scalar_prefetch = 0 : i64, scratch_operands = 11 : i64, tpu.core_type = #tpu.core_type<sc_vector_subcore>, window_params = [{transform_indices = #map}, {transform_indices = #map1}, {transform_indices = #map1}, {transform_indices = #map}, {transform_indices = #map1}]} {
    %mul3A = arith.constant 16 : i32
    %mul3A_0 = arith.muli %arg0, %mul3A : i32
    %add3A = arith.addi %mul3A_0, %arg1 : i32
    %eq3A = arith.constant 0 : i32
    %eq3A_1 = arith.cmpi eq, %arg0, %eq3A : i32
    %jit3A = arith.constant 124 : i32
    %jit3A_2 = arith.constant 36 : i32
    %select_n3A = arith.select %eq3A_1, %jit3A, %jit3A_2 : i32
    %mul3A_3 = arith.constant 640 : i32
    %mul3A_4 = arith.muli %arg1, %mul3A_3 : i32
    %mul3A_5 = arith.constant 640 : i32
    %mul3A_6 = arith.muli %arg1, %mul3A_5 : i32
    "tpu.region"() ({
      %run_scoped3A = tpu.sem_alloc : memref<!tpu.dma_semaphore, #tpu.memory_space<semaphore_mem>>
      %dma_start3A = arith.constant 0 : i32
      %dma_start3A_33 = tpu.memref_slice %arg17[%mul3A_6, %dma_start3A] : memref<10240x128xf32, #tpu.memory_space<vmem_shared>> -> memref<640x128xf32, #tpu.memory_space<vmem_shared>>
      %dma_start3A_34 = arith.constant 0 : i32
      %dma_start3A_35 = tpu.memref_slice %arg5[%mul3A_4, %dma_start3A_34] : memref<10240x128xf32, #tpu.memory_space<hbm>> -> memref<640x128xf32, #tpu.memory_space<hbm>>
      tpu.enqueue_dma source(%dma_start3A_35 : memref<640x128xf32, #tpu.memory_space<hbm>>) target(%dma_start3A_33 : memref<640x128xf32, #tpu.memory_space<vmem_shared>>) target_semaphore(%run_scoped3A : memref<!tpu.dma_semaphore, #tpu.memory_space<semaphore_mem>>)
      %dma_wait3A_36 = arith.constant 0 : i32
      %dma_wait3A_37 = tpu.memref_slice %arg17[%mul3A_6, %dma_wait3A_36] : memref<10240x128xf32, #tpu.memory_space<vmem_shared>> -> memref<640x128xf32, #tpu.memory_space<vmem_shared>>
      %dma_wait3A_38 = arith.constant 0 : i32
      %dma_wait3A_39 = tpu.memref_slice %arg5[%mul3A_4, %dma_wait3A_38] : memref<10240x128xf32, #tpu.memory_space<hbm>> -> memref<640x128xf32, #tpu.memory_space<hbm>>
      tpu.wait_dma2 semaphore(%run_scoped3A : memref<!tpu.dma_semaphore, #tpu.memory_space<semaphore_mem>>) src(%dma_wait3A_39 : memref<640x128xf32, #tpu.memory_space<hbm>>) dst(%dma_wait3A_37 : memref<640x128xf32, #tpu.memory_space<vmem_shared>>)
      tpu.yield
    }) : () -> ()
    %barrier3A = arith.constant 0 : index
    tpu.barrier barrier_id(%barrier3A)
    %sub3A = arith.constant 0 : i32
    %sub3A_7 = arith.subi %select_n3A, %sub3A : i32
    %sub3A_8 = arith.constant 2 : i32
    %sub3A_9 = arith.constant 1 : i32
    %sub3A_10 = arith.subi %sub3A_8, %sub3A_9 : i32
    %add3A_11 = arith.addi %sub3A_7, %sub3A_10 : i32
    %div3A = arith.constant 2 : i32
    %div3A_12 = arith.divsi %add3A_11, %div3A : i32
    %while3A = arith.constant 2 : i32
    %while3A_13 = arith.constant 0 : i32
    %while3A_14 = arith.constant 0 : i32
    %while3A_15 = arith.subi %div3A_12, %while3A_14 : i32
    %while3A_16 = arith.addi %while3A_14, %while3A_15 : i32
    %while3A_17 = arith.constant 1 : i32
    %while3A_18 = arith.divsi %while3A_15, %while3A_17 : i32
    %while3A_19 = arith.muli %while3A_18, %while3A_17 : i32
    %while3A_20 = arith.addi %while3A_14, %while3A_19 : i32
    %while3A_21 = arith.constant 1 : i32
    scf.for %while3A_33 = %while3A_14 to %while3A_20 step %while3A_21  : i32 {
      %mul3A_34 = arith.muli %while3A_33, %while3A : i32
      %add3A_35 = arith.addi %while3A_13, %mul3A_34 : i32
      %gt3A = arith.constant 0 : i32
      %gt3A_36 = arith.cmpi sgt, %add3A_35, %gt3A : i32
      %convert_element_type3A = arith.extui %gt3A_36 : i1 to i32
      %cond3A = arith.constant 0 : i32
      %cond3A_37 = arith.cmpi ne, %convert_element_type3A, %cond3A : i32
      scf.if %cond3A_37 {
        %dma_wait3A_68 = arith.constant 0 : i32
        %dma_wait3A_69 = arith.constant 0 : i32
        %dma_wait3A_70 = tpu.memref_slice %arg17[%dma_wait3A_68, %dma_wait3A_69] : memref<10240x128xf32, #tpu.memory_space<vmem_shared>> -> memref<10240x128xf32, #tpu.memory_space<vmem_shared>>
        tpu.wait_indirect_dma semaphore(%arg15 : memref<!tpu.dma_semaphore, #tpu.memory_space<semaphore_mem>>) src(%arg11 : memref<128x128xf32, #tpu.memory_space<vmem>>) dst(%dma_wait3A_70 : memref<10240x128xf32, #tpu.memory_space<vmem_shared>>)
      } else {
      }
      %add3A_38 = arith.constant 0 : i32
      %add3A_39 = arith.addi %add3A_35, %add3A_38 : i32
      "tpu.region"() ({
        %run_scoped3A = tpu.sem_alloc : memref<!tpu.dma_semaphore, #tpu.memory_space<semaphore_mem>>
        %dma_start3A_68 = arith.constant 0 : i32
        %dma_start3A_69 = tpu.memref_slice %arg3[%add3A, %add3A_39, %dma_start3A_68] : memref<32x124x128xi32, #tpu.memory_space<hbm>> -> memref<1x1x128xi32, #tpu.memory_space<hbm>>
        %dma_start3A_70 = tpu.memref_squeeze %dma_start3A_69 : memref<1x1x128xi32, #tpu.memory_space<hbm>> -> memref<128xi32, #tpu.memory_space<hbm>>
        %dma_start3A_71 = arith.constant 0 : i32
        %dma_start3A_72 = tpu.memref_slice %arg3[%add3A, %add3A_39, %dma_start3A_71] : memref<32x124x128xi32, #tpu.memory_space<hbm>> -> memref<1x1x128xi32, #tpu.memory_space<hbm>>
        %dma_start3A_73 = tpu.memref_squeeze %dma_start3A_72 : memref<1x1x128xi32, #tpu.memory_space<hbm>> -> memref<128xi32, #tpu.memory_space<hbm>>
        tpu.enqueue_dma source(%dma_start3A_73 : memref<128xi32, #tpu.memory_space<hbm>>) target(%arg7 : memref<128xi32, #tpu.memory_space<vmem>>) target_semaphore(%run_scoped3A : memref<!tpu.dma_semaphore, #tpu.memory_space<semaphore_mem>>)
        %dma_wait3A_74 = arith.constant 0 : i32
        %dma_wait3A_75 = tpu.memref_slice %arg3[%add3A, %add3A_39, %dma_wait3A_74] : memref<32x124x128xi32, #tpu.memory_space<hbm>> -> memref<1x1x128xi32, #tpu.memory_space<hbm>>
        %dma_wait3A_76 = tpu.memref_squeeze %dma_wait3A_75 : memref<1x1x128xi32, #tpu.memory_space<hbm>> -> memref<128xi32, #tpu.memory_space<hbm>>
        %dma_wait3A_77 = arith.constant 0 : i32
        %dma_wait3A_78 = tpu.memref_slice %arg3[%add3A, %add3A_39, %dma_wait3A_77] : memref<32x124x128xi32, #tpu.memory_space<hbm>> -> memref<1x1x128xi32, #tpu.memory_space<hbm>>
        %dma_wait3A_79 = tpu.memref_squeeze %dma_wait3A_78 : memref<1x1x128xi32, #tpu.memory_space<hbm>> -> memref<128xi32, #tpu.memory_space<hbm>>
        tpu.wait_dma2 semaphore(%run_scoped3A : memref<!tpu.dma_semaphore, #tpu.memory_space<semaphore_mem>>) src(%dma_wait3A_79 : memref<128xi32, #tpu.memory_space<hbm>>) dst(%arg7 : memref<128xi32, #tpu.memory_space<vmem>>)
        tpu.yield
      }) : () -> ()
      %add3A_40 = arith.constant 0 : i32
      %add3A_41 = arith.addi %add3A_35, %add3A_40 : i32
      "tpu.region"() ({
        %run_scoped3A = tpu.sem_alloc : memref<!tpu.dma_semaphore, #tpu.memory_space<semaphore_mem>>
        %dma_start3A_68 = arith.constant 0 : i32
        %dma_start3A_69 = tpu.memref_slice %arg4[%add3A, %add3A_41, %dma_start3A_68] : memref<32x124x128xi32, #tpu.memory_space<hbm>> -> memref<1x1x128xi32, #tpu.memory_space<hbm>>
        %dma_start3A_70 = tpu.memref_squeeze %dma_start3A_69 : memref<1x1x128xi32, #tpu.memory_space<hbm>> -> memref<128xi32, #tpu.memory_space<hbm>>
        %dma_start3A_71 = arith.constant 0 : i32
        %dma_start3A_72 = tpu.memref_slice %arg4[%add3A, %add3A_41, %dma_start3A_71] : memref<32x124x128xi32, #tpu.memory_space<hbm>> -> memref<1x1x128xi32, #tpu.memory_space<hbm>>
        %dma_start3A_73 = tpu.memref_squeeze %dma_start3A_72 : memref<1x1x128xi32, #tpu.memory_space<hbm>> -> memref<128xi32, #tpu.memory_space<hbm>>
        tpu.enqueue_dma source(%dma_start3A_73 : memref<128xi32, #tpu.memory_space<hbm>>) target(%arg9 : memref<128xi32, #tpu.memory_space<vmem>>) target_semaphore(%run_scoped3A : memref<!tpu.dma_semaphore, #tpu.memory_space<semaphore_mem>>)
        %dma_wait3A_74 = arith.constant 0 : i32
        %dma_wait3A_75 = tpu.memref_slice %arg4[%add3A, %add3A_41, %dma_wait3A_74] : memref<32x124x128xi32, #tpu.memory_space<hbm>> -> memref<1x1x128xi32, #tpu.memory_space<hbm>>
        %dma_wait3A_76 = tpu.memref_squeeze %dma_wait3A_75 : memref<1x1x128xi32, #tpu.memory_space<hbm>> -> memref<128xi32, #tpu.memory_space<hbm>>
        %dma_wait3A_77 = arith.constant 0 : i32
        %dma_wait3A_78 = tpu.memref_slice %arg4[%add3A, %add3A_41, %dma_wait3A_77] : memref<32x124x128xi32, #tpu.memory_space<hbm>> -> memref<1x1x128xi32, #tpu.memory_space<hbm>>
        %dma_wait3A_79 = tpu.memref_squeeze %dma_wait3A_78 : memref<1x1x128xi32, #tpu.memory_space<hbm>> -> memref<128xi32, #tpu.memory_space<hbm>>
        tpu.wait_dma2 semaphore(%run_scoped3A : memref<!tpu.dma_semaphore, #tpu.memory_space<semaphore_mem>>) src(%dma_wait3A_79 : memref<128xi32, #tpu.memory_space<hbm>>) dst(%arg9 : memref<128xi32, #tpu.memory_space<vmem>>)
        tpu.yield
      }) : () -> ()
      %dma_start3A = arith.constant 0 : i32
      %dma_start3A_42 = arith.constant 0 : i32
      %dma_start3A_43 = tpu.memref_slice %arg2[%dma_start3A, %dma_start3A_42] : memref<10240x128xf32, #tpu.memory_space<hbm>> -> memref<10240x128xf32, #tpu.memory_space<hbm>>
      tpu.enqueue_indirect_dma source(%dma_start3A_43 : memref<10240x128xf32, #tpu.memory_space<hbm>>) target(%arg11 : memref<128x128xf32, #tpu.memory_space<vmem>>) offsets(%arg7 : memref<128xi32, #tpu.memory_space<vmem>>) semaphore(%arg13 : memref<!tpu.dma_semaphore, #tpu.memory_space<semaphore_mem>>)
      %gt3A_44 = arith.constant 0 : i32
      %gt3A_45 = arith.cmpi sgt, %add3A_35, %gt3A_44 : i32
      %convert_element_type3A_46 = arith.extui %gt3A_45 : i1 to i32
      %cond3A_47 = arith.constant 0 : i32
      %cond3A_48 = arith.cmpi ne, %convert_element_type3A_46, %cond3A_47 : i32
      scf.if %cond3A_48 {
        %dma_wait3A_68 = arith.constant 0 : i32
        %dma_wait3A_69 = arith.constant 0 : i32
        %dma_wait3A_70 = tpu.memref_slice %arg17[%dma_wait3A_68, %dma_wait3A_69] : memref<10240x128xf32, #tpu.memory_space<vmem_shared>> -> memref<10240x128xf32, #tpu.memory_space<vmem_shared>>
        tpu.wait_indirect_dma semaphore(%arg16 : memref<!tpu.dma_semaphore, #tpu.memory_space<semaphore_mem>>) src(%arg12 : memref<128x128xf32, #tpu.memory_space<vmem>>) dst(%dma_wait3A_70 : memref<10240x128xf32, #tpu.memory_space<vmem_shared>>)
      } else {
      }
      %add3A_49 = arith.constant 1 : i32
      %add3A_50 = arith.addi %add3A_35, %add3A_49 : i32
      "tpu.region"() ({
        %run_scoped3A = tpu.sem_alloc : memref<!tpu.dma_semaphore, #tpu.memory_space<semaphore_mem>>
        %dma_start3A_68 = arith.constant 0 : i32
        %dma_start3A_69 = tpu.memref_slice %arg3[%add3A, %add3A_50, %dma_start3A_68] : memref<32x124x128xi32, #tpu.memory_space<hbm>> -> memref<1x1x128xi32, #tpu.memory_space<hbm>>
        %dma_start3A_70 = tpu.memref_squeeze %dma_start3A_69 : memref<1x1x128xi32, #tpu.memory_space<hbm>> -> memref<128xi32, #tpu.memory_space<hbm>>
        %dma_start3A_71 = arith.constant 0 : i32
        %dma_start3A_72 = tpu.memref_slice %arg3[%add3A, %add3A_50, %dma_start3A_71] : memref<32x124x128xi32, #tpu.memory_space<hbm>> -> memref<1x1x128xi32, #tpu.memory_space<hbm>>
        %dma_start3A_73 = tpu.memref_squeeze %dma_start3A_72 : memref<1x1x128xi32, #tpu.memory_space<hbm>> -> memref<128xi32, #tpu.memory_space<hbm>>
        tpu.enqueue_dma source(%dma_start3A_73 : memref<128xi32, #tpu.memory_space<hbm>>) target(%arg8 : memref<128xi32, #tpu.memory_space<vmem>>) target_semaphore(%run_scoped3A : memref<!tpu.dma_semaphore, #tpu.memory_space<semaphore_mem>>)
        %dma_wait3A_74 = arith.constant 0 : i32
        %dma_wait3A_75 = tpu.memref_slice %arg3[%add3A, %add3A_50, %dma_wait3A_74] : memref<32x124x128xi32, #tpu.memory_space<hbm>> -> memref<1x1x128xi32, #tpu.memory_space<hbm>>
        %dma_wait3A_76 = tpu.memref_squeeze %dma_wait3A_75 : memref<1x1x128xi32, #tpu.memory_space<hbm>> -> memref<128xi32, #tpu.memory_space<hbm>>
        %dma_wait3A_77 = arith.constant 0 : i32
        %dma_wait3A_78 = tpu.memref_slice %arg3[%add3A, %add3A_50, %dma_wait3A_77] : memref<32x124x128xi32, #tpu.memory_space<hbm>> -> memref<1x1x128xi32, #tpu.memory_space<hbm>>
        %dma_wait3A_79 = tpu.memref_squeeze %dma_wait3A_78 : memref<1x1x128xi32, #tpu.memory_space<hbm>> -> memref<128xi32, #tpu.memory_space<hbm>>
        tpu.wait_dma2 semaphore(%run_scoped3A : memref<!tpu.dma_semaphore, #tpu.memory_space<semaphore_mem>>) src(%dma_wait3A_79 : memref<128xi32, #tpu.memory_space<hbm>>) dst(%arg8 : memref<128xi32, #tpu.memory_space<vmem>>)
        tpu.yield
      }) : () -> ()
      %add3A_51 = arith.constant 1 : i32
      %add3A_52 = arith.addi %add3A_35, %add3A_51 : i32
      "tpu.region"() ({
        %run_scoped3A = tpu.sem_alloc : memref<!tpu.dma_semaphore, #tpu.memory_space<semaphore_mem>>
        %dma_start3A_68 = arith.constant 0 : i32
        %dma_start3A_69 = tpu.memref_slice %arg4[%add3A, %add3A_52, %dma_start3A_68] : memref<32x124x128xi32, #tpu.memory_space<hbm>> -> memref<1x1x128xi32, #tpu.memory_space<hbm>>
        %dma_start3A_70 = tpu.memref_squeeze %dma_start3A_69 : memref<1x1x128xi32, #tpu.memory_space<hbm>> -> memref<128xi32, #tpu.memory_space<hbm>>
        %dma_start3A_71 = arith.constant 0 : i32
        %dma_start3A_72 = tpu.memref_slice %arg4[%add3A, %add3A_52, %dma_start3A_71] : memref<32x124x128xi32, #tpu.memory_space<hbm>> -> memref<1x1x128xi32, #tpu.memory_space<hbm>>
        %dma_start3A_73 = tpu.memref_squeeze %dma_start3A_72 : memref<1x1x128xi32, #tpu.memory_space<hbm>> -> memref<128xi32, #tpu.memory_space<hbm>>
        tpu.enqueue_dma source(%dma_start3A_73 : memref<128xi32, #tpu.memory_space<hbm>>) target(%arg10 : memref<128xi32, #tpu.memory_space<vmem>>) target_semaphore(%run_scoped3A : memref<!tpu.dma_semaphore, #tpu.memory_space<semaphore_mem>>)
        %dma_wait3A_74 = arith.constant 0 : i32
        %dma_wait3A_75 = tpu.memref_slice %arg4[%add3A, %add3A_52, %dma_wait3A_74] : memref<32x124x128xi32, #tpu.memory_space<hbm>> -> memref<1x1x128xi32, #tpu.memory_space<hbm>>
        %dma_wait3A_76 = tpu.memref_squeeze %dma_wait3A_75 : memref<1x1x128xi32, #tpu.memory_space<hbm>> -> memref<128xi32, #tpu.memory_space<hbm>>
        %dma_wait3A_77 = arith.constant 0 : i32
        %dma_wait3A_78 = tpu.memref_slice %arg4[%add3A, %add3A_52, %dma_wait3A_77] : memref<32x124x128xi32, #tpu.memory_space<hbm>> -> memref<1x1x128xi32, #tpu.memory_space<hbm>>
        %dma_wait3A_79 = tpu.memref_squeeze %dma_wait3A_78 : memref<1x1x128xi32, #tpu.memory_space<hbm>> -> memref<128xi32, #tpu.memory_space<hbm>>
        tpu.wait_dma2 semaphore(%run_scoped3A : memref<!tpu.dma_semaphore, #tpu.memory_space<semaphore_mem>>) src(%dma_wait3A_79 : memref<128xi32, #tpu.memory_space<hbm>>) dst(%arg10 : memref<128xi32, #tpu.memory_space<vmem>>)
        tpu.yield
      }) : () -> ()
      %dma_start3A_53 = arith.constant 0 : i32
      %dma_start3A_54 = arith.constant 0 : i32
      %dma_start3A_55 = tpu.memref_slice %arg2[%dma_start3A_53, %dma_start3A_54] : memref<10240x128xf32, #tpu.memory_space<hbm>> -> memref<10240x128xf32, #tpu.memory_space<hbm>>
      tpu.enqueue_indirect_dma source(%dma_start3A_55 : memref<10240x128xf32, #tpu.memory_space<hbm>>) target(%arg12 : memref<128x128xf32, #tpu.memory_space<vmem>>) offsets(%arg8 : memref<128xi32, #tpu.memory_space<vmem>>) semaphore(%arg14 : memref<!tpu.dma_semaphore, #tpu.memory_space<semaphore_mem>>)
      %dma_wait3A_56 = arith.constant 0 : i32
      %dma_wait3A_57 = arith.constant 0 : i32
      %dma_wait3A_58 = tpu.memref_slice %arg2[%dma_wait3A_56, %dma_wait3A_57] : memref<10240x128xf32, #tpu.memory_space<hbm>> -> memref<10240x128xf32, #tpu.memory_space<hbm>>
      tpu.wait_indirect_dma semaphore(%arg13 : memref<!tpu.dma_semaphore, #tpu.memory_space<semaphore_mem>>) src(%dma_wait3A_58 : memref<10240x128xf32, #tpu.memory_space<hbm>>) dst(%arg11 : memref<128x128xf32, #tpu.memory_space<vmem>>)
      %dma_start3A_59 = arith.constant 0 : i32
      %dma_start3A_60 = arith.constant 0 : i32
      %dma_start3A_61 = tpu.memref_slice %arg17[%dma_start3A_59, %dma_start3A_60] : memref<10240x128xf32, #tpu.memory_space<vmem_shared>> -> memref<10240x128xf32, #tpu.memory_space<vmem_shared>>
      tpu.enqueue_indirect_dma source(%arg11 : memref<128x128xf32, #tpu.memory_space<vmem>>) target(%dma_start3A_61 : memref<10240x128xf32, #tpu.memory_space<vmem_shared>>) offsets(%arg9 : memref<128xi32, #tpu.memory_space<vmem>>) semaphore(%arg15 : memref<!tpu.dma_semaphore, #tpu.memory_space<semaphore_mem>>) {add = true}
      %dma_wait3A_62 = arith.constant 0 : i32
      %dma_wait3A_63 = arith.constant 0 : i32
      %dma_wait3A_64 = tpu.memref_slice %arg2[%dma_wait3A_62, %dma_wait3A_63] : memref<10240x128xf32, #tpu.memory_space<hbm>> -> memref<10240x128xf32, #tpu.memory_space<hbm>>
      tpu.wait_indirect_dma semaphore(%arg14 : memref<!tpu.dma_semaphore, #tpu.memory_space<semaphore_mem>>) src(%dma_wait3A_64 : memref<10240x128xf32, #tpu.memory_space<hbm>>) dst(%arg12 : memref<128x128xf32, #tpu.memory_space<vmem>>)
      %dma_start3A_65 = arith.constant 0 : i32
      %dma_start3A_66 = arith.constant 0 : i32
      %dma_start3A_67 = tpu.memref_slice %arg17[%dma_start3A_65, %dma_start3A_66] : memref<10240x128xf32, #tpu.memory_space<vmem_shared>> -> memref<10240x128xf32, #tpu.memory_space<vmem_shared>>
      tpu.enqueue_indirect_dma source(%arg12 : memref<128x128xf32, #tpu.memory_space<vmem>>) target(%dma_start3A_67 : memref<10240x128xf32, #tpu.memory_space<vmem_shared>>) offsets(%arg10 : memref<128xi32, #tpu.memory_space<vmem>>) semaphore(%arg16 : memref<!tpu.dma_semaphore, #tpu.memory_space<semaphore_mem>>) {add = true}
    }
    %while3A_22 = arith.constant 1 : i32
    scf.for %while3A_33 = %while3A_20 to %while3A_16 step %while3A_22  : i32 {
      %mul3A_34 = arith.muli %while3A_33, %while3A : i32
      %add3A_35 = arith.addi %while3A_13, %mul3A_34 : i32
      %gt3A = arith.constant 0 : i32
      %gt3A_36 = arith.cmpi sgt, %add3A_35, %gt3A : i32
      %convert_element_type3A = arith.extui %gt3A_36 : i1 to i32
      %cond3A = arith.constant 0 : i32
      %cond3A_37 = arith.cmpi ne, %convert_element_type3A, %cond3A : i32
      scf.if %cond3A_37 {
        %dma_wait3A_68 = arith.constant 0 : i32
        %dma_wait3A_69 = arith.constant 0 : i32
        %dma_wait3A_70 = tpu.memref_slice %arg17[%dma_wait3A_68, %dma_wait3A_69] : memref<10240x128xf32, #tpu.memory_space<vmem_shared>> -> memref<10240x128xf32, #tpu.memory_space<vmem_shared>>
        tpu.wait_indirect_dma semaphore(%arg15 : memref<!tpu.dma_semaphore, #tpu.memory_space<semaphore_mem>>) src(%arg11 : memref<128x128xf32, #tpu.memory_space<vmem>>) dst(%dma_wait3A_70 : memref<10240x128xf32, #tpu.memory_space<vmem_shared>>)
      } else {
      }
      %add3A_38 = arith.constant 0 : i32
      %add3A_39 = arith.addi %add3A_35, %add3A_38 : i32
      "tpu.region"() ({
        %run_scoped3A = tpu.sem_alloc : memref<!tpu.dma_semaphore, #tpu.memory_space<semaphore_mem>>
        %dma_start3A_68 = arith.constant 0 : i32
        %dma_start3A_69 = tpu.memref_slice %arg3[%add3A, %add3A_39, %dma_start3A_68] : memref<32x124x128xi32, #tpu.memory_space<hbm>> -> memref<1x1x128xi32, #tpu.memory_space<hbm>>
        %dma_start3A_70 = tpu.memref_squeeze %dma_start3A_69 : memref<1x1x128xi32, #tpu.memory_space<hbm>> -> memref<128xi32, #tpu.memory_space<hbm>>
        %dma_start3A_71 = arith.constant 0 : i32
        %dma_start3A_72 = tpu.memref_slice %arg3[%add3A, %add3A_39, %dma_start3A_71] : memref<32x124x128xi32, #tpu.memory_space<hbm>> -> memref<1x1x128xi32, #tpu.memory_space<hbm>>
        %dma_start3A_73 = tpu.memref_squeeze %dma_start3A_72 : memref<1x1x128xi32, #tpu.memory_space<hbm>> -> memref<128xi32, #tpu.memory_space<hbm>>
        tpu.enqueue_dma source(%dma_start3A_73 : memref<128xi32, #tpu.memory_space<hbm>>) target(%arg7 : memref<128xi32, #tpu.memory_space<vmem>>) target_semaphore(%run_scoped3A : memref<!tpu.dma_semaphore, #tpu.memory_space<semaphore_mem>>)
        %dma_wait3A_74 = arith.constant 0 : i32
        %dma_wait3A_75 = tpu.memref_slice %arg3[%add3A, %add3A_39, %dma_wait3A_74] : memref<32x124x128xi32, #tpu.memory_space<hbm>> -> memref<1x1x128xi32, #tpu.memory_space<hbm>>
        %dma_wait3A_76 = tpu.memref_squeeze %dma_wait3A_75 : memref<1x1x128xi32, #tpu.memory_space<hbm>> -> memref<128xi32, #tpu.memory_space<hbm>>
        %dma_wait3A_77 = arith.constant 0 : i32
        %dma_wait3A_78 = tpu.memref_slice %arg3[%add3A, %add3A_39, %dma_wait3A_77] : memref<32x124x128xi32, #tpu.memory_space<hbm>> -> memref<1x1x128xi32, #tpu.memory_space<hbm>>
        %dma_wait3A_79 = tpu.memref_squeeze %dma_wait3A_78 : memref<1x1x128xi32, #tpu.memory_space<hbm>> -> memref<128xi32, #tpu.memory_space<hbm>>
        tpu.wait_dma2 semaphore(%run_scoped3A : memref<!tpu.dma_semaphore, #tpu.memory_space<semaphore_mem>>) src(%dma_wait3A_79 : memref<128xi32, #tpu.memory_space<hbm>>) dst(%arg7 : memref<128xi32, #tpu.memory_space<vmem>>)
        tpu.yield
      }) : () -> ()
      %add3A_40 = arith.constant 0 : i32
      %add3A_41 = arith.addi %add3A_35, %add3A_40 : i32
      "tpu.region"() ({
        %run_scoped3A = tpu.sem_alloc : memref<!tpu.dma_semaphore, #tpu.memory_space<semaphore_mem>>
        %dma_start3A_68 = arith.constant 0 : i32
        %dma_start3A_69 = tpu.memref_slice %arg4[%add3A, %add3A_41, %dma_start3A_68] : memref<32x124x128xi32, #tpu.memory_space<hbm>> -> memref<1x1x128xi32, #tpu.memory_space<hbm>>
        %dma_start3A_70 = tpu.memref_squeeze %dma_start3A_69 : memref<1x1x128xi32, #tpu.memory_space<hbm>> -> memref<128xi32, #tpu.memory_space<hbm>>
        %dma_start3A_71 = arith.constant 0 : i32
        %dma_start3A_72 = tpu.memref_slice %arg4[%add3A, %add3A_41, %dma_start3A_71] : memref<32x124x128xi32, #tpu.memory_space<hbm>> -> memref<1x1x128xi32, #tpu.memory_space<hbm>>
        %dma_start3A_73 = tpu.memref_squeeze %dma_start3A_72 : memref<1x1x128xi32, #tpu.memory_space<hbm>> -> memref<128xi32, #tpu.memory_space<hbm>>
        tpu.enqueue_dma source(%dma_start3A_73 : memref<128xi32, #tpu.memory_space<hbm>>) target(%arg9 : memref<128xi32, #tpu.memory_space<vmem>>) target_semaphore(%run_scoped3A : memref<!tpu.dma_semaphore, #tpu.memory_space<semaphore_mem>>)
        %dma_wait3A_74 = arith.constant 0 : i32
        %dma_wait3A_75 = tpu.memref_slice %arg4[%add3A, %add3A_41, %dma_wait3A_74] : memref<32x124x128xi32, #tpu.memory_space<hbm>> -> memref<1x1x128xi32, #tpu.memory_space<hbm>>
        %dma_wait3A_76 = tpu.memref_squeeze %dma_wait3A_75 : memref<1x1x128xi32, #tpu.memory_space<hbm>> -> memref<128xi32, #tpu.memory_space<hbm>>
        %dma_wait3A_77 = arith.constant 0 : i32
        %dma_wait3A_78 = tpu.memref_slice %arg4[%add3A, %add3A_41, %dma_wait3A_77] : memref<32x124x128xi32, #tpu.memory_space<hbm>> -> memref<1x1x128xi32, #tpu.memory_space<hbm>>
        %dma_wait3A_79 = tpu.memref_squeeze %dma_wait3A_78 : memref<1x1x128xi32, #tpu.memory_space<hbm>> -> memref<128xi32, #tpu.memory_space<hbm>>
        tpu.wait_dma2 semaphore(%run_scoped3A : memref<!tpu.dma_semaphore, #tpu.memory_space<semaphore_mem>>) src(%dma_wait3A_79 : memref<128xi32, #tpu.memory_space<hbm>>) dst(%arg9 : memref<128xi32, #tpu.memory_space<vmem>>)
        tpu.yield
      }) : () -> ()
      %dma_start3A = arith.constant 0 : i32
      %dma_start3A_42 = arith.constant 0 : i32
      %dma_start3A_43 = tpu.memref_slice %arg2[%dma_start3A, %dma_start3A_42] : memref<10240x128xf32, #tpu.memory_space<hbm>> -> memref<10240x128xf32, #tpu.memory_space<hbm>>
      tpu.enqueue_indirect_dma source(%dma_start3A_43 : memref<10240x128xf32, #tpu.memory_space<hbm>>) target(%arg11 : memref<128x128xf32, #tpu.memory_space<vmem>>) offsets(%arg7 : memref<128xi32, #tpu.memory_space<vmem>>) semaphore(%arg13 : memref<!tpu.dma_semaphore, #tpu.memory_space<semaphore_mem>>)
      %gt3A_44 = arith.constant 0 : i32
      %gt3A_45 = arith.cmpi sgt, %add3A_35, %gt3A_44 : i32
      %convert_element_type3A_46 = arith.extui %gt3A_45 : i1 to i32
      %cond3A_47 = arith.constant 0 : i32
      %cond3A_48 = arith.cmpi ne, %convert_element_type3A_46, %cond3A_47 : i32
      scf.if %cond3A_48 {
        %dma_wait3A_68 = arith.constant 0 : i32
        %dma_wait3A_69 = arith.constant 0 : i32
        %dma_wait3A_70 = tpu.memref_slice %arg17[%dma_wait3A_68, %dma_wait3A_69] : memref<10240x128xf32, #tpu.memory_space<vmem_shared>> -> memref<10240x128xf32, #tpu.memory_space<vmem_shared>>
        tpu.wait_indirect_dma semaphore(%arg16 : memref<!tpu.dma_semaphore, #tpu.memory_space<semaphore_mem>>) src(%arg12 : memref<128x128xf32, #tpu.memory_space<vmem>>) dst(%dma_wait3A_70 : memref<10240x128xf32, #tpu.memory_space<vmem_shared>>)
      } else {
      }
      %add3A_49 = arith.constant 1 : i32
      %add3A_50 = arith.addi %add3A_35, %add3A_49 : i32
      "tpu.region"() ({
        %run_scoped3A = tpu.sem_alloc : memref<!tpu.dma_semaphore, #tpu.memory_space<semaphore_mem>>
        %dma_start3A_68 = arith.constant 0 : i32
        %dma_start3A_69 = tpu.memref_slice %arg3[%add3A, %add3A_50, %dma_start3A_68] : memref<32x124x128xi32, #tpu.memory_space<hbm>> -> memref<1x1x128xi32, #tpu.memory_space<hbm>>
        %dma_start3A_70 = tpu.memref_squeeze %dma_start3A_69 : memref<1x1x128xi32, #tpu.memory_space<hbm>> -> memref<128xi32, #tpu.memory_space<hbm>>
        %dma_start3A_71 = arith.constant 0 : i32
        %dma_start3A_72 = tpu.memref_slice %arg3[%add3A, %add3A_50, %dma_start3A_71] : memref<32x124x128xi32, #tpu.memory_space<hbm>> -> memref<1x1x128xi32, #tpu.memory_space<hbm>>
        %dma_start3A_73 = tpu.memref_squeeze %dma_start3A_72 : memref<1x1x128xi32, #tpu.memory_space<hbm>> -> memref<128xi32, #tpu.memory_space<hbm>>
        tpu.enqueue_dma source(%dma_start3A_73 : memref<128xi32, #tpu.memory_space<hbm>>) target(%arg8 : memref<128xi32, #tpu.memory_space<vmem>>) target_semaphore(%run_scoped3A : memref<!tpu.dma_semaphore, #tpu.memory_space<semaphore_mem>>)
        %dma_wait3A_74 = arith.constant 0 : i32
        %dma_wait3A_75 = tpu.memref_slice %arg3[%add3A, %add3A_50, %dma_wait3A_74] : memref<32x124x128xi32, #tpu.memory_space<hbm>> -> memref<1x1x128xi32, #tpu.memory_space<hbm>>
        %dma_wait3A_76 = tpu.memref_squeeze %dma_wait3A_75 : memref<1x1x128xi32, #tpu.memory_space<hbm>> -> memref<128xi32, #tpu.memory_space<hbm>>
        %dma_wait3A_77 = arith.constant 0 : i32
        %dma_wait3A_78 = tpu.memref_slice %arg3[%add3A, %add3A_50, %dma_wait3A_77] : memref<32x124x128xi32, #tpu.memory_space<hbm>> -> memref<1x1x128xi32, #tpu.memory_space<hbm>>
        %dma_wait3A_79 = tpu.memref_squeeze %dma_wait3A_78 : memref<1x1x128xi32, #tpu.memory_space<hbm>> -> memref<128xi32, #tpu.memory_space<hbm>>
        tpu.wait_dma2 semaphore(%run_scoped3A : memref<!tpu.dma_semaphore, #tpu.memory_space<semaphore_mem>>) src(%dma_wait3A_79 : memref<128xi32, #tpu.memory_space<hbm>>) dst(%arg8 : memref<128xi32, #tpu.memory_space<vmem>>)
        tpu.yield
      }) : () -> ()
      %add3A_51 = arith.constant 1 : i32
      %add3A_52 = arith.addi %add3A_35, %add3A_51 : i32
      "tpu.region"() ({
        %run_scoped3A = tpu.sem_alloc : memref<!tpu.dma_semaphore, #tpu.memory_space<semaphore_mem>>
        %dma_start3A_68 = arith.constant 0 : i32
        %dma_start3A_69 = tpu.memref_slice %arg4[%add3A, %add3A_52, %dma_start3A_68] : memref<32x124x128xi32, #tpu.memory_space<hbm>> -> memref<1x1x128xi32, #tpu.memory_space<hbm>>
        %dma_start3A_70 = tpu.memref_squeeze %dma_start3A_69 : memref<1x1x128xi32, #tpu.memory_space<hbm>> -> memref<128xi32, #tpu.memory_space<hbm>>
        %dma_start3A_71 = arith.constant 0 : i32
        %dma_start3A_72 = tpu.memref_slice %arg4[%add3A, %add3A_52, %dma_start3A_71] : memref<32x124x128xi32, #tpu.memory_space<hbm>> -> memref<1x1x128xi32, #tpu.memory_space<hbm>>
        %dma_start3A_73 = tpu.memref_squeeze %dma_start3A_72 : memref<1x1x128xi32, #tpu.memory_space<hbm>> -> memref<128xi32, #tpu.memory_space<hbm>>
        tpu.enqueue_dma source(%dma_start3A_73 : memref<128xi32, #tpu.memory_space<hbm>>) target(%arg10 : memref<128xi32, #tpu.memory_space<vmem>>) target_semaphore(%run_scoped3A : memref<!tpu.dma_semaphore, #tpu.memory_space<semaphore_mem>>)
        %dma_wait3A_74 = arith.constant 0 : i32
        %dma_wait3A_75 = tpu.memref_slice %arg4[%add3A, %add3A_52, %dma_wait3A_74] : memref<32x124x128xi32, #tpu.memory_space<hbm>> -> memref<1x1x128xi32, #tpu.memory_space<hbm>>
        %dma_wait3A_76 = tpu.memref_squeeze %dma_wait3A_75 : memref<1x1x128xi32, #tpu.memory_space<hbm>> -> memref<128xi32, #tpu.memory_space<hbm>>
        %dma_wait3A_77 = arith.constant 0 : i32
        %dma_wait3A_78 = tpu.memref_slice %arg4[%add3A, %add3A_52, %dma_wait3A_77] : memref<32x124x128xi32, #tpu.memory_space<hbm>> -> memref<1x1x128xi32, #tpu.memory_space<hbm>>
        %dma_wait3A_79 = tpu.memref_squeeze %dma_wait3A_78 : memref<1x1x128xi32, #tpu.memory_space<hbm>> -> memref<128xi32, #tpu.memory_space<hbm>>
        tpu.wait_dma2 semaphore(%run_scoped3A : memref<!tpu.dma_semaphore, #tpu.memory_space<semaphore_mem>>) src(%dma_wait3A_79 : memref<128xi32, #tpu.memory_space<hbm>>) dst(%arg10 : memref<128xi32, #tpu.memory_space<vmem>>)
        tpu.yield
      }) : () -> ()
      %dma_start3A_53 = arith.constant 0 : i32
      %dma_start3A_54 = arith.constant 0 : i32
      %dma_start3A_55 = tpu.memref_slice %arg2[%dma_start3A_53, %dma_start3A_54] : memref<10240x128xf32, #tpu.memory_space<hbm>> -> memref<10240x128xf32, #tpu.memory_space<hbm>>
      tpu.enqueue_indirect_dma source(%dma_start3A_55 : memref<10240x128xf32, #tpu.memory_space<hbm>>) target(%arg12 : memref<128x128xf32, #tpu.memory_space<vmem>>) offsets(%arg8 : memref<128xi32, #tpu.memory_space<vmem>>) semaphore(%arg14 : memref<!tpu.dma_semaphore, #tpu.memory_space<semaphore_mem>>)
      %dma_wait3A_56 = arith.constant 0 : i32
      %dma_wait3A_57 = arith.constant 0 : i32
      %dma_wait3A_58 = tpu.memref_slice %arg2[%dma_wait3A_56, %dma_wait3A_57] : memref<10240x128xf32, #tpu.memory_space<hbm>> -> memref<10240x128xf32, #tpu.memory_space<hbm>>
      tpu.wait_indirect_dma semaphore(%arg13 : memref<!tpu.dma_semaphore, #tpu.memory_space<semaphore_mem>>) src(%dma_wait3A_58 : memref<10240x128xf32, #tpu.memory_space<hbm>>) dst(%arg11 : memref<128x128xf32, #tpu.memory_space<vmem>>)
      %dma_start3A_59 = arith.constant 0 : i32
      %dma_start3A_60 = arith.constant 0 : i32
      %dma_start3A_61 = tpu.memref_slice %arg17[%dma_start3A_59, %dma_start3A_60] : memref<10240x128xf32, #tpu.memory_space<vmem_shared>> -> memref<10240x128xf32, #tpu.memory_space<vmem_shared>>
      tpu.enqueue_indirect_dma source(%arg11 : memref<128x128xf32, #tpu.memory_space<vmem>>) target(%dma_start3A_61 : memref<10240x128xf32, #tpu.memory_space<vmem_shared>>) offsets(%arg9 : memref<128xi32, #tpu.memory_space<vmem>>) semaphore(%arg15 : memref<!tpu.dma_semaphore, #tpu.memory_space<semaphore_mem>>) {add = true}
      %dma_wait3A_62 = arith.constant 0 : i32
      %dma_wait3A_63 = arith.constant 0 : i32
      %dma_wait3A_64 = tpu.memref_slice %arg2[%dma_wait3A_62, %dma_wait3A_63] : memref<10240x128xf32, #tpu.memory_space<hbm>> -> memref<10240x128xf32, #tpu.memory_space<hbm>>
      tpu.wait_indirect_dma semaphore(%arg14 : memref<!tpu.dma_semaphore, #tpu.memory_space<semaphore_mem>>) src(%dma_wait3A_64 : memref<10240x128xf32, #tpu.memory_space<hbm>>) dst(%arg12 : memref<128x128xf32, #tpu.memory_space<vmem>>)
      %dma_start3A_65 = arith.constant 0 : i32
      %dma_start3A_66 = arith.constant 0 : i32
      %dma_start3A_67 = tpu.memref_slice %arg17[%dma_start3A_65, %dma_start3A_66] : memref<10240x128xf32, #tpu.memory_space<vmem_shared>> -> memref<10240x128xf32, #tpu.memory_space<vmem_shared>>
      tpu.enqueue_indirect_dma source(%arg12 : memref<128x128xf32, #tpu.memory_space<vmem>>) target(%dma_start3A_67 : memref<10240x128xf32, #tpu.memory_space<vmem_shared>>) offsets(%arg10 : memref<128xi32, #tpu.memory_space<vmem>>) semaphore(%arg16 : memref<!tpu.dma_semaphore, #tpu.memory_space<semaphore_mem>>) {add = true}
    }
    %dma_wait3A = arith.constant 0 : i32
    %dma_wait3A_23 = arith.constant 0 : i32
    %dma_wait3A_24 = tpu.memref_slice %arg17[%dma_wait3A, %dma_wait3A_23] : memref<10240x128xf32, #tpu.memory_space<vmem_shared>> -> memref<10240x128xf32, #tpu.memory_space<vmem_shared>>
    tpu.wait_indirect_dma semaphore(%arg15 : memref<!tpu.dma_semaphore, #tpu.memory_space<semaphore_mem>>) src(%arg11 : memref<128x128xf32, #tpu.memory_space<vmem>>) dst(%dma_wait3A_24 : memref<10240x128xf32, #tpu.memory_space<vmem_shared>>)
    %dma_wait3A_25 = arith.constant 0 : i32
    %dma_wait3A_26 = arith.constant 0 : i32
    %dma_wait3A_27 = tpu.memref_slice %arg17[%dma_wait3A_25, %dma_wait3A_26] : memref<10240x128xf32, #tpu.memory_space<vmem_shared>> -> memref<10240x128xf32, #tpu.memory_space<vmem_shared>>
    tpu.wait_indirect_dma semaphore(%arg16 : memref<!tpu.dma_semaphore, #tpu.memory_space<semaphore_mem>>) src(%arg12 : memref<128x128xf32, #tpu.memory_space<vmem>>) dst(%dma_wait3A_27 : memref<10240x128xf32, #tpu.memory_space<vmem_shared>>)
    %barrier3A_28 = arith.constant 0 : index
    tpu.barrier barrier_id(%barrier3A_28)
    %mul3A_29 = arith.constant 640 : i32
    %mul3A_30 = arith.muli %arg1, %mul3A_29 : i32
    %mul3A_31 = arith.constant 640 : i32
    %mul3A_32 = arith.muli %arg1, %mul3A_31 : i32
    "tpu.region"() ({
      %run_scoped3A = tpu.sem_alloc : memref<!tpu.dma_semaphore, #tpu.memory_space<semaphore_mem>>
      %dma_start3A = arith.constant 0 : i32
      %dma_start3A_33 = tpu.memref_slice %arg6[%arg0, %mul3A_32, %dma_start3A] : memref<2x10240x128xf32, #tpu.memory_space<hbm>> -> memref<1x640x128xf32, #tpu.memory_space<hbm>>
      %dma_start3A_34 = tpu.memref_squeeze %dma_start3A_33 : memref<1x640x128xf32, #tpu.memory_space<hbm>> -> memref<640x128xf32, #tpu.memory_space<hbm>>
      %dma_start3A_35 = arith.constant 0 : i32
      %dma_start3A_36 = tpu.memref_slice %arg17[%mul3A_30, %dma_start3A_35] : memref<10240x128xf32, #tpu.memory_space<vmem_shared>> -> memref<640x128xf32, #tpu.memory_space<vmem_shared>>
      tpu.enqueue_dma source(%dma_start3A_36 : memref<640x128xf32, #tpu.memory_space<vmem_shared>>) target(%dma_start3A_34 : memref<640x128xf32, #tpu.memory_space<hbm>>) target_semaphore(%run_scoped3A : memref<!tpu.dma_semaphore, #tpu.memory_space<semaphore_mem>>)
      %dma_wait3A_37 = arith.constant 0 : i32
      %dma_wait3A_38 = tpu.memref_slice %arg6[%arg0, %mul3A_32, %dma_wait3A_37] : memref<2x10240x128xf32, #tpu.memory_space<hbm>> -> memref<1x640x128xf32, #tpu.memory_space<hbm>>
      %dma_wait3A_39 = tpu.memref_squeeze %dma_wait3A_38 : memref<1x640x128xf32, #tpu.memory_space<hbm>> -> memref<640x128xf32, #tpu.memory_space<hbm>>
      %dma_wait3A_40 = arith.constant 0 : i32
      %dma_wait3A_41 = tpu.memref_slice %arg17[%mul3A_30, %dma_wait3A_40] : memref<10240x128xf32, #tpu.memory_space<vmem_shared>> -> memref<640x128xf32, #tpu.memory_space<vmem_shared>>
      tpu.wait_dma2 semaphore(%run_scoped3A : memref<!tpu.dma_semaphore, #tpu.memory_space<semaphore_mem>>) src(%dma_wait3A_41 : memref<640x128xf32, #tpu.memory_space<vmem_shared>>) dst(%dma_wait3A_39 : memref<640x128xf32, #tpu.memory_space<hbm>>)
      tpu.yield
    }) : () -> ()
    return
  }
}

module attributes {stable_mosaic.version = 14 : i64} {
  func.func @_prep_body(%arg0: i32, %arg1: memref<1x1024x128xf32, #tpu.memory_space<vmem>>, %arg2: memref<1x1024x128xf32, #tpu.memory_space<vmem>>, %arg3: memref<1024x128xf32, #tpu.memory_space<vmem>>, %arg4: memref<1024x128xf32, #tpu.memory_space<vmem>>, %arg5: memref<1024x128xf32, #tpu.memory_space<vmem>>) attributes {dimension_semantics = [#tpu.dimension_semantics<arbitrary>], iteration_bounds = array<i64: 10>, scalar_prefetch = 0 : i64, scratch_operands = 0 : i64, tpu.core_type = #tpu.core_type<tc>, window_params = [{transform_indices = @transform_0, window_bounds = array<i64: 1, 1024, 128>}, {transform_indices = @transform_1, window_bounds = array<i64: 1, 1024, 128>}, {transform_indices = @transform_2, window_bounds = array<i64: 1024, 128>}, {transform_indices = @transform_3, window_bounds = array<i64: 1024, 128>}, {transform_indices = @transform_4, window_bounds = array<i64: 1024, 128>}]} {
    %get3A = arith.constant 0 : index
    %get3A_0 = arith.constant 0 : index
    %get3A_1 = arith.constant 0 : index
    %get3A_2 = vector.load %arg1[%get3A, %get3A_0, %get3A_1] : memref<1x1024x128xf32, #tpu.memory_space<vmem>>, vector<1x1024x128xf32>
    %get3A_3 = vector.shape_cast %get3A_2 : vector<1x1024x128xf32> to vector<1024x128xf32>
    %slice3A = vector.extract_strided_slice %get3A_3 {offsets = [0, 0], sizes = [1024, 1], strides = [1, 1]} : vector<1024x128xf32> to vector<1024x1xf32>
    %get3A_4 = arith.constant 0 : index
    %get3A_5 = arith.constant 0 : index
    %get3A_6 = arith.constant 0 : index
    %get3A_7 = vector.load %arg2[%get3A_4, %get3A_5, %get3A_6] : memref<1x1024x128xf32, #tpu.memory_space<vmem>>, vector<1x1024x128xf32>
    %get3A_8 = vector.shape_cast %get3A_7 : vector<1x1024x128xf32> to vector<1024x128xf32>
    %slice3A_9 = vector.extract_strided_slice %get3A_8 {offsets = [0, 0], sizes = [1024, 1], strides = [1, 1]} : vector<1024x128xf32> to vector<1024x1xf32>
    %add3A = arith.addf %slice3A, %slice3A_9 : vector<1024x1xf32>
    %max3A = arith.constant 1.000000e+00 : f32
    %max3A_10 = vector.broadcast %max3A : f32 to vector<1024x1xf32>
    %max3A_11 = arith.maximumf %add3A, %max3A_10 : vector<1024x1xf32>
    %rsqrt3A = math.rsqrt %max3A_11 : vector<1024x1xf32>
    %broadcast_in_dim3A = vector.shape_cast %rsqrt3A : vector<1024x1xf32> to vector<1024x1xf32>
    %broadcast_in_dim3A_12 = vector.broadcast %broadcast_in_dim3A : vector<1024x1xf32> to vector<1024x128xf32>
    %swap3A = arith.constant 0 : index
    %swap3A_13 = arith.constant 0 : index
    %swap3A_14 = vector.load %arg4[%swap3A, %swap3A_13] : memref<1024x128xf32, #tpu.memory_space<vmem>>, vector<1024x128xf32>
    tpu.vector_store %arg4[%swap3A, %swap3A_13], %broadcast_in_dim3A_12 {strides = array<i32>} : memref<1024x128xf32, #tpu.memory_space<vmem>>, vector<1024x128xf32>,
    %get3A_15 = arith.constant 0 : index
    %get3A_16 = arith.constant 0 : index
    %get3A_17 = vector.load %arg3[%get3A_15, %get3A_16] : memref<1024x128xf32, #tpu.memory_space<vmem>>, vector<1024x128xf32>
    %mul3A = arith.mulf %get3A_17, %broadcast_in_dim3A_12 : vector<1024x128xf32>
    %swap3A_18 = arith.constant 0 : index
    %swap3A_19 = arith.constant 0 : index
    %swap3A_20 = vector.load %arg5[%swap3A_18, %swap3A_19] : memref<1024x128xf32, #tpu.memory_space<vmem>>, vector<1024x128xf32>
    tpu.vector_store %arg5[%swap3A_18, %swap3A_19], %mul3A {strides = array<i32>} : memref<1024x128xf32, #tpu.memory_space<vmem>>, vector<1024x128xf32>,
    return
  }
  func.func @transform_0(%arg0: i32) -> (i32, i32, i32) {
    %c0_i32 = arith.constant 0 : i32
    %c0_i32_0 = arith.constant 0 : i32
    %c0_i32_1 = arith.constant 0 : i32
    return %c0_i32, %arg0, %c0_i32_0 : i32, i32, i32
  }
  func.func @transform_1(%arg0: i32) -> (i32, i32, i32) {
    %c1_i32 = arith.constant 1 : i32
    %c0_i32 = arith.constant 0 : i32
    %c0_i32_0 = arith.constant 0 : i32
    return %c1_i32, %arg0, %c0_i32 : i32, i32, i32
  }
  func.func @transform_2(%arg0: i32) -> (i32, i32) {
    %c0_i32 = arith.constant 0 : i32
    %c0_i32_0 = arith.constant 0 : i32
    return %arg0, %c0_i32 : i32, i32
  }
  func.func @transform_3(%arg0: i32) -> (i32, i32) {
    %c0_i32 = arith.constant 0 : i32
    %c0_i32_0 = arith.constant 0 : i32
    return %arg0, %c0_i32 : i32, i32
  }
  func.func @transform_4(%arg0: i32) -> (i32, i32) {
    %c0_i32 = arith.constant 0 : i32
    %c0_i32_0 = arith.constant 0 : i32
    return %arg0, %c0_i32 : i32, i32
  }
}

module attributes {stable_mosaic.version = 14 : i64} {
  func.func @_mid_body(%arg0: i32, %arg1: memref<1024x128xf32, #tpu.memory_space<vmem>>, %arg2: memref<1x1024x128xf32, #tpu.memory_space<vmem>>, %arg3: memref<1x1024x128xf32, #tpu.memory_space<vmem>>, %arg4: memref<1024x128xf32, #tpu.memory_space<vmem>>, %arg5: memref<1024x128xf32, #tpu.memory_space<vmem>>) attributes {dimension_semantics = [#tpu.dimension_semantics<arbitrary>], iteration_bounds = array<i64: 10>, scalar_prefetch = 0 : i64, scratch_operands = 0 : i64, tpu.core_type = #tpu.core_type<tc>, window_params = [{transform_indices = @transform_0, window_bounds = array<i64: 1024, 128>}, {transform_indices = @transform_1, window_bounds = array<i64: 1, 1024, 128>}, {transform_indices = @transform_2, window_bounds = array<i64: 1, 1024, 128>}, {transform_indices = @transform_3, window_bounds = array<i64: 1024, 128>}, {transform_indices = @transform_4, window_bounds = array<i64: 1024, 128>}]} {
    %get3A = arith.constant 0 : index
    %get3A_0 = arith.constant 0 : index
    %get3A_1 = vector.load %arg1[%get3A, %get3A_0] : memref<1024x128xf32, #tpu.memory_space<vmem>>, vector<1024x128xf32>
    %get3A_2 = arith.constant 0 : index
    %get3A_3 = arith.constant 0 : index
    %get3A_4 = arith.constant 0 : index
    %get3A_5 = vector.load %arg2[%get3A_2, %get3A_3, %get3A_4] : memref<1x1024x128xf32, #tpu.memory_space<vmem>>, vector<1x1024x128xf32>
    %get3A_6 = vector.shape_cast %get3A_5 : vector<1x1024x128xf32> to vector<1024x128xf32>
    %get3A_7 = arith.constant 0 : index
    %get3A_8 = arith.constant 0 : index
    %get3A_9 = arith.constant 0 : index
    %get3A_10 = vector.load %arg3[%get3A_7, %get3A_8, %get3A_9] : memref<1x1024x128xf32, #tpu.memory_space<vmem>>, vector<1x1024x128xf32>
    %get3A_11 = vector.shape_cast %get3A_10 : vector<1x1024x128xf32> to vector<1024x128xf32>
    %add3A = arith.addf %get3A_6, %get3A_11 : vector<1024x128xf32>
    %mul3A = arith.mulf %get3A_1, %add3A : vector<1024x128xf32>
    %neg3A = arith.constant 0.000000e+00 : f32
    %neg3A_12 = vector.broadcast %neg3A : f32 to vector<1024x128xf32>
    %neg3A_13 = arith.subf %neg3A_12, %mul3A : vector<1024x128xf32>
    %swap3A = arith.constant 0 : index
    %swap3A_14 = arith.constant 0 : index
    %swap3A_15 = vector.load %arg4[%swap3A, %swap3A_14] : memref<1024x128xf32, #tpu.memory_space<vmem>>, vector<1024x128xf32>
    tpu.vector_store %arg4[%swap3A, %swap3A_14], %neg3A_13 {strides = array<i32>} : memref<1024x128xf32, #tpu.memory_space<vmem>>, vector<1024x128xf32>,
    %mul3A_16 = arith.mulf %get3A_1, %neg3A_13 : vector<1024x128xf32>
    %swap3A_17 = arith.constant 0 : index
    %swap3A_18 = arith.constant 0 : index
    %swap3A_19 = vector.load %arg5[%swap3A_17, %swap3A_18] : memref<1024x128xf32, #tpu.memory_space<vmem>>, vector<1024x128xf32>
    tpu.vector_store %arg5[%swap3A_17, %swap3A_18], %mul3A_16 {strides = array<i32>} : memref<1024x128xf32, #tpu.memory_space<vmem>>, vector<1024x128xf32>,
    return
  }
  func.func @transform_0(%arg0: i32) -> (i32, i32) {
    %c0_i32 = arith.constant 0 : i32
    %c0_i32_0 = arith.constant 0 : i32
    return %arg0, %c0_i32 : i32, i32
  }
  func.func @transform_1(%arg0: i32) -> (i32, i32, i32) {
    %c0_i32 = arith.constant 0 : i32
    %c0_i32_0 = arith.constant 0 : i32
    %c0_i32_1 = arith.constant 0 : i32
    return %c0_i32, %arg0, %c0_i32_0 : i32, i32, i32
  }
  func.func @transform_2(%arg0: i32) -> (i32, i32, i32) {
    %c1_i32 = arith.constant 1 : i32
    %c0_i32 = arith.constant 0 : i32
    %c0_i32_0 = arith.constant 0 : i32
    return %c1_i32, %arg0, %c0_i32 : i32, i32, i32
  }
  func.func @transform_3(%arg0: i32) -> (i32, i32) {
    %c0_i32 = arith.constant 0 : i32
    %c0_i32_0 = arith.constant 0 : i32
    return %arg0, %c0_i32 : i32, i32
  }
  func.func @transform_4(%arg0: i32) -> (i32, i32) {
    %c0_i32 = arith.constant 0 : i32
    %c0_i32_0 = arith.constant 0 : i32
    return %arg0, %c0_i32 : i32, i32
  }
}

module attributes {stable_mosaic.version = 14 : i64} {
  func.func @_layer_body(%arg0: i32, %arg1: memref<1024x128xf32, #tpu.memory_space<vmem>>, %arg2: memref<1024x128xf32, #tpu.memory_space<vmem>>, %arg3: memref<1024x128xf32, #tpu.memory_space<vmem>>, %arg4: memref<1x1024x128xf32, #tpu.memory_space<vmem>>, %arg5: memref<1x1024x128xf32, #tpu.memory_space<vmem>>, %arg6: memref<3x128x128xf32, #tpu.memory_space<vmem>>, %arg7: memref<1x128xf32, #tpu.memory_space<vmem>>, %arg8: memref<1024x128xf32, #tpu.memory_space<vmem>>, %arg9: memref<1024x128xf32, #tpu.memory_space<vmem>>) attributes {dimension_semantics = [#tpu.dimension_semantics<arbitrary>], iteration_bounds = array<i64: 10>, scalar_prefetch = 0 : i64, scratch_operands = 0 : i64, tpu.core_type = #tpu.core_type<tc>, window_params = [{transform_indices = @transform_0, window_bounds = array<i64: 1024, 128>}, {transform_indices = @transform_1, window_bounds = array<i64: 1024, 128>}, {transform_indices = @transform_2, window_bounds = array<i64: 1024, 128>}, {transform_indices = @transform_3, window_bounds = array<i64: 1, 1024, 128>}, {transform_indices = @transform_4, window_bounds = array<i64: 1, 1024, 128>}, {pipeline_mode = #tpu.pipeline_mode<synchronous>, transform_indices = @transform_5, window_bounds = array<i64: 3, 128, 128>}, {pipeline_mode = #tpu.pipeline_mode<synchronous>, transform_indices = @transform_6, window_bounds = array<i64: 1, 128>}, {transform_indices = @transform_7, window_bounds = array<i64: 1024, 128>}, {transform_indices = @transform_8, window_bounds = array<i64: 1024, 128>}]} {
    %get3A = arith.constant 0 : index
    %get3A_0 = arith.constant 0 : index
    %get3A_1 = vector.load %arg1[%get3A, %get3A_0] : memref<1024x128xf32, #tpu.memory_space<vmem>>, vector<1024x128xf32>
    %mul3A = arith.constant -2.000000e+00 : f32
    %mul3A_2 = vector.broadcast %mul3A : f32 to vector<1024x128xf32>
    %mul3A_3 = arith.mulf %mul3A_2, %get3A_1 : vector<1024x128xf32>
    %get3A_4 = arith.constant 0 : index
    %get3A_5 = arith.constant 0 : index
    %get3A_6 = arith.constant 0 : index
    %get3A_7 = vector.load %arg4[%get3A_4, %get3A_5, %get3A_6] : memref<1x1024x128xf32, #tpu.memory_space<vmem>>, vector<1x1024x128xf32>
    %get3A_8 = vector.shape_cast %get3A_7 : vector<1x1024x128xf32> to vector<1024x128xf32>
    %get3A_9 = arith.constant 0 : index
    %get3A_10 = arith.constant 0 : index
    %get3A_11 = arith.constant 0 : index
    %get3A_12 = vector.load %arg5[%get3A_9, %get3A_10, %get3A_11] : memref<1x1024x128xf32, #tpu.memory_space<vmem>>, vector<1x1024x128xf32>
    %get3A_13 = vector.shape_cast %get3A_12 : vector<1x1024x128xf32> to vector<1024x128xf32>
    %add3A = arith.addf %get3A_8, %get3A_13 : vector<1024x128xf32>
    %mul3A_14 = arith.mulf %mul3A_3, %add3A : vector<1024x128xf32>
    %get3A_15 = arith.constant 0 : index
    %get3A_16 = arith.constant 0 : index
    %get3A_17 = vector.load %arg2[%get3A_15, %get3A_16] : memref<1024x128xf32, #tpu.memory_space<vmem>>, vector<1024x128xf32>
    %sub3A = arith.subf %mul3A_14, %get3A_17 : vector<1024x128xf32>
    %get3A_18 = arith.constant 0 : index
    %get3A_19 = arith.constant 0 : index
    %get3A_20 = vector.load %arg2[%get3A_18, %get3A_19] : memref<1024x128xf32, #tpu.memory_space<vmem>>, vector<1024x128xf32>
    %get3A_21 = arith.constant 0 : index
    %get3A_22 = arith.constant 0 : index
    %get3A_23 = arith.constant 0 : index
    %get3A_24 = vector.load %arg6[%get3A_21, %get3A_22, %get3A_23] : memref<3x128x128xf32, #tpu.memory_space<vmem>>, vector<1x128x128xf32>
    %get3A_25 = vector.shape_cast %get3A_24 : vector<1x128x128xf32> to vector<128x128xf32>
    %dot_general3A = arith.constant dense<0.000000e+00> : vector<1024x128xf32>
    %dot_general3A_26 = tpu.matmul %get3A_20, %get3A_25, %dot_general3A {dimension_numbers = #tpu.dot_dimension_numbers<[1], [0], [0], [1], [0, 0, 1, 1], [], []>, transpose_lhs_hint = false} : vector<1024x128xf32>, vector<128x128xf32>, vector<1024x128xf32> -> vector<1024x128xf32>
    %get3A_27 = arith.constant 0 : index
    %get3A_28 = arith.constant 0 : index
    %get3A_29 = vector.load %arg3[%get3A_27, %get3A_28] : memref<1024x128xf32, #tpu.memory_space<vmem>>, vector<1024x128xf32>
    %get3A_30 = arith.constant 1 : index
    %get3A_31 = arith.constant 0 : index
    %get3A_32 = arith.constant 0 : index
    %get3A_33 = vector.load %arg6[%get3A_30, %get3A_31, %get3A_32] : memref<3x128x128xf32, #tpu.memory_space<vmem>>, vector<1x128x128xf32>
    %get3A_34 = vector.shape_cast %get3A_33 : vector<1x128x128xf32> to vector<128x128xf32>
    %dot_general3A_35 = arith.constant dense<0.000000e+00> : vector<1024x128xf32>
    %dot_general3A_36 = tpu.matmul %get3A_29, %get3A_34, %dot_general3A_35 {dimension_numbers = #tpu.dot_dimension_numbers<[1], [0], [0], [1], [0, 0, 1, 1], [], []>, transpose_lhs_hint = false} : vector<1024x128xf32>, vector<128x128xf32>, vector<1024x128xf32> -> vector<1024x128xf32>
    %add3A_37 = arith.addf %dot_general3A_26, %dot_general3A_36 : vector<1024x128xf32>
    %get3A_38 = arith.constant 2 : index
    %get3A_39 = arith.constant 0 : index
    %get3A_40 = arith.constant 0 : index
    %get3A_41 = vector.load %arg6[%get3A_38, %get3A_39, %get3A_40] : memref<3x128x128xf32, #tpu.memory_space<vmem>>, vector<1x128x128xf32>
    %get3A_42 = vector.shape_cast %get3A_41 : vector<1x128x128xf32> to vector<128x128xf32>
    %dot_general3A_43 = arith.constant dense<0.000000e+00> : vector<1024x128xf32>
    %dot_general3A_44 = tpu.matmul %sub3A, %get3A_42, %dot_general3A_43 {dimension_numbers = #tpu.dot_dimension_numbers<[1], [0], [0], [1], [0, 0, 1, 1], [], []>, transpose_lhs_hint = false} : vector<1024x128xf32>, vector<128x128xf32>, vector<1024x128xf32> -> vector<1024x128xf32>
    %add3A_45 = arith.addf %add3A_37, %dot_general3A_44 : vector<1024x128xf32>
    %get3A_46 = arith.constant 0 : index
    %get3A_47 = arith.constant 0 : index
    %get3A_48 = vector.load %arg7[%get3A_46, %get3A_47] : memref<1x128xf32, #tpu.memory_space<vmem>>, vector<1x128xf32>
    %add3A_49 = vector.broadcast %get3A_48 : vector<1x128xf32> to vector<1024x128xf32>
    %add3A_50 = arith.addf %add3A_45, %add3A_49 : vector<1024x128xf32>
    %max3A = arith.constant 0.000000e+00 : f32
    %max3A_51 = vector.broadcast %max3A : f32 to vector<1024x128xf32>
    %max3A_52 = arith.maximumf %add3A_50, %max3A_51 : vector<1024x128xf32>
    %swap3A = arith.constant 0 : index
    %swap3A_53 = arith.constant 0 : index
    %swap3A_54 = vector.load %arg8[%swap3A, %swap3A_53] : memref<1024x128xf32, #tpu.memory_space<vmem>>, vector<1024x128xf32>
    tpu.vector_store %arg8[%swap3A, %swap3A_53], %max3A_52 {strides = array<i32>} : memref<1024x128xf32, #tpu.memory_space<vmem>>, vector<1024x128xf32>,
    %mul3A_55 = arith.mulf %get3A_1, %max3A_52 : vector<1024x128xf32>
    %swap3A_56 = arith.constant 0 : index
    %swap3A_57 = arith.constant 0 : index
    %swap3A_58 = vector.load %arg9[%swap3A_56, %swap3A_57] : memref<1024x128xf32, #tpu.memory_space<vmem>>, vector<1024x128xf32>
    tpu.vector_store %arg9[%swap3A_56, %swap3A_57], %mul3A_55 {strides = array<i32>} : memref<1024x128xf32, #tpu.memory_space<vmem>>, vector<1024x128xf32>,
    return
  }
  func.func @transform_0(%arg0: i32) -> (i32, i32) {
    %c0_i32 = arith.constant 0 : i32
    %c0_i32_0 = arith.constant 0 : i32
    return %arg0, %c0_i32 : i32, i32
  }
  func.func @transform_1(%arg0: i32) -> (i32, i32) {
    %c0_i32 = arith.constant 0 : i32
    %c0_i32_0 = arith.constant 0 : i32
    return %arg0, %c0_i32 : i32, i32
  }
  func.func @transform_2(%arg0: i32) -> (i32, i32) {
    %c0_i32 = arith.constant 0 : i32
    %c0_i32_0 = arith.constant 0 : i32
    return %arg0, %c0_i32 : i32, i32
  }
  func.func @transform_3(%arg0: i32) -> (i32, i32, i32) {
    %c0_i32 = arith.constant 0 : i32
    %c0_i32_0 = arith.constant 0 : i32
    %c0_i32_1 = arith.constant 0 : i32
    return %c0_i32, %arg0, %c0_i32_0 : i32, i32, i32
  }
  func.func @transform_4(%arg0: i32) -> (i32, i32, i32) {
    %c1_i32 = arith.constant 1 : i32
    %c0_i32 = arith.constant 0 : i32
    %c0_i32_0 = arith.constant 0 : i32
    return %c1_i32, %arg0, %c0_i32 : i32, i32, i32
  }
  func.func @transform_5(%arg0: i32) -> (i32, i32, i32) {
    %c0_i32 = arith.constant 0 : i32
    %c0_i32_0 = arith.constant 0 : i32
    %c0_i32_1 = arith.constant 0 : i32
    %c0_i32_2 = arith.constant 0 : i32
    return %c0_i32, %c0_i32_0, %c0_i32_1 : i32, i32, i32
  }
  func.func @transform_6(%arg0: i32) -> (i32, i32) {
    %c0_i32 = arith.constant 0 : i32
    %c0_i32_0 = arith.constant 0 : i32
    %c0_i32_1 = arith.constant 0 : i32
    return %c0_i32, %c0_i32_0 : i32, i32
  }
  func.func @transform_7(%arg0: i32) -> (i32, i32) {
    %c0_i32 = arith.constant 0 : i32
    %c0_i32_0 = arith.constant 0 : i32
    return %arg0, %c0_i32 : i32, i32
  }
  func.func @transform_8(%arg0: i32) -> (i32, i32) {
    %c0_i32 = arith.constant 0 : i32
    %c0_i32_0 = arith.constant 0 : i32
    return %arg0, %c0_i32 : i32, i32
  }
}

module attributes {stable_mosaic.version = 14 : i64} {
  func.func @_final_body(%arg0: i32, %arg1: memref<1024x128xf32, #tpu.memory_space<vmem>>, %arg2: memref<1024x128xf32, #tpu.memory_space<vmem>>, %arg3: memref<1024x128xf32, #tpu.memory_space<vmem>>, %arg4: memref<1x1024x128xf32, #tpu.memory_space<vmem>>, %arg5: memref<1x1024x128xf32, #tpu.memory_space<vmem>>, %arg6: memref<3x128x128xf32, #tpu.memory_space<vmem>>, %arg7: memref<1x128xf32, #tpu.memory_space<vmem>>, %arg8: memref<128x128xf32, #tpu.memory_space<vmem>>, %arg9: memref<1x128xf32, #tpu.memory_space<vmem>>, %arg10: memref<128x128xf32, #tpu.memory_space<vmem>>, %arg11: memref<1x128xf32, #tpu.memory_space<vmem>>, %arg12: memref<1024x128xf32, #tpu.memory_space<vmem>>) attributes {dimension_semantics = [#tpu.dimension_semantics<arbitrary>], iteration_bounds = array<i64: 10>, scalar_prefetch = 0 : i64, scratch_operands = 0 : i64, tpu.core_type = #tpu.core_type<tc>, window_params = [{transform_indices = @transform_0, window_bounds = array<i64: 1024, 128>}, {transform_indices = @transform_1, window_bounds = array<i64: 1024, 128>}, {transform_indices = @transform_2, window_bounds = array<i64: 1024, 128>}, {transform_indices = @transform_3, window_bounds = array<i64: 1, 1024, 128>}, {transform_indices = @transform_4, window_bounds = array<i64: 1, 1024, 128>}, {pipeline_mode = #tpu.pipeline_mode<synchronous>, transform_indices = @transform_5, window_bounds = array<i64: 3, 128, 128>}, {pipeline_mode = #tpu.pipeline_mode<synchronous>, transform_indices = @transform_6, window_bounds = array<i64: 1, 128>}, {pipeline_mode = #tpu.pipeline_mode<synchronous>, transform_indices = @transform_7, window_bounds = array<i64: 128, 128>}, {pipeline_mode = #tpu.pipeline_mode<synchronous>, transform_indices = @transform_8, window_bounds = array<i64: 1, 128>}, {pipeline_mode = #tpu.pipeline_mode<synchronous>, transform_indices = @transform_9, window_bounds = array<i64: 128, 128>}, {pipeline_mode = #tpu.pipeline_mode<synchronous>, transform_indices = @transform_10, window_bounds = array<i64: 1, 128>}, {transform_indices = @transform_11, window_bounds = array<i64: 1024, 128>}]} {
    %get3A = arith.constant 0 : index
    %get3A_0 = arith.constant 0 : index
    %get3A_1 = vector.load %arg1[%get3A, %get3A_0] : memref<1024x128xf32, #tpu.memory_space<vmem>>, vector<1024x128xf32>
    %mul3A = arith.constant -2.000000e+00 : f32
    %mul3A_2 = vector.broadcast %mul3A : f32 to vector<1024x128xf32>
    %mul3A_3 = arith.mulf %mul3A_2, %get3A_1 : vector<1024x128xf32>
    %get3A_4 = arith.constant 0 : index
    %get3A_5 = arith.constant 0 : index
    %get3A_6 = arith.constant 0 : index
    %get3A_7 = vector.load %arg4[%get3A_4, %get3A_5, %get3A_6] : memref<1x1024x128xf32, #tpu.memory_space<vmem>>, vector<1x1024x128xf32>
    %get3A_8 = vector.shape_cast %get3A_7 : vector<1x1024x128xf32> to vector<1024x128xf32>
    %get3A_9 = arith.constant 0 : index
    %get3A_10 = arith.constant 0 : index
    %get3A_11 = arith.constant 0 : index
    %get3A_12 = vector.load %arg5[%get3A_9, %get3A_10, %get3A_11] : memref<1x1024x128xf32, #tpu.memory_space<vmem>>, vector<1x1024x128xf32>
    %get3A_13 = vector.shape_cast %get3A_12 : vector<1x1024x128xf32> to vector<1024x128xf32>
    %add3A = arith.addf %get3A_8, %get3A_13 : vector<1024x128xf32>
    %mul3A_14 = arith.mulf %mul3A_3, %add3A : vector<1024x128xf32>
    %get3A_15 = arith.constant 0 : index
    %get3A_16 = arith.constant 0 : index
    %get3A_17 = vector.load %arg2[%get3A_15, %get3A_16] : memref<1024x128xf32, #tpu.memory_space<vmem>>, vector<1024x128xf32>
    %sub3A = arith.subf %mul3A_14, %get3A_17 : vector<1024x128xf32>
    %get3A_18 = arith.constant 0 : index
    %get3A_19 = arith.constant 0 : index
    %get3A_20 = vector.load %arg2[%get3A_18, %get3A_19] : memref<1024x128xf32, #tpu.memory_space<vmem>>, vector<1024x128xf32>
    %get3A_21 = arith.constant 0 : index
    %get3A_22 = arith.constant 0 : index
    %get3A_23 = arith.constant 0 : index
    %get3A_24 = vector.load %arg6[%get3A_21, %get3A_22, %get3A_23] : memref<3x128x128xf32, #tpu.memory_space<vmem>>, vector<1x128x128xf32>
    %get3A_25 = vector.shape_cast %get3A_24 : vector<1x128x128xf32> to vector<128x128xf32>
    %dot_general3A = arith.constant dense<0.000000e+00> : vector<1024x128xf32>
    %dot_general3A_26 = tpu.matmul %get3A_20, %get3A_25, %dot_general3A {dimension_numbers = #tpu.dot_dimension_numbers<[1], [0], [0], [1], [0, 0, 1, 1], [], []>, transpose_lhs_hint = false} : vector<1024x128xf32>, vector<128x128xf32>, vector<1024x128xf32> -> vector<1024x128xf32>
    %get3A_27 = arith.constant 0 : index
    %get3A_28 = arith.constant 0 : index
    %get3A_29 = vector.load %arg3[%get3A_27, %get3A_28] : memref<1024x128xf32, #tpu.memory_space<vmem>>, vector<1024x128xf32>
    %get3A_30 = arith.constant 1 : index
    %get3A_31 = arith.constant 0 : index
    %get3A_32 = arith.constant 0 : index
    %get3A_33 = vector.load %arg6[%get3A_30, %get3A_31, %get3A_32] : memref<3x128x128xf32, #tpu.memory_space<vmem>>, vector<1x128x128xf32>
    %get3A_34 = vector.shape_cast %get3A_33 : vector<1x128x128xf32> to vector<128x128xf32>
    %dot_general3A_35 = arith.constant dense<0.000000e+00> : vector<1024x128xf32>
    %dot_general3A_36 = tpu.matmul %get3A_29, %get3A_34, %dot_general3A_35 {dimension_numbers = #tpu.dot_dimension_numbers<[1], [0], [0], [1], [0, 0, 1, 1], [], []>, transpose_lhs_hint = false} : vector<1024x128xf32>, vector<128x128xf32>, vector<1024x128xf32> -> vector<1024x128xf32>
    %add3A_37 = arith.addf %dot_general3A_26, %dot_general3A_36 : vector<1024x128xf32>
    %get3A_38 = arith.constant 2 : index
    %get3A_39 = arith.constant 0 : index
    %get3A_40 = arith.constant 0 : index
    %get3A_41 = vector.load %arg6[%get3A_38, %get3A_39, %get3A_40] : memref<3x128x128xf32, #tpu.memory_space<vmem>>, vector<1x128x128xf32>
    %get3A_42 = vector.shape_cast %get3A_41 : vector<1x128x128xf32> to vector<128x128xf32>
    %dot_general3A_43 = arith.constant dense<0.000000e+00> : vector<1024x128xf32>
    %dot_general3A_44 = tpu.matmul %sub3A, %get3A_42, %dot_general3A_43 {dimension_numbers = #tpu.dot_dimension_numbers<[1], [0], [0], [1], [0, 0, 1, 1], [], []>, transpose_lhs_hint = false} : vector<1024x128xf32>, vector<128x128xf32>, vector<1024x128xf32> -> vector<1024x128xf32>
    %add3A_45 = arith.addf %add3A_37, %dot_general3A_44 : vector<1024x128xf32>
    %get3A_46 = arith.constant 0 : index
    %get3A_47 = arith.constant 0 : index
    %get3A_48 = vector.load %arg7[%get3A_46, %get3A_47] : memref<1x128xf32, #tpu.memory_space<vmem>>, vector<1x128xf32>
    %add3A_49 = vector.broadcast %get3A_48 : vector<1x128xf32> to vector<1024x128xf32>
    %add3A_50 = arith.addf %add3A_45, %add3A_49 : vector<1024x128xf32>
    %max3A = arith.constant 0.000000e+00 : f32
    %max3A_51 = vector.broadcast %max3A : f32 to vector<1024x128xf32>
    %max3A_52 = arith.maximumf %add3A_50, %max3A_51 : vector<1024x128xf32>
    %get3A_53 = arith.constant 0 : index
    %get3A_54 = arith.constant 0 : index
    %get3A_55 = vector.load %arg8[%get3A_53, %get3A_54] : memref<128x128xf32, #tpu.memory_space<vmem>>, vector<128x128xf32>
    %dot_general3A_56 = arith.constant dense<0.000000e+00> : vector<1024x128xf32>
    %dot_general3A_57 = tpu.matmul %max3A_52, %get3A_55, %dot_general3A_56 {dimension_numbers = #tpu.dot_dimension_numbers<[1], [0], [0], [1], [0, 0, 1, 1], [], []>, transpose_lhs_hint = false} : vector<1024x128xf32>, vector<128x128xf32>, vector<1024x128xf32> -> vector<1024x128xf32>
    %get3A_58 = arith.constant 0 : index
    %get3A_59 = arith.constant 0 : index
    %get3A_60 = vector.load %arg9[%get3A_58, %get3A_59] : memref<1x128xf32, #tpu.memory_space<vmem>>, vector<1x128xf32>
    %add3A_61 = vector.broadcast %get3A_60 : vector<1x128xf32> to vector<1024x128xf32>
    %add3A_62 = arith.addf %dot_general3A_57, %add3A_61 : vector<1024x128xf32>
    %max3A_63 = arith.constant 0.000000e+00 : f32
    %max3A_64 = vector.broadcast %max3A_63 : f32 to vector<1024x128xf32>
    %max3A_65 = arith.maximumf %add3A_62, %max3A_64 : vector<1024x128xf32>
    %get3A_66 = arith.constant 0 : index
    %get3A_67 = arith.constant 0 : index
    %get3A_68 = vector.load %arg10[%get3A_66, %get3A_67] : memref<128x128xf32, #tpu.memory_space<vmem>>, vector<128x128xf32>
    %dot_general3A_69 = arith.constant dense<0.000000e+00> : vector<1024x128xf32>
    %dot_general3A_70 = tpu.matmul %max3A_65, %get3A_68, %dot_general3A_69 {dimension_numbers = #tpu.dot_dimension_numbers<[1], [0], [0], [1], [0, 0, 1, 1], [], []>, transpose_lhs_hint = false} : vector<1024x128xf32>, vector<128x128xf32>, vector<1024x128xf32> -> vector<1024x128xf32>
    %get3A_71 = arith.constant 0 : index
    %get3A_72 = arith.constant 0 : index
    %get3A_73 = vector.load %arg11[%get3A_71, %get3A_72] : memref<1x128xf32, #tpu.memory_space<vmem>>, vector<1x128xf32>
    %add3A_74 = vector.broadcast %get3A_73 : vector<1x128xf32> to vector<1024x128xf32>
    %add3A_75 = arith.addf %dot_general3A_70, %add3A_74 : vector<1024x128xf32>
    %swap3A = arith.constant 0 : index
    %swap3A_76 = arith.constant 0 : index
    %swap3A_77 = vector.load %arg12[%swap3A, %swap3A_76] : memref<1024x128xf32, #tpu.memory_space<vmem>>, vector<1024x128xf32>
    tpu.vector_store %arg12[%swap3A, %swap3A_76], %add3A_75 {strides = array<i32>} : memref<1024x128xf32, #tpu.memory_space<vmem>>, vector<1024x128xf32>,
    return
  }
  func.func @transform_0(%arg0: i32) -> (i32, i32) {
    %c0_i32 = arith.constant 0 : i32
    %c0_i32_0 = arith.constant 0 : i32
    return %arg0, %c0_i32 : i32, i32
  }
  func.func @transform_1(%arg0: i32) -> (i32, i32) {
    %c0_i32 = arith.constant 0 : i32
    %c0_i32_0 = arith.constant 0 : i32
    return %arg0, %c0_i32 : i32, i32
  }
  func.func @transform_2(%arg0: i32) -> (i32, i32) {
    %c0_i32 = arith.constant 0 : i32
    %c0_i32_0 = arith.constant 0 : i32
    return %arg0, %c0_i32 : i32, i32
  }
  func.func @transform_3(%arg0: i32) -> (i32, i32, i32) {
    %c0_i32 = arith.constant 0 : i32
    %c0_i32_0 = arith.constant 0 : i32
    %c0_i32_1 = arith.constant 0 : i32
    return %c0_i32, %arg0, %c0_i32_0 : i32, i32, i32
  }
  func.func @transform_4(%arg0: i32) -> (i32, i32, i32) {
    %c1_i32 = arith.constant 1 : i32
    %c0_i32 = arith.constant 0 : i32
    %c0_i32_0 = arith.constant 0 : i32
    return %c1_i32, %arg0, %c0_i32 : i32, i32, i32
  }
  func.func @transform_5(%arg0: i32) -> (i32, i32, i32) {
    %c0_i32 = arith.constant 0 : i32
    %c0_i32_0 = arith.constant 0 : i32
    %c0_i32_1 = arith.constant 0 : i32
    %c0_i32_2 = arith.constant 0 : i32
    return %c0_i32, %c0_i32_0, %c0_i32_1 : i32, i32, i32
  }
  func.func @transform_6(%arg0: i32) -> (i32, i32) {
    %c0_i32 = arith.constant 0 : i32
    %c0_i32_0 = arith.constant 0 : i32
    %c0_i32_1 = arith.constant 0 : i32
    return %c0_i32, %c0_i32_0 : i32, i32
  }
  func.func @transform_7(%arg0: i32) -> (i32, i32) {
    %c0_i32 = arith.constant 0 : i32
    %c0_i32_0 = arith.constant 0 : i32
    %c0_i32_1 = arith.constant 0 : i32
    return %c0_i32, %c0_i32_0 : i32, i32
  }
  func.func @transform_8(%arg0: i32) -> (i32, i32) {
    %c0_i32 = arith.constant 0 : i32
    %c0_i32_0 = arith.constant 0 : i32
    %c0_i32_1 = arith.constant 0 : i32
    return %c0_i32, %c0_i32_0 : i32, i32
  }
  func.func @transform_9(%arg0: i32) -> (i32, i32) {
    %c0_i32 = arith.constant 0 : i32
    %c0_i32_0 = arith.constant 0 : i32
    %c0_i32_1 = arith.constant 0 : i32
    return %c0_i32, %c0_i32_0 : i32, i32
  }
  func.func @transform_10(%arg0: i32) -> (i32, i32) {
    %c0_i32 = arith.constant 0 : i32
    %c0_i32_0 = arith.constant 0 : i32
    %c0_i32_1 = arith.constant 0 : i32
    return %c0_i32, %c0_i32_0 : i32, i32
  }
  func.func @transform_11(%arg0: i32) -> (i32, i32) {
    %c0_i32 = arith.constant 0 : i32
    %c0_i32_0 = arith.constant 0 : i32
    return %arg0, %c0_i32 : i32, i32
  }
}

</mosaic_0001>

<sc_bundles>
// kernel: kernel.12.cloned.1.call-start
scs
__scs_entry_jumppad:
0x0: {  	(pc) =	sbr.rel $0x88, $3  }
0x1: {  	(tag) =	ssettag $0x0;
	lr =	simm.s32 $0x1  }
0x2: {  	[smem:$0x3F97] =	sst lr;
	_ =	strace $0xD0000000  }
0x3: {  	_ = 	snop  }
0x4: {  	_ = 	snop  }
0x5: {  	_ = 	snop  }
0x6: {  	_ = 	snop  }
0x7: {  	_ = 	snop  }
__scs_overlays_trampoline_lowered:
0x8: {  	[smem:$0x3FA6] =	sst s0  }
0x9: {  	[smem:$0x3FA7] =	sst s1  }
0xa: {  	[smem:$0x3FA8] =	sst s2  }
0xb: {  	[smem:$0x3FA9] =	sst s3  }
0xc: {  	[smem:$0x3FAA] =	sst s4  }
0xd: {  	[smem:$0x3FAB] =	sst s5  }
0xe: {  	[smem:$0x3FAC] =	sst s6  }
0xf: {  	[smem:$0x3FAD] =	sst s7  }
0x10: {  	[smem:$0x3FAE] =	sst s8  }
0x11: {  	[smem:$0x3FAF] =	sst s9;
	s0 =	simm.s32 @!p0 $0x0  }
0x12: {  	s1 =	sld [smem:$0x3F95];
	s0 =	simm.s32 @p0 $0x1  }
0x13: {  	[smem:$0x3FB0] =	sst s0;
	s0 =	simm.s32 @!p1 $0x0  }
0x14: {  	s2 =	sld [smem:$0x3F94];
	s0 =	simm.s32 @p1 $0x1  }
0x15: {  	[smem:$0x3FB1] =	sst s0;
	s0 =	simm.s32 @!p2 $0x0  }
0x16: {  	s3 =	sld [smem:$0x3FDB];
	s0 =	simm.s32 @p2 $0x1  }
0x17: {  	s4 =	simm.s32 $0x1BF5;
	[smem:$0x3FB3] =	sst s0  }
0x18: {  	s0 =	sld [smem:$0x3F96];
	_ =	swait.ge [sflag:s4], $0x0  }
0x19: {  	s7 =	sld [smem:$0x3F97]  }
0x1a: {  	s8 =	sadd.s32 $0xFFFFE003, lr  }
0x1b: {  	s9 =	sadd.s32 $0xFFFFFEF7, lr;
	s5 =	simm.s32 $0xFFFFFFFF;
	p2 =	slt.u32 s8, $0xFFFFF086  }
0x1c: {  	p1 =	slt.u32 s9, $0xF7A;
	s5 =	simm.s32 @!p2 $0x0  }
0x1d: {  	s5 =	simm.s32 @p1 $0x1;
	p0 =	seq.s32 s7, s2  }
0x1e: {  	s7 =	smul.u32 @!p0 $0xF7A, s2;
	p2 =	seq.s32 @!p0 s5, $0x0  }
0x1f: {  	s9 =	smul.u32 $0xF7A, s1;
	s8 =	simm.s32 @!p0 $0x1BF5;
	p2 =	por !p2, p0  }
0x20: {  	[sflag:s8] =	ssyncset.s32 @!p0 $0xFFFFF086;
	s6 =	sadd.s32 @!p0 s3, s7;
	s7 =	simm.s32 @!p0 $0x108  }
0x21: {  	s3 =	sadd.s32 s3, s9;
	s6 =	sadd.s32 @!p0 $0x88, s6;
	s7 =	simm.s32 @p2 $0x1082  }
0x22: {  	[simem:s7], [sflag:s8] =	dma.local @!p0 [hbm:s6], $0xF7A  }
0x23: {  	s9 =	sor.u32 $0xD0000000, s2;
	s6 =	simm.s32 $0x108;
	_ =	swait.ge @!p0 [sflag:s8], $0x0  }
0x24: {  	s3 =	sadd.s32 $0x88, s3;
	s6 =	simm.s32 @!p1 $0x1082;
	[sflag:s4] =	ssyncset.s32 $0xFFFFF086  }
0x25: {  	[simem:s6], [sflag:s4] =	dma.local [hbm:s3], $0xF7A  }
0x26: {  	[smem:$0x3F97] =	sst s1;
	(tag) =	ssettag s2;
	_ =	strace s9  }
0x27: {  	s1 =	sld [smem:$0x3FA7]  }
0x28: {  	s2 =	sld [smem:$0x3FA8]  }
0x29: {  	s4 =	sld [smem:$0x3FAA]  }
0x2a: {  	p0 =	seq.s32 s5, $0x0;
	s5 =	sld [smem:$0x3FAB]  }
0x2b: {  	s6 =	sld [smem:$0x3FAC]  }
0x2c: {  	s7 =	sld [smem:$0x3FAD]  }
0x2d: {  	s3 =	simm.s32 $0x108;
	s8 =	sld [smem:$0x3FAE]  }
0x2e: {  	s3 =	simm.s32 @!p0 $0x1082;
	s9 =	sld [smem:$0x3FAF]  }
0x2f: {  	lr =	sadd.s32 s0, s3;
	s0 =	sld [smem:$0x3FA6]  }
0x30: {  	s3 =	sld [smem:$0x3FA9]  }
0x31: {  	[smem:$0x3FB2] =	sst s10  }
0x32: {  	s10 =	sld [smem:$0x3FB0];
	_ =	sdelay $0x3  }
0x33: {  	p0 =	seq.s32 s10, $0x1;
	s10 =	sld [smem:$0x3FB2];
	_ =	sdelay $0x3  }
0x34: {  	[smem:$0x3FB2] =	sst s10  }
0x35: {  	s10 =	sld [smem:$0x3FB1];
	_ =	sdelay $0x3  }
0x36: {  	p1 =	seq.s32 s10, $0x1;
	s10 =	sld [smem:$0x3FB2];
	_ =	sdelay $0x3  }
0x37: {  	[smem:$0x3FB2] =	sst s10  }
0x38: {  	s10 =	sld [smem:$0x3FB3]  }
0x39: {  	_ = 	snop;
	(pc) =	sbr.ind lr, $3  }
0x3a: {  	_ = 	snop  }
0x3b: {  	_ = 	snop  }
0x3c: {  	p2 =	seq.s32 s10, $0x1;
	s10 =	sld [smem:$0x3FB2]  }
0x3d: {  	_ =	shalt  }
0x3e: {  	_ =	shalt  }
0x3f: {  	_ =	shalt  }
0x40: {  	_ =	shalt  }
0x41: {  	_ =	shalt  }
0x42: {  	_ =	shalt  }
0x43: {  	_ =	shalt  }
0x44: {  	_ =	shalt  }
0x45: {  	_ =	shalt  }
0x46: {  	_ =	shalt  }
0x47: {  	_ =	shalt  }
0x48: {  	_ =	shalt  }
0x49: {  	_ =	shalt  }
0x4a: {  	_ =	shalt  }
0x4b: {  	_ =	shalt  }
0x4c: {  	_ =	shalt  }
0x4d: {  	_ =	shalt  }
0x4e: {  	_ =	shalt  }
0x4f: {  	_ =	shalt  }
0x50: {  	_ =	shalt  }
0x51: {  	_ =	shalt  }
0x52: {  	_ =	shalt  }
0x53: {  	_ =	shalt  }
0x54: {  	_ =	shalt  }
0x55: {  	_ =	shalt  }
0x56: {  	_ =	shalt  }
0x57: {  	_ =	shalt  }
0x58: {  	_ =	shalt  }
0x59: {  	_ =	shalt  }
0x5a: {  	_ =	shalt  }
0x5b: {  	_ =	shalt  }
0x5c: {  	_ =	shalt  }
0x5d: {  	_ =	shalt  }
0x5e: {  	_ =	shalt  }
0x5f: {  	_ =	shalt  }
0x60: {  	_ =	shalt  }
0x61: {  	_ =	shalt  }
0x62: {  	_ =	shalt  }
0x63: {  	_ =	shalt  }
0x64: {  	_ =	shalt  }
0x65: {  	_ =	shalt  }
0x66: {  	_ =	shalt  }
0x67: {  	_ =	shalt  }
0x68: {  	_ =	shalt  }
0x69: {  	_ =	shalt  }
0x6a: {  	_ =	shalt  }
0x6b: {  	_ =	shalt  }
0x6c: {  	_ =	shalt  }
0x6d: {  	_ =	shalt  }
0x6e: {  	_ =	shalt  }
0x6f: {  	_ =	shalt  }
0x70: {  	_ =	shalt  }
0x71: {  	_ =	shalt  }
0x72: {  	_ =	shalt  }
0x73: {  	_ =	shalt  }
0x74: {  	_ =	shalt  }
0x75: {  	_ =	shalt  }
0x76: {  	_ =	shalt  }
0x77: {  	_ =	shalt  }
0x78: {  	_ =	shalt  }
0x79: {  	_ =	shalt  }
0x7a: {  	_ =	shalt  }
0x7b: {  	_ =	shalt  }
0x7c: {  	_ =	shalt  }
0x7d: {  	_ =	shalt  }
0x7e: {  	_ =	shalt  }
0x7f: {  	_ =	shalt  }
0x80: {  	_ =	shalt  }
0x81: {  	_ =	shalt  }
0x82: {  	_ =	shalt  }
0x83: {  	_ =	shalt  }
0x84: {  	_ =	shalt  }
0x85: {  	_ =	shalt  }
0x86: {  	_ =	shalt  }
0x87: {  	_ =	shalt  }
.Lfunc_end0:
.L_simem_size_0:
called_computation_lowered:
.L_overlay_start_0:
0x88: {  	s2 =	sld [smem:$0x3FD9]  }
0x89: {  	s3 =	sld [smem:$0x3FFE];
	_ =	sdelay $0x1  }
0x8a: {  	s1 =	srdreg.scid  }
0x8b: {  	s0 =	sand.u32 $0x1, s1  }
0x8c: {  	s16 =	sshll.u32 s0, $0xA;
	s2 =	sadd.s32 s3, s2  }
0x8d: {  	s2 =	sadd.s32 s2, s16  }
0x8e: {  	[smem:$0x3FBE] =	sst s2  }
0x8f: {  	_ = 	snop  }
0x90: {  	(tm) =	ssettm $0x1  }
0x91: {  	s17 =	sld [smem:$0x3FFB];
	_ =	sdelay $0x3  }
0x92: {  	_ =	strace s17  }
0x93: {  	s2 =	sld [smem:$0x3FFC];
	_ =	sdelay $0x3  }
0x94: {  	_ =	strace s2  }
0x95: {  	s2 =	sld [smem:$0x3FFD];
	_ =	sdelay $0x3  }
0x96: {  	_ =	strace s2  }
0x97: {  	_ =	strace $0x8FFFFFFF  }
0x98: {  	s18 =	sld [smem:$0x3FDB];
	_ =	sdelay $0x1  }
0x99: {  	s19 =	simm.s32 $_scs_section_size  }
0x9a: {  	s4 =	simm.s32 $_size__tile_overlayer_lowered;
	s5 =	simm.s32 $_tile_overlayer_lowered  }
0x9b: {  	s22 =	simm.s32 $0x1BFF;
	s21 =	sshll.u32 s5, $0x1;
	s2 =	sadd.s32 s19, s18  }
0x9c: {  	s6 =	simm.s32 $0x0;
	s20 =	sshll.u32 s4, $0x1;
	s4 =	sadd.s32 s21, s2  }
0x9d: {  	[timem:s6], [sflag:s22] =	dma.local [hbm:s4], s20  }
0x9e: {  	_ =	swait.ge [sflag:s22], s20  }
0x9f: {  	s3 =	ssub.s32 $0x0, s20;
	[sflag:s22] =	ssyncset.done $0x0  }
0xa0: {  	[sflag:s22] =	ssyncadd.s32 s3;
	_ =	sdelay $0x1  }
0xa1: {  	s23 =	simm.s32 $0x1B8B  }
0xa2: {  	_ =	swait.ge [sflag:s23], $0x1  }
0xa3: {  	[sflag:s23] =	ssyncset.done $0x0  }
0xa4: {  	s25 =	simm.s32 $0x1B8E;
	s24 =	sld [smem:$0x3FFE];
	[sflag:s23] =	ssyncadd.s32 $0xFFFFFFFF  }
0xa5: {  	s26 =	simm.s32 $execute0_lowered;
	[smem:$0x3FD2] =	sst s25  }
0xa6: {  	s4 =	sshll.u32 s26, $0x1;
	_ =	strace $0x80000046;
	[dreg:$0x1] =	wrdreg $0xFFFFFFFF  }
0xa7: {  	s28 =	simm.s32 $_size_execute0_lowered;
	s2 =	sadd.s32 s2, s4;
	[dreg:$0x0] =	wrdreg $0x0  }
0xa8: {  	s4 =	sshll.u32 s28, $0x1;
	[dreg:$0x2] =	wrdreg s2  }
0xa9: {  	[dreg:$0x3] =	wrdreg s4  }
0xaa: {  	[dreg:$0x4] =	wrdreg $0xC0  }
0xab: {  	_ =	task [dreg:s6], $0x5FFFF  }
0xac: {  	[dreg:$0x1] =	wrdreg $0xFFFFFFFF  }
0xad: {  	[dreg:$0x0] =	wrdreg $0x60  }
0xae: {  	[dreg:$0x2] =	wrdreg s24  }
0xaf: {  	[dreg:$0x3] =	wrdreg $0x41000  }
0xb0: {  	[dreg:$0x4] =	wrdreg $0x9  }
0xb1: {  	_ =	task.clear_ibuf [dreg:s6], $0x5FFFF;
	_ =	strace $0x90000046  }
0xb2: {  	s29 =	simm.s32 $0x9;
	_ =	strace $0x80000048  }
0xb3: {  	_ =	swait.ge [sflag:s29], $0x1  }
0xb4: {  	[sflag:s29] =	ssyncadd.s32 $0xFFFFFFFF  }
0xb5: {  	_ =	strace $0x90000048  }
0xb6: {  	_ =	sfence  }
0xb7: {  	s30 =	sld [smem:$0x0];
	_ =	sdelay $0x2  }
0xb8: {  	s31 =	sshll.u32 s1, $0xD;
	s1 =	sshrl.u32 s1, $0x2  }
0xb9: {  	s3 =	sand.u32 $0x4000, s31;
	s1 =	sadd.s32 s1, s30  }
0xba: {  	s0 =	sor.u32 s3, s0;
	s1 =	sshll.u32 s1, $0x11  }
0xbb: {  	s0 =	sor.u32 s1, s0  }
0xbc: {  	s0 =	sadd.s32 $0x8F2B, s0  }
0xbd: {  	[sflag:s0] =	ssyncadd.remote.s32 $0x1  }
0xbe: {  	_ =	sfence.sel $0xFFFF  }
0xbf: {  	[dreg:$0x0] =	wrdreg $0xFFFFFFFF;
	(pc) =	sbr.abs _section_cstart, $3  }
0xc0: {  	[dreg:$0x1] =	wrdreg $0xFFFFFFFF  }
0xc1: {  	_ =	task.clear_ibuf [dreg:s6], $0x2FFFF;
	_ =	strace $0x9FFFFFFF  }
0xc2: {  	(tm) =	ssettm $0x7FFFFFFF  }
0xc3: {  	_ =	shalt  }
tec
execute0_lowered:
.L_overlay_start_1:
0x0: {  	(tag) =	ssettag $0x1  }
0x1: {  	s7 =	rddreg [dreg:$0x0]  }
0x2: {  	s2 =	rddreg [dreg:$0x1]  }
0x3: {  	s0 =	rddreg [dreg:$0x2]  }
0x4: {  	s1 =	stileid.u32;
	s3 =	simm.s32 $0x0;
	s4 =	srdreg.scid  }
0x5: {  	s15 =	simm.s32 $0x80;
	s16 =	simm.s32 $0x1;
	s17 =	simm.s32 $0x100  }
0x6: {  	s18 =	simm.s32 $0x2;
	s19 =	simm.s32 $0x0;
	s6 =	smul.u32 $0x14000, s1  }
0x7: {  	[smem:$0x7FF] =	sst s3;
	s8 =	sand.u32 $0x1, s4;
	s4 =	sadd.s32 $0x3000, s7  }
0x8: {  	s5 =	sadd.s32 $0xD000, s7;
	s11 =	smul.u32 $0x50000, s1;
	s30 =	sshll.u32 s1, $0x6  }
0x9: {  	_ =	strace $0x80000047;
	s10 =	smul.u32 $0x140000, s8;
	s26 =	sshll.u32 s8, $0x4  }
0xa: {  	s8 =	ssub.s32 $0x2, s8;
	s9 =	sshrl.u32 s6, $0x3;
	s28 =	sor.u32 s1, s26  }
0xb: {  	s29 =	sshrl.u32 s8, $0x1;
	s11 =	sshrl.u32 s11, $0x2;
	s6 =	sadd.s32 s6, s10  }
0xc: {  	s9 =	sadd.s32 s9, s7;
	s12 =	sshrl.u32 s6, $0x3;
	s6 =	smul.u32 $0x2800, s28  }
0xd: {  	s13 =	ssub.s32 s8, s29;
	s14 =	sadd.s32 s11, s2;
	s8 =	sor.u32 $0x1C03, s30  }
0xe: {  	s11 =	smax.u32 s13, $0x1;
	s13 =	sshrl.u32 s14, $0x3;
	s31 =	sshrl.u32 s6, $0x3  }
0xf: {  	s14 =	simm.s32 $0x3;
	s12 =	sadd.s32 s12, s7;
	s10 =	sadd.s32 s4, s31  }
0x10: {  	s7 =	sadd.s32 $0xD800, s9;
	s9 =	sadd.s32 $0x35800, s12;
	s12 =	sadd.s32 $0x10, s10  }
.LBB2_1:
0x11: {  	[spmem:s13], [sflag:s8] =	dma.local [hbm:s7], $0x2800  }
0x12: {  	_ =	swait.ge [sflag:s14], $0x2800  }
0x13: {  	[sflag:s14] =	ssyncset.done $0x0  }
0x14: {  	[sflag:s14] =	ssyncadd.s32 $0xFFFFD800  }
0x15: {  	[tilespmem:s17], [sflag:$0x3] =	stream.linear.gather [hbm4b:s5+s3], $0x4000, $0x38;
	[tilespmem:$0x18100] =	vst v63  }
0x16: {  	_ =	swait.ge [sflag:s14], $0x4000  }
0x17: {  	[sflag:s14] =	ssyncset.done $0x0  }
0x18: {  	[sflag:s14] =	ssyncadd.s32 $0xFFFFC000  }
0x19: {  	[bflag:$0x0] =	sbarrier.arrive $0xFFFF  }
0x1a: {  	[tilespmem:s3], [sflag:$0x3] =	stream.linear.gather [hbm4b:s10+s3], $0x80, $0x38;
	[tilespmem:$0x18100] =	vst v63  }
0x1b: {  	_ =	swait.ge [sflag:s14], $0x80  }
0x1c: {  	[sflag:s14] =	ssyncset.done $0x0  }
0x1d: {  	[sflag:s14] =	ssyncadd.s32 $0xFFFFFF80  }
0x1e: {  	[spmem:s2] =	stream.indirect.scatter.add.f32 [tilespmem:s17], [sflag:$0x1], $0x80, s3, s15, $0xb8;
	[tilespmem:$0x18100] =	vst v63  }
0x1f: {  	_ = 	snop  }
0x20: {  	[tilespmem:s15], [sflag:$0x3] =	stream.linear.gather [hbm4b:s12+s3], $0x80, $0x38;
	[tilespmem:$0x18100] =	vst v63  }
0x21: {  	_ =	swait.ge [sflag:s14], $0x80  }
0x22: {  	s20 =	sand.u32 $0x3C00, s17;
	[sflag:s14] =	ssyncset.done $0x0  }
0x23: {  	s21 =	sand.u32 $0x300, s17;
	s20 =	sadd.s32 s6, s20;
	[sflag:s14] =	ssyncadd.s32 $0xFFFFFF80  }
0x24: {  	[spmem:s2] =	stream.indirect.scatter.add.f32 [tilespmem:s17], [sflag:$0x2], $0x80, s15, s15, $0xb8;
	[tilespmem:$0x18100] =	vst v63  }
0x25: {  	s20 =	sor.u32 s21, s20;
	_ =	swait.ge [sflag:s16], $0x4000  }
0x26: {  	s20 =	sshrl.u32 s20, $0x3;
	[sflag:s16] =	ssyncset.done $0x0  }
0x27: {  	s20 =	sadd.s32 s4, s20;
	[sflag:s16] =	ssyncadd.s32 $0xFFFFC000  }
0x28: {  	[tilespmem:s3], [sflag:$0x3] =	stream.linear.gather [hbm4b:s20+s3], $0x80, $0x38;
	[tilespmem:$0x18100] =	vst v63  }
0x29: {  	_ =	swait.ge [sflag:s14], $0x80  }
0x2a: {  	[sflag:s14] =	ssyncset.done $0x0  }
0x2b: {  	[sflag:s14] =	ssyncadd.s32 $0xFFFFFF80  }
0x2c: {  	[spmem:s2] =	stream.indirect.scatter.add.f32 [tilespmem:s17], [sflag:$0x1], $0x80, s3, s15, $0xb8;
	[tilespmem:$0x18100] =	vst v63  }
0x2d: {  	_ =	swait.ge [sflag:s18], $0x4000  }
0x2e: {  	[sflag:s18] =	ssyncset.done $0x0  }
0x2f: {  	s20 =	sadd.s32 $0x10, s20;
	[sflag:s18] =	ssyncadd.s32 $0xFFFFC000  }
0x30: {  	[tilespmem:s15], [sflag:$0x3] =	stream.linear.gather [hbm4b:s20+s3], $0x80, $0x38;
	[tilespmem:$0x18100] =	vst v63  }
0x31: {  	_ =	swait.ge [sflag:s14], $0x80  }
0x32: {  	s31 =	simm.s32 $0x200;
	s22 =	simm.s32 $0x300;
	[sflag:s14] =	ssyncset.done $0x0  }
0x33: {  	s21 =	sand.u32 $0x300, s31;
	s20 =	sand.u32 $0x3C00, s31;
	[sflag:s14] =	ssyncadd.s32 $0xFFFFFF80  }
.LBB2_2:
0x34: {  	[spmem:s2] =	stream.indirect.scatter.add.f32 [tilespmem:s17], [sflag:$0x2], $0x80, s15, s15, $0xb8;
	[tilespmem:$0x18100] =	vst v63  }
0x35: {  	s23 =	smov.u32 s22  }
0x36: {  	s24 =	sadd.s32 $0x100, s22;
	s25 =	sadd.s32 s6, s20;
	s20 =	sand.u32 $0x3C00, s23  }
0x37: {  	p0 =	sne.s32 s22, $0x2700;
	s21 =	sor.u32 s21, s25;
	_ =	swait.ge [sflag:s16], $0x4000  }
0x38: {  	s21 =	sshrl.u32 s21, $0x3;
	[sflag:s16] =	ssyncset.done $0x0  }
0x39: {  	s21 =	sadd.s32 s4, s21;
	[sflag:s16] =	ssyncadd.s32 $0xFFFFC000  }
0x3a: {  	[tilespmem:s3], [sflag:$0x3] =	stream.linear.gather [hbm4b:s21+s3], $0x80, $0x38;
	[tilespmem:$0x18100] =	vst v63  }
0x3b: {  	_ =	swait.ge [sflag:s14], $0x80  }
0x3c: {  	[sflag:s14] =	ssyncset.done $0x0  }
0x3d: {  	[sflag:s14] =	ssyncadd.s32 $0xFFFFFF80  }
0x3e: {  	[spmem:s2] =	stream.indirect.scatter.add.f32 [tilespmem:s17], [sflag:$0x1], $0x80, s3, s15, $0xb8;
	[tilespmem:$0x18100] =	vst v63  }
0x3f: {  	_ =	swait.ge [sflag:s18], $0x4000  }
0x40: {  	[sflag:s18] =	ssyncset.done $0x0  }
.Ltmp0:
0x41: {  	s21 =	sadd.s32 $0x10, s21;
	[sflag:s18] =	ssyncadd.s32 $0xFFFFC000;
	(pc) =	sbr.rel @p0 .LBB2_2-.Ltmp0, $4  }
0x42: {  	[tilespmem:s15], [sflag:$0x3] =	stream.linear.gather [hbm4b:s21+s3], $0x80, $0x38;
	[tilespmem:$0x18100] =	vst v63  }
0x43: {  	_ =	swait.ge [sflag:s14], $0x80  }
0x44: {  	[sflag:s14] =	ssyncset.done $0x0  }
0x45: {  	s22 =	smov.u32 s24;
	s21 =	sand.u32 $0x300, s23;
	[sflag:s14] =	ssyncadd.s32 $0xFFFFFF80  }
0x46: {  	[spmem:s2] =	stream.indirect.scatter.add.f32 [tilespmem:s17], [sflag:$0x2], $0x80, s15, s15, $0xb8;
	[tilespmem:$0x18100] =	vst v63  }
0x47: {  	s20 =	sadd.s32 s6, s20  }
0x48: {  	_ =	swait.ge [sflag:s16], $0x4000;
	s20 =	sor.u32 s21, s20  }
0x49: {  	[sflag:s16] =	ssyncset.done $0x0;
	s20 =	sshrl.u32 s20, $0x3  }
0x4a: {  	[sflag:s16] =	ssyncadd.s32 $0xFFFFC000;
	s20 =	sadd.s32 s4, s20  }
0x4b: {  	[tilespmem:s3], [sflag:$0x3] =	stream.linear.gather [hbm4b:s20+s3], $0x80, $0x38;
	[tilespmem:$0x18100] =	vst v63  }
0x4c: {  	_ =	swait.ge [sflag:s14], $0x80  }
0x4d: {  	[sflag:s14] =	ssyncset.done $0x0  }
0x4e: {  	[sflag:s14] =	ssyncadd.s32 $0xFFFFFF80  }
0x4f: {  	[spmem:s2] =	stream.indirect.scatter.add.f32 [tilespmem:s17], [sflag:$0x1], $0x80, s3, s15, $0xb8;
	[tilespmem:$0x18100] =	vst v63  }
0x50: {  	_ =	swait.ge [sflag:s18], $0x4000  }
0x51: {  	[sflag:s18] =	ssyncset.done $0x0  }
0x52: {  	s20 =	sadd.s32 $0x10, s20;
	[sflag:s18] =	ssyncadd.s32 $0xFFFFC000  }
0x53: {  	[tilespmem:s15], [sflag:$0x3] =	stream.linear.gather [hbm4b:s20+s3], $0x80, $0x38;
	[tilespmem:$0x18100] =	vst v63  }
0x54: {  	_ =	swait.ge [sflag:s14], $0x80  }
0x55: {  	[sflag:s14] =	ssyncset.done $0x0  }
0x56: {  	[sflag:s14] =	ssyncadd.s32 $0xFFFFFF80  }
0x57: {  	[spmem:s2] =	stream.indirect.scatter.add.f32 [tilespmem:s17], [sflag:$0x2], $0x80, s15, s15, $0xb8;
	[tilespmem:$0x18100] =	vst v63  }
0x58: {  	_ =	swait.ge [sflag:s16], $0x4000  }
0x59: {  	[sflag:s16] =	ssyncset.done $0x0  }
0x5a: {  	[sflag:s16] =	ssyncadd.s32 $0xFFFFC000  }
0x5b: {  	_ =	swait.ge [sflag:s18], $0x4000  }
0x5c: {  	s19 =	sadd.s32 $0x1, s19;
	[sflag:s18] =	ssyncset.done $0x0  }
0x5d: {  	p0 =	sne.s32 s19, s11;
	[sflag:s18] =	ssyncadd.s32 $0xFFFFC000  }
.Ltmp1:
0x5e: {  	[bflag:$0x0] =	sbarrier.arrive $0xFFFF;
	(pc) =	sbr.rel @p0 .LBB2_1-.Ltmp1, $4  }
0x5f: {  	[hbm:s9], [sflag:s8] =	dma.local [spmem:s13], $0x2800  }
0x60: {  	_ =	swait.ge [sflag:s14], $0x2800  }
0x61: {  	[sflag:s14] =	ssyncset.done $0x0  }
0x62: {  	[sflag:s14] =	ssyncadd.s32 $0xFFFFD800  }
0x63: {  	_ =	sfence.sel $0x180000  }
0x64: {  	[bflag:$0x0] =	sbarrier.arrive $0xFFFF  }
0x65: {  	p0 =	sne.s32 s1, $0x0;
	_ =	strace $0x90000047  }
0x66: {  	s0 =	sadd.s32 @!p0 $0x100000, s0;
	[bflag:$0x2] =	sbarrier.arrive $0xFFFF  }
0x67: {  	[sflag:s0] =	ssyncadd.tile.s32 @!p0 $0x1;
	_ =	shalt  }
.Lfunc_end2:
_tile_overlayer_lowered:
.L_overlay_start_2:
0x68: {  	(tag) =	ssettag $0x2  }
0x69: {  	s0 =	rddreg [dreg:$0x0];
	s2 =	stileid.u32  }
0x6a: {  	s1 =	rddreg [dreg:$0x1];
	p0 =	sne.s32 s2, $0x0  }
0x6b: {  	s3 =	rddreg [dreg:$0x2];
	[bflag:$0x3] =	sbarrier.arrive $0xFFFF;
	s2 =	simm.s32 @!p0 $0x1C03  }
0x6c: {  	[timem:s3], [sflag:s2] =	dma.local @!p0 [hbm:s0], s1  }
0x6d: {  	s0 =	simm.s32 @!p0 $0x3  }
0x6e: {  	_ =	swait.ge @!p0 [sflag:s0], s1  }
0x6f: {  	s1 =	ssub.s32 @!p0 $0x0, s1;
	[sflag:s0] =	ssyncset.done @!p0 $0x0  }
0x70: {  	[sflag:s0] =	ssyncadd.s32 @!p0 s1  }
0x71: {  	[bflag:$0x3] =	sbarrier.arrive $0xFFFF  }
0x72: {  	_ =	shalt  }

// kernel: kernel.15.cloned.1.call-start
scs
__scs_entry_jumppad:
0x0: {  	(pc) =	sbr.rel $0x88, $3  }
0x1: {  	(tag) =	ssettag $0x0;
	lr =	simm.s32 $0x1  }
0x2: {  	[smem:$0x3F97] =	sst lr;
	_ =	strace $0xD0000000  }
0x3: {  	_ = 	snop  }
0x4: {  	_ = 	snop  }
0x5: {  	_ = 	snop  }
0x6: {  	_ = 	snop  }
0x7: {  	_ = 	snop  }
__scs_overlays_trampoline_lowered:
0x8: {  	[smem:$0x3FA6] =	sst s0  }
0x9: {  	[smem:$0x3FA7] =	sst s1  }
0xa: {  	[smem:$0x3FA8] =	sst s2  }
0xb: {  	[smem:$0x3FA9] =	sst s3  }
0xc: {  	[smem:$0x3FAA] =	sst s4  }
0xd: {  	[smem:$0x3FAB] =	sst s5  }
0xe: {  	[smem:$0x3FAC] =	sst s6  }
0xf: {  	[smem:$0x3FAD] =	sst s7  }
0x10: {  	[smem:$0x3FAE] =	sst s8  }
0x11: {  	[smem:$0x3FAF] =	sst s9;
	s0 =	simm.s32 @!p0 $0x0  }
0x12: {  	s1 =	sld [smem:$0x3F95];
	s0 =	simm.s32 @p0 $0x1  }
0x13: {  	[smem:$0x3FB0] =	sst s0;
	s0 =	simm.s32 @!p1 $0x0  }
0x14: {  	s2 =	sld [smem:$0x3F94];
	s0 =	simm.s32 @p1 $0x1  }
0x15: {  	[smem:$0x3FB1] =	sst s0;
	s0 =	simm.s32 @!p2 $0x0  }
0x16: {  	s3 =	sld [smem:$0x3FDB];
	s0 =	simm.s32 @p2 $0x1  }
0x17: {  	s4 =	simm.s32 $0x1BF5;
	[smem:$0x3FB3] =	sst s0  }
0x18: {  	s0 =	sld [smem:$0x3F96];
	_ =	swait.ge [sflag:s4], $0x0  }
0x19: {  	s7 =	sld [smem:$0x3F97]  }
0x1a: {  	s8 =	sadd.s32 $0xFFFFE003, lr  }
0x1b: {  	s9 =	sadd.s32 $0xFFFFFEF7, lr;
	s5 =	simm.s32 $0xFFFFFFFF;
	p2 =	slt.u32 s8, $0xFFFFF086  }
0x1c: {  	p1 =	slt.u32 s9, $0xF7A;
	s5 =	simm.s32 @!p2 $0x0  }
0x1d: {  	s5 =	simm.s32 @p1 $0x1;
	p0 =	seq.s32 s7, s2  }
0x1e: {  	s7 =	smul.u32 @!p0 $0xF7A, s2;
	p2 =	seq.s32 @!p0 s5, $0x0  }
0x1f: {  	s9 =	smul.u32 $0xF7A, s1;
	s8 =	simm.s32 @!p0 $0x1BF5;
	p2 =	por !p2, p0  }
0x20: {  	[sflag:s8] =	ssyncset.s32 @!p0 $0xFFFFF086;
	s6 =	sadd.s32 @!p0 s3, s7;
	s7 =	simm.s32 @!p0 $0x108  }
0x21: {  	s3 =	sadd.s32 s3, s9;
	s6 =	sadd.s32 @!p0 $0x88, s6;
	s7 =	simm.s32 @p2 $0x1082  }
0x22: {  	[simem:s7], [sflag:s8] =	dma.local @!p0 [hbm:s6], $0xF7A  }
0x23: {  	s9 =	sor.u32 $0xD0000000, s2;
	s6 =	simm.s32 $0x108;
	_ =	swait.ge @!p0 [sflag:s8], $0x0  }
0x24: {  	s3 =	sadd.s32 $0x88, s3;
	s6 =	simm.s32 @!p1 $0x1082;
	[sflag:s4] =	ssyncset.s32 $0xFFFFF086  }
0x25: {  	[simem:s6], [sflag:s4] =	dma.local [hbm:s3], $0xF7A  }
0x26: {  	[smem:$0x3F97] =	sst s1;
	(tag) =	ssettag s2;
	_ =	strace s9  }
0x27: {  	s1 =	sld [smem:$0x3FA7]  }
0x28: {  	s2 =	sld [smem:$0x3FA8]  }
0x29: {  	s4 =	sld [smem:$0x3FAA]  }
0x2a: {  	p0 =	seq.s32 s5, $0x0;
	s5 =	sld [smem:$0x3FAB]  }
0x2b: {  	s6 =	sld [smem:$0x3FAC]  }
0x2c: {  	s7 =	sld [smem:$0x3FAD]  }
0x2d: {  	s3 =	simm.s32 $0x108;
	s8 =	sld [smem:$0x3FAE]  }
0x2e: {  	s3 =	simm.s32 @!p0 $0x1082;
	s9 =	sld [smem:$0x3FAF]  }
0x2f: {  	lr =	sadd.s32 s0, s3;
	s0 =	sld [smem:$0x3FA6]  }
0x30: {  	s3 =	sld [smem:$0x3FA9]  }
0x31: {  	[smem:$0x3FB2] =	sst s10  }
0x32: {  	s10 =	sld [smem:$0x3FB0];
	_ =	sdelay $0x3  }
0x33: {  	p0 =	seq.s32 s10, $0x1;
	s10 =	sld [smem:$0x3FB2];
	_ =	sdelay $0x3  }
0x34: {  	[smem:$0x3FB2] =	sst s10  }
0x35: {  	s10 =	sld [smem:$0x3FB1];
	_ =	sdelay $0x3  }
0x36: {  	p1 =	seq.s32 s10, $0x1;
	s10 =	sld [smem:$0x3FB2];
	_ =	sdelay $0x3  }
0x37: {  	[smem:$0x3FB2] =	sst s10  }
0x38: {  	s10 =	sld [smem:$0x3FB3]  }
0x39: {  	_ = 	snop;
	(pc) =	sbr.ind lr, $3  }
0x3a: {  	_ = 	snop  }
0x3b: {  	_ = 	snop  }
0x3c: {  	p2 =	seq.s32 s10, $0x1;
	s10 =	sld [smem:$0x3FB2]  }
0x3d: {  	_ =	shalt  }
0x3e: {  	_ =	shalt  }
0x3f: {  	_ =	shalt  }
0x40: {  	_ =	shalt  }
0x41: {  	_ =	shalt  }
0x42: {  	_ =	shalt  }
0x43: {  	_ =	shalt  }
0x44: {  	_ =	shalt  }
0x45: {  	_ =	shalt  }
0x46: {  	_ =	shalt  }
0x47: {  	_ =	shalt  }
0x48: {  	_ =	shalt  }
0x49: {  	_ =	shalt  }
0x4a: {  	_ =	shalt  }
0x4b: {  	_ =	shalt  }
0x4c: {  	_ =	shalt  }
0x4d: {  	_ =	shalt  }
0x4e: {  	_ =	shalt  }
0x4f: {  	_ =	shalt  }
0x50: {  	_ =	shalt  }
0x51: {  	_ =	shalt  }
0x52: {  	_ =	shalt  }
0x53: {  	_ =	shalt  }
0x54: {  	_ =	shalt  }
0x55: {  	_ =	shalt  }
0x56: {  	_ =	shalt  }
0x57: {  	_ =	shalt  }
0x58: {  	_ =	shalt  }
0x59: {  	_ =	shalt  }
0x5a: {  	_ =	shalt  }
0x5b: {  	_ =	shalt  }
0x5c: {  	_ =	shalt  }
0x5d: {  	_ =	shalt  }
0x5e: {  	_ =	shalt  }
0x5f: {  	_ =	shalt  }
0x60: {  	_ =	shalt  }
0x61: {  	_ =	shalt  }
0x62: {  	_ =	shalt  }
0x63: {  	_ =	shalt  }
0x64: {  	_ =	shalt  }
0x65: {  	_ =	shalt  }
0x66: {  	_ =	shalt  }
0x67: {  	_ =	shalt  }
0x68: {  	_ =	shalt  }
0x69: {  	_ =	shalt  }
0x6a: {  	_ =	shalt  }
0x6b: {  	_ =	shalt  }
0x6c: {  	_ =	shalt  }
0x6d: {  	_ =	shalt  }
0x6e: {  	_ =	shalt  }
0x6f: {  	_ =	shalt  }
0x70: {  	_ =	shalt  }
0x71: {  	_ =	shalt  }
0x72: {  	_ =	shalt  }
0x73: {  	_ =	shalt  }
0x74: {  	_ =	shalt  }
0x75: {  	_ =	shalt  }
0x76: {  	_ =	shalt  }
0x77: {  	_ =	shalt  }
0x78: {  	_ =	shalt  }
0x79: {  	_ =	shalt  }
0x7a: {  	_ =	shalt  }
0x7b: {  	_ =	shalt  }
0x7c: {  	_ =	shalt  }
0x7d: {  	_ =	shalt  }
0x7e: {  	_ =	shalt  }
0x7f: {  	_ =	shalt  }
0x80: {  	_ =	shalt  }
0x81: {  	_ =	shalt  }
0x82: {  	_ =	shalt  }
0x83: {  	_ =	shalt  }
0x84: {  	_ =	shalt  }
0x85: {  	_ =	shalt  }
0x86: {  	_ =	shalt  }
0x87: {  	_ =	shalt  }
.Lfunc_end0:
.L_simem_size_0:
called_computation.1_lowered:
.L_overlay_start_0:
0x88: {  	s2 =	sld [smem:$0x3FD9]  }
0x89: {  	s3 =	sld [smem:$0x3FFE];
	_ =	sdelay $0x1  }
0x8a: {  	s1 =	srdreg.scid  }
0x8b: {  	s0 =	sand.u32 $0x1, s1  }
0x8c: {  	s17 =	sshll.u32 s0, $0xA;
	s2 =	sadd.s32 s3, s2  }
0x8d: {  	s2 =	sadd.s32 s2, s17  }
0x8e: {  	[smem:$0x3FBE] =	sst s2  }
0x8f: {  	_ = 	snop  }
0x90: {  	s2 =	sld [smem:$0x3FD0];
	(tm) =	ssettm $0x1  }
0x91: {  	s18 =	sld [smem:$0x3FFB];
	_ =	sdelay $0x3  }
0x92: {  	_ =	strace s18  }
0x93: {  	s3 =	sld [smem:$0x3FFC];
	_ =	sdelay $0x3  }
0x94: {  	_ =	strace s3  }
0x95: {  	s3 =	sld [smem:$0x3FFD];
	_ =	sdelay $0x3  }
0x96: {  	_ =	strace s3  }
0x97: {  	_ =	strace $0x8FFFFFFF  }
0x98: {  	s19 =	sld [smem:$0x3FDB];
	_ =	sdelay $0x1  }
0x99: {  	s4 =	simm.s32 $_scs_section_size  }
0x9a: {  	s5 =	simm.s32 $_size__tile_overlayer_lowered;
	s6 =	simm.s32 $_tile_overlayer_lowered  }
0x9b: {  	s22 =	simm.s32 $0x1BFF;
	s21 =	sshll.u32 s6, $0x1;
	s3 =	sadd.s32 s4, s19  }
0x9c: {  	s7 =	simm.s32 $0x0;
	s20 =	sshll.u32 s5, $0x1;
	s5 =	sadd.s32 s21, s3  }
0x9d: {  	[timem:s7], [sflag:s22] =	dma.local [hbm:s5], s20  }
0x9e: {  	_ =	swait.ge [sflag:s22], s20  }
0x9f: {  	s4 =	ssub.s32 $0x0, s20;
	[sflag:s22] =	ssyncset.done $0x0  }
0xa0: {  	[sflag:s22] =	ssyncadd.s32 s4;
	_ =	sdelay $0x1  }
0xa1: {  	s23 =	simm.s32 $0x1B8B  }
0xa2: {  	_ =	swait.ge [sflag:s23], $0x1  }
0xa3: {  	[sflag:s23] =	ssyncset.done $0x0  }
0xa4: {  	s25 =	simm.s32 $0x1B8E;
	s24 =	sld [smem:$0x3FFE];
	[sflag:s23] =	ssyncadd.s32 $0xFFFFFFFF  }
0xa5: {  	s26 =	simm.s32 $execute0_lowered;
	[smem:$0x3FD2] =	sst s25  }
0xa6: {  	s5 =	sshll.u32 s26, $0x1;
	_ =	strace $0x80000049;
	[dreg:$0x1] =	wrdreg $0xFFFFFFFF  }
0xa7: {  	s28 =	simm.s32 $_size_execute0_lowered;
	s3 =	sadd.s32 s3, s5;
	[dreg:$0x0] =	wrdreg $0x0  }
0xa8: {  	s5 =	sshll.u32 s28, $0x1;
	[dreg:$0x2] =	wrdreg s3  }
0xa9: {  	[dreg:$0x3] =	wrdreg s5  }
0xaa: {  	[dreg:$0x4] =	wrdreg $0xC0  }
0xab: {  	_ =	task [dreg:s7], $0x5FFFF  }
0xac: {  	[dreg:$0x1] =	wrdreg $0xFFFFFFFF  }
0xad: {  	[dreg:$0x0] =	wrdreg $0x60  }
0xae: {  	[dreg:$0x2] =	wrdreg s24  }
0xaf: {  	[dreg:$0x3] =	wrdreg s2  }
0xb0: {  	[dreg:$0x4] =	wrdreg $0x82000  }
0xb1: {  	[dreg:$0x5] =	wrdreg $0x9  }
0xb2: {  	_ =	task.clear_ibuf [dreg:s7], $0x6FFFF;
	_ =	strace $0x90000049  }
0xb3: {  	s29 =	simm.s32 $0x9;
	_ =	strace $0x8000004B  }
0xb4: {  	_ =	swait.ge [sflag:s29], $0x1  }
0xb5: {  	[sflag:s29] =	ssyncadd.s32 $0xFFFFFFFF  }
0xb6: {  	_ =	strace $0x9000004B  }
0xb7: {  	_ =	sfence  }
0xb8: {  	s30 =	sld [smem:$0x0];
	_ =	sdelay $0x2  }
0xb9: {  	s31 =	sshll.u32 s1, $0xD;
	s1 =	sshrl.u32 s1, $0x2  }
0xba: {  	s3 =	sand.u32 $0x4000, s31;
	s1 =	sadd.s32 s1, s30  }
0xbb: {  	s0 =	sor.u32 s3, s0;
	s1 =	sshll.u32 s1, $0x11  }
0xbc: {  	s0 =	sor.u32 s1, s0  }
0xbd: {  	s0 =	sadd.s32 $0x8F2B, s0  }
0xbe: {  	[sflag:s0] =	ssyncadd.remote.s32 $0x1  }
0xbf: {  	_ =	sfence.sel $0xFFFF  }
0xc0: {  	[dreg:$0x0] =	wrdreg $0xFFFFFFFF;
	(pc) =	sbr.abs _section_cstart, $3  }
0xc1: {  	[dreg:$0x1] =	wrdreg $0xFFFFFFFF  }
0xc2: {  	_ =	task.clear_ibuf [dreg:s7], $0x2FFFF;
	_ =	strace $0x9FFFFFFF  }
0xc3: {  	(tm) =	ssettm $0x7FFFFFFF  }
tec
execute0_lowered:
.L_overlay_start_1:
0x0: {  	(tag) =	ssettag $0x1  }
0x1: {  	s0 =	rddreg [dreg:$0x0]  }
0x2: {  	s2 =	rddreg [dreg:$0x1]  }
0x3: {  	s3 =	rddreg [dreg:$0x2];
	s4 =	simm.s32 $0x0  }
0x4: {  	s13 =	stileid.u32;
	s1 =	srdreg.scid;
	s18 =	simm.s32 $0x5  }
0x5: {  	s19 =	simm.s32 $0x80;
	s20 =	simm.s32 $0x200;
	s21 =	simm.s32 $0x180  }
0x6: {  	s28 =	simm.s32 $0x4;
	s29 =	simm.s32 $0x0;
	[smem:$0x7FF] =	sst s4  }
0x7: {  	s7 =	smul.u32 $0x14000, s13;
	s1 =	sand.u32 $0x1, s1;
	s5 =	sadd.s32 $0x35800, s0  }
0x8: {  	s6 =	sadd.s32 $0x85800, s0;
	s10 =	smul.u32 $0x50000, s13;
	s25 =	sshll.u32 s13, $0x6  }
0x9: {  	s26 =	sshll.u32 s13, $0xE;
	_ =	strace $0x8000004A;
	s8 =	smul.u32 $0x140000, s1  }
0xa: {  	s22 =	ssub.s32 $0x2, s1;
	p0 =	seq.s32 s1, $0x0;
	s1 =	sshll.u32 s1, $0x12  }
0xb: {  	s9 =	sshrl.u32 s7, $0x3;
	s11 =	sshrl.u32 s22, $0x1;
	s23 =	sshrl.u32 s10, $0x2  }
0xc: {  	s10 =	sor.u32 s26, s1;
	s26 =	simm.s32 $0x100;
	s7 =	sadd.s32 s7, s8  }
0xd: {  	s9 =	sadd.s32 s9, s0;
	s12 =	ssub.s32 s22, s11;
	s17 =	sadd.s32 s23, s3  }
0xe: {  	s8 =	sor.u32 $0x1C05, s25;
	s30 =	sshrl.u32 s10, $0x3;
	s22 =	simm.s32 $0x4200  }
0xf: {  	s23 =	simm.s32 $0x1;
	s25 =	simm.s32 $0x3;
	s7 =	sshrl.u32 s7, $0x3  }
0x10: {  	s24 =	sadd.s32 $0xD800, s9;
	s9 =	simm.s32 $0x3E00;
	s12 =	smax.u32 s12, $0x1  }
0x11: {  	s13 =	sadd.s32 s2, s30;
	s31 =	sor.u32 $0x10, s30;
	s14 =	sadd.s32 s6, s30  }
0x12: {  	s17 =	sshrl.u32 s17, $0x3;
	s0 =	sadd.s32 s7, s0;
	[dreg:$0x4] =	wrdreg s24  }
0x13: {  	s9 =	simm.s32 @!p0 $0x1200;
	s15 =	sadd.s32 s2, s31;
	s0 =	sadd.s32 $0x95800, s0  }
0x14: {  	s16 =	sadd.s32 s6, s31;
	s24 =	simm.s32 $0x2;
	[dreg:$0x5] =	wrdreg s0  }
.LBB2_1:
0x15: {  	s0 =	rddreg [dreg:$0x4]  }
0x16: {  	[spmem:s17], [sflag:s8] =	dma.local [hbm:s0], $0x2800  }
0x17: {  	_ =	swait.ge [sflag:s18], $0x2800  }
0x18: {  	[sflag:s18] =	ssyncset.done $0x0  }
0x19: {  	[sflag:s18] =	ssyncadd.s32 $0xFFFFD800  }
0x1a: {  	[bflag:$0x0] =	sbarrier.arrive $0xFFFF  }
0x1b: {  	[tilespmem:s4], [sflag:$0x5] =	stream.linear.gather [hbm4b:s13+s4], $0x80, $0x38;
	[tilespmem:$0x1C200] =	vst v63  }
0x1c: {  	_ =	swait.ge [sflag:s18], $0x80  }
0x1d: {  	[sflag:s18] =	ssyncset.done $0x0  }
0x1e: {  	[sflag:s18] =	ssyncadd.s32 $0xFFFFFF80  }
0x1f: {  	[tilespmem:s26], [sflag:$0x5] =	stream.linear.gather [hbm4b:s14+s4], $0x80, $0x38;
	[tilespmem:$0x1C200] =	vst v63  }
0x20: {  	_ =	swait.ge [sflag:s18], $0x80  }
0x21: {  	[sflag:s18] =	ssyncset.done $0x0  }
0x22: {  	[sflag:s18] =	ssyncadd.s32 $0xFFFFFF80  }
0x23: {  	[tilespmem:s20], [sflag:$0x1] =	stream.indirect.gather [hbm4b:s5+s19], $0x80, s4, s19, $0xb8;
	[tilespmem:$0x1C200] =	vst v63  }
0x24: {  	_ = 	snop  }
0x25: {  	[tilespmem:s19], [sflag:$0x5] =	stream.linear.gather [hbm4b:s15+s4], $0x80, $0x38;
	[tilespmem:$0x1C200] =	vst v63  }
0x26: {  	_ =	swait.ge [sflag:s18], $0x80  }
0x27: {  	[sflag:s18] =	ssyncset.done $0x0  }
0x28: {  	[sflag:s18] =	ssyncadd.s32 $0xFFFFFF80  }
0x29: {  	[tilespmem:s21], [sflag:$0x5] =	stream.linear.gather [hbm4b:s16+s4], $0x80, $0x38;
	[tilespmem:$0x1C200] =	vst v63  }
0x2a: {  	_ =	swait.ge [sflag:s18], $0x80  }
0x2b: {  	[sflag:s18] =	ssyncset.done $0x0  }
0x2c: {  	[sflag:s18] =	ssyncadd.s32 $0xFFFFFF80  }
0x2d: {  	[tilespmem:s22], [sflag:$0x2] =	stream.indirect.gather [hbm4b:s5+s19], $0x80, s19, s19, $0xb8;
	[tilespmem:$0x1C200] =	vst v63  }
0x2e: {  	_ =	swait.ge [sflag:s23], $0x4000  }
0x2f: {  	[sflag:s23] =	ssyncset.done $0x0  }
0x30: {  	p1 =	sne.s32 s9, $0x200;
	[sflag:s23] =	ssyncadd.s32 $0xFFFFC000  }
0x31: {  	[spmem:s3] =	stream.indirect.scatter.add.f32 [tilespmem:s20], [sflag:$0x3], $0x80, s26, s19, $0xb8;
	[tilespmem:$0x1C200] =	vst v63  }
.Ltmp0:
0x32: {  	_ = 	snop;
	(pc) =	sbr.rel @!p1 .LBB2_4-.Ltmp0, $4  }
0x33: {  	_ =	swait.ge [sflag:s24], $0x4000  }
0x34: {  	s30 =	sand.u32 $0xFFFFFC00, s26;
	s1 =	sand.u32 $0x300, s26;
	[sflag:s24] =	ssyncset.done $0x0  }
0x35: {  	p0 =	por $0x0, $0x0;
	s0 =	simm.s32 $0x200;
	[sflag:s24] =	ssyncadd.s32 $0xFFFFC000  }
0x36: {  	[spmem:s3] =	stream.indirect.scatter.add.f32 [tilespmem:s22], [sflag:$0x4], $0x80, s21, s19, $0xb8;
	[tilespmem:$0x1C200] =	vst v63  }
0x37: {  	s30 =	sadd.s32 s30, s10  }
0x38: {  	_ =	swait.ge [sflag:s25], $0x4000;
	s1 =	sor.u32 s1, s30  }
0x39: {  	[sflag:s25] =	ssyncset.done $0x0;
	s1 =	sshrl.u32 s1, $0x3  }
0x3a: {  	[sflag:s25] =	ssyncadd.s32 $0xFFFFC000;
	s30 =	sadd.s32 s2, s1  }
0x3b: {  	[tilespmem:s4], [sflag:$0x5] =	stream.linear.gather [hbm4b:s30+s4], $0x80, $0x38;
	[tilespmem:$0x1C200] =	vst v63  }
0x3c: {  	_ =	swait.ge [sflag:s18], $0x80  }
0x3d: {  	[sflag:s18] =	ssyncset.done $0x0  }
0x3e: {  	s30 =	sadd.s32 s6, s1;
	[sflag:s18] =	ssyncadd.s32 $0xFFFFFF80  }
0x3f: {  	[tilespmem:s26], [sflag:$0x5] =	stream.linear.gather [hbm4b:s30+s4], $0x80, $0x38;
	[tilespmem:$0x1C200] =	vst v63  }
0x40: {  	_ =	swait.ge [sflag:s18], $0x80  }
0x41: {  	[sflag:s18] =	ssyncset.done $0x0  }
0x42: {  	[sflag:s18] =	ssyncadd.s32 $0xFFFFFF80  }
0x43: {  	[tilespmem:s20], [sflag:$0x1] =	stream.indirect.gather [hbm4b:s5+s19], $0x80, s4, s19, $0xb8;
	[tilespmem:$0x1C200] =	vst v63  }
0x44: {  	_ =	swait.ge [sflag:s28], $0x4000  }
0x45: {  	s1 =	sor.u32 $0x10, s1;
	[sflag:s28] =	ssyncset.done $0x0  }
0x46: {  	s30 =	sadd.s32 s2, s1;
	[sflag:s28] =	ssyncadd.s32 $0xFFFFC000  }
0x47: {  	[tilespmem:s19], [sflag:$0x5] =	stream.linear.gather [hbm4b:s30+s4], $0x80, $0x38;
	[tilespmem:$0x1C200] =	vst v63  }
0x48: {  	_ =	swait.ge [sflag:s18], $0x80  }
0x49: {  	[sflag:s18] =	ssyncset.done $0x0  }
0x4a: {  	s1 =	sadd.s32 s6, s1;
	[sflag:s18] =	ssyncadd.s32 $0xFFFFFF80  }
0x4b: {  	[tilespmem:s21], [sflag:$0x5] =	stream.linear.gather [hbm4b:s1+s4], $0x80, $0x38;
	[tilespmem:$0x1C200] =	vst v63  }
0x4c: {  	_ =	swait.ge [sflag:s18], $0x80  }
0x4d: {  	[sflag:s18] =	ssyncset.done $0x0  }
0x4e: {  	[sflag:s18] =	ssyncadd.s32 $0xFFFFFF80  }
0x4f: {  	[tilespmem:s22], [sflag:$0x2] =	stream.indirect.gather [hbm4b:s5+s19], $0x80, s19, s19, $0xb8;
	[tilespmem:$0x1C200] =	vst v63  }
0x50: {  	_ =	swait.ge [sflag:s23], $0x4000  }
0x51: {  	p1 =	sne.s32 s9, $0x300;
	[sflag:s23] =	ssyncset.done $0x0  }
.Ltmp1:
0x52: {  	[sflag:s23] =	ssyncadd.s32 $0xFFFFC000;
	(pc) =	sbr.rel @!p1 .LBB2_4-.Ltmp1, $4  }
0x53: {  	[spmem:s3] =	stream.indirect.scatter.add.f32 [tilespmem:s20], [sflag:$0x3], $0x80, s26, s19, $0xb8;
	[tilespmem:$0x1C200] =	vst v63  }
0x54: {  	_ =	swait.ge [sflag:s24], $0x4000  }
0x55: {  	s31 =	simm.s32 $0x300;
	p0 =	por $0x1, $0x1;
	[sflag:s24] =	ssyncset.done $0x0  }
0x56: {  	s30 =	sand.u32 $0xFFFFFC00, s0;
	s1 =	sand.u32 $0x300, s0;
	[sflag:s24] =	ssyncadd.s32 $0xFFFFC000  }
.LBB2_3:
0x57: {  	[spmem:s3] =	stream.indirect.scatter.add.f32 [tilespmem:s22], [sflag:$0x4], $0x80, s21, s19, $0xb8;
	[tilespmem:$0x1C200] =	vst v63  }
0x58: {  	s0 =	sadd.s32 s30, s10;
	s30 =	sand.u32 $0xFFFFFC00, s31;
	_ =	swait.ge [sflag:s25], $0x4000  }
0x59: {  	s1 =	sor.u32 s1, s0;
	s0 =	smov.u32 s31;
	s31 =	sadd.s32 $0x100, s31  }
0x5a: {  	p1 =	sne.s32 s9, s31;
	s1 =	sshrl.u32 s1, $0x3;
	[sflag:s25] =	ssyncset.done $0x0  }
0x5b: {  	s7 =	sadd.s32 s2, s1;
	s11 =	sor.u32 $0x10, s1;
	[sflag:s25] =	ssyncadd.s32 $0xFFFFC000  }
0x5c: {  	[tilespmem:s4], [sflag:$0x5] =	stream.linear.gather [hbm4b:s7+s4], $0x80, $0x38;
	[tilespmem:$0x1C200] =	vst v63  }
0x5d: {  	_ =	swait.ge [sflag:s18], $0x80  }
0x5e: {  	[sflag:s18] =	ssyncset.done $0x0  }
0x5f: {  	s1 =	sadd.s32 s6, s1;
	[sflag:s18] =	ssyncadd.s32 $0xFFFFFF80  }
0x60: {  	[tilespmem:s26], [sflag:$0x5] =	stream.linear.gather [hbm4b:s1+s4], $0x80, $0x38;
	[tilespmem:$0x1C200] =	vst v63  }
0x61: {  	_ =	swait.ge [sflag:s18], $0x80  }
0x62: {  	[sflag:s18] =	ssyncset.done $0x0  }
0x63: {  	[sflag:s18] =	ssyncadd.s32 $0xFFFFFF80  }
0x64: {  	[tilespmem:s20], [sflag:$0x1] =	stream.indirect.gather [hbm4b:s5+s19], $0x80, s4, s19, $0xb8;
	[tilespmem:$0x1C200] =	vst v63  }
0x65: {  	_ =	swait.ge [sflag:s28], $0x4000  }
0x66: {  	[sflag:s28] =	ssyncset.done $0x0  }
0x67: {  	s1 =	sadd.s32 s2, s11;
	[sflag:s28] =	ssyncadd.s32 $0xFFFFC000  }
0x68: {  	[tilespmem:s19], [sflag:$0x5] =	stream.linear.gather [hbm4b:s1+s4], $0x80, $0x38;
	[tilespmem:$0x1C200] =	vst v63  }
0x69: {  	_ =	swait.ge [sflag:s18], $0x80  }
0x6a: {  	[sflag:s18] =	ssyncset.done $0x0  }
0x6b: {  	s1 =	sadd.s32 s6, s11;
	[sflag:s18] =	ssyncadd.s32 $0xFFFFFF80  }
0x6c: {  	[tilespmem:s21], [sflag:$0x5] =	stream.linear.gather [hbm4b:s1+s4], $0x80, $0x38;
	[tilespmem:$0x1C200] =	vst v63  }
0x6d: {  	_ =	swait.ge [sflag:s18], $0x80  }
0x6e: {  	[sflag:s18] =	ssyncset.done $0x0  }
0x6f: {  	[sflag:s18] =	ssyncadd.s32 $0xFFFFFF80  }
0x70: {  	[tilespmem:s22], [sflag:$0x2] =	stream.indirect.gather [hbm4b:s5+s19], $0x80, s19, s19, $0xb8;
	[tilespmem:$0x1C200] =	vst v63  }
0x71: {  	_ =	swait.ge [sflag:s23], $0x4000  }
0x72: {  	[sflag:s23] =	ssyncset.done $0x0  }
.Ltmp2:
0x73: {  	[sflag:s23] =	ssyncadd.s32 $0xFFFFC000;
	(pc) =	sbr.rel @p1 .LBB2_3-.Ltmp2, $4  }
0x74: {  	[spmem:s3] =	stream.indirect.scatter.add.f32 [tilespmem:s20], [sflag:$0x3], $0x80, s26, s19, $0xb8;
	[tilespmem:$0x1C200] =	vst v63  }
0x75: {  	_ =	swait.ge [sflag:s24], $0x4000  }
0x76: {  	[sflag:s24] =	ssyncset.done $0x0  }
0x77: {  	s1 =	sand.u32 $0x300, s0;
	[sflag:s24] =	ssyncadd.s32 $0xFFFFC000  }
.LBB2_4:
0x78: {  	[spmem:s3] =	stream.indirect.scatter.add.f32 @p0 [tilespmem:s22], [sflag:$0x4], $0x80, s21, s19, $0xb8;
	[tilespmem:$0x1C200] =	vst v63  }
0x79: {  	s0 =	sadd.s32 s30, s10  }
0x7a: {  	_ =	swait.ge [sflag:s25], $0x4000;
	s0 =	sor.u32 s1, s0  }
0x7b: {  	[sflag:s25] =	ssyncset.done $0x0;
	s0 =	sshrl.u32 s0, $0x3  }
0x7c: {  	[sflag:s25] =	ssyncadd.s32 $0xFFFFC000;
	s7 =	sadd.s32 s2, s0  }
0x7d: {  	[tilespmem:s4], [sflag:$0x5] =	stream.linear.gather [hbm4b:s7+s4], $0x80, $0x38;
	[tilespmem:$0x1C200] =	vst v63  }
0x7e: {  	_ =	swait.ge [sflag:s18], $0x80  }
0x7f: {  	[sflag:s18] =	ssyncset.done $0x0  }
0x80: {  	s11 =	sadd.s32 s6, s0;
	[sflag:s18] =	ssyncadd.s32 $0xFFFFFF80  }
0x81: {  	[tilespmem:s26], [sflag:$0x5] =	stream.linear.gather [hbm4b:s11+s4], $0x80, $0x38;
	[tilespmem:$0x1C200] =	vst v63  }
0x82: {  	_ =	swait.ge [sflag:s18], $0x80  }
0x83: {  	[sflag:s18] =	ssyncset.done $0x0  }
0x84: {  	[sflag:s18] =	ssyncadd.s32 $0xFFFFFF80  }
0x85: {  	[tilespmem:s20], [sflag:$0x1] =	stream.indirect.gather [hbm4b:s5+s19], $0x80, s4, s19, $0xb8;
	[tilespmem:$0x1C200] =	vst v63  }
0x86: {  	_ =	swait.ge [sflag:s28], $0x4000  }
0x87: {  	s0 =	sor.u32 $0x10, s0;
	[sflag:s28] =	ssyncset.done $0x0  }
0x88: {  	s30 =	sadd.s32 s2, s0;
	[sflag:s28] =	ssyncadd.s32 $0xFFFFC000  }
0x89: {  	[tilespmem:s19], [sflag:$0x5] =	stream.linear.gather [hbm4b:s30+s4], $0x80, $0x38;
	[tilespmem:$0x1C200] =	vst v63  }
0x8a: {  	_ =	swait.ge [sflag:s18], $0x80  }
0x8b: {  	[sflag:s18] =	ssyncset.done $0x0  }
0x8c: {  	s0 =	sadd.s32 s6, s0;
	[sflag:s18] =	ssyncadd.s32 $0xFFFFFF80  }
0x8d: {  	[tilespmem:s21], [sflag:$0x5] =	stream.linear.gather [hbm4b:s0+s4], $0x80, $0x38;
	[tilespmem:$0x1C200] =	vst v63  }
0x8e: {  	_ =	swait.ge [sflag:s18], $0x80  }
0x8f: {  	[sflag:s18] =	ssyncset.done $0x0  }
0x90: {  	[sflag:s18] =	ssyncadd.s32 $0xFFFFFF80  }
0x91: {  	[tilespmem:s22], [sflag:$0x2] =	stream.indirect.gather [hbm4b:s5+s19], $0x80, s19, s19, $0xb8;
	[tilespmem:$0x1C200] =	vst v63  }
0x92: {  	_ =	swait.ge [sflag:s23], $0x4000  }
0x93: {  	[sflag:s23] =	ssyncset.done $0x0  }
0x94: {  	[sflag:s23] =	ssyncadd.s32 $0xFFFFC000  }
0x95: {  	[spmem:s3] =	stream.indirect.scatter.add.f32 [tilespmem:s20], [sflag:$0x3], $0x80, s26, s19, $0xb8;
	[tilespmem:$0x1C200] =	vst v63  }
0x96: {  	_ =	swait.ge [sflag:s24], $0x4000  }
0x97: {  	[sflag:s24] =	ssyncset.done $0x0  }
0x98: {  	[sflag:s24] =	ssyncadd.s32 $0xFFFFC000  }
0x99: {  	[spmem:s3] =	stream.indirect.scatter.add.f32 [tilespmem:s22], [sflag:$0x4], $0x80, s21, s19, $0xb8;
	[tilespmem:$0x1C200] =	vst v63  }
0x9a: {  	_ =	swait.ge [sflag:s25], $0x4000  }
0x9b: {  	[sflag:s25] =	ssyncset.done $0x0  }
0x9c: {  	[sflag:s25] =	ssyncadd.s32 $0xFFFFC000  }
0x9d: {  	_ =	swait.ge [sflag:s28], $0x4000  }
0x9e: {  	[sflag:s28] =	ssyncset.done $0x0  }
0x9f: {  	s29 =	sadd.s32 $0x1, s29;
	[sflag:s28] =	ssyncadd.s32 $0xFFFFC000  }
0xa0: {  	p0 =	sne.s32 s29, s12;
	[bflag:$0x0] =	sbarrier.arrive $0xFFFF  }
.Ltmp3:
0xa1: {  	s31 =	rddreg [dreg:$0x5];
	(pc) =	sbr.rel @p0 .LBB2_1-.Ltmp3, $4  }
0xa2: {  	[hbm:s31], [sflag:s8] =	dma.local [spmem:s17], $0x2800  }
0xa3: {  	_ =	swait.ge [sflag:s18], $0x2800  }
0xa4: {  	[sflag:s18] =	ssyncset.done $0x0  }
0xa5: {  	[sflag:s18] =	ssyncadd.s32 $0xFFFFD800  }
0xa6: {  	_ =	sfence.sel $0x180000  }
0xa7: {  	[bflag:$0x0] =	sbarrier.arrive $0xFFFF  }
0xa8: {  	_ =	strace $0x9000004A  }
0xa9: {  	s0 =	stileid.u32;
	[bflag:$0x2] =	sbarrier.arrive $0xFFFF  }
0xaa: {  	p0 =	sne.s32 s0, $0x0;
	s0 =	rddreg [dreg:$0x3]  }
0xab: {  	s0 =	sadd.s32 @!p0 $0x100000, s0  }
0xac: {  	[sflag:s0] =	ssyncadd.tile.s32 @!p0 $0x1;
	_ =	shalt  }
.Lfunc_end2:
_tile_overlayer_lowered:
.L_overlay_start_2:
0xad: {  	(tag) =	ssettag $0x2  }
0xae: {  	s0 =	rddreg [dreg:$0x0];
	s2 =	stileid.u32  }
0xaf: {  	s1 =	rddreg [dreg:$0x1];
	p0 =	sne.s32 s2, $0x0  }
0xb0: {  	s3 =	rddreg [dreg:$0x2];
	[bflag:$0x3] =	sbarrier.arrive $0xFFFF;
	s2 =	simm.s32 @!p0 $0x1C05  }
0xb1: {  	[timem:s3], [sflag:s2] =	dma.local @!p0 [hbm:s0], s1  }
0xb2: {  	s0 =	simm.s32 @!p0 $0x5  }
0xb3: {  	_ =	swait.ge @!p0 [sflag:s0], s1  }
0xb4: {  	s1 =	ssub.s32 @!p0 $0x0, s1;
	[sflag:s0] =	ssyncset.done @!p0 $0x0  }
0xb5: {  	[sflag:s0] =	ssyncadd.s32 @!p0 s1  }
0xb6: {  	[bflag:$0x3] =	sbarrier.arrive $0xFFFF  }
0xb7: {  	_ =	shalt  }

// kernel: kernel.18.cloned.1.call-start
scs
__scs_entry_jumppad:
0x0: {  	(pc) =	sbr.rel $0x88, $3  }
0x1: {  	(tag) =	ssettag $0x0;
	lr =	simm.s32 $0x1  }
0x2: {  	[smem:$0x3F97] =	sst lr;
	_ =	strace $0xD0000000  }
0x3: {  	_ = 	snop  }
0x4: {  	_ = 	snop  }
0x5: {  	_ = 	snop  }
0x6: {  	_ = 	snop  }
0x7: {  	_ = 	snop  }
__scs_overlays_trampoline_lowered:
0x8: {  	[smem:$0x3FA6] =	sst s0  }
0x9: {  	[smem:$0x3FA7] =	sst s1  }
0xa: {  	[smem:$0x3FA8] =	sst s2  }
0xb: {  	[smem:$0x3FA9] =	sst s3  }
0xc: {  	[smem:$0x3FAA] =	sst s4  }
0xd: {  	[smem:$0x3FAB] =	sst s5  }
0xe: {  	[smem:$0x3FAC] =	sst s6  }
0xf: {  	[smem:$0x3FAD] =	sst s7  }
0x10: {  	[smem:$0x3FAE] =	sst s8  }
0x11: {  	[smem:$0x3FAF] =	sst s9;
	s0 =	simm.s32 @!p0 $0x0  }
0x12: {  	s1 =	sld [smem:$0x3F95];
	s0 =	simm.s32 @p0 $0x1  }
0x13: {  	[smem:$0x3FB0] =	sst s0;
	s0 =	simm.s32 @!p1 $0x0  }
0x14: {  	s2 =	sld [smem:$0x3F94];
	s0 =	simm.s32 @p1 $0x1  }
0x15: {  	[smem:$0x3FB1] =	sst s0;
	s0 =	simm.s32 @!p2 $0x0  }
0x16: {  	s3 =	sld [smem:$0x3FDB];
	s0 =	simm.s32 @p2 $0x1  }
0x17: {  	s4 =	simm.s32 $0x1BF5;
	[smem:$0x3FB3] =	sst s0  }
0x18: {  	s0 =	sld [smem:$0x3F96];
	_ =	swait.ge [sflag:s4], $0x0  }
0x19: {  	s7 =	sld [smem:$0x3F97]  }
0x1a: {  	s8 =	sadd.s32 $0xFFFFE003, lr  }
0x1b: {  	s9 =	sadd.s32 $0xFFFFFEF7, lr;
	s5 =	simm.s32 $0xFFFFFFFF;
	p2 =	slt.u32 s8, $0xFFFFF086  }
0x1c: {  	p1 =	slt.u32 s9, $0xF7A;
	s5 =	simm.s32 @!p2 $0x0  }
0x1d: {  	s5 =	simm.s32 @p1 $0x1;
	p0 =	seq.s32 s7, s2  }
0x1e: {  	s7 =	smul.u32 @!p0 $0xF7A, s2;
	p2 =	seq.s32 @!p0 s5, $0x0  }
0x1f: {  	s9 =	smul.u32 $0xF7A, s1;
	s8 =	simm.s32 @!p0 $0x1BF5;
	p2 =	por !p2, p0  }
0x20: {  	[sflag:s8] =	ssyncset.s32 @!p0 $0xFFFFF086;
	s6 =	sadd.s32 @!p0 s3, s7;
	s7 =	simm.s32 @!p0 $0x108  }
0x21: {  	s3 =	sadd.s32 s3, s9;
	s6 =	sadd.s32 @!p0 $0x88, s6;
	s7 =	simm.s32 @p2 $0x1082  }
0x22: {  	[simem:s7], [sflag:s8] =	dma.local @!p0 [hbm:s6], $0xF7A  }
0x23: {  	s9 =	sor.u32 $0xD0000000, s2;
	s6 =	simm.s32 $0x108;
	_ =	swait.ge @!p0 [sflag:s8], $0x0  }
0x24: {  	s3 =	sadd.s32 $0x88, s3;
	s6 =	simm.s32 @!p1 $0x1082;
	[sflag:s4] =	ssyncset.s32 $0xFFFFF086  }
0x25: {  	[simem:s6], [sflag:s4] =	dma.local [hbm:s3], $0xF7A  }
0x26: {  	[smem:$0x3F97] =	sst s1;
	(tag) =	ssettag s2;
	_ =	strace s9  }
0x27: {  	s1 =	sld [smem:$0x3FA7]  }
0x28: {  	s2 =	sld [smem:$0x3FA8]  }
0x29: {  	s4 =	sld [smem:$0x3FAA]  }
0x2a: {  	p0 =	seq.s32 s5, $0x0;
	s5 =	sld [smem:$0x3FAB]  }
0x2b: {  	s6 =	sld [smem:$0x3FAC]  }
0x2c: {  	s7 =	sld [smem:$0x3FAD]  }
0x2d: {  	s3 =	simm.s32 $0x108;
	s8 =	sld [smem:$0x3FAE]  }
0x2e: {  	s3 =	simm.s32 @!p0 $0x1082;
	s9 =	sld [smem:$0x3FAF]  }
0x2f: {  	lr =	sadd.s32 s0, s3;
	s0 =	sld [smem:$0x3FA6]  }
0x30: {  	s3 =	sld [smem:$0x3FA9]  }
0x31: {  	[smem:$0x3FB2] =	sst s10  }
0x32: {  	s10 =	sld [smem:$0x3FB0];
	_ =	sdelay $0x3  }
0x33: {  	p0 =	seq.s32 s10, $0x1;
	s10 =	sld [smem:$0x3FB2];
	_ =	sdelay $0x3  }
0x34: {  	[smem:$0x3FB2] =	sst s10  }
0x35: {  	s10 =	sld [smem:$0x3FB1];
	_ =	sdelay $0x3  }
0x36: {  	p1 =	seq.s32 s10, $0x1;
	s10 =	sld [smem:$0x3FB2];
	_ =	sdelay $0x3  }
0x37: {  	[smem:$0x3FB2] =	sst s10  }
0x38: {  	s10 =	sld [smem:$0x3FB3]  }
0x39: {  	_ = 	snop;
	(pc) =	sbr.ind lr, $3  }
0x3a: {  	_ = 	snop  }
0x3b: {  	_ = 	snop  }
0x3c: {  	p2 =	seq.s32 s10, $0x1;
	s10 =	sld [smem:$0x3FB2]  }
0x3d: {  	_ =	shalt  }
0x3e: {  	_ =	shalt  }
0x3f: {  	_ =	shalt  }
0x40: {  	_ =	shalt  }
0x41: {  	_ =	shalt  }
0x42: {  	_ =	shalt  }
0x43: {  	_ =	shalt  }
0x44: {  	_ =	shalt  }
0x45: {  	_ =	shalt  }
0x46: {  	_ =	shalt  }
0x47: {  	_ =	shalt  }
0x48: {  	_ =	shalt  }
0x49: {  	_ =	shalt  }
0x4a: {  	_ =	shalt  }
0x4b: {  	_ =	shalt  }
0x4c: {  	_ =	shalt  }
0x4d: {  	_ =	shalt  }
0x4e: {  	_ =	shalt  }
0x4f: {  	_ =	shalt  }
0x50: {  	_ =	shalt  }
0x51: {  	_ =	shalt  }
0x52: {  	_ =	shalt  }
0x53: {  	_ =	shalt  }
0x54: {  	_ =	shalt  }
0x55: {  	_ =	shalt  }
0x56: {  	_ =	shalt  }
0x57: {  	_ =	shalt  }
0x58: {  	_ =	shalt  }
0x59: {  	_ =	shalt  }
0x5a: {  	_ =	shalt  }
0x5b: {  	_ =	shalt  }
0x5c: {  	_ =	shalt  }
0x5d: {  	_ =	shalt  }
0x5e: {  	_ =	shalt  }
0x5f: {  	_ =	shalt  }
0x60: {  	_ =	shalt  }
0x61: {  	_ =	shalt  }
0x62: {  	_ =	shalt  }
0x63: {  	_ =	shalt  }
0x64: {  	_ =	shalt  }
0x65: {  	_ =	shalt  }
0x66: {  	_ =	shalt  }
0x67: {  	_ =	shalt  }
0x68: {  	_ =	shalt  }
0x69: {  	_ =	shalt  }
0x6a: {  	_ =	shalt  }
0x6b: {  	_ =	shalt  }
0x6c: {  	_ =	shalt  }
0x6d: {  	_ =	shalt  }
0x6e: {  	_ =	shalt  }
0x6f: {  	_ =	shalt  }
0x70: {  	_ =	shalt  }
0x71: {  	_ =	shalt  }
0x72: {  	_ =	shalt  }
0x73: {  	_ =	shalt  }
0x74: {  	_ =	shalt  }
0x75: {  	_ =	shalt  }
0x76: {  	_ =	shalt  }
0x77: {  	_ =	shalt  }
0x78: {  	_ =	shalt  }
0x79: {  	_ =	shalt  }
0x7a: {  	_ =	shalt  }
0x7b: {  	_ =	shalt  }
0x7c: {  	_ =	shalt  }
0x7d: {  	_ =	shalt  }
0x7e: {  	_ =	shalt  }
0x7f: {  	_ =	shalt  }
0x80: {  	_ =	shalt  }
0x81: {  	_ =	shalt  }
0x82: {  	_ =	shalt  }
0x83: {  	_ =	shalt  }
0x84: {  	_ =	shalt  }
0x85: {  	_ =	shalt  }
0x86: {  	_ =	shalt  }
0x87: {  	_ =	shalt  }
.Lfunc_end0:
.L_simem_size_0:
called_computation.2_lowered:
.L_overlay_start_0:
0x88: {  	s2 =	sld [smem:$0x3FD9]  }
0x89: {  	s3 =	sld [smem:$0x3FFE];
	_ =	sdelay $0x1  }
0x8a: {  	s1 =	srdreg.scid  }
0x8b: {  	s0 =	sand.u32 $0x1, s1  }
0x8c: {  	s17 =	sshll.u32 s0, $0xA;
	s2 =	sadd.s32 s3, s2  }
0x8d: {  	s2 =	sadd.s32 s2, s17  }
0x8e: {  	[smem:$0x3FBE] =	sst s2  }
0x8f: {  	_ = 	snop  }
0x90: {  	s2 =	sld [smem:$0x3FD0];
	(tm) =	ssettm $0x1  }
0x91: {  	s18 =	sld [smem:$0x3FFB];
	_ =	sdelay $0x3  }
0x92: {  	_ =	strace s18  }
0x93: {  	s3 =	sld [smem:$0x3FFC];
	_ =	sdelay $0x3  }
0x94: {  	_ =	strace s3  }
0x95: {  	s3 =	sld [smem:$0x3FFD];
	_ =	sdelay $0x3  }
0x96: {  	_ =	strace s3  }
0x97: {  	_ =	strace $0x8FFFFFFF  }
0x98: {  	s19 =	sld [smem:$0x3FDB];
	_ =	sdelay $0x1  }
0x99: {  	s4 =	simm.s32 $_scs_section_size  }
0x9a: {  	s5 =	simm.s32 $_size__tile_overlayer_lowered;
	s6 =	simm.s32 $_tile_overlayer_lowered  }
0x9b: {  	s22 =	simm.s32 $0x1BFF;
	s21 =	sshll.u32 s6, $0x1;
	s3 =	sadd.s32 s4, s19  }
0x9c: {  	s7 =	simm.s32 $0x0;
	s20 =	sshll.u32 s5, $0x1;
	s5 =	sadd.s32 s21, s3  }
0x9d: {  	[timem:s7], [sflag:s22] =	dma.local [hbm:s5], s20  }
0x9e: {  	_ =	swait.ge [sflag:s22], s20  }
0x9f: {  	s4 =	ssub.s32 $0x0, s20;
	[sflag:s22] =	ssyncset.done $0x0  }
0xa0: {  	[sflag:s22] =	ssyncadd.s32 s4;
	_ =	sdelay $0x1  }
0xa1: {  	s23 =	simm.s32 $0x1B8B  }
0xa2: {  	_ =	swait.ge [sflag:s23], $0x1  }
0xa3: {  	[sflag:s23] =	ssyncset.done $0x0  }
0xa4: {  	s25 =	simm.s32 $0x1B8E;
	s24 =	sld [smem:$0x3FFE];
	[sflag:s23] =	ssyncadd.s32 $0xFFFFFFFF  }
0xa5: {  	s26 =	simm.s32 $execute0_lowered;
	[smem:$0x3FD2] =	sst s25  }
0xa6: {  	s5 =	sshll.u32 s26, $0x1;
	_ =	strace $0x8000004C;
	[dreg:$0x1] =	wrdreg $0xFFFFFFFF  }
0xa7: {  	s28 =	simm.s32 $_size_execute0_lowered;
	s3 =	sadd.s32 s3, s5;
	[dreg:$0x0] =	wrdreg $0x0  }
0xa8: {  	s5 =	sshll.u32 s28, $0x1;
	[dreg:$0x2] =	wrdreg s3  }
0xa9: {  	[dreg:$0x3] =	wrdreg s5  }
0xaa: {  	[dreg:$0x4] =	wrdreg $0xC0  }
0xab: {  	_ =	task [dreg:s7], $0x5FFFF  }
0xac: {  	[dreg:$0x1] =	wrdreg $0xFFFFFFFF  }
0xad: {  	[dreg:$0x0] =	wrdreg $0x60  }
0xae: {  	[dreg:$0x2] =	wrdreg s24  }
0xaf: {  	[dreg:$0x3] =	wrdreg s2  }
0xb0: {  	[dreg:$0x4] =	wrdreg $0x82000  }
0xb1: {  	[dreg:$0x5] =	wrdreg $0x9  }
0xb2: {  	_ =	task.clear_ibuf [dreg:s7], $0x6FFFF;
	_ =	strace $0x9000004C  }
0xb3: {  	s29 =	simm.s32 $0x9;
	_ =	strace $0x8000004E  }
0xb4: {  	_ =	swait.ge [sflag:s29], $0x1  }
0xb5: {  	[sflag:s29] =	ssyncadd.s32 $0xFFFFFFFF  }
0xb6: {  	_ =	strace $0x9000004E  }
0xb7: {  	_ =	sfence  }
0xb8: {  	s30 =	sld [smem:$0x0];
	_ =	sdelay $0x2  }
0xb9: {  	s31 =	sshll.u32 s1, $0xD;
	s1 =	sshrl.u32 s1, $0x2  }
0xba: {  	s3 =	sand.u32 $0x4000, s31;
	s1 =	sadd.s32 s1, s30  }
0xbb: {  	s0 =	sor.u32 s3, s0;
	s1 =	sshll.u32 s1, $0x11  }
0xbc: {  	s0 =	sor.u32 s1, s0  }
0xbd: {  	s0 =	sadd.s32 $0x8F2B, s0  }
0xbe: {  	[sflag:s0] =	ssyncadd.remote.s32 $0x1  }
0xbf: {  	_ =	sfence.sel $0xFFFF  }
0xc0: {  	[dreg:$0x0] =	wrdreg $0xFFFFFFFF;
	(pc) =	sbr.abs _section_cstart, $3  }
0xc1: {  	[dreg:$0x1] =	wrdreg $0xFFFFFFFF  }
0xc2: {  	_ =	task.clear_ibuf [dreg:s7], $0x2FFFF;
	_ =	strace $0x9FFFFFFF  }
0xc3: {  	(tm) =	ssettm $0x7FFFFFFF  }
tec
execute0_lowered:
.L_overlay_start_1:
0x0: {  	(tag) =	ssettag $0x1  }
0x1: {  	s0 =	rddreg [dreg:$0x0]  }
0x2: {  	s2 =	rddreg [dreg:$0x1]  }
0x3: {  	s3 =	rddreg [dreg:$0x2];
	s4 =	simm.s32 $0x0  }
0x4: {  	s13 =	stileid.u32;
	s1 =	srdreg.scid;
	s18 =	simm.s32 $0x5  }
0x5: {  	s19 =	simm.s32 $0x80;
	s20 =	simm.s32 $0x200;
	s21 =	simm.s32 $0x180  }
0x6: {  	s28 =	simm.s32 $0x4;
	s29 =	simm.s32 $0x0;
	[smem:$0x7FF] =	sst s4  }
0x7: {  	s7 =	smul.u32 $0x14000, s13;
	s1 =	sand.u32 $0x1, s1;
	s5 =	sadd.s32 $0x35800, s0  }
0x8: {  	s6 =	sadd.s32 $0x85800, s0;
	s10 =	smul.u32 $0x50000, s13;
	s25 =	sshll.u32 s13, $0x6  }
0x9: {  	s26 =	sshll.u32 s13, $0xE;
	_ =	strace $0x8000004D;
	s8 =	smul.u32 $0x140000, s1  }
0xa: {  	s22 =	ssub.s32 $0x2, s1;
	p0 =	seq.s32 s1, $0x0;
	s1 =	sshll.u32 s1, $0x12  }
0xb: {  	s9 =	sshrl.u32 s7, $0x3;
	s11 =	sshrl.u32 s22, $0x1;
	s23 =	sshrl.u32 s10, $0x2  }
0xc: {  	s10 =	sor.u32 s26, s1;
	s26 =	simm.s32 $0x100;
	s7 =	sadd.s32 s7, s8  }
0xd: {  	s9 =	sadd.s32 s9, s0;
	s12 =	ssub.s32 s22, s11;
	s17 =	sadd.s32 s23, s3  }
0xe: {  	s8 =	sor.u32 $0x1C05, s25;
	s30 =	sshrl.u32 s10, $0x3;
	s22 =	simm.s32 $0x4200  }
0xf: {  	s23 =	simm.s32 $0x1;
	s25 =	simm.s32 $0x3;
	s7 =	sshrl.u32 s7, $0x3  }
0x10: {  	s24 =	sadd.s32 $0xD800, s9;
	s9 =	simm.s32 $0x3E00;
	s12 =	smax.u32 s12, $0x1  }
0x11: {  	s13 =	sadd.s32 s2, s30;
	s31 =	sor.u32 $0x10, s30;
	s14 =	sadd.s32 s6, s30  }
0x12: {  	s17 =	sshrl.u32 s17, $0x3;
	s0 =	sadd.s32 s7, s0;
	[dreg:$0x4] =	wrdreg s24  }
0x13: {  	s9 =	simm.s32 @!p0 $0x1200;
	s15 =	sadd.s32 s2, s31;
	s0 =	sadd.s32 $0x95800, s0  }
0x14: {  	s16 =	sadd.s32 s6, s31;
	s24 =	simm.s32 $0x2;
	[dreg:$0x5] =	wrdreg s0  }
.LBB2_1:
0x15: {  	s0 =	rddreg [dreg:$0x4]  }
0x16: {  	[spmem:s17], [sflag:s8] =	dma.local [hbm:s0], $0x2800  }
0x17: {  	_ =	swait.ge [sflag:s18], $0x2800  }
0x18: {  	[sflag:s18] =	ssyncset.done $0x0  }
0x19: {  	[sflag:s18] =	ssyncadd.s32 $0xFFFFD800  }
0x1a: {  	[bflag:$0x0] =	sbarrier.arrive $0xFFFF  }
0x1b: {  	[tilespmem:s4], [sflag:$0x5] =	stream.linear.gather [hbm4b:s13+s4], $0x80, $0x38;
	[tilespmem:$0x1C200] =	vst v63  }
0x1c: {  	_ =	swait.ge [sflag:s18], $0x80  }
0x1d: {  	[sflag:s18] =	ssyncset.done $0x0  }
0x1e: {  	[sflag:s18] =	ssyncadd.s32 $0xFFFFFF80  }
0x1f: {  	[tilespmem:s26], [sflag:$0x5] =	stream.linear.gather [hbm4b:s14+s4], $0x80, $0x38;
	[tilespmem:$0x1C200] =	vst v63  }
0x20: {  	_ =	swait.ge [sflag:s18], $0x80  }
0x21: {  	[sflag:s18] =	ssyncset.done $0x0  }
0x22: {  	[sflag:s18] =	ssyncadd.s32 $0xFFFFFF80  }
0x23: {  	[tilespmem:s20], [sflag:$0x1] =	stream.indirect.gather [hbm4b:s5+s19], $0x80, s4, s19, $0xb8;
	[tilespmem:$0x1C200] =	vst v63  }
0x24: {  	_ = 	snop  }
0x25: {  	[tilespmem:s19], [sflag:$0x5] =	stream.linear.gather [hbm4b:s15+s4], $0x80, $0x38;
	[tilespmem:$0x1C200] =	vst v63  }
0x26: {  	_ =	swait.ge [sflag:s18], $0x80  }
0x27: {  	[sflag:s18] =	ssyncset.done $0x0  }
0x28: {  	[sflag:s18] =	ssyncadd.s32 $0xFFFFFF80  }
0x29: {  	[tilespmem:s21], [sflag:$0x5] =	stream.linear.gather [hbm4b:s16+s4], $0x80, $0x38;
	[tilespmem:$0x1C200] =	vst v63  }
0x2a: {  	_ =	swait.ge [sflag:s18], $0x80  }
0x2b: {  	[sflag:s18] =	ssyncset.done $0x0  }
0x2c: {  	[sflag:s18] =	ssyncadd.s32 $0xFFFFFF80  }
0x2d: {  	[tilespmem:s22], [sflag:$0x2] =	stream.indirect.gather [hbm4b:s5+s19], $0x80, s19, s19, $0xb8;
	[tilespmem:$0x1C200] =	vst v63  }
0x2e: {  	_ =	swait.ge [sflag:s23], $0x4000  }
0x2f: {  	[sflag:s23] =	ssyncset.done $0x0  }
0x30: {  	p1 =	sne.s32 s9, $0x200;
	[sflag:s23] =	ssyncadd.s32 $0xFFFFC000  }
0x31: {  	[spmem:s3] =	stream.indirect.scatter.add.f32 [tilespmem:s20], [sflag:$0x3], $0x80, s26, s19, $0xb8;
	[tilespmem:$0x1C200] =	vst v63  }
.Ltmp0:
0x32: {  	_ = 	snop;
	(pc) =	sbr.rel @!p1 .LBB2_4-.Ltmp0, $4  }
0x33: {  	_ =	swait.ge [sflag:s24], $0x4000  }
0x34: {  	s30 =	sand.u32 $0xFFFFFC00, s26;
	s1 =	sand.u32 $0x300, s26;
	[sflag:s24] =	ssyncset.done $0x0  }
0x35: {  	p0 =	por $0x0, $0x0;
	s0 =	simm.s32 $0x200;
	[sflag:s24] =	ssyncadd.s32 $0xFFFFC000  }
0x36: {  	[spmem:s3] =	stream.indirect.scatter.add.f32 [tilespmem:s22], [sflag:$0x4], $0x80, s21, s19, $0xb8;
	[tilespmem:$0x1C200] =	vst v63  }
0x37: {  	s30 =	sadd.s32 s30, s10  }
0x38: {  	_ =	swait.ge [sflag:s25], $0x4000;
	s1 =	sor.u32 s1, s30  }
0x39: {  	[sflag:s25] =	ssyncset.done $0x0;
	s1 =	sshrl.u32 s1, $0x3  }
0x3a: {  	[sflag:s25] =	ssyncadd.s32 $0xFFFFC000;
	s30 =	sadd.s32 s2, s1  }
0x3b: {  	[tilespmem:s4], [sflag:$0x5] =	stream.linear.gather [hbm4b:s30+s4], $0x80, $0x38;
	[tilespmem:$0x1C200] =	vst v63  }
0x3c: {  	_ =	swait.ge [sflag:s18], $0x80  }
0x3d: {  	[sflag:s18] =	ssyncset.done $0x0  }
0x3e: {  	s30 =	sadd.s32 s6, s1;
	[sflag:s18] =	ssyncadd.s32 $0xFFFFFF80  }
0x3f: {  	[tilespmem:s26], [sflag:$0x5] =	stream.linear.gather [hbm4b:s30+s4], $0x80, $0x38;
	[tilespmem:$0x1C200] =	vst v63  }
0x40: {  	_ =	swait.ge [sflag:s18], $0x80  }
0x41: {  	[sflag:s18] =	ssyncset.done $0x0  }
0x42: {  	[sflag:s18] =	ssyncadd.s32 $0xFFFFFF80  }
0x43: {  	[tilespmem:s20], [sflag:$0x1] =	stream.indirect.gather [hbm4b:s5+s19], $0x80, s4, s19, $0xb8;
	[tilespmem:$0x1C200] =	vst v63  }
0x44: {  	_ =	swait.ge [sflag:s28], $0x4000  }
0x45: {  	s1 =	sor.u32 $0x10, s1;
	[sflag:s28] =	ssyncset.done $0x0  }
0x46: {  	s30 =	sadd.s32 s2, s1;
	[sflag:s28] =	ssyncadd.s32 $0xFFFFC000  }
0x47: {  	[tilespmem:s19], [sflag:$0x5] =	stream.linear.gather [hbm4b:s30+s4], $0x80, $0x38;
	[tilespmem:$0x1C200] =	vst v63  }
0x48: {  	_ =	swait.ge [sflag:s18], $0x80  }
0x49: {  	[sflag:s18] =	ssyncset.done $0x0  }
0x4a: {  	s1 =	sadd.s32 s6, s1;
	[sflag:s18] =	ssyncadd.s32 $0xFFFFFF80  }
0x4b: {  	[tilespmem:s21], [sflag:$0x5] =	stream.linear.gather [hbm4b:s1+s4], $0x80, $0x38;
	[tilespmem:$0x1C200] =	vst v63  }
0x4c: {  	_ =	swait.ge [sflag:s18], $0x80  }
0x4d: {  	[sflag:s18] =	ssyncset.done $0x0  }
0x4e: {  	[sflag:s18] =	ssyncadd.s32 $0xFFFFFF80  }
0x4f: {  	[tilespmem:s22], [sflag:$0x2] =	stream.indirect.gather [hbm4b:s5+s19], $0x80, s19, s19, $0xb8;
	[tilespmem:$0x1C200] =	vst v63  }
0x50: {  	_ =	swait.ge [sflag:s23], $0x4000  }
0x51: {  	p1 =	sne.s32 s9, $0x300;
	[sflag:s23] =	ssyncset.done $0x0  }
.Ltmp1:
0x52: {  	[sflag:s23] =	ssyncadd.s32 $0xFFFFC000;
	(pc) =	sbr.rel @!p1 .LBB2_4-.Ltmp1, $4  }
0x53: {  	[spmem:s3] =	stream.indirect.scatter.add.f32 [tilespmem:s20], [sflag:$0x3], $0x80, s26, s19, $0xb8;
	[tilespmem:$0x1C200] =	vst v63  }
0x54: {  	_ =	swait.ge [sflag:s24], $0x4000  }
0x55: {  	s31 =	simm.s32 $0x300;
	p0 =	por $0x1, $0x1;
	[sflag:s24] =	ssyncset.done $0x0  }
0x56: {  	s30 =	sand.u32 $0xFFFFFC00, s0;
	s1 =	sand.u32 $0x300, s0;
	[sflag:s24] =	ssyncadd.s32 $0xFFFFC000  }
.LBB2_3:
0x57: {  	[spmem:s3] =	stream.indirect.scatter.add.f32 [tilespmem:s22], [sflag:$0x4], $0x80, s21, s19, $0xb8;
	[tilespmem:$0x1C200] =	vst v63  }
0x58: {  	s0 =	sadd.s32 s30, s10;
	s30 =	sand.u32 $0xFFFFFC00, s31;
	_ =	swait.ge [sflag:s25], $0x4000  }
0x59: {  	s1 =	sor.u32 s1, s0;
	s0 =	smov.u32 s31;
	s31 =	sadd.s32 $0x100, s31  }
0x5a: {  	p1 =	sne.s32 s9, s31;
	s1 =	sshrl.u32 s1, $0x3;
	[sflag:s25] =	ssyncset.done $0x0  }
0x5b: {  	s7 =	sadd.s32 s2, s1;
	s11 =	sor.u32 $0x10, s1;
	[sflag:s25] =	ssyncadd.s32 $0xFFFFC000  }
0x5c: {  	[tilespmem:s4], [sflag:$0x5] =	stream.linear.gather [hbm4b:s7+s4], $0x80, $0x38;
	[tilespmem:$0x1C200] =	vst v63  }
0x5d: {  	_ =	swait.ge [sflag:s18], $0x80  }
0x5e: {  	[sflag:s18] =	ssyncset.done $0x0  }
0x5f: {  	s1 =	sadd.s32 s6, s1;
	[sflag:s18] =	ssyncadd.s32 $0xFFFFFF80  }
0x60: {  	[tilespmem:s26], [sflag:$0x5] =	stream.linear.gather [hbm4b:s1+s4], $0x80, $0x38;
	[tilespmem:$0x1C200] =	vst v63  }
0x61: {  	_ =	swait.ge [sflag:s18], $0x80  }
0x62: {  	[sflag:s18] =	ssyncset.done $0x0  }
0x63: {  	[sflag:s18] =	ssyncadd.s32 $0xFFFFFF80  }
0x64: {  	[tilespmem:s20], [sflag:$0x1] =	stream.indirect.gather [hbm4b:s5+s19], $0x80, s4, s19, $0xb8;
	[tilespmem:$0x1C200] =	vst v63  }
0x65: {  	_ =	swait.ge [sflag:s28], $0x4000  }
0x66: {  	[sflag:s28] =	ssyncset.done $0x0  }
0x67: {  	s1 =	sadd.s32 s2, s11;
	[sflag:s28] =	ssyncadd.s32 $0xFFFFC000  }
0x68: {  	[tilespmem:s19], [sflag:$0x5] =	stream.linear.gather [hbm4b:s1+s4], $0x80, $0x38;
	[tilespmem:$0x1C200] =	vst v63  }
0x69: {  	_ =	swait.ge [sflag:s18], $0x80  }
0x6a: {  	[sflag:s18] =	ssyncset.done $0x0  }
0x6b: {  	s1 =	sadd.s32 s6, s11;
	[sflag:s18] =	ssyncadd.s32 $0xFFFFFF80  }
0x6c: {  	[tilespmem:s21], [sflag:$0x5] =	stream.linear.gather [hbm4b:s1+s4], $0x80, $0x38;
	[tilespmem:$0x1C200] =	vst v63  }
0x6d: {  	_ =	swait.ge [sflag:s18], $0x80  }
0x6e: {  	[sflag:s18] =	ssyncset.done $0x0  }
0x6f: {  	[sflag:s18] =	ssyncadd.s32 $0xFFFFFF80  }
0x70: {  	[tilespmem:s22], [sflag:$0x2] =	stream.indirect.gather [hbm4b:s5+s19], $0x80, s19, s19, $0xb8;
	[tilespmem:$0x1C200] =	vst v63  }
0x71: {  	_ =	swait.ge [sflag:s23], $0x4000  }
0x72: {  	[sflag:s23] =	ssyncset.done $0x0  }
.Ltmp2:
0x73: {  	[sflag:s23] =	ssyncadd.s32 $0xFFFFC000;
	(pc) =	sbr.rel @p1 .LBB2_3-.Ltmp2, $4  }
0x74: {  	[spmem:s3] =	stream.indirect.scatter.add.f32 [tilespmem:s20], [sflag:$0x3], $0x80, s26, s19, $0xb8;
	[tilespmem:$0x1C200] =	vst v63  }
0x75: {  	_ =	swait.ge [sflag:s24], $0x4000  }
0x76: {  	[sflag:s24] =	ssyncset.done $0x0  }
0x77: {  	s1 =	sand.u32 $0x300, s0;
	[sflag:s24] =	ssyncadd.s32 $0xFFFFC000  }
.LBB2_4:
0x78: {  	[spmem:s3] =	stream.indirect.scatter.add.f32 @p0 [tilespmem:s22], [sflag:$0x4], $0x80, s21, s19, $0xb8;
	[tilespmem:$0x1C200] =	vst v63  }
0x79: {  	s0 =	sadd.s32 s30, s10  }
0x7a: {  	_ =	swait.ge [sflag:s25], $0x4000;
	s0 =	sor.u32 s1, s0  }
0x7b: {  	[sflag:s25] =	ssyncset.done $0x0;
	s0 =	sshrl.u32 s0, $0x3  }
0x7c: {  	[sflag:s25] =	ssyncadd.s32 $0xFFFFC000;
	s7 =	sadd.s32 s2, s0  }
0x7d: {  	[tilespmem:s4], [sflag:$0x5] =	stream.linear.gather [hbm4b:s7+s4], $0x80, $0x38;
	[tilespmem:$0x1C200] =	vst v63  }
0x7e: {  	_ =	swait.ge [sflag:s18], $0x80  }
0x7f: {  	[sflag:s18] =	ssyncset.done $0x0  }
0x80: {  	s11 =	sadd.s32 s6, s0;
	[sflag:s18] =	ssyncadd.s32 $0xFFFFFF80  }
0x81: {  	[tilespmem:s26], [sflag:$0x5] =	stream.linear.gather [hbm4b:s11+s4], $0x80, $0x38;
	[tilespmem:$0x1C200] =	vst v63  }
0x82: {  	_ =	swait.ge [sflag:s18], $0x80  }
0x83: {  	[sflag:s18] =	ssyncset.done $0x0  }
0x84: {  	[sflag:s18] =	ssyncadd.s32 $0xFFFFFF80  }
0x85: {  	[tilespmem:s20], [sflag:$0x1] =	stream.indirect.gather [hbm4b:s5+s19], $0x80, s4, s19, $0xb8;
	[tilespmem:$0x1C200] =	vst v63  }
0x86: {  	_ =	swait.ge [sflag:s28], $0x4000  }
0x87: {  	s0 =	sor.u32 $0x10, s0;
	[sflag:s28] =	ssyncset.done $0x0  }
0x88: {  	s30 =	sadd.s32 s2, s0;
	[sflag:s28] =	ssyncadd.s32 $0xFFFFC000  }
0x89: {  	[tilespmem:s19], [sflag:$0x5] =	stream.linear.gather [hbm4b:s30+s4], $0x80, $0x38;
	[tilespmem:$0x1C200] =	vst v63  }
0x8a: {  	_ =	swait.ge [sflag:s18], $0x80  }
0x8b: {  	[sflag:s18] =	ssyncset.done $0x0  }
0x8c: {  	s0 =	sadd.s32 s6, s0;
	[sflag:s18] =	ssyncadd.s32 $0xFFFFFF80  }
0x8d: {  	[tilespmem:s21], [sflag:$0x5] =	stream.linear.gather [hbm4b:s0+s4], $0x80, $0x38;
	[tilespmem:$0x1C200] =	vst v63  }
0x8e: {  	_ =	swait.ge [sflag:s18], $0x80  }
0x8f: {  	[sflag:s18] =	ssyncset.done $0x0  }
0x90: {  	[sflag:s18] =	ssyncadd.s32 $0xFFFFFF80  }
0x91: {  	[tilespmem:s22], [sflag:$0x2] =	stream.indirect.gather [hbm4b:s5+s19], $0x80, s19, s19, $0xb8;
	[tilespmem:$0x1C200] =	vst v63  }
0x92: {  	_ =	swait.ge [sflag:s23], $0x4000  }
0x93: {  	[sflag:s23] =	ssyncset.done $0x0  }
0x94: {  	[sflag:s23] =	ssyncadd.s32 $0xFFFFC000  }
0x95: {  	[spmem:s3] =	stream.indirect.scatter.add.f32 [tilespmem:s20], [sflag:$0x3], $0x80, s26, s19, $0xb8;
	[tilespmem:$0x1C200] =	vst v63  }
0x96: {  	_ =	swait.ge [sflag:s24], $0x4000  }
0x97: {  	[sflag:s24] =	ssyncset.done $0x0  }
0x98: {  	[sflag:s24] =	ssyncadd.s32 $0xFFFFC000  }
0x99: {  	[spmem:s3] =	stream.indirect.scatter.add.f32 [tilespmem:s22], [sflag:$0x4], $0x80, s21, s19, $0xb8;
	[tilespmem:$0x1C200] =	vst v63  }
0x9a: {  	_ =	swait.ge [sflag:s25], $0x4000  }
0x9b: {  	[sflag:s25] =	ssyncset.done $0x0  }
0x9c: {  	[sflag:s25] =	ssyncadd.s32 $0xFFFFC000  }
0x9d: {  	_ =	swait.ge [sflag:s28], $0x4000  }
0x9e: {  	[sflag:s28] =	ssyncset.done $0x0  }
0x9f: {  	s29 =	sadd.s32 $0x1, s29;
	[sflag:s28] =	ssyncadd.s32 $0xFFFFC000  }
0xa0: {  	p0 =	sne.s32 s29, s12;
	[bflag:$0x0] =	sbarrier.arrive $0xFFFF  }
.Ltmp3:
0xa1: {  	s31 =	rddreg [dreg:$0x5];
	(pc) =	sbr.rel @p0 .LBB2_1-.Ltmp3, $4  }
0xa2: {  	[hbm:s31], [sflag:s8] =	dma.local [spmem:s17], $0x2800  }
0xa3: {  	_ =	swait.ge [sflag:s18], $0x2800  }
0xa4: {  	[sflag:s18] =	ssyncset.done $0x0  }
0xa5: {  	[sflag:s18] =	ssyncadd.s32 $0xFFFFD800  }
0xa6: {  	_ =	sfence.sel $0x180000  }
0xa7: {  	[bflag:$0x0] =	sbarrier.arrive $0xFFFF  }
0xa8: {  	_ =	strace $0x9000004D  }
0xa9: {  	s0 =	stileid.u32;
	[bflag:$0x2] =	sbarrier.arrive $0xFFFF  }
0xaa: {  	p0 =	sne.s32 s0, $0x0;
	s0 =	rddreg [dreg:$0x3]  }
0xab: {  	s0 =	sadd.s32 @!p0 $0x100000, s0  }
0xac: {  	[sflag:s0] =	ssyncadd.tile.s32 @!p0 $0x1;
	_ =	shalt  }
.Lfunc_end2:
_tile_overlayer_lowered:
.L_overlay_start_2:
0xad: {  	(tag) =	ssettag $0x2  }
0xae: {  	s0 =	rddreg [dreg:$0x0];
	s2 =	stileid.u32  }
0xaf: {  	s1 =	rddreg [dreg:$0x1];
	p0 =	sne.s32 s2, $0x0  }
0xb0: {  	s3 =	rddreg [dreg:$0x2];
	[bflag:$0x3] =	sbarrier.arrive $0xFFFF;
	s2 =	simm.s32 @!p0 $0x1C05  }
0xb1: {  	[timem:s3], [sflag:s2] =	dma.local @!p0 [hbm:s0], s1  }
0xb2: {  	s0 =	simm.s32 @!p0 $0x5  }
0xb3: {  	_ =	swait.ge @!p0 [sflag:s0], s1  }
0xb4: {  	s1 =	ssub.s32 @!p0 $0x0, s1;
	[sflag:s0] =	ssyncset.done @!p0 $0x0  }
0xb5: {  	[sflag:s0] =	ssyncadd.s32 @!p0 s1  }
0xb6: {  	[bflag:$0x3] =	sbarrier.arrive $0xFFFF  }
0xb7: {  	_ =	shalt  }

// kernel: kernel.21.cloned.1.call-start
scs
__scs_entry_jumppad:
0x0: {  	(pc) =	sbr.rel $0x88, $3  }
0x1: {  	(tag) =	ssettag $0x0;
	lr =	simm.s32 $0x1  }
0x2: {  	[smem:$0x3F97] =	sst lr;
	_ =	strace $0xD0000000  }
0x3: {  	_ = 	snop  }
0x4: {  	_ = 	snop  }
0x5: {  	_ = 	snop  }
0x6: {  	_ = 	snop  }
0x7: {  	_ = 	snop  }
__scs_overlays_trampoline_lowered:
0x8: {  	[smem:$0x3FA6] =	sst s0  }
0x9: {  	[smem:$0x3FA7] =	sst s1  }
0xa: {  	[smem:$0x3FA8] =	sst s2  }
0xb: {  	[smem:$0x3FA9] =	sst s3  }
0xc: {  	[smem:$0x3FAA] =	sst s4  }
0xd: {  	[smem:$0x3FAB] =	sst s5  }
0xe: {  	[smem:$0x3FAC] =	sst s6  }
0xf: {  	[smem:$0x3FAD] =	sst s7  }
0x10: {  	[smem:$0x3FAE] =	sst s8  }
0x11: {  	[smem:$0x3FAF] =	sst s9;
	s0 =	simm.s32 @!p0 $0x0  }
0x12: {  	s1 =	sld [smem:$0x3F95];
	s0 =	simm.s32 @p0 $0x1  }
0x13: {  	[smem:$0x3FB0] =	sst s0;
	s0 =	simm.s32 @!p1 $0x0  }
0x14: {  	s2 =	sld [smem:$0x3F94];
	s0 =	simm.s32 @p1 $0x1  }
0x15: {  	[smem:$0x3FB1] =	sst s0;
	s0 =	simm.s32 @!p2 $0x0  }
0x16: {  	s3 =	sld [smem:$0x3FDB];
	s0 =	simm.s32 @p2 $0x1  }
0x17: {  	s4 =	simm.s32 $0x1BF5;
	[smem:$0x3FB3] =	sst s0  }
0x18: {  	s0 =	sld [smem:$0x3F96];
	_ =	swait.ge [sflag:s4], $0x0  }
0x19: {  	s7 =	sld [smem:$0x3F97]  }
0x1a: {  	s8 =	sadd.s32 $0xFFFFE003, lr  }
0x1b: {  	s9 =	sadd.s32 $0xFFFFFEF7, lr;
	s5 =	simm.s32 $0xFFFFFFFF;
	p2 =	slt.u32 s8, $0xFFFFF086  }
0x1c: {  	p1 =	slt.u32 s9, $0xF7A;
	s5 =	simm.s32 @!p2 $0x0  }
0x1d: {  	s5 =	simm.s32 @p1 $0x1;
	p0 =	seq.s32 s7, s2  }
0x1e: {  	s7 =	smul.u32 @!p0 $0xF7A, s2;
	p2 =	seq.s32 @!p0 s5, $0x0  }
0x1f: {  	s9 =	smul.u32 $0xF7A, s1;
	s8 =	simm.s32 @!p0 $0x1BF5;
	p2 =	por !p2, p0  }
0x20: {  	[sflag:s8] =	ssyncset.s32 @!p0 $0xFFFFF086;
	s6 =	sadd.s32 @!p0 s3, s7;
	s7 =	simm.s32 @!p0 $0x108  }
0x21: {  	s3 =	sadd.s32 s3, s9;
	s6 =	sadd.s32 @!p0 $0x88, s6;
	s7 =	simm.s32 @p2 $0x1082  }
0x22: {  	[simem:s7], [sflag:s8] =	dma.local @!p0 [hbm:s6], $0xF7A  }
0x23: {  	s9 =	sor.u32 $0xD0000000, s2;
	s6 =	simm.s32 $0x108;
	_ =	swait.ge @!p0 [sflag:s8], $0x0  }
0x24: {  	s3 =	sadd.s32 $0x88, s3;
	s6 =	simm.s32 @!p1 $0x1082;
	[sflag:s4] =	ssyncset.s32 $0xFFFFF086  }
0x25: {  	[simem:s6], [sflag:s4] =	dma.local [hbm:s3], $0xF7A  }
0x26: {  	[smem:$0x3F97] =	sst s1;
	(tag) =	ssettag s2;
	_ =	strace s9  }
0x27: {  	s1 =	sld [smem:$0x3FA7]  }
0x28: {  	s2 =	sld [smem:$0x3FA8]  }
0x29: {  	s4 =	sld [smem:$0x3FAA]  }
0x2a: {  	p0 =	seq.s32 s5, $0x0;
	s5 =	sld [smem:$0x3FAB]  }
0x2b: {  	s6 =	sld [smem:$0x3FAC]  }
0x2c: {  	s7 =	sld [smem:$0x3FAD]  }
0x2d: {  	s3 =	simm.s32 $0x108;
	s8 =	sld [smem:$0x3FAE]  }
0x2e: {  	s3 =	simm.s32 @!p0 $0x1082;
	s9 =	sld [smem:$0x3FAF]  }
0x2f: {  	lr =	sadd.s32 s0, s3;
	s0 =	sld [smem:$0x3FA6]  }
0x30: {  	s3 =	sld [smem:$0x3FA9]  }
0x31: {  	[smem:$0x3FB2] =	sst s10  }
0x32: {  	s10 =	sld [smem:$0x3FB0];
	_ =	sdelay $0x3  }
0x33: {  	p0 =	seq.s32 s10, $0x1;
	s10 =	sld [smem:$0x3FB2];
	_ =	sdelay $0x3  }
0x34: {  	[smem:$0x3FB2] =	sst s10  }
0x35: {  	s10 =	sld [smem:$0x3FB1];
	_ =	sdelay $0x3  }
0x36: {  	p1 =	seq.s32 s10, $0x1;
	s10 =	sld [smem:$0x3FB2];
	_ =	sdelay $0x3  }
0x37: {  	[smem:$0x3FB2] =	sst s10  }
0x38: {  	s10 =	sld [smem:$0x3FB3]  }
0x39: {  	_ = 	snop;
	(pc) =	sbr.ind lr, $3  }
0x3a: {  	_ = 	snop  }
0x3b: {  	_ = 	snop  }
0x3c: {  	p2 =	seq.s32 s10, $0x1;
	s10 =	sld [smem:$0x3FB2]  }
0x3d: {  	_ =	shalt  }
0x3e: {  	_ =	shalt  }
0x3f: {  	_ =	shalt  }
0x40: {  	_ =	shalt  }
0x41: {  	_ =	shalt  }
0x42: {  	_ =	shalt  }
0x43: {  	_ =	shalt  }
0x44: {  	_ =	shalt  }
0x45: {  	_ =	shalt  }
0x46: {  	_ =	shalt  }
0x47: {  	_ =	shalt  }
0x48: {  	_ =	shalt  }
0x49: {  	_ =	shalt  }
0x4a: {  	_ =	shalt  }
0x4b: {  	_ =	shalt  }
0x4c: {  	_ =	shalt  }
0x4d: {  	_ =	shalt  }
0x4e: {  	_ =	shalt  }
0x4f: {  	_ =	shalt  }
0x50: {  	_ =	shalt  }
0x51: {  	_ =	shalt  }
0x52: {  	_ =	shalt  }
0x53: {  	_ =	shalt  }
0x54: {  	_ =	shalt  }
0x55: {  	_ =	shalt  }
0x56: {  	_ =	shalt  }
0x57: {  	_ =	shalt  }
0x58: {  	_ =	shalt  }
0x59: {  	_ =	shalt  }
0x5a: {  	_ =	shalt  }
0x5b: {  	_ =	shalt  }
0x5c: {  	_ =	shalt  }
0x5d: {  	_ =	shalt  }
0x5e: {  	_ =	shalt  }
0x5f: {  	_ =	shalt  }
0x60: {  	_ =	shalt  }
0x61: {  	_ =	shalt  }
0x62: {  	_ =	shalt  }
0x63: {  	_ =	shalt  }
0x64: {  	_ =	shalt  }
0x65: {  	_ =	shalt  }
0x66: {  	_ =	shalt  }
0x67: {  	_ =	shalt  }
0x68: {  	_ =	shalt  }
0x69: {  	_ =	shalt  }
0x6a: {  	_ =	shalt  }
0x6b: {  	_ =	shalt  }
0x6c: {  	_ =	shalt  }
0x6d: {  	_ =	shalt  }
0x6e: {  	_ =	shalt  }
0x6f: {  	_ =	shalt  }
0x70: {  	_ =	shalt  }
0x71: {  	_ =	shalt  }
0x72: {  	_ =	shalt  }
0x73: {  	_ =	shalt  }
0x74: {  	_ =	shalt  }
0x75: {  	_ =	shalt  }
0x76: {  	_ =	shalt  }
0x77: {  	_ =	shalt  }
0x78: {  	_ =	shalt  }
0x79: {  	_ =	shalt  }
0x7a: {  	_ =	shalt  }
0x7b: {  	_ =	shalt  }
0x7c: {  	_ =	shalt  }
0x7d: {  	_ =	shalt  }
0x7e: {  	_ =	shalt  }
0x7f: {  	_ =	shalt  }
0x80: {  	_ =	shalt  }
0x81: {  	_ =	shalt  }
0x82: {  	_ =	shalt  }
0x83: {  	_ =	shalt  }
0x84: {  	_ =	shalt  }
0x85: {  	_ =	shalt  }
0x86: {  	_ =	shalt  }
0x87: {  	_ =	shalt  }
.Lfunc_end0:
.L_simem_size_0:
called_computation.3_lowered:
.L_overlay_start_0:
0x88: {  	s2 =	sld [smem:$0x3FD9]  }
0x89: {  	s3 =	sld [smem:$0x3FFE];
	_ =	sdelay $0x1  }
0x8a: {  	s1 =	srdreg.scid  }
0x8b: {  	s0 =	sand.u32 $0x1, s1  }
0x8c: {  	s17 =	sshll.u32 s0, $0xA;
	s2 =	sadd.s32 s3, s2  }
0x8d: {  	s2 =	sadd.s32 s2, s17  }
0x8e: {  	[smem:$0x3FBE] =	sst s2  }
0x8f: {  	_ = 	snop  }
0x90: {  	s2 =	sld [smem:$0x3FD0];
	(tm) =	ssettm $0x1  }
0x91: {  	s18 =	sld [smem:$0x3FFB];
	_ =	sdelay $0x3  }
0x92: {  	_ =	strace s18  }
0x93: {  	s3 =	sld [smem:$0x3FFC];
	_ =	sdelay $0x3  }
0x94: {  	_ =	strace s3  }
0x95: {  	s3 =	sld [smem:$0x3FFD];
	_ =	sdelay $0x3  }
0x96: {  	_ =	strace s3  }
0x97: {  	_ =	strace $0x8FFFFFFF  }
0x98: {  	s19 =	sld [smem:$0x3FDB];
	_ =	sdelay $0x1  }
0x99: {  	s4 =	simm.s32 $_scs_section_size  }
0x9a: {  	s5 =	simm.s32 $_size__tile_overlayer_lowered;
	s6 =	simm.s32 $_tile_overlayer_lowered  }
0x9b: {  	s22 =	simm.s32 $0x1BFF;
	s21 =	sshll.u32 s6, $0x1;
	s3 =	sadd.s32 s4, s19  }
0x9c: {  	s7 =	simm.s32 $0x0;
	s20 =	sshll.u32 s5, $0x1;
	s5 =	sadd.s32 s21, s3  }
0x9d: {  	[timem:s7], [sflag:s22] =	dma.local [hbm:s5], s20  }
0x9e: {  	_ =	swait.ge [sflag:s22], s20  }
0x9f: {  	s4 =	ssub.s32 $0x0, s20;
	[sflag:s22] =	ssyncset.done $0x0  }
0xa0: {  	[sflag:s22] =	ssyncadd.s32 s4;
	_ =	sdelay $0x1  }
0xa1: {  	s23 =	simm.s32 $0x1B8B  }
0xa2: {  	_ =	swait.ge [sflag:s23], $0x1  }
0xa3: {  	[sflag:s23] =	ssyncset.done $0x0  }
0xa4: {  	s25 =	simm.s32 $0x1B8E;
	s24 =	sld [smem:$0x3FFE];
	[sflag:s23] =	ssyncadd.s32 $0xFFFFFFFF  }
0xa5: {  	s26 =	simm.s32 $execute0_lowered;
	[smem:$0x3FD2] =	sst s25  }
0xa6: {  	s5 =	sshll.u32 s26, $0x1;
	_ =	strace $0x8000004F;
	[dreg:$0x1] =	wrdreg $0xFFFFFFFF  }
0xa7: {  	s28 =	simm.s32 $_size_execute0_lowered;
	s3 =	sadd.s32 s3, s5;
	[dreg:$0x0] =	wrdreg $0x0  }
0xa8: {  	s5 =	sshll.u32 s28, $0x1;
	[dreg:$0x2] =	wrdreg s3  }
0xa9: {  	[dreg:$0x3] =	wrdreg s5  }
0xaa: {  	[dreg:$0x4] =	wrdreg $0xC0  }
0xab: {  	_ =	task [dreg:s7], $0x5FFFF  }
0xac: {  	[dreg:$0x1] =	wrdreg $0xFFFFFFFF  }
0xad: {  	[dreg:$0x0] =	wrdreg $0x60  }
0xae: {  	[dreg:$0x2] =	wrdreg s24  }
0xaf: {  	[dreg:$0x3] =	wrdreg s2  }
0xb0: {  	[dreg:$0x4] =	wrdreg $0x82000  }
0xb1: {  	[dreg:$0x5] =	wrdreg $0x9  }
0xb2: {  	_ =	task.clear_ibuf [dreg:s7], $0x6FFFF;
	_ =	strace $0x9000004F  }
0xb3: {  	s29 =	simm.s32 $0x9;
	_ =	strace $0x80000051  }
0xb4: {  	_ =	swait.ge [sflag:s29], $0x1  }
0xb5: {  	[sflag:s29] =	ssyncadd.s32 $0xFFFFFFFF  }
0xb6: {  	_ =	strace $0x90000051  }
0xb7: {  	_ =	sfence  }
0xb8: {  	s30 =	sld [smem:$0x0];
	_ =	sdelay $0x2  }
0xb9: {  	s31 =	sshll.u32 s1, $0xD;
	s1 =	sshrl.u32 s1, $0x2  }
0xba: {  	s3 =	sand.u32 $0x4000, s31;
	s1 =	sadd.s32 s1, s30  }
0xbb: {  	s0 =	sor.u32 s3, s0;
	s1 =	sshll.u32 s1, $0x11  }
0xbc: {  	s0 =	sor.u32 s1, s0  }
0xbd: {  	s0 =	sadd.s32 $0x8F2B, s0  }
0xbe: {  	[sflag:s0] =	ssyncadd.remote.s32 $0x1  }
0xbf: {  	_ =	sfence.sel $0xFFFF  }
0xc0: {  	[dreg:$0x0] =	wrdreg $0xFFFFFFFF;
	(pc) =	sbr.abs _section_cstart, $3  }
0xc1: {  	[dreg:$0x1] =	wrdreg $0xFFFFFFFF  }
0xc2: {  	_ =	task.clear_ibuf [dreg:s7], $0x2FFFF;
	_ =	strace $0x9FFFFFFF  }
0xc3: {  	(tm) =	ssettm $0x7FFFFFFF  }
tec
execute0_lowered:
.L_overlay_start_1:
0x0: {  	(tag) =	ssettag $0x1  }
0x1: {  	s0 =	rddreg [dreg:$0x0]  }
0x2: {  	s2 =	rddreg [dreg:$0x1]  }
0x3: {  	s3 =	rddreg [dreg:$0x2];
	s4 =	simm.s32 $0x0  }
0x4: {  	s13 =	stileid.u32;
	s1 =	srdreg.scid;
	s18 =	simm.s32 $0x5  }
0x5: {  	s19 =	simm.s32 $0x80;
	s20 =	simm.s32 $0x200;
	s21 =	simm.s32 $0x180  }
0x6: {  	s28 =	simm.s32 $0x4;
	s29 =	simm.s32 $0x0;
	[smem:$0x7FF] =	sst s4  }
0x7: {  	s7 =	smul.u32 $0x14000, s13;
	s1 =	sand.u32 $0x1, s1;
	s5 =	sadd.s32 $0x35800, s0  }
0x8: {  	s6 =	sadd.s32 $0x85800, s0;
	s10 =	smul.u32 $0x50000, s13;
	s25 =	sshll.u32 s13, $0x6  }
0x9: {  	s26 =	sshll.u32 s13, $0xE;
	_ =	strace $0x80000050;
	s8 =	smul.u32 $0x140000, s1  }
0xa: {  	s22 =	ssub.s32 $0x2, s1;
	p0 =	seq.s32 s1, $0x0;
	s1 =	sshll.u32 s1, $0x12  }
0xb: {  	s9 =	sshrl.u32 s7, $0x3;
	s11 =	sshrl.u32 s22, $0x1;
	s23 =	sshrl.u32 s10, $0x2  }
0xc: {  	s10 =	sor.u32 s26, s1;
	s26 =	simm.s32 $0x100;
	s7 =	sadd.s32 s7, s8  }
0xd: {  	s9 =	sadd.s32 s9, s0;
	s12 =	ssub.s32 s22, s11;
	s17 =	sadd.s32 s23, s3  }
0xe: {  	s8 =	sor.u32 $0x1C05, s25;
	s30 =	sshrl.u32 s10, $0x3;
	s22 =	simm.s32 $0x4200  }
0xf: {  	s23 =	simm.s32 $0x1;
	s25 =	simm.s32 $0x3;
	s7 =	sshrl.u32 s7, $0x3  }
0x10: {  	s24 =	sadd.s32 $0xD800, s9;
	s9 =	simm.s32 $0x3E00;
	s12 =	smax.u32 s12, $0x1  }
0x11: {  	s13 =	sadd.s32 s2, s30;
	s31 =	sor.u32 $0x10, s30;
	s14 =	sadd.s32 s6, s30  }
0x12: {  	s17 =	sshrl.u32 s17, $0x3;
	s0 =	sadd.s32 s7, s0;
	[dreg:$0x4] =	wrdreg s24  }
0x13: {  	s9 =	simm.s32 @!p0 $0x1200;
	s15 =	sadd.s32 s2, s31;
	s0 =	sadd.s32 $0x95800, s0  }
0x14: {  	s16 =	sadd.s32 s6, s31;
	s24 =	simm.s32 $0x2;
	[dreg:$0x5] =	wrdreg s0  }
.LBB2_1:
0x15: {  	s0 =	rddreg [dreg:$0x4]  }
0x16: {  	[spmem:s17], [sflag:s8] =	dma.local [hbm:s0], $0x2800  }
0x17: {  	_ =	swait.ge [sflag:s18], $0x2800  }
0x18: {  	[sflag:s18] =	ssyncset.done $0x0  }
0x19: {  	[sflag:s18] =	ssyncadd.s32 $0xFFFFD800  }
0x1a: {  	[bflag:$0x0] =	sbarrier.arrive $0xFFFF  }
0x1b: {  	[tilespmem:s4], [sflag:$0x5] =	stream.linear.gather [hbm4b:s13+s4], $0x80, $0x38;
	[tilespmem:$0x1C200] =	vst v63  }
0x1c: {  	_ =	swait.ge [sflag:s18], $0x80  }
0x1d: {  	[sflag:s18] =	ssyncset.done $0x0  }
0x1e: {  	[sflag:s18] =	ssyncadd.s32 $0xFFFFFF80  }
0x1f: {  	[tilespmem:s26], [sflag:$0x5] =	stream.linear.gather [hbm4b:s14+s4], $0x80, $0x38;
	[tilespmem:$0x1C200] =	vst v63  }
0x20: {  	_ =	swait.ge [sflag:s18], $0x80  }
0x21: {  	[sflag:s18] =	ssyncset.done $0x0  }
0x22: {  	[sflag:s18] =	ssyncadd.s32 $0xFFFFFF80  }
0x23: {  	[tilespmem:s20], [sflag:$0x1] =	stream.indirect.gather [hbm4b:s5+s19], $0x80, s4, s19, $0xb8;
	[tilespmem:$0x1C200] =	vst v63  }
0x24: {  	_ = 	snop  }
0x25: {  	[tilespmem:s19], [sflag:$0x5] =	stream.linear.gather [hbm4b:s15+s4], $0x80, $0x38;
	[tilespmem:$0x1C200] =	vst v63  }
0x26: {  	_ =	swait.ge [sflag:s18], $0x80  }
0x27: {  	[sflag:s18] =	ssyncset.done $0x0  }
0x28: {  	[sflag:s18] =	ssyncadd.s32 $0xFFFFFF80  }
0x29: {  	[tilespmem:s21], [sflag:$0x5] =	stream.linear.gather [hbm4b:s16+s4], $0x80, $0x38;
	[tilespmem:$0x1C200] =	vst v63  }
0x2a: {  	_ =	swait.ge [sflag:s18], $0x80  }
0x2b: {  	[sflag:s18] =	ssyncset.done $0x0  }
0x2c: {  	[sflag:s18] =	ssyncadd.s32 $0xFFFFFF80  }
0x2d: {  	[tilespmem:s22], [sflag:$0x2] =	stream.indirect.gather [hbm4b:s5+s19], $0x80, s19, s19, $0xb8;
	[tilespmem:$0x1C200] =	vst v63  }
0x2e: {  	_ =	swait.ge [sflag:s23], $0x4000  }
0x2f: {  	[sflag:s23] =	ssyncset.done $0x0  }
0x30: {  	p1 =	sne.s32 s9, $0x200;
	[sflag:s23] =	ssyncadd.s32 $0xFFFFC000  }
0x31: {  	[spmem:s3] =	stream.indirect.scatter.add.f32 [tilespmem:s20], [sflag:$0x3], $0x80, s26, s19, $0xb8;
	[tilespmem:$0x1C200] =	vst v63  }
.Ltmp0:
0x32: {  	_ = 	snop;
	(pc) =	sbr.rel @!p1 .LBB2_4-.Ltmp0, $4  }
0x33: {  	_ =	swait.ge [sflag:s24], $0x4000  }
0x34: {  	s30 =	sand.u32 $0xFFFFFC00, s26;
	s1 =	sand.u32 $0x300, s26;
	[sflag:s24] =	ssyncset.done $0x0  }
0x35: {  	p0 =	por $0x0, $0x0;
	s0 =	simm.s32 $0x200;
	[sflag:s24] =	ssyncadd.s32 $0xFFFFC000  }
0x36: {  	[spmem:s3] =	stream.indirect.scatter.add.f32 [tilespmem:s22], [sflag:$0x4], $0x80, s21, s19, $0xb8;
	[tilespmem:$0x1C200] =	vst v63  }
0x37: {  	s30 =	sadd.s32 s30, s10  }
0x38: {  	_ =	swait.ge [sflag:s25], $0x4000;
	s1 =	sor.u32 s1, s30  }
0x39: {  	[sflag:s25] =	ssyncset.done $0x0;
	s1 =	sshrl.u32 s1, $0x3  }
0x3a: {  	[sflag:s25] =	ssyncadd.s32 $0xFFFFC000;
	s30 =	sadd.s32 s2, s1  }
0x3b: {  	[tilespmem:s4], [sflag:$0x5] =	stream.linear.gather [hbm4b:s30+s4], $0x80, $0x38;
	[tilespmem:$0x1C200] =	vst v63  }
0x3c: {  	_ =	swait.ge [sflag:s18], $0x80  }
0x3d: {  	[sflag:s18] =	ssyncset.done $0x0  }
0x3e: {  	s30 =	sadd.s32 s6, s1;
	[sflag:s18] =	ssyncadd.s32 $0xFFFFFF80  }
0x3f: {  	[tilespmem:s26], [sflag:$0x5] =	stream.linear.gather [hbm4b:s30+s4], $0x80, $0x38;
	[tilespmem:$0x1C200] =	vst v63  }
0x40: {  	_ =	swait.ge [sflag:s18], $0x80  }
0x41: {  	[sflag:s18] =	ssyncset.done $0x0  }
0x42: {  	[sflag:s18] =	ssyncadd.s32 $0xFFFFFF80  }
0x43: {  	[tilespmem:s20], [sflag:$0x1] =	stream.indirect.gather [hbm4b:s5+s19], $0x80, s4, s19, $0xb8;
	[tilespmem:$0x1C200] =	vst v63  }
0x44: {  	_ =	swait.ge [sflag:s28], $0x4000  }
0x45: {  	s1 =	sor.u32 $0x10, s1;
	[sflag:s28] =	ssyncset.done $0x0  }
0x46: {  	s30 =	sadd.s32 s2, s1;
	[sflag:s28] =	ssyncadd.s32 $0xFFFFC000  }
0x47: {  	[tilespmem:s19], [sflag:$0x5] =	stream.linear.gather [hbm4b:s30+s4], $0x80, $0x38;
	[tilespmem:$0x1C200] =	vst v63  }
0x48: {  	_ =	swait.ge [sflag:s18], $0x80  }
0x49: {  	[sflag:s18] =	ssyncset.done $0x0  }
0x4a: {  	s1 =	sadd.s32 s6, s1;
	[sflag:s18] =	ssyncadd.s32 $0xFFFFFF80  }
0x4b: {  	[tilespmem:s21], [sflag:$0x5] =	stream.linear.gather [hbm4b:s1+s4], $0x80, $0x38;
	[tilespmem:$0x1C200] =	vst v63  }
0x4c: {  	_ =	swait.ge [sflag:s18], $0x80  }
0x4d: {  	[sflag:s18] =	ssyncset.done $0x0  }
0x4e: {  	[sflag:s18] =	ssyncadd.s32 $0xFFFFFF80  }
0x4f: {  	[tilespmem:s22], [sflag:$0x2] =	stream.indirect.gather [hbm4b:s5+s19], $0x80, s19, s19, $0xb8;
	[tilespmem:$0x1C200] =	vst v63  }
0x50: {  	_ =	swait.ge [sflag:s23], $0x4000  }
0x51: {  	p1 =	sne.s32 s9, $0x300;
	[sflag:s23] =	ssyncset.done $0x0  }
.Ltmp1:
0x52: {  	[sflag:s23] =	ssyncadd.s32 $0xFFFFC000;
	(pc) =	sbr.rel @!p1 .LBB2_4-.Ltmp1, $4  }
0x53: {  	[spmem:s3] =	stream.indirect.scatter.add.f32 [tilespmem:s20], [sflag:$0x3], $0x80, s26, s19, $0xb8;
	[tilespmem:$0x1C200] =	vst v63  }
0x54: {  	_ =	swait.ge [sflag:s24], $0x4000  }
0x55: {  	s31 =	simm.s32 $0x300;
	p0 =	por $0x1, $0x1;
	[sflag:s24] =	ssyncset.done $0x0  }
0x56: {  	s30 =	sand.u32 $0xFFFFFC00, s0;
	s1 =	sand.u32 $0x300, s0;
	[sflag:s24] =	ssyncadd.s32 $0xFFFFC000  }
.LBB2_3:
0x57: {  	[spmem:s3] =	stream.indirect.scatter.add.f32 [tilespmem:s22], [sflag:$0x4], $0x80, s21, s19, $0xb8;
	[tilespmem:$0x1C200] =	vst v63  }
0x58: {  	s0 =	sadd.s32 s30, s10;
	s30 =	sand.u32 $0xFFFFFC00, s31;
	_ =	swait.ge [sflag:s25], $0x4000  }
0x59: {  	s1 =	sor.u32 s1, s0;
	s0 =	smov.u32 s31;
	s31 =	sadd.s32 $0x100, s31  }
0x5a: {  	p1 =	sne.s32 s9, s31;
	s1 =	sshrl.u32 s1, $0x3;
	[sflag:s25] =	ssyncset.done $0x0  }
0x5b: {  	s7 =	sadd.s32 s2, s1;
	s11 =	sor.u32 $0x10, s1;
	[sflag:s25] =	ssyncadd.s32 $0xFFFFC000  }
0x5c: {  	[tilespmem:s4], [sflag:$0x5] =	stream.linear.gather [hbm4b:s7+s4], $0x80, $0x38;
	[tilespmem:$0x1C200] =	vst v63  }
0x5d: {  	_ =	swait.ge [sflag:s18], $0x80  }
0x5e: {  	[sflag:s18] =	ssyncset.done $0x0  }
0x5f: {  	s1 =	sadd.s32 s6, s1;
	[sflag:s18] =	ssyncadd.s32 $0xFFFFFF80  }
0x60: {  	[tilespmem:s26], [sflag:$0x5] =	stream.linear.gather [hbm4b:s1+s4], $0x80, $0x38;
	[tilespmem:$0x1C200] =	vst v63  }
0x61: {  	_ =	swait.ge [sflag:s18], $0x80  }
0x62: {  	[sflag:s18] =	ssyncset.done $0x0  }
0x63: {  	[sflag:s18] =	ssyncadd.s32 $0xFFFFFF80  }
0x64: {  	[tilespmem:s20], [sflag:$0x1] =	stream.indirect.gather [hbm4b:s5+s19], $0x80, s4, s19, $0xb8;
	[tilespmem:$0x1C200] =	vst v63  }
0x65: {  	_ =	swait.ge [sflag:s28], $0x4000  }
0x66: {  	[sflag:s28] =	ssyncset.done $0x0  }
0x67: {  	s1 =	sadd.s32 s2, s11;
	[sflag:s28] =	ssyncadd.s32 $0xFFFFC000  }
0x68: {  	[tilespmem:s19], [sflag:$0x5] =	stream.linear.gather [hbm4b:s1+s4], $0x80, $0x38;
	[tilespmem:$0x1C200] =	vst v63  }
0x69: {  	_ =	swait.ge [sflag:s18], $0x80  }
0x6a: {  	[sflag:s18] =	ssyncset.done $0x0  }
0x6b: {  	s1 =	sadd.s32 s6, s11;
	[sflag:s18] =	ssyncadd.s32 $0xFFFFFF80  }
0x6c: {  	[tilespmem:s21], [sflag:$0x5] =	stream.linear.gather [hbm4b:s1+s4], $0x80, $0x38;
	[tilespmem:$0x1C200] =	vst v63  }
0x6d: {  	_ =	swait.ge [sflag:s18], $0x80  }
0x6e: {  	[sflag:s18] =	ssyncset.done $0x0  }
0x6f: {  	[sflag:s18] =	ssyncadd.s32 $0xFFFFFF80  }
0x70: {  	[tilespmem:s22], [sflag:$0x2] =	stream.indirect.gather [hbm4b:s5+s19], $0x80, s19, s19, $0xb8;
	[tilespmem:$0x1C200] =	vst v63  }
0x71: {  	_ =	swait.ge [sflag:s23], $0x4000  }
0x72: {  	[sflag:s23] =	ssyncset.done $0x0  }
.Ltmp2:
0x73: {  	[sflag:s23] =	ssyncadd.s32 $0xFFFFC000;
	(pc) =	sbr.rel @p1 .LBB2_3-.Ltmp2, $4  }
0x74: {  	[spmem:s3] =	stream.indirect.scatter.add.f32 [tilespmem:s20], [sflag:$0x3], $0x80, s26, s19, $0xb8;
	[tilespmem:$0x1C200] =	vst v63  }
0x75: {  	_ =	swait.ge [sflag:s24], $0x4000  }
0x76: {  	[sflag:s24] =	ssyncset.done $0x0  }
0x77: {  	s1 =	sand.u32 $0x300, s0;
	[sflag:s24] =	ssyncadd.s32 $0xFFFFC000  }
.LBB2_4:
0x78: {  	[spmem:s3] =	stream.indirect.scatter.add.f32 @p0 [tilespmem:s22], [sflag:$0x4], $0x80, s21, s19, $0xb8;
	[tilespmem:$0x1C200] =	vst v63  }
0x79: {  	s0 =	sadd.s32 s30, s10  }
0x7a: {  	_ =	swait.ge [sflag:s25], $0x4000;
	s0 =	sor.u32 s1, s0  }
0x7b: {  	[sflag:s25] =	ssyncset.done $0x0;
	s0 =	sshrl.u32 s0, $0x3  }
0x7c: {  	[sflag:s25] =	ssyncadd.s32 $0xFFFFC000;
	s7 =	sadd.s32 s2, s0  }
0x7d: {  	[tilespmem:s4], [sflag:$0x5] =	stream.linear.gather [hbm4b:s7+s4], $0x80, $0x38;
	[tilespmem:$0x1C200] =	vst v63  }
0x7e: {  	_ =	swait.ge [sflag:s18], $0x80  }
0x7f: {  	[sflag:s18] =	ssyncset.done $0x0  }
0x80: {  	s11 =	sadd.s32 s6, s0;
	[sflag:s18] =	ssyncadd.s32 $0xFFFFFF80  }
0x81: {  	[tilespmem:s26], [sflag:$0x5] =	stream.linear.gather [hbm4b:s11+s4], $0x80, $0x38;
	[tilespmem:$0x1C200] =	vst v63  }
0x82: {  	_ =	swait.ge [sflag:s18], $0x80  }
0x83: {  	[sflag:s18] =	ssyncset.done $0x0  }
0x84: {  	[sflag:s18] =	ssyncadd.s32 $0xFFFFFF80  }
0x85: {  	[tilespmem:s20], [sflag:$0x1] =	stream.indirect.gather [hbm4b:s5+s19], $0x80, s4, s19, $0xb8;
	[tilespmem:$0x1C200] =	vst v63  }
0x86: {  	_ =	swait.ge [sflag:s28], $0x4000  }
0x87: {  	s0 =	sor.u32 $0x10, s0;
	[sflag:s28] =	ssyncset.done $0x0  }
0x88: {  	s30 =	sadd.s32 s2, s0;
	[sflag:s28] =	ssyncadd.s32 $0xFFFFC000  }
0x89: {  	[tilespmem:s19], [sflag:$0x5] =	stream.linear.gather [hbm4b:s30+s4], $0x80, $0x38;
	[tilespmem:$0x1C200] =	vst v63  }
0x8a: {  	_ =	swait.ge [sflag:s18], $0x80  }
0x8b: {  	[sflag:s18] =	ssyncset.done $0x0  }
0x8c: {  	s0 =	sadd.s32 s6, s0;
	[sflag:s18] =	ssyncadd.s32 $0xFFFFFF80  }
0x8d: {  	[tilespmem:s21], [sflag:$0x5] =	stream.linear.gather [hbm4b:s0+s4], $0x80, $0x38;
	[tilespmem:$0x1C200] =	vst v63  }
0x8e: {  	_ =	swait.ge [sflag:s18], $0x80  }
0x8f: {  	[sflag:s18] =	ssyncset.done $0x0  }
0x90: {  	[sflag:s18] =	ssyncadd.s32 $0xFFFFFF80  }
0x91: {  	[tilespmem:s22], [sflag:$0x2] =	stream.indirect.gather [hbm4b:s5+s19], $0x80, s19, s19, $0xb8;
	[tilespmem:$0x1C200] =	vst v63  }
0x92: {  	_ =	swait.ge [sflag:s23], $0x4000  }
0x93: {  	[sflag:s23] =	ssyncset.done $0x0  }
0x94: {  	[sflag:s23] =	ssyncadd.s32 $0xFFFFC000  }
0x95: {  	[spmem:s3] =	stream.indirect.scatter.add.f32 [tilespmem:s20], [sflag:$0x3], $0x80, s26, s19, $0xb8;
	[tilespmem:$0x1C200] =	vst v63  }
0x96: {  	_ =	swait.ge [sflag:s24], $0x4000  }
0x97: {  	[sflag:s24] =	ssyncset.done $0x0  }
0x98: {  	[sflag:s24] =	ssyncadd.s32 $0xFFFFC000  }
0x99: {  	[spmem:s3] =	stream.indirect.scatter.add.f32 [tilespmem:s22], [sflag:$0x4], $0x80, s21, s19, $0xb8;
	[tilespmem:$0x1C200] =	vst v63  }
0x9a: {  	_ =	swait.ge [sflag:s25], $0x4000  }
0x9b: {  	[sflag:s25] =	ssyncset.done $0x0  }
0x9c: {  	[sflag:s25] =	ssyncadd.s32 $0xFFFFC000  }
0x9d: {  	_ =	swait.ge [sflag:s28], $0x4000  }
0x9e: {  	[sflag:s28] =	ssyncset.done $0x0  }
0x9f: {  	s29 =	sadd.s32 $0x1, s29;
	[sflag:s28] =	ssyncadd.s32 $0xFFFFC000  }
0xa0: {  	p0 =	sne.s32 s29, s12;
	[bflag:$0x0] =	sbarrier.arrive $0xFFFF  }
.Ltmp3:
0xa1: {  	s31 =	rddreg [dreg:$0x5];
	(pc) =	sbr.rel @p0 .LBB2_1-.Ltmp3, $4  }
0xa2: {  	[hbm:s31], [sflag:s8] =	dma.local [spmem:s17], $0x2800  }
0xa3: {  	_ =	swait.ge [sflag:s18], $0x2800  }
0xa4: {  	[sflag:s18] =	ssyncset.done $0x0  }
0xa5: {  	[sflag:s18] =	ssyncadd.s32 $0xFFFFD800  }
0xa6: {  	_ =	sfence.sel $0x180000  }
0xa7: {  	[bflag:$0x0] =	sbarrier.arrive $0xFFFF  }
0xa8: {  	_ =	strace $0x90000050  }
0xa9: {  	s0 =	stileid.u32;
	[bflag:$0x2] =	sbarrier.arrive $0xFFFF  }
0xaa: {  	p0 =	sne.s32 s0, $0x0;
	s0 =	rddreg [dreg:$0x3]  }
0xab: {  	s0 =	sadd.s32 @!p0 $0x100000, s0  }
0xac: {  	[sflag:s0] =	ssyncadd.tile.s32 @!p0 $0x1;
	_ =	shalt  }
.Lfunc_end2:
_tile_overlayer_lowered:
.L_overlay_start_2:
0xad: {  	(tag) =	ssettag $0x2  }
0xae: {  	s0 =	rddreg [dreg:$0x0];
	s2 =	stileid.u32  }
0xaf: {  	s1 =	rddreg [dreg:$0x1];
	p0 =	sne.s32 s2, $0x0  }
0xb0: {  	s3 =	rddreg [dreg:$0x2];
	[bflag:$0x3] =	sbarrier.arrive $0xFFFF;
	s2 =	simm.s32 @!p0 $0x1C05  }
0xb1: {  	[timem:s3], [sflag:s2] =	dma.local @!p0 [hbm:s0], s1  }
0xb2: {  	s0 =	simm.s32 @!p0 $0x5  }
0xb3: {  	_ =	swait.ge @!p0 [sflag:s0], s1  }
0xb4: {  	s1 =	ssub.s32 @!p0 $0x0, s1;
	[sflag:s0] =	ssyncset.done @!p0 $0x0  }
0xb5: {  	[sflag:s0] =	ssyncadd.s32 @!p0 s1  }
0xb6: {  	[bflag:$0x3] =	sbarrier.arrive $0xFFFF  }
0xb7: {  	_ =	shalt  }

// kernel: kernel.24.cloned.1.call-start
scs
__scs_entry_jumppad:
0x0: {  	(pc) =	sbr.rel $0x88, $3  }
0x1: {  	(tag) =	ssettag $0x0;
	lr =	simm.s32 $0x1  }
0x2: {  	[smem:$0x3F97] =	sst lr;
	_ =	strace $0xD0000000  }
0x3: {  	_ = 	snop  }
0x4: {  	_ = 	snop  }
0x5: {  	_ = 	snop  }
0x6: {  	_ = 	snop  }
0x7: {  	_ = 	snop  }
__scs_overlays_trampoline_lowered:
0x8: {  	[smem:$0x3FA6] =	sst s0  }
0x9: {  	[smem:$0x3FA7] =	sst s1  }
0xa: {  	[smem:$0x3FA8] =	sst s2  }
0xb: {  	[smem:$0x3FA9] =	sst s3  }
0xc: {  	[smem:$0x3FAA] =	sst s4  }
0xd: {  	[smem:$0x3FAB] =	sst s5  }
0xe: {  	[smem:$0x3FAC] =	sst s6  }
0xf: {  	[smem:$0x3FAD] =	sst s7  }
0x10: {  	[smem:$0x3FAE] =	sst s8  }
0x11: {  	[smem:$0x3FAF] =	sst s9;
	s0 =	simm.s32 @!p0 $0x0  }
0x12: {  	s1 =	sld [smem:$0x3F95];
	s0 =	simm.s32 @p0 $0x1  }
0x13: {  	[smem:$0x3FB0] =	sst s0;
	s0 =	simm.s32 @!p1 $0x0  }
0x14: {  	s2 =	sld [smem:$0x3F94];
	s0 =	simm.s32 @p1 $0x1  }
0x15: {  	[smem:$0x3FB1] =	sst s0;
	s0 =	simm.s32 @!p2 $0x0  }
0x16: {  	s3 =	sld [smem:$0x3FDB];
	s0 =	simm.s32 @p2 $0x1  }
0x17: {  	s4 =	simm.s32 $0x1BF5;
	[smem:$0x3FB3] =	sst s0  }
0x18: {  	s0 =	sld [smem:$0x3F96];
	_ =	swait.ge [sflag:s4], $0x0  }
0x19: {  	s7 =	sld [smem:$0x3F97]  }
0x1a: {  	s8 =	sadd.s32 $0xFFFFE003, lr  }
0x1b: {  	s9 =	sadd.s32 $0xFFFFFEF7, lr;
	s5 =	simm.s32 $0xFFFFFFFF;
	p2 =	slt.u32 s8, $0xFFFFF086  }
0x1c: {  	p1 =	slt.u32 s9, $0xF7A;
	s5 =	simm.s32 @!p2 $0x0  }
0x1d: {  	s5 =	simm.s32 @p1 $0x1;
	p0 =	seq.s32 s7, s2  }
0x1e: {  	s7 =	smul.u32 @!p0 $0xF7A, s2;
	p2 =	seq.s32 @!p0 s5, $0x0  }
0x1f: {  	s9 =	smul.u32 $0xF7A, s1;
	s8 =	simm.s32 @!p0 $0x1BF5;
	p2 =	por !p2, p0  }
0x20: {  	[sflag:s8] =	ssyncset.s32 @!p0 $0xFFFFF086;
	s6 =	sadd.s32 @!p0 s3, s7;
	s7 =	simm.s32 @!p0 $0x108  }
0x21: {  	s3 =	sadd.s32 s3, s9;
	s6 =	sadd.s32 @!p0 $0x88, s6;
	s7 =	simm.s32 @p2 $0x1082  }
0x22: {  	[simem:s7], [sflag:s8] =	dma.local @!p0 [hbm:s6], $0xF7A  }
0x23: {  	s9 =	sor.u32 $0xD0000000, s2;
	s6 =	simm.s32 $0x108;
	_ =	swait.ge @!p0 [sflag:s8], $0x0  }
0x24: {  	s3 =	sadd.s32 $0x88, s3;
	s6 =	simm.s32 @!p1 $0x1082;
	[sflag:s4] =	ssyncset.s32 $0xFFFFF086  }
0x25: {  	[simem:s6], [sflag:s4] =	dma.local [hbm:s3], $0xF7A  }
0x26: {  	[smem:$0x3F97] =	sst s1;
	(tag) =	ssettag s2;
	_ =	strace s9  }
0x27: {  	s1 =	sld [smem:$0x3FA7]  }
0x28: {  	s2 =	sld [smem:$0x3FA8]  }
0x29: {  	s4 =	sld [smem:$0x3FAA]  }
0x2a: {  	p0 =	seq.s32 s5, $0x0;
	s5 =	sld [smem:$0x3FAB]  }
0x2b: {  	s6 =	sld [smem:$0x3FAC]  }
0x2c: {  	s7 =	sld [smem:$0x3FAD]  }
0x2d: {  	s3 =	simm.s32 $0x108;
	s8 =	sld [smem:$0x3FAE]  }
0x2e: {  	s3 =	simm.s32 @!p0 $0x1082;
	s9 =	sld [smem:$0x3FAF]  }
0x2f: {  	lr =	sadd.s32 s0, s3;
	s0 =	sld [smem:$0x3FA6]  }
0x30: {  	s3 =	sld [smem:$0x3FA9]  }
0x31: {  	[smem:$0x3FB2] =	sst s10  }
0x32: {  	s10 =	sld [smem:$0x3FB0];
	_ =	sdelay $0x3  }
0x33: {  	p0 =	seq.s32 s10, $0x1;
	s10 =	sld [smem:$0x3FB2];
	_ =	sdelay $0x3  }
0x34: {  	[smem:$0x3FB2] =	sst s10  }
0x35: {  	s10 =	sld [smem:$0x3FB1];
	_ =	sdelay $0x3  }
0x36: {  	p1 =	seq.s32 s10, $0x1;
	s10 =	sld [smem:$0x3FB2];
	_ =	sdelay $0x3  }
0x37: {  	[smem:$0x3FB2] =	sst s10  }
0x38: {  	s10 =	sld [smem:$0x3FB3]  }
0x39: {  	_ = 	snop;
	(pc) =	sbr.ind lr, $3  }
0x3a: {  	_ = 	snop  }
0x3b: {  	_ = 	snop  }
0x3c: {  	p2 =	seq.s32 s10, $0x1;
	s10 =	sld [smem:$0x3FB2]  }
0x3d: {  	_ =	shalt  }
0x3e: {  	_ =	shalt  }
0x3f: {  	_ =	shalt  }
0x40: {  	_ =	shalt  }
0x41: {  	_ =	shalt  }
0x42: {  	_ =	shalt  }
0x43: {  	_ =	shalt  }
0x44: {  	_ =	shalt  }
0x45: {  	_ =	shalt  }
0x46: {  	_ =	shalt  }
0x47: {  	_ =	shalt  }
0x48: {  	_ =	shalt  }
0x49: {  	_ =	shalt  }
0x4a: {  	_ =	shalt  }
0x4b: {  	_ =	shalt  }
0x4c: {  	_ =	shalt  }
0x4d: {  	_ =	shalt  }
0x4e: {  	_ =	shalt  }
0x4f: {  	_ =	shalt  }
0x50: {  	_ =	shalt  }
0x51: {  	_ =	shalt  }
0x52: {  	_ =	shalt  }
0x53: {  	_ =	shalt  }
0x54: {  	_ =	shalt  }
0x55: {  	_ =	shalt  }
0x56: {  	_ =	shalt  }
0x57: {  	_ =	shalt  }
0x58: {  	_ =	shalt  }
0x59: {  	_ =	shalt  }
0x5a: {  	_ =	shalt  }
0x5b: {  	_ =	shalt  }
0x5c: {  	_ =	shalt  }
0x5d: {  	_ =	shalt  }
0x5e: {  	_ =	shalt  }
0x5f: {  	_ =	shalt  }
0x60: {  	_ =	shalt  }
0x61: {  	_ =	shalt  }
0x62: {  	_ =	shalt  }
0x63: {  	_ =	shalt  }
0x64: {  	_ =	shalt  }
0x65: {  	_ =	shalt  }
0x66: {  	_ =	shalt  }
0x67: {  	_ =	shalt  }
0x68: {  	_ =	shalt  }
0x69: {  	_ =	shalt  }
0x6a: {  	_ =	shalt  }
0x6b: {  	_ =	shalt  }
0x6c: {  	_ =	shalt  }
0x6d: {  	_ =	shalt  }
0x6e: {  	_ =	shalt  }
0x6f: {  	_ =	shalt  }
0x70: {  	_ =	shalt  }
0x71: {  	_ =	shalt  }
0x72: {  	_ =	shalt  }
0x73: {  	_ =	shalt  }
0x74: {  	_ =	shalt  }
0x75: {  	_ =	shalt  }
0x76: {  	_ =	shalt  }
0x77: {  	_ =	shalt  }
0x78: {  	_ =	shalt  }
0x79: {  	_ =	shalt  }
0x7a: {  	_ =	shalt  }
0x7b: {  	_ =	shalt  }
0x7c: {  	_ =	shalt  }
0x7d: {  	_ =	shalt  }
0x7e: {  	_ =	shalt  }
0x7f: {  	_ =	shalt  }
0x80: {  	_ =	shalt  }
0x81: {  	_ =	shalt  }
0x82: {  	_ =	shalt  }
0x83: {  	_ =	shalt  }
0x84: {  	_ =	shalt  }
0x85: {  	_ =	shalt  }
0x86: {  	_ =	shalt  }
0x87: {  	_ =	shalt  }
.Lfunc_end0:
.L_simem_size_0:
called_computation.4_lowered:
.L_overlay_start_0:
0x88: {  	s2 =	sld [smem:$0x3FD9]  }
0x89: {  	s3 =	sld [smem:$0x3FFE];
	_ =	sdelay $0x1  }
0x8a: {  	s1 =	srdreg.scid  }
0x8b: {  	s0 =	sand.u32 $0x1, s1  }
0x8c: {  	s17 =	sshll.u32 s0, $0xA;
	s2 =	sadd.s32 s3, s2  }
0x8d: {  	s2 =	sadd.s32 s2, s17  }
0x8e: {  	[smem:$0x3FBE] =	sst s2  }
0x8f: {  	_ = 	snop  }
0x90: {  	s2 =	sld [smem:$0x3FD0];
	(tm) =	ssettm $0x1  }
0x91: {  	s18 =	sld [smem:$0x3FFB];
	_ =	sdelay $0x3  }
0x92: {  	_ =	strace s18  }
0x93: {  	s3 =	sld [smem:$0x3FFC];
	_ =	sdelay $0x3  }
0x94: {  	_ =	strace s3  }
0x95: {  	s3 =	sld [smem:$0x3FFD];
	_ =	sdelay $0x3  }
0x96: {  	_ =	strace s3  }
0x97: {  	_ =	strace $0x8FFFFFFF  }
0x98: {  	s19 =	sld [smem:$0x3FDB];
	_ =	sdelay $0x1  }
0x99: {  	s4 =	simm.s32 $_scs_section_size  }
0x9a: {  	s5 =	simm.s32 $_size__tile_overlayer_lowered;
	s6 =	simm.s32 $_tile_overlayer_lowered  }
0x9b: {  	s22 =	simm.s32 $0x1BFF;
	s21 =	sshll.u32 s6, $0x1;
	s3 =	sadd.s32 s4, s19  }
0x9c: {  	s7 =	simm.s32 $0x0;
	s20 =	sshll.u32 s5, $0x1;
	s5 =	sadd.s32 s21, s3  }
0x9d: {  	[timem:s7], [sflag:s22] =	dma.local [hbm:s5], s20  }
0x9e: {  	_ =	swait.ge [sflag:s22], s20  }
0x9f: {  	s4 =	ssub.s32 $0x0, s20;
	[sflag:s22] =	ssyncset.done $0x0  }
0xa0: {  	[sflag:s22] =	ssyncadd.s32 s4;
	_ =	sdelay $0x1  }
0xa1: {  	s23 =	simm.s32 $0x1B8B  }
0xa2: {  	_ =	swait.ge [sflag:s23], $0x1  }
0xa3: {  	[sflag:s23] =	ssyncset.done $0x0  }
0xa4: {  	s25 =	simm.s32 $0x1B8E;
	s24 =	sld [smem:$0x3FFE];
	[sflag:s23] =	ssyncadd.s32 $0xFFFFFFFF  }
0xa5: {  	s26 =	simm.s32 $execute0_lowered;
	[smem:$0x3FD2] =	sst s25  }
0xa6: {  	s5 =	sshll.u32 s26, $0x1;
	_ =	strace $0x80000052;
	[dreg:$0x1] =	wrdreg $0xFFFFFFFF  }
0xa7: {  	s28 =	simm.s32 $_size_execute0_lowered;
	s3 =	sadd.s32 s3, s5;
	[dreg:$0x0] =	wrdreg $0x0  }
0xa8: {  	s5 =	sshll.u32 s28, $0x1;
	[dreg:$0x2] =	wrdreg s3  }
0xa9: {  	[dreg:$0x3] =	wrdreg s5  }
0xaa: {  	[dreg:$0x4] =	wrdreg $0xC0  }
0xab: {  	_ =	task [dreg:s7], $0x5FFFF  }
0xac: {  	[dreg:$0x1] =	wrdreg $0xFFFFFFFF  }
0xad: {  	[dreg:$0x0] =	wrdreg $0x60  }
0xae: {  	[dreg:$0x2] =	wrdreg s24  }
0xaf: {  	[dreg:$0x3] =	wrdreg s2  }
0xb0: {  	[dreg:$0x4] =	wrdreg $0x82000  }
0xb1: {  	[dreg:$0x5] =	wrdreg $0x9  }
0xb2: {  	_ =	task.clear_ibuf [dreg:s7], $0x6FFFF;
	_ =	strace $0x90000052  }
0xb3: {  	s29 =	simm.s32 $0x9;
	_ =	strace $0x80000054  }
0xb4: {  	_ =	swait.ge [sflag:s29], $0x1  }
0xb5: {  	[sflag:s29] =	ssyncadd.s32 $0xFFFFFFFF  }
0xb6: {  	_ =	strace $0x90000054  }
0xb7: {  	_ =	sfence  }
0xb8: {  	s30 =	sld [smem:$0x0];
	_ =	sdelay $0x2  }
0xb9: {  	s31 =	sshll.u32 s1, $0xD;
	s1 =	sshrl.u32 s1, $0x2  }
0xba: {  	s3 =	sand.u32 $0x4000, s31;
	s1 =	sadd.s32 s1, s30  }
0xbb: {  	s0 =	sor.u32 s3, s0;
	s1 =	sshll.u32 s1, $0x11  }
0xbc: {  	s0 =	sor.u32 s1, s0  }
0xbd: {  	s0 =	sadd.s32 $0x8F2B, s0  }
0xbe: {  	[sflag:s0] =	ssyncadd.remote.s32 $0x1  }
0xbf: {  	_ =	sfence.sel $0xFFFF  }
0xc0: {  	[dreg:$0x0] =	wrdreg $0xFFFFFFFF;
	(pc) =	sbr.abs _section_cstart, $3  }
0xc1: {  	[dreg:$0x1] =	wrdreg $0xFFFFFFFF  }
0xc2: {  	_ =	task.clear_ibuf [dreg:s7], $0x2FFFF;
	_ =	strace $0x9FFFFFFF  }
0xc3: {  	(tm) =	ssettm $0x7FFFFFFF  }
tec
execute0_lowered:
.L_overlay_start_1:
0x0: {  	(tag) =	ssettag $0x1  }
0x1: {  	s0 =	rddreg [dreg:$0x0]  }
0x2: {  	s2 =	rddreg [dreg:$0x1]  }
0x3: {  	s3 =	rddreg [dreg:$0x2];
	s4 =	simm.s32 $0x0  }
0x4: {  	s13 =	stileid.u32;
	s1 =	srdreg.scid;
	s18 =	simm.s32 $0x5  }
0x5: {  	s19 =	simm.s32 $0x80;
	s20 =	simm.s32 $0x200;
	s21 =	simm.s32 $0x180  }
0x6: {  	s28 =	simm.s32 $0x4;
	s29 =	simm.s32 $0x0;
	[smem:$0x7FF] =	sst s4  }
0x7: {  	s7 =	smul.u32 $0x14000, s13;
	s1 =	sand.u32 $0x1, s1;
	s5 =	sadd.s32 $0x35800, s0  }
0x8: {  	s6 =	sadd.s32 $0x85800, s0;
	s10 =	smul.u32 $0x50000, s13;
	s25 =	sshll.u32 s13, $0x6  }
0x9: {  	s26 =	sshll.u32 s13, $0xE;
	_ =	strace $0x80000053;
	s8 =	smul.u32 $0x140000, s1  }
0xa: {  	s22 =	ssub.s32 $0x2, s1;
	p0 =	seq.s32 s1, $0x0;
	s1 =	sshll.u32 s1, $0x12  }
0xb: {  	s9 =	sshrl.u32 s7, $0x3;
	s11 =	sshrl.u32 s22, $0x1;
	s23 =	sshrl.u32 s10, $0x2  }
0xc: {  	s10 =	sor.u32 s26, s1;
	s26 =	simm.s32 $0x100;
	s7 =	sadd.s32 s7, s8  }
0xd: {  	s9 =	sadd.s32 s9, s0;
	s12 =	ssub.s32 s22, s11;
	s17 =	sadd.s32 s23, s3  }
0xe: {  	s8 =	sor.u32 $0x1C05, s25;
	s30 =	sshrl.u32 s10, $0x3;
	s22 =	simm.s32 $0x4200  }
0xf: {  	s23 =	simm.s32 $0x1;
	s25 =	simm.s32 $0x3;
	s7 =	sshrl.u32 s7, $0x3  }
0x10: {  	s24 =	sadd.s32 $0xD800, s9;
	s9 =	simm.s32 $0x3E00;
	s12 =	smax.u32 s12, $0x1  }
0x11: {  	s13 =	sadd.s32 s2, s30;
	s31 =	sor.u32 $0x10, s30;
	s14 =	sadd.s32 s6, s30  }
0x12: {  	s17 =	sshrl.u32 s17, $0x3;
	s0 =	sadd.s32 s7, s0;
	[dreg:$0x4] =	wrdreg s24  }
0x13: {  	s9 =	simm.s32 @!p0 $0x1200;
	s15 =	sadd.s32 s2, s31;
	s0 =	sadd.s32 $0x95800, s0  }
0x14: {  	s16 =	sadd.s32 s6, s31;
	s24 =	simm.s32 $0x2;
	[dreg:$0x5] =	wrdreg s0  }
.LBB2_1:
0x15: {  	s0 =	rddreg [dreg:$0x4]  }
0x16: {  	[spmem:s17], [sflag:s8] =	dma.local [hbm:s0], $0x2800  }
0x17: {  	_ =	swait.ge [sflag:s18], $0x2800  }
0x18: {  	[sflag:s18] =	ssyncset.done $0x0  }
0x19: {  	[sflag:s18] =	ssyncadd.s32 $0xFFFFD800  }
0x1a: {  	[bflag:$0x0] =	sbarrier.arrive $0xFFFF  }
0x1b: {  	[tilespmem:s4], [sflag:$0x5] =	stream.linear.gather [hbm4b:s13+s4], $0x80, $0x38;
	[tilespmem:$0x1C200] =	vst v63  }
0x1c: {  	_ =	swait.ge [sflag:s18], $0x80  }
0x1d: {  	[sflag:s18] =	ssyncset.done $0x0  }
0x1e: {  	[sflag:s18] =	ssyncadd.s32 $0xFFFFFF80  }
0x1f: {  	[tilespmem:s26], [sflag:$0x5] =	stream.linear.gather [hbm4b:s14+s4], $0x80, $0x38;
	[tilespmem:$0x1C200] =	vst v63  }
0x20: {  	_ =	swait.ge [sflag:s18], $0x80  }
0x21: {  	[sflag:s18] =	ssyncset.done $0x0  }
0x22: {  	[sflag:s18] =	ssyncadd.s32 $0xFFFFFF80  }
0x23: {  	[tilespmem:s20], [sflag:$0x1] =	stream.indirect.gather [hbm4b:s5+s19], $0x80, s4, s19, $0xb8;
	[tilespmem:$0x1C200] =	vst v63  }
0x24: {  	_ = 	snop  }
0x25: {  	[tilespmem:s19], [sflag:$0x5] =	stream.linear.gather [hbm4b:s15+s4], $0x80, $0x38;
	[tilespmem:$0x1C200] =	vst v63  }
0x26: {  	_ =	swait.ge [sflag:s18], $0x80  }
0x27: {  	[sflag:s18] =	ssyncset.done $0x0  }
0x28: {  	[sflag:s18] =	ssyncadd.s32 $0xFFFFFF80  }
0x29: {  	[tilespmem:s21], [sflag:$0x5] =	stream.linear.gather [hbm4b:s16+s4], $0x80, $0x38;
	[tilespmem:$0x1C200] =	vst v63  }
0x2a: {  	_ =	swait.ge [sflag:s18], $0x80  }
0x2b: {  	[sflag:s18] =	ssyncset.done $0x0  }
0x2c: {  	[sflag:s18] =	ssyncadd.s32 $0xFFFFFF80  }
0x2d: {  	[tilespmem:s22], [sflag:$0x2] =	stream.indirect.gather [hbm4b:s5+s19], $0x80, s19, s19, $0xb8;
	[tilespmem:$0x1C200] =	vst v63  }
0x2e: {  	_ =	swait.ge [sflag:s23], $0x4000  }
0x2f: {  	[sflag:s23] =	ssyncset.done $0x0  }
0x30: {  	p1 =	sne.s32 s9, $0x200;
	[sflag:s23] =	ssyncadd.s32 $0xFFFFC000  }
0x31: {  	[spmem:s3] =	stream.indirect.scatter.add.f32 [tilespmem:s20], [sflag:$0x3], $0x80, s26, s19, $0xb8;
	[tilespmem:$0x1C200] =	vst v63  }
.Ltmp0:
0x32: {  	_ = 	snop;
	(pc) =	sbr.rel @!p1 .LBB2_4-.Ltmp0, $4  }
0x33: {  	_ =	swait.ge [sflag:s24], $0x4000  }
0x34: {  	s30 =	sand.u32 $0xFFFFFC00, s26;
	s1 =	sand.u32 $0x300, s26;
	[sflag:s24] =	ssyncset.done $0x0  }
0x35: {  	p0 =	por $0x0, $0x0;
	s0 =	simm.s32 $0x200;
	[sflag:s24] =	ssyncadd.s32 $0xFFFFC000  }
0x36: {  	[spmem:s3] =	stream.indirect.scatter.add.f32 [tilespmem:s22], [sflag:$0x4], $0x80, s21, s19, $0xb8;
	[tilespmem:$0x1C200] =	vst v63  }
0x37: {  	s30 =	sadd.s32 s30, s10  }
0x38: {  	_ =	swait.ge [sflag:s25], $0x4000;
	s1 =	sor.u32 s1, s30  }
0x39: {  	[sflag:s25] =	ssyncset.done $0x0;
	s1 =	sshrl.u32 s1, $0x3  }
0x3a: {  	[sflag:s25] =	ssyncadd.s32 $0xFFFFC000;
	s30 =	sadd.s32 s2, s1  }
0x3b: {  	[tilespmem:s4], [sflag:$0x5] =	stream.linear.gather [hbm4b:s30+s4], $0x80, $0x38;
	[tilespmem:$0x1C200] =	vst v63  }
0x3c: {  	_ =	swait.ge [sflag:s18], $0x80  }
0x3d: {  	[sflag:s18] =	ssyncset.done $0x0  }
0x3e: {  	s30 =	sadd.s32 s6, s1;
	[sflag:s18] =	ssyncadd.s32 $0xFFFFFF80  }
0x3f: {  	[tilespmem:s26], [sflag:$0x5] =	stream.linear.gather [hbm4b:s30+s4], $0x80, $0x38;
	[tilespmem:$0x1C200] =	vst v63  }
0x40: {  	_ =	swait.ge [sflag:s18], $0x80  }
0x41: {  	[sflag:s18] =	ssyncset.done $0x0  }
0x42: {  	[sflag:s18] =	ssyncadd.s32 $0xFFFFFF80  }
0x43: {  	[tilespmem:s20], [sflag:$0x1] =	stream.indirect.gather [hbm4b:s5+s19], $0x80, s4, s19, $0xb8;
	[tilespmem:$0x1C200] =	vst v63  }
0x44: {  	_ =	swait.ge [sflag:s28], $0x4000  }
0x45: {  	s1 =	sor.u32 $0x10, s1;
	[sflag:s28] =	ssyncset.done $0x0  }
0x46: {  	s30 =	sadd.s32 s2, s1;
	[sflag:s28] =	ssyncadd.s32 $0xFFFFC000  }
0x47: {  	[tilespmem:s19], [sflag:$0x5] =	stream.linear.gather [hbm4b:s30+s4], $0x80, $0x38;
	[tilespmem:$0x1C200] =	vst v63  }
0x48: {  	_ =	swait.ge [sflag:s18], $0x80  }
0x49: {  	[sflag:s18] =	ssyncset.done $0x0  }
0x4a: {  	s1 =	sadd.s32 s6, s1;
	[sflag:s18] =	ssyncadd.s32 $0xFFFFFF80  }
0x4b: {  	[tilespmem:s21], [sflag:$0x5] =	stream.linear.gather [hbm4b:s1+s4], $0x80, $0x38;
	[tilespmem:$0x1C200] =	vst v63  }
0x4c: {  	_ =	swait.ge [sflag:s18], $0x80  }
0x4d: {  	[sflag:s18] =	ssyncset.done $0x0  }
0x4e: {  	[sflag:s18] =	ssyncadd.s32 $0xFFFFFF80  }
0x4f: {  	[tilespmem:s22], [sflag:$0x2] =	stream.indirect.gather [hbm4b:s5+s19], $0x80, s19, s19, $0xb8;
	[tilespmem:$0x1C200] =	vst v63  }
0x50: {  	_ =	swait.ge [sflag:s23], $0x4000  }
0x51: {  	p1 =	sne.s32 s9, $0x300;
	[sflag:s23] =	ssyncset.done $0x0  }
.Ltmp1:
0x52: {  	[sflag:s23] =	ssyncadd.s32 $0xFFFFC000;
	(pc) =	sbr.rel @!p1 .LBB2_4-.Ltmp1, $4  }
0x53: {  	[spmem:s3] =	stream.indirect.scatter.add.f32 [tilespmem:s20], [sflag:$0x3], $0x80, s26, s19, $0xb8;
	[tilespmem:$0x1C200] =	vst v63  }
0x54: {  	_ =	swait.ge [sflag:s24], $0x4000  }
0x55: {  	s31 =	simm.s32 $0x300;
	p0 =	por $0x1, $0x1;
	[sflag:s24] =	ssyncset.done $0x0  }
0x56: {  	s30 =	sand.u32 $0xFFFFFC00, s0;
	s1 =	sand.u32 $0x300, s0;
	[sflag:s24] =	ssyncadd.s32 $0xFFFFC000  }
.LBB2_3:
0x57: {  	[spmem:s3] =	stream.indirect.scatter.add.f32 [tilespmem:s22], [sflag:$0x4], $0x80, s21, s19, $0xb8;
	[tilespmem:$0x1C200] =	vst v63  }
0x58: {  	s0 =	sadd.s32 s30, s10;
	s30 =	sand.u32 $0xFFFFFC00, s31;
	_ =	swait.ge [sflag:s25], $0x4000  }
0x59: {  	s1 =	sor.u32 s1, s0;
	s0 =	smov.u32 s31;
	s31 =	sadd.s32 $0x100, s31  }
0x5a: {  	p1 =	sne.s32 s9, s31;
	s1 =	sshrl.u32 s1, $0x3;
	[sflag:s25] =	ssyncset.done $0x0  }
0x5b: {  	s7 =	sadd.s32 s2, s1;
	s11 =	sor.u32 $0x10, s1;
	[sflag:s25] =	ssyncadd.s32 $0xFFFFC000  }
0x5c: {  	[tilespmem:s4], [sflag:$0x5] =	stream.linear.gather [hbm4b:s7+s4], $0x80, $0x38;
	[tilespmem:$0x1C200] =	vst v63  }
0x5d: {  	_ =	swait.ge [sflag:s18], $0x80  }
0x5e: {  	[sflag:s18] =	ssyncset.done $0x0  }
0x5f: {  	s1 =	sadd.s32 s6, s1;
	[sflag:s18] =	ssyncadd.s32 $0xFFFFFF80  }
0x60: {  	[tilespmem:s26], [sflag:$0x5] =	stream.linear.gather [hbm4b:s1+s4], $0x80, $0x38;
	[tilespmem:$0x1C200] =	vst v63  }
0x61: {  	_ =	swait.ge [sflag:s18], $0x80  }
0x62: {  	[sflag:s18] =	ssyncset.done $0x0  }
0x63: {  	[sflag:s18] =	ssyncadd.s32 $0xFFFFFF80  }
0x64: {  	[tilespmem:s20], [sflag:$0x1] =	stream.indirect.gather [hbm4b:s5+s19], $0x80, s4, s19, $0xb8;
	[tilespmem:$0x1C200] =	vst v63  }
0x65: {  	_ =	swait.ge [sflag:s28], $0x4000  }
0x66: {  	[sflag:s28] =	ssyncset.done $0x0  }
0x67: {  	s1 =	sadd.s32 s2, s11;
	[sflag:s28] =	ssyncadd.s32 $0xFFFFC000  }
0x68: {  	[tilespmem:s19], [sflag:$0x5] =	stream.linear.gather [hbm4b:s1+s4], $0x80, $0x38;
	[tilespmem:$0x1C200] =	vst v63  }
0x69: {  	_ =	swait.ge [sflag:s18], $0x80  }
0x6a: {  	[sflag:s18] =	ssyncset.done $0x0  }
0x6b: {  	s1 =	sadd.s32 s6, s11;
	[sflag:s18] =	ssyncadd.s32 $0xFFFFFF80  }
0x6c: {  	[tilespmem:s21], [sflag:$0x5] =	stream.linear.gather [hbm4b:s1+s4], $0x80, $0x38;
	[tilespmem:$0x1C200] =	vst v63  }
0x6d: {  	_ =	swait.ge [sflag:s18], $0x80  }
0x6e: {  	[sflag:s18] =	ssyncset.done $0x0  }
0x6f: {  	[sflag:s18] =	ssyncadd.s32 $0xFFFFFF80  }
0x70: {  	[tilespmem:s22], [sflag:$0x2] =	stream.indirect.gather [hbm4b:s5+s19], $0x80, s19, s19, $0xb8;
	[tilespmem:$0x1C200] =	vst v63  }
0x71: {  	_ =	swait.ge [sflag:s23], $0x4000  }
0x72: {  	[sflag:s23] =	ssyncset.done $0x0  }
.Ltmp2:
0x73: {  	[sflag:s23] =	ssyncadd.s32 $0xFFFFC000;
	(pc) =	sbr.rel @p1 .LBB2_3-.Ltmp2, $4  }
0x74: {  	[spmem:s3] =	stream.indirect.scatter.add.f32 [tilespmem:s20], [sflag:$0x3], $0x80, s26, s19, $0xb8;
	[tilespmem:$0x1C200] =	vst v63  }
0x75: {  	_ =	swait.ge [sflag:s24], $0x4000  }
0x76: {  	[sflag:s24] =	ssyncset.done $0x0  }
0x77: {  	s1 =	sand.u32 $0x300, s0;
	[sflag:s24] =	ssyncadd.s32 $0xFFFFC000  }
.LBB2_4:
0x78: {  	[spmem:s3] =	stream.indirect.scatter.add.f32 @p0 [tilespmem:s22], [sflag:$0x4], $0x80, s21, s19, $0xb8;
	[tilespmem:$0x1C200] =	vst v63  }
0x79: {  	s0 =	sadd.s32 s30, s10  }
0x7a: {  	_ =	swait.ge [sflag:s25], $0x4000;
	s0 =	sor.u32 s1, s0  }
0x7b: {  	[sflag:s25] =	ssyncset.done $0x0;
	s0 =	sshrl.u32 s0, $0x3  }
0x7c: {  	[sflag:s25] =	ssyncadd.s32 $0xFFFFC000;
	s7 =	sadd.s32 s2, s0  }
0x7d: {  	[tilespmem:s4], [sflag:$0x5] =	stream.linear.gather [hbm4b:s7+s4], $0x80, $0x38;
	[tilespmem:$0x1C200] =	vst v63  }
0x7e: {  	_ =	swait.ge [sflag:s18], $0x80  }
0x7f: {  	[sflag:s18] =	ssyncset.done $0x0  }
0x80: {  	s11 =	sadd.s32 s6, s0;
	[sflag:s18] =	ssyncadd.s32 $0xFFFFFF80  }
0x81: {  	[tilespmem:s26], [sflag:$0x5] =	stream.linear.gather [hbm4b:s11+s4], $0x80, $0x38;
	[tilespmem:$0x1C200] =	vst v63  }
0x82: {  	_ =	swait.ge [sflag:s18], $0x80  }
0x83: {  	[sflag:s18] =	ssyncset.done $0x0  }
0x84: {  	[sflag:s18] =	ssyncadd.s32 $0xFFFFFF80  }
0x85: {  	[tilespmem:s20], [sflag:$0x1] =	stream.indirect.gather [hbm4b:s5+s19], $0x80, s4, s19, $0xb8;
	[tilespmem:$0x1C200] =	vst v63  }
0x86: {  	_ =	swait.ge [sflag:s28], $0x4000  }
0x87: {  	s0 =	sor.u32 $0x10, s0;
	[sflag:s28] =	ssyncset.done $0x0  }
0x88: {  	s30 =	sadd.s32 s2, s0;
	[sflag:s28] =	ssyncadd.s32 $0xFFFFC000  }
0x89: {  	[tilespmem:s19], [sflag:$0x5] =	stream.linear.gather [hbm4b:s30+s4], $0x80, $0x38;
	[tilespmem:$0x1C200] =	vst v63  }
0x8a: {  	_ =	swait.ge [sflag:s18], $0x80  }
0x8b: {  	[sflag:s18] =	ssyncset.done $0x0  }
0x8c: {  	s0 =	sadd.s32 s6, s0;
	[sflag:s18] =	ssyncadd.s32 $0xFFFFFF80  }
0x8d: {  	[tilespmem:s21], [sflag:$0x5] =	stream.linear.gather [hbm4b:s0+s4], $0x80, $0x38;
	[tilespmem:$0x1C200] =	vst v63  }
0x8e: {  	_ =	swait.ge [sflag:s18], $0x80  }
0x8f: {  	[sflag:s18] =	ssyncset.done $0x0  }
0x90: {  	[sflag:s18] =	ssyncadd.s32 $0xFFFFFF80  }
0x91: {  	[tilespmem:s22], [sflag:$0x2] =	stream.indirect.gather [hbm4b:s5+s19], $0x80, s19, s19, $0xb8;
	[tilespmem:$0x1C200] =	vst v63  }
0x92: {  	_ =	swait.ge [sflag:s23], $0x4000  }
0x93: {  	[sflag:s23] =	ssyncset.done $0x0  }
0x94: {  	[sflag:s23] =	ssyncadd.s32 $0xFFFFC000  }
0x95: {  	[spmem:s3] =	stream.indirect.scatter.add.f32 [tilespmem:s20], [sflag:$0x3], $0x80, s26, s19, $0xb8;
	[tilespmem:$0x1C200] =	vst v63  }
0x96: {  	_ =	swait.ge [sflag:s24], $0x4000  }
0x97: {  	[sflag:s24] =	ssyncset.done $0x0  }
0x98: {  	[sflag:s24] =	ssyncadd.s32 $0xFFFFC000  }
0x99: {  	[spmem:s3] =	stream.indirect.scatter.add.f32 [tilespmem:s22], [sflag:$0x4], $0x80, s21, s19, $0xb8;
	[tilespmem:$0x1C200] =	vst v63  }
0x9a: {  	_ =	swait.ge [sflag:s25], $0x4000  }
0x9b: {  	[sflag:s25] =	ssyncset.done $0x0  }
0x9c: {  	[sflag:s25] =	ssyncadd.s32 $0xFFFFC000  }
0x9d: {  	_ =	swait.ge [sflag:s28], $0x4000  }
0x9e: {  	[sflag:s28] =	ssyncset.done $0x0  }
0x9f: {  	s29 =	sadd.s32 $0x1, s29;
	[sflag:s28] =	ssyncadd.s32 $0xFFFFC000  }
0xa0: {  	p0 =	sne.s32 s29, s12;
	[bflag:$0x0] =	sbarrier.arrive $0xFFFF  }
.Ltmp3:
0xa1: {  	s31 =	rddreg [dreg:$0x5];
	(pc) =	sbr.rel @p0 .LBB2_1-.Ltmp3, $4  }
0xa2: {  	[hbm:s31], [sflag:s8] =	dma.local [spmem:s17], $0x2800  }
0xa3: {  	_ =	swait.ge [sflag:s18], $0x2800  }
0xa4: {  	[sflag:s18] =	ssyncset.done $0x0  }
0xa5: {  	[sflag:s18] =	ssyncadd.s32 $0xFFFFD800  }
0xa6: {  	_ =	sfence.sel $0x180000  }
0xa7: {  	[bflag:$0x0] =	sbarrier.arrive $0xFFFF  }
0xa8: {  	_ =	strace $0x90000053  }
0xa9: {  	s0 =	stileid.u32;
	[bflag:$0x2] =	sbarrier.arrive $0xFFFF  }
0xaa: {  	p0 =	sne.s32 s0, $0x0;
	s0 =	rddreg [dreg:$0x3]  }
0xab: {  	s0 =	sadd.s32 @!p0 $0x100000, s0  }
0xac: {  	[sflag:s0] =	ssyncadd.tile.s32 @!p0 $0x1;
	_ =	shalt  }
.Lfunc_end2:
_tile_overlayer_lowered:
.L_overlay_start_2:
0xad: {  	(tag) =	ssettag $0x2  }
0xae: {  	s0 =	rddreg [dreg:$0x0];
	s2 =	stileid.u32  }
0xaf: {  	s1 =	rddreg [dreg:$0x1];
	p0 =	sne.s32 s2, $0x0  }
0xb0: {  	s3 =	rddreg [dreg:$0x2];
	[bflag:$0x3] =	sbarrier.arrive $0xFFFF;
	s2 =	simm.s32 @!p0 $0x1C05  }
0xb1: {  	[timem:s3], [sflag:s2] =	dma.local @!p0 [hbm:s0], s1  }
0xb2: {  	s0 =	simm.s32 @!p0 $0x5  }
0xb3: {  	_ =	swait.ge @!p0 [sflag:s0], s1  }
0xb4: {  	s1 =	ssub.s32 @!p0 $0x0, s1;
	[sflag:s0] =	ssyncset.done @!p0 $0x0  }
0xb5: {  	[sflag:s0] =	ssyncadd.s32 @!p0 s1  }
0xb6: {  	[bflag:$0x3] =	sbarrier.arrive $0xFFFF  }
0xb7: {  	_ =	shalt  }

</sc_bundles>
